<compile_context>
chip_gen: v7x
topology: tpu7x:2x2x1
jax: 0.10.2.dev20260603
libtpu: 0.0.44.dev20260713+nightly
codegen_flags: <defaults>
</compile_context>

<pallas_src>
import jax
import jax.numpy as jnp
from jax import lax
from jax.experimental import pallas as pl
from jax.experimental.pallas import tpu as pltpu
from jax.experimental.pallas import tpu_sc as plsc

_N = 10000
_E = 320000
_DIN = 128
_DHID = 64
_DOUT = 4

_NC = 2
_NS = 16
_NW = _NC * _NS
_EPW = _E // _NW
_C = 80
_NCHUNK = _EPW // _C
_B = 5
_NP = 10240
_RPT = _NP // _NS
_EP = 320
_F2 = 16

_mesh = plsc.VectorSubcoreMesh(core_axis_name="c", subcore_axis_name="s")
_sc_params = pltpu.CompilerParams(use_tc_tiling_on_sc=False)


def _stage_and_loop(y_hbm, sidx, didx, msg, acc, gsem, ssem, F,
                    extra_scatter=None):
  for b in range(_B):
    pltpu.async_copy(y_hbm.at[sidx.at[b]], msg.at[b], gsem[b])

  def drain_scatter(pb, j):
    pltpu.make_async_copy(msg.at[pb], acc.at[didx.at[j]], ssem[pb]).wait()
    if extra_scatter is not None:
      extra_scatter.drain(pb, j)

  def group(g, carry):
    for b in range(_B):
      j = g * _B + b
      pltpu.make_async_copy(y_hbm.at[sidx.at[j]], msg.at[b], gsem[b]).wait()
      pltpu.async_copy(msg.at[b], acc.at[didx.at[j]], ssem[b], add=True)
      if extra_scatter is not None:
        extra_scatter.issue(b, j)
      pb = (b - 1) % _B

      @pl.when(j >= 1)
      def _():
        drain_scatter(pb, j)

        @pl.when(j - 1 + _B < _NCHUNK)
        def _():
          pltpu.async_copy(y_hbm.at[sidx.at[j - 1 + _B]], msg.at[pb],
                           gsem[pb])
    return carry

  lax.fori_loop(0, _NCHUNK // _B, group, 0)
  drain_scatter(_B - 1, _NCHUNK - 1)


class _CountScatter:

  def __init__(self, onesv, cacc, didx, didx2, ssem):
    self.onesv, self.cacc, self.didx, self.didx2, self.ssem = (
        onesv, cacc, didx, didx2, ssem)

  def issue(self, b, j):
    pltpu.async_copy(self.onesv, self.cacc.at[self.didx.at[j]],
                     self.ssem[b], add=True)
    pltpu.async_copy(self.onesv, self.cacc.at[self.didx2.at[j]],
                     self.ssem[b], add=True)

  def drain(self, pb, j):
    pltpu.make_async_copy(self.onesv, self.cacc.at[self.didx.at[j]],
                          self.ssem[pb]).wait()
    pltpu.make_async_copy(self.onesv, self.cacc.at[self.didx2.at[j]],
                          self.ssem[pb]).wait()


def _make_pass1():
  out_type = (jax.ShapeDtypeStruct((_NC, _NP, _DHID), jnp.float32),
              jax.ShapeDtypeStruct((_NP,), jnp.float32))
  scratch = [
      pltpu.VMEM((_NCHUNK, _C), jnp.int32),
      pltpu.VMEM((_NCHUNK, _C), jnp.int32),
      pltpu.VMEM((_NCHUNK, _C), jnp.int32),
      pltpu.VMEM((_B, _C, _DHID), jnp.float32),
      pltpu.VMEM((_C,), jnp.float32),
      pltpu.VMEM((_EP, _DHID), jnp.float32),
      pltpu.VMEM((_EP,), jnp.float32),
      pltpu.VMEM((_EP,), jnp.float32),
      pltpu.VMEM_SHARED((_NP, _DHID), jnp.float32),
      pltpu.VMEM_SHARED((_NP,), jnp.float32),
  ] + [pltpu.SemaphoreType.DMA] * (2 * _B)

  def body(y_hbm, ei_hbm, zf_hbm, zc_hbm, ones_hbm, out_hbm, rcnt_hbm,
           sidx, didx, didx2, msg, onesv, eb, cb, rb, acc, cacc, *sems):
    gsem, ssem = sems[:_B], sems[_B:]
    c = lax.axis_index("c")
    s = lax.axis_index("s")
    wid = c * _NS + s
    wid2 = (1 - c) * _NS + s
    rows = pl.ds(s * _RPT, _RPT)
    pltpu.sync_copy(zf_hbm, acc.at[rows])
    pltpu.sync_copy(zc_hbm, cacc.at[rows])
    pltpu.sync_copy(ei_hbm.at[0].at[wid], sidx)
    pltpu.sync_copy(ei_hbm.at[1].at[wid], didx)
    pltpu.sync_copy(ei_hbm.at[1].at[wid2], didx2)
    pltpu.sync_copy(ones_hbm, onesv)
    plsc.subcore_barrier()

    cs = _CountScatter(onesv, cacc, didx, didx2, ssem)
    _stage_and_loop(y_hbm, sidx, didx, msg, acc, gsem, ssem, _DHID,
                    extra_scatter=cs)
    plsc.subcore_barrier()

    for half in range(2):
      rbase = s * _RPT + half * _EP
      strip = pl.ds(rbase, _EP)
      pltpu.sync_copy(acc.at[strip], eb)
      pltpu.sync_copy(cacc.at[strip], cb)

      for k in range(_EP // 16):
        lanes = pl.ds(16 * k, 16)
        rb[lanes] = 1.0 / jnp.maximum(cb[lanes], 1.0)

      def egroup(g, carry):
        cvec = rb[pl.ds(g * 16, 16)]
        for l in range(16):
          rr = g * 16 + l
          rv = cvec[l]
          for k in range(_DHID // 16):
            col = pl.ds(16 * k, 16)
            eb[rr, col] = eb[rr, col] * rv
        return carry

      lax.fori_loop(0, _EP // 16, egroup, 0)
      pltpu.sync_copy(eb, out_hbm.at[c].at[strip])

      @pl.when(c == 0)
      def _():
        pltpu.sync_copy(rb, rcnt_hbm.at[strip])

  return pl.kernel(body, mesh=_mesh, out_type=out_type,
                   scratch_types=scratch, compiler_params=_sc_params)


def _make_pass2():
  out_type = jax.ShapeDtypeStruct((_NC, _NP, _F2), jnp.float32)
  scratch = [
      pltpu.VMEM((_NCHUNK, _C), jnp.int32),
      pltpu.VMEM((_NCHUNK, _C), jnp.int32),
      pltpu.VMEM((_B, _C, _F2), jnp.float32),
      pltpu.VMEM((_RPT,), jnp.float32),
      pltpu.VMEM((_EP, _F2), jnp.float32),
      pltpu.VMEM_SHARED((_NP, _F2), jnp.float32),
  ] + [pltpu.SemaphoreType.DMA] * (2 * _B)

  def body(y_hbm, ei_hbm, zf_hbm, rcnt_hbm, out_hbm,
           sidx, didx, msg, rstage, eb, acc, *sems):
    gsem, ssem = sems[:_B], sems[_B:]
    c = lax.axis_index("c")
    s = lax.axis_index("s")
    wid = c * _NS + s
    rows = pl.ds(s * _RPT, _RPT)
    pltpu.sync_copy(zf_hbm, acc.at[rows])
    pltpu.sync_copy(ei_hbm.at[0].at[wid], sidx)
    pltpu.sync_copy(ei_hbm.at[1].at[wid], didx)
    pltpu.sync_copy(rcnt_hbm.at[rows], rstage)
    plsc.subcore_barrier()

    _stage_and_loop(y_hbm, sidx, didx, msg, acc, gsem, ssem, _F2)
    plsc.subcore_barrier()

    for half in range(2):
      strip = pl.ds(s * _RPT + half * _EP, _EP)
      pltpu.sync_copy(acc.at[strip], eb)

      def egroup(g, carry):
        cvec = rstage[pl.ds(half * _EP + g * 16, 16)]
        for l in range(16):
          rr = g * 16 + l
          eb[rr] = eb[rr] * cvec[l]
        return carry

      lax.fori_loop(0, _EP // 16, egroup, 0)
      pltpu.sync_copy(eb, out_hbm.at[c].at[strip])

  return pl.kernel(body, mesh=_mesh, out_type=out_type,
                   scratch_types=scratch, compiler_params=_sc_params)


_pass1 = _make_pass1()
_pass2 = _make_pass2()


def _mm_body(x_ref, w_ref, y_ref):
  y_ref[...] = jnp.dot(x_ref[...], w_ref[...],
                       preferred_element_type=jnp.float32)


def _make_mm(n, k, m):
  return pl.pallas_call(
      _mm_body, out_shape=jax.ShapeDtypeStruct((n, m), jnp.float32))


_mm_y1 = _make_mm(_N // 2, 2 * _DIN, 128)
_mm_xr = _make_mm(_N // 2, 2 * _DIN, 128)
_mm_hr = _make_mm(_N * _DHID // 512, 512, 128)


_NPK1 = _N * _DHID // 128


def _mid_body(s1p_ref, xr_ref, b1_ref, msk_ref, w2_ref, y2_ref, h_ref):
  sp = s1p_ref[...]
  o = sp[0, :_NPK1] + sp[1, :_NPK1] + b1_ref[...] + xr_ref[...]
  ss = jnp.dot(o * o, msk_ref[...], preferred_element_type=jnp.float32)
  h = jnp.maximum(o / jnp.maximum(jnp.sqrt(ss), 1e-12), 0.0)
  h_ref[...] = h
  y2_ref[...] = jnp.dot(h, w2_ref[...], preferred_element_type=jnp.float32)


_mid = pl.pallas_call(
    _mid_body,
    out_shape=(jax.ShapeDtypeStruct((_NPK1, 32), jnp.float32),
               jax.ShapeDtypeStruct((_NPK1, 128), jnp.float32)),
)


_NPK = _N * _F2 // 128


def _fin_body(s2p_ref, hrp_ref, b2p_ref, msk_ref, o_ref):
  sp = s2p_ref[...]
  o = sp[0, :_NPK] + sp[1, :_NPK] + b2p_ref[...] + hrp_ref[...]
  ss = jnp.dot(o * o, msk_ref[...], preferred_element_type=jnp.float32)
  o_ref[...] = o / jnp.maximum(jnp.sqrt(ss), 1e-12)


_fin = pl.pallas_call(
    _fin_body,
    out_shape=jax.ShapeDtypeStruct((_NPK, 128), jnp.float32),
)


def kernel(x, edge_index, W1l, b1l, W1r, W2l, b2l, W2r):
  ei = edge_index.reshape(2, _NW, _NCHUNK, _C)
  w2l = jnp.zeros((_DHID, _F2), jnp.float32).at[:, :_DOUT].set(W2l.T)
  w2r = jnp.zeros((_DHID, _F2), jnp.float32).at[:, :_DOUT].set(W2r.T)
  zf1 = jnp.zeros((_RPT, _DHID), jnp.float32)
  zc = jnp.zeros((_RPT,), jnp.float32)
  zf2 = jnp.zeros((_RPT, _F2), jnp.float32)
  onesb = jnp.ones((_C,), jnp.float32)
  b1 = b1l.reshape(1, _DHID)
  b2 = jnp.zeros((1, _F2), jnp.float32).at[0, :_DOUT].set(b2l)
  b2p = jnp.tile(b2, (1, 8))
  lane = jnp.arange(128) // _F2
  msk = (lane[:, None] == lane[None, :]).astype(jnp.float32)
  w2r_bd = jnp.zeros((512, 128), jnp.float32)
  for i in range(8):
    w2r_bd = w2r_bd.at[64 * i:64 * (i + 1), 16 * i:16 * (i + 1)].set(w2r)
  b1p = jnp.tile(b1, (1, 2))
  lane64 = jnp.arange(128) // _DHID
  msk64 = (lane64[:, None] == lane64[None, :]).astype(jnp.float32)
  w2l_bd = jnp.zeros((128, 32), jnp.float32)
  for i in range(2):
    w2l_bd = w2l_bd.at[64 * i:64 * (i + 1), 16 * i:16 * (i + 1)].set(w2l)
  w1l_bd = jnp.zeros((2 * _DIN, 128), jnp.float32)
  w1r_bd = jnp.zeros((2 * _DIN, 128), jnp.float32)
  for i in range(2):
    w1l_bd = w1l_bd.at[_DIN * i:_DIN * (i + 1),
                       _DHID * i:_DHID * (i + 1)].set(W1l.T)
    w1r_bd = w1r_bd.at[_DIN * i:_DIN * (i + 1),
                       _DHID * i:_DHID * (i + 1)].set(W1r.T)
  x2 = x.reshape(_N // 2, 2 * _DIN)

  y1 = _mm_y1(x2, w1l_bd).reshape(_N, _DHID)
  s1p, rcnt = _pass1(y1, ei, zf1, zc, onesb)
  xrk = _mm_xr(x2, w1r_bd)
  s1pk = s1p.reshape(_NC, _NP * _DHID // 128, 128)
  y2k, hk = _mid(s1pk, xrk, b1p, msk64, w2l_bd)
  y2p = y2k.reshape(_N, _F2)
  s2p = _pass2(y2p, ei, zf2, rcnt)
  hp = hk.reshape(_N * _DHID // 512, 512)
  hrp = _mm_hr(hp, w2r_bd)
  outp = _fin(s2p.reshape(_NC, _NP * _F2 // 128, 128), hrp, b2p, msk)
  return outp.reshape(_N, _F2)[:, :_DOUT]

# --- scband reference (transcript-rebuilt; emitter-appended) ---
"""Pipeline reference for scband-sage-70849780515474 (READ-ONLY COPY).

The authoritative reference and input builder live on the scoring server;
editing this copy changes nothing except your own understanding.
"""

import jax, jax.numpy as jnp
import numpy as np

N = 10000
E = 320000
D_IN = 128
D_HID = 64
D_OUT = 4


def setup_inputs(seed: int = 0) -> dict:
    key = jax.random.key(seed)
    ks = jax.random.split(key, 8)
    x = jax.random.normal(ks[0], (N, D_IN), dtype=jnp.float32)
    edge_index = jax.random.randint(ks[1], (2, E), 0, N, dtype=jnp.int32)
    # SAGEConv params: lin_l (applied to aggregated neighbors, with bias),
    # lin_r (applied to root/self features, no bias) -- PyG convention.
    W1l = jax.random.normal(ks[2], (D_HID, D_IN), dtype=jnp.float32) * 0.05
    b1l = jnp.zeros((D_HID,), dtype=jnp.float32)
    W1r = jax.random.normal(ks[3], (D_HID, D_IN), dtype=jnp.float32) * 0.05
    W2l = jax.random.normal(ks[4], (D_OUT, D_HID), dtype=jnp.float32) * 0.05
    b2l = jnp.zeros((D_OUT,), dtype=jnp.float32)
    W2r = jax.random.normal(ks[5], (D_OUT, D_HID), dtype=jnp.float32) * 0.05
    return {"x": x, "edge_index": edge_index, "W1l": W1l, "b1l": b1l, "W1r": W1r,
            "W2l": W2l, "b2l": b2l, "W2r": W2r}


def _sage_conv(x, edge_index, Wl, bl, Wr, num_nodes):
    src = edge_index[0]
    dst = edge_index[1]
    # mean aggregation of neighbor (source) features into destination nodes
    msg = jnp.take(x, src, axis=0)
    summed = jax.ops.segment_sum(msg, dst, num_segments=num_nodes)
    count = jax.ops.segment_sum(jnp.ones((msg.shape[0],), dtype=x.dtype), dst, num_segments=num_nodes)
    mean = summed / jnp.clip(count, 1.0)[:, None]
    out = mean @ Wl.T + bl + x @ Wr.T
    # normalize=True -> F.normalize(out, p=2, dim=-1)
    norm = jnp.sqrt(jnp.sum(out * out, axis=-1, keepdims=True))
    out = out / jnp.maximum(norm, 1e-12)
    return out


def reference(x, edge_index, W1l, b1l, W1r, W2l, b2l, W2r):
    # eval mode: dropout is identity
    h = _sage_conv(x, edge_index, W1l, b1l, W1r, N)
    h = jax.nn.relu(h)
    out = _sage_conv(h, edge_index, W2l, b2l, W2r, N)
    return out

if __name__ == "__main__":
    import jax
    _d = setup_inputs()
    print(jax.jit(kernel)(*tuple(_d.values())))

</pallas_src>

<mosaic_0001>
#map = affine_map<(d0, d1) -> (0, 0)>
#map1 = affine_map<(d0, d1) -> (0, 0, 0, 0)>
#map2 = affine_map<(d0, d1) -> (0)>
#map3 = affine_map<(d0, d1) -> (0, 0, 0)>
module attributes {stable_mosaic.version = 14 : i64} {
  func.func @body(%arg0: i32, %arg1: i32, %arg2: memref<10000x64xf32, #tpu.memory_space<hbm>>, %arg3: memref<2x32x125x80xi32, #tpu.memory_space<hbm>>, %arg4: memref<640x64xf32, #tpu.memory_space<hbm>>, %arg5: memref<640xf32, #tpu.memory_space<hbm>>, %arg6: memref<80xf32, #tpu.memory_space<hbm>>, %arg7: memref<2x10240x64xf32, #tpu.memory_space<hbm>>, %arg8: memref<10240xf32, #tpu.memory_space<hbm>>, %arg9: memref<125x80xi32, #tpu.memory_space<vmem>>, %arg10: memref<125x80xi32, #tpu.memory_space<vmem>>, %arg11: memref<125x80xi32, #tpu.memory_space<vmem>>, %arg12: memref<5x80x64xf32, #tpu.memory_space<vmem>>, %arg13: memref<80xf32, #tpu.memory_space<vmem>>, %arg14: memref<320x64xf32, #tpu.memory_space<vmem>>, %arg15: memref<320xf32, #tpu.memory_space<vmem>>, %arg16: memref<320xf32, #tpu.memory_space<vmem>>, %arg17: memref<10240x64xf32, #tpu.memory_space<vmem_shared>>, %arg18: memref<10240xf32, #tpu.memory_space<vmem_shared>>, %arg19: memref<!tpu.dma_semaphore, #tpu.memory_space<semaphore_mem>>, %arg20: memref<!tpu.dma_semaphore, #tpu.memory_space<semaphore_mem>>, %arg21: memref<!tpu.dma_semaphore, #tpu.memory_space<semaphore_mem>>, %arg22: memref<!tpu.dma_semaphore, #tpu.memory_space<semaphore_mem>>, %arg23: memref<!tpu.dma_semaphore, #tpu.memory_space<semaphore_mem>>, %arg24: memref<!tpu.dma_semaphore, #tpu.memory_space<semaphore_mem>>, %arg25: memref<!tpu.dma_semaphore, #tpu.memory_space<semaphore_mem>>, %arg26: memref<!tpu.dma_semaphore, #tpu.memory_space<semaphore_mem>>, %arg27: memref<!tpu.dma_semaphore, #tpu.memory_space<semaphore_mem>>, %arg28: memref<!tpu.dma_semaphore, #tpu.memory_space<semaphore_mem>>) attributes {dimension_semantics = [#tpu.dimension_semantics<core_parallel>, #tpu.dimension_semantics<subcore_parallel>], iteration_bounds = array<i64: 2, 16>, scalar_prefetch = 0 : i64, scratch_operands = 20 : i64, tpu.core_type = #tpu.core_type<sc_vector_subcore>, window_params = [{transform_indices = #map}, {transform_indices = #map1}, {transform_indices = #map}, {transform_indices = #map2}, {transform_indices = #map2}, {transform_indices = #map3}, {transform_indices = #map2}]} {
    %mul3A = arith.constant 16 : i32
    %mul3A_0 = arith.muli %arg0, %mul3A : i32
    %add3A = arith.addi %mul3A_0, %arg1 : i32
    %sub3A = arith.constant 1 : i32
    %sub3A_1 = arith.subi %sub3A, %arg0 : i32
    %mul3A_2 = arith.constant 16 : i32
    %mul3A_3 = arith.muli %sub3A_1, %mul3A_2 : i32
    %add3A_4 = arith.addi %mul3A_3, %arg1 : i32
    %mul3A_5 = arith.constant 640 : i32
    %mul3A_6 = arith.muli %arg1, %mul3A_5 : i32
    "tpu.region"() ({
      %run_scoped3A_640 = tpu.sem_alloc : memref<!tpu.dma_semaphore, #tpu.memory_space<semaphore_mem>>
      %dma_start3A_641 = arith.constant 0 : i32
      %dma_start3A_642 = tpu.memref_slice %arg17[%mul3A_6, %dma_start3A_641] : memref<10240x64xf32, #tpu.memory_space<vmem_shared>> -> memref<640x64xf32, #tpu.memory_space<vmem_shared>>
      tpu.enqueue_dma source(%arg4 : memref<640x64xf32, #tpu.memory_space<hbm>>) target(%dma_start3A_642 : memref<640x64xf32, #tpu.memory_space<vmem_shared>>) target_semaphore(%run_scoped3A_640 : memref<!tpu.dma_semaphore, #tpu.memory_space<semaphore_mem>>)
      %dma_wait3A_643 = arith.constant 0 : i32
      %dma_wait3A_644 = tpu.memref_slice %arg17[%mul3A_6, %dma_wait3A_643] : memref<10240x64xf32, #tpu.memory_space<vmem_shared>> -> memref<640x64xf32, #tpu.memory_space<vmem_shared>>
      tpu.wait_dma2 semaphore(%run_scoped3A_640 : memref<!tpu.dma_semaphore, #tpu.memory_space<semaphore_mem>>) src(%arg4 : memref<640x64xf32, #tpu.memory_space<hbm>>) dst(%dma_wait3A_644 : memref<640x64xf32, #tpu.memory_space<vmem_shared>>)
      tpu.yield
    }) : () -> ()
    "tpu.region"() ({
      %run_scoped3A_640 = tpu.sem_alloc : memref<!tpu.dma_semaphore, #tpu.memory_space<semaphore_mem>>
      %dma_start3A_641 = tpu.memref_slice %arg18[%mul3A_6] : memref<10240xf32, #tpu.memory_space<vmem_shared>> -> memref<640xf32, #tpu.memory_space<vmem_shared>>
      tpu.enqueue_dma source(%arg5 : memref<640xf32, #tpu.memory_space<hbm>>) target(%dma_start3A_641 : memref<640xf32, #tpu.memory_space<vmem_shared>>) target_semaphore(%run_scoped3A_640 : memref<!tpu.dma_semaphore, #tpu.memory_space<semaphore_mem>>)
      %dma_wait3A_642 = tpu.memref_slice %arg18[%mul3A_6] : memref<10240xf32, #tpu.memory_space<vmem_shared>> -> memref<640xf32, #tpu.memory_space<vmem_shared>>
      tpu.wait_dma2 semaphore(%run_scoped3A_640 : memref<!tpu.dma_semaphore, #tpu.memory_space<semaphore_mem>>) src(%arg5 : memref<640xf32, #tpu.memory_space<hbm>>) dst(%dma_wait3A_642 : memref<640xf32, #tpu.memory_space<vmem_shared>>)
      tpu.yield
    }) : () -> ()
    %run_scoped3A = arith.constant 0 : i32
    "tpu.region"() ({
      %run_scoped3A_640 = tpu.sem_alloc : memref<!tpu.dma_semaphore, #tpu.memory_space<semaphore_mem>>
      %dma_start3A_641 = arith.constant 0 : i32
      %dma_start3A_642 = arith.constant 0 : i32
      %dma_start3A_643 = arith.constant 0 : i32
      %dma_start3A_644 = tpu.memref_slice %arg3[%run_scoped3A, %dma_start3A_641, %dma_start3A_642, %dma_start3A_643] : memref<2x32x125x80xi32, #tpu.memory_space<hbm>> -> memref<1x32x125x80xi32, #tpu.memory_space<hbm>>
      %dma_start3A_645 = tpu.memref_squeeze %dma_start3A_644 : memref<1x32x125x80xi32, #tpu.memory_space<hbm>> -> memref<32x125x80xi32, #tpu.memory_space<hbm>>
      %dma_start3A_646 = arith.constant 0 : i32
      %dma_start3A_647 = arith.constant 0 : i32
      %dma_start3A_648 = tpu.memref_slice %dma_start3A_645[%add3A, %dma_start3A_646, %dma_start3A_647] : memref<32x125x80xi32, #tpu.memory_space<hbm>> -> memref<1x125x80xi32, #tpu.memory_space<hbm>>
      %dma_start3A_649 = tpu.memref_squeeze %dma_start3A_648 : memref<1x125x80xi32, #tpu.memory_space<hbm>> -> memref<125x80xi32, #tpu.memory_space<hbm>>
      %dma_start3A_650 = arith.constant 0 : i32
      %dma_start3A_651 = arith.constant 0 : i32
      %dma_start3A_652 = arith.constant 0 : i32
      %dma_start3A_653 = tpu.memref_slice %arg3[%run_scoped3A, %dma_start3A_650, %dma_start3A_651, %dma_start3A_652] : memref<2x32x125x80xi32, #tpu.memory_space<hbm>> -> memref<1x32x125x80xi32, #tpu.memory_space<hbm>>
      %dma_start3A_654 = tpu.memref_squeeze %dma_start3A_653 : memref<1x32x125x80xi32, #tpu.memory_space<hbm>> -> memref<32x125x80xi32, #tpu.memory_space<hbm>>
      %dma_start3A_655 = arith.constant 0 : i32
      %dma_start3A_656 = arith.constant 0 : i32
      %dma_start3A_657 = tpu.memref_slice %dma_start3A_654[%add3A, %dma_start3A_655, %dma_start3A_656] : memref<32x125x80xi32, #tpu.memory_space<hbm>> -> memref<1x125x80xi32, #tpu.memory_space<hbm>>
      %dma_start3A_658 = tpu.memref_squeeze %dma_start3A_657 : memref<1x125x80xi32, #tpu.memory_space<hbm>> -> memref<125x80xi32, #tpu.memory_space<hbm>>
      tpu.enqueue_dma source(%dma_start3A_658 : memref<125x80xi32, #tpu.memory_space<hbm>>) target(%arg9 : memref<125x80xi32, #tpu.memory_space<vmem>>) target_semaphore(%run_scoped3A_640 : memref<!tpu.dma_semaphore, #tpu.memory_space<semaphore_mem>>)
      %dma_wait3A_659 = arith.constant 0 : i32
      %dma_wait3A_660 = arith.constant 0 : i32
      %dma_wait3A_661 = arith.constant 0 : i32
      %dma_wait3A_662 = tpu.memref_slice %arg3[%run_scoped3A, %dma_wait3A_659, %dma_wait3A_660, %dma_wait3A_661] : memref<2x32x125x80xi32, #tpu.memory_space<hbm>> -> memref<1x32x125x80xi32, #tpu.memory_space<hbm>>
      %dma_wait3A_663 = tpu.memref_squeeze %dma_wait3A_662 : memref<1x32x125x80xi32, #tpu.memory_space<hbm>> -> memref<32x125x80xi32, #tpu.memory_space<hbm>>
      %dma_wait3A_664 = arith.constant 0 : i32
      %dma_wait3A_665 = arith.constant 0 : i32
      %dma_wait3A_666 = tpu.memref_slice %dma_wait3A_663[%add3A, %dma_wait3A_664, %dma_wait3A_665] : memref<32x125x80xi32, #tpu.memory_space<hbm>> -> memref<1x125x80xi32, #tpu.memory_space<hbm>>
      %dma_wait3A_667 = tpu.memref_squeeze %dma_wait3A_666 : memref<1x125x80xi32, #tpu.memory_space<hbm>> -> memref<125x80xi32, #tpu.memory_space<hbm>>
      %dma_wait3A_668 = arith.constant 0 : i32
      %dma_wait3A_669 = arith.constant 0 : i32
      %dma_wait3A_670 = arith.constant 0 : i32
      %dma_wait3A_671 = tpu.memref_slice %arg3[%run_scoped3A, %dma_wait3A_668, %dma_wait3A_669, %dma_wait3A_670] : memref<2x32x125x80xi32, #tpu.memory_space<hbm>> -> memref<1x32x125x80xi32, #tpu.memory_space<hbm>>
      %dma_wait3A_672 = tpu.memref_squeeze %dma_wait3A_671 : memref<1x32x125x80xi32, #tpu.memory_space<hbm>> -> memref<32x125x80xi32, #tpu.memory_space<hbm>>
      %dma_wait3A_673 = arith.constant 0 : i32
      %dma_wait3A_674 = arith.constant 0 : i32
      %dma_wait3A_675 = tpu.memref_slice %dma_wait3A_672[%add3A, %dma_wait3A_673, %dma_wait3A_674] : memref<32x125x80xi32, #tpu.memory_space<hbm>> -> memref<1x125x80xi32, #tpu.memory_space<hbm>>
      %dma_wait3A_676 = tpu.memref_squeeze %dma_wait3A_675 : memref<1x125x80xi32, #tpu.memory_space<hbm>> -> memref<125x80xi32, #tpu.memory_space<hbm>>
      tpu.wait_dma2 semaphore(%run_scoped3A_640 : memref<!tpu.dma_semaphore, #tpu.memory_space<semaphore_mem>>) src(%dma_wait3A_676 : memref<125x80xi32, #tpu.memory_space<hbm>>) dst(%arg9 : memref<125x80xi32, #tpu.memory_space<vmem>>)
      tpu.yield
    }) : () -> ()
    %run_scoped3A_7 = arith.constant 1 : i32
    "tpu.region"() ({
      %run_scoped3A_640 = tpu.sem_alloc : memref<!tpu.dma_semaphore, #tpu.memory_space<semaphore_mem>>
      %dma_start3A_641 = arith.constant 0 : i32
      %dma_start3A_642 = arith.constant 0 : i32
      %dma_start3A_643 = arith.constant 0 : i32
      %dma_start3A_644 = tpu.memref_slice %arg3[%run_scoped3A_7, %dma_start3A_641, %dma_start3A_642, %dma_start3A_643] : memref<2x32x125x80xi32, #tpu.memory_space<hbm>> -> memref<1x32x125x80xi32, #tpu.memory_space<hbm>>
      %dma_start3A_645 = tpu.memref_squeeze %dma_start3A_644 : memref<1x32x125x80xi32, #tpu.memory_space<hbm>> -> memref<32x125x80xi32, #tpu.memory_space<hbm>>
      %dma_start3A_646 = arith.constant 0 : i32
      %dma_start3A_647 = arith.constant 0 : i32
      %dma_start3A_648 = tpu.memref_slice %dma_start3A_645[%add3A, %dma_start3A_646, %dma_start3A_647] : memref<32x125x80xi32, #tpu.memory_space<hbm>> -> memref<1x125x80xi32, #tpu.memory_space<hbm>>
      %dma_start3A_649 = tpu.memref_squeeze %dma_start3A_648 : memref<1x125x80xi32, #tpu.memory_space<hbm>> -> memref<125x80xi32, #tpu.memory_space<hbm>>
      %dma_start3A_650 = arith.constant 0 : i32
      %dma_start3A_651 = arith.constant 0 : i32
      %dma_start3A_652 = arith.constant 0 : i32
      %dma_start3A_653 = tpu.memref_slice %arg3[%run_scoped3A_7, %dma_start3A_650, %dma_start3A_651, %dma_start3A_652] : memref<2x32x125x80xi32, #tpu.memory_space<hbm>> -> memref<1x32x125x80xi32, #tpu.memory_space<hbm>>
      %dma_start3A_654 = tpu.memref_squeeze %dma_start3A_653 : memref<1x32x125x80xi32, #tpu.memory_space<hbm>> -> memref<32x125x80xi32, #tpu.memory_space<hbm>>
      %dma_start3A_655 = arith.constant 0 : i32
      %dma_start3A_656 = arith.constant 0 : i32
      %dma_start3A_657 = tpu.memref_slice %dma_start3A_654[%add3A, %dma_start3A_655, %dma_start3A_656] : memref<32x125x80xi32, #tpu.memory_space<hbm>> -> memref<1x125x80xi32, #tpu.memory_space<hbm>>
      %dma_start3A_658 = tpu.memref_squeeze %dma_start3A_657 : memref<1x125x80xi32, #tpu.memory_space<hbm>> -> memref<125x80xi32, #tpu.memory_space<hbm>>
      tpu.enqueue_dma source(%dma_start3A_658 : memref<125x80xi32, #tpu.memory_space<hbm>>) target(%arg10 : memref<125x80xi32, #tpu.memory_space<vmem>>) target_semaphore(%run_scoped3A_640 : memref<!tpu.dma_semaphore, #tpu.memory_space<semaphore_mem>>)
      %dma_wait3A_659 = arith.constant 0 : i32
      %dma_wait3A_660 = arith.constant 0 : i32
      %dma_wait3A_661 = arith.constant 0 : i32
      %dma_wait3A_662 = tpu.memref_slice %arg3[%run_scoped3A_7, %dma_wait3A_659, %dma_wait3A_660, %dma_wait3A_661] : memref<2x32x125x80xi32, #tpu.memory_space<hbm>> -> memref<1x32x125x80xi32, #tpu.memory_space<hbm>>
      %dma_wait3A_663 = tpu.memref_squeeze %dma_wait3A_662 : memref<1x32x125x80xi32, #tpu.memory_space<hbm>> -> memref<32x125x80xi32, #tpu.memory_space<hbm>>
      %dma_wait3A_664 = arith.constant 0 : i32
      %dma_wait3A_665 = arith.constant 0 : i32
      %dma_wait3A_666 = tpu.memref_slice %dma_wait3A_663[%add3A, %dma_wait3A_664, %dma_wait3A_665] : memref<32x125x80xi32, #tpu.memory_space<hbm>> -> memref<1x125x80xi32, #tpu.memory_space<hbm>>
      %dma_wait3A_667 = tpu.memref_squeeze %dma_wait3A_666 : memref<1x125x80xi32, #tpu.memory_space<hbm>> -> memref<125x80xi32, #tpu.memory_space<hbm>>
      %dma_wait3A_668 = arith.constant 0 : i32
      %dma_wait3A_669 = arith.constant 0 : i32
      %dma_wait3A_670 = arith.constant 0 : i32
      %dma_wait3A_671 = tpu.memref_slice %arg3[%run_scoped3A_7, %dma_wait3A_668, %dma_wait3A_669, %dma_wait3A_670] : memref<2x32x125x80xi32, #tpu.memory_space<hbm>> -> memref<1x32x125x80xi32, #tpu.memory_space<hbm>>
      %dma_wait3A_672 = tpu.memref_squeeze %dma_wait3A_671 : memref<1x32x125x80xi32, #tpu.memory_space<hbm>> -> memref<32x125x80xi32, #tpu.memory_space<hbm>>
      %dma_wait3A_673 = arith.constant 0 : i32
      %dma_wait3A_674 = arith.constant 0 : i32
      %dma_wait3A_675 = tpu.memref_slice %dma_wait3A_672[%add3A, %dma_wait3A_673, %dma_wait3A_674] : memref<32x125x80xi32, #tpu.memory_space<hbm>> -> memref<1x125x80xi32, #tpu.memory_space<hbm>>
      %dma_wait3A_676 = tpu.memref_squeeze %dma_wait3A_675 : memref<1x125x80xi32, #tpu.memory_space<hbm>> -> memref<125x80xi32, #tpu.memory_space<hbm>>
      tpu.wait_dma2 semaphore(%run_scoped3A_640 : memref<!tpu.dma_semaphore, #tpu.memory_space<semaphore_mem>>) src(%dma_wait3A_676 : memref<125x80xi32, #tpu.memory_space<hbm>>) dst(%arg10 : memref<125x80xi32, #tpu.memory_space<vmem>>)
      tpu.yield
    }) : () -> ()
    %run_scoped3A_8 = arith.constant 1 : i32
    "tpu.region"() ({
      %run_scoped3A_640 = tpu.sem_alloc : memref<!tpu.dma_semaphore, #tpu.memory_space<semaphore_mem>>
      %dma_start3A_641 = arith.constant 0 : i32
      %dma_start3A_642 = arith.constant 0 : i32
      %dma_start3A_643 = arith.constant 0 : i32
      %dma_start3A_644 = tpu.memref_slice %arg3[%run_scoped3A_8, %dma_start3A_641, %dma_start3A_642, %dma_start3A_643] : memref<2x32x125x80xi32, #tpu.memory_space<hbm>> -> memref<1x32x125x80xi32, #tpu.memory_space<hbm>>
      %dma_start3A_645 = tpu.memref_squeeze %dma_start3A_644 : memref<1x32x125x80xi32, #tpu.memory_space<hbm>> -> memref<32x125x80xi32, #tpu.memory_space<hbm>>
      %dma_start3A_646 = arith.constant 0 : i32
      %dma_start3A_647 = arith.constant 0 : i32
      %dma_start3A_648 = tpu.memref_slice %dma_start3A_645[%add3A_4, %dma_start3A_646, %dma_start3A_647] : memref<32x125x80xi32, #tpu.memory_space<hbm>> -> memref<1x125x80xi32, #tpu.memory_space<hbm>>
      %dma_start3A_649 = tpu.memref_squeeze %dma_start3A_648 : memref<1x125x80xi32, #tpu.memory_space<hbm>> -> memref<125x80xi32, #tpu.memory_space<hbm>>
      %dma_start3A_650 = arith.constant 0 : i32
      %dma_start3A_651 = arith.constant 0 : i32
      %dma_start3A_652 = arith.constant 0 : i32
      %dma_start3A_653 = tpu.memref_slice %arg3[%run_scoped3A_8, %dma_start3A_650, %dma_start3A_651, %dma_start3A_652] : memref<2x32x125x80xi32, #tpu.memory_space<hbm>> -> memref<1x32x125x80xi32, #tpu.memory_space<hbm>>
      %dma_start3A_654 = tpu.memref_squeeze %dma_start3A_653 : memref<1x32x125x80xi32, #tpu.memory_space<hbm>> -> memref<32x125x80xi32, #tpu.memory_space<hbm>>
      %dma_start3A_655 = arith.constant 0 : i32
      %dma_start3A_656 = arith.constant 0 : i32
      %dma_start3A_657 = tpu.memref_slice %dma_start3A_654[%add3A_4, %dma_start3A_655, %dma_start3A_656] : memref<32x125x80xi32, #tpu.memory_space<hbm>> -> memref<1x125x80xi32, #tpu.memory_space<hbm>>
      %dma_start3A_658 = tpu.memref_squeeze %dma_start3A_657 : memref<1x125x80xi32, #tpu.memory_space<hbm>> -> memref<125x80xi32, #tpu.memory_space<hbm>>
      tpu.enqueue_dma source(%dma_start3A_658 : memref<125x80xi32, #tpu.memory_space<hbm>>) target(%arg11 : memref<125x80xi32, #tpu.memory_space<vmem>>) target_semaphore(%run_scoped3A_640 : memref<!tpu.dma_semaphore, #tpu.memory_space<semaphore_mem>>)
      %dma_wait3A_659 = arith.constant 0 : i32
      %dma_wait3A_660 = arith.constant 0 : i32
      %dma_wait3A_661 = arith.constant 0 : i32
      %dma_wait3A_662 = tpu.memref_slice %arg3[%run_scoped3A_8, %dma_wait3A_659, %dma_wait3A_660, %dma_wait3A_661] : memref<2x32x125x80xi32, #tpu.memory_space<hbm>> -> memref<1x32x125x80xi32, #tpu.memory_space<hbm>>
      %dma_wait3A_663 = tpu.memref_squeeze %dma_wait3A_662 : memref<1x32x125x80xi32, #tpu.memory_space<hbm>> -> memref<32x125x80xi32, #tpu.memory_space<hbm>>
      %dma_wait3A_664 = arith.constant 0 : i32
      %dma_wait3A_665 = arith.constant 0 : i32
      %dma_wait3A_666 = tpu.memref_slice %dma_wait3A_663[%add3A_4, %dma_wait3A_664, %dma_wait3A_665] : memref<32x125x80xi32, #tpu.memory_space<hbm>> -> memref<1x125x80xi32, #tpu.memory_space<hbm>>
      %dma_wait3A_667 = tpu.memref_squeeze %dma_wait3A_666 : memref<1x125x80xi32, #tpu.memory_space<hbm>> -> memref<125x80xi32, #tpu.memory_space<hbm>>
      %dma_wait3A_668 = arith.constant 0 : i32
      %dma_wait3A_669 = arith.constant 0 : i32
      %dma_wait3A_670 = arith.constant 0 : i32
      %dma_wait3A_671 = tpu.memref_slice %arg3[%run_scoped3A_8, %dma_wait3A_668, %dma_wait3A_669, %dma_wait3A_670] : memref<2x32x125x80xi32, #tpu.memory_space<hbm>> -> memref<1x32x125x80xi32, #tpu.memory_space<hbm>>
      %dma_wait3A_672 = tpu.memref_squeeze %dma_wait3A_671 : memref<1x32x125x80xi32, #tpu.memory_space<hbm>> -> memref<32x125x80xi32, #tpu.memory_space<hbm>>
      %dma_wait3A_673 = arith.constant 0 : i32
      %dma_wait3A_674 = arith.constant 0 : i32
      %dma_wait3A_675 = tpu.memref_slice %dma_wait3A_672[%add3A_4, %dma_wait3A_673, %dma_wait3A_674] : memref<32x125x80xi32, #tpu.memory_space<hbm>> -> memref<1x125x80xi32, #tpu.memory_space<hbm>>
      %dma_wait3A_676 = tpu.memref_squeeze %dma_wait3A_675 : memref<1x125x80xi32, #tpu.memory_space<hbm>> -> memref<125x80xi32, #tpu.memory_space<hbm>>
      tpu.wait_dma2 semaphore(%run_scoped3A_640 : memref<!tpu.dma_semaphore, #tpu.memory_space<semaphore_mem>>) src(%dma_wait3A_676 : memref<125x80xi32, #tpu.memory_space<hbm>>) dst(%arg11 : memref<125x80xi32, #tpu.memory_space<vmem>>)
      tpu.yield
    }) : () -> ()
    "tpu.region"() ({
      %run_scoped3A_640 = tpu.sem_alloc : memref<!tpu.dma_semaphore, #tpu.memory_space<semaphore_mem>>
      tpu.enqueue_dma source(%arg6 : memref<80xf32, #tpu.memory_space<hbm>>) target(%arg13 : memref<80xf32, #tpu.memory_space<vmem>>) target_semaphore(%run_scoped3A_640 : memref<!tpu.dma_semaphore, #tpu.memory_space<semaphore_mem>>)
      tpu.wait_dma2 semaphore(%run_scoped3A_640 : memref<!tpu.dma_semaphore, #tpu.memory_space<semaphore_mem>>) src(%arg6 : memref<80xf32, #tpu.memory_space<hbm>>) dst(%arg13 : memref<80xf32, #tpu.memory_space<vmem>>)
      tpu.yield
    }) : () -> ()
    %barrier3A = arith.constant 0 : index
    tpu.barrier barrier_id(%barrier3A)
    %dma_start3A = arith.constant 0 : i32
    %dma_start3A_9 = arith.constant 0 : i32
    %dma_start3A_10 = arith.constant 0 : i32
    %dma_start3A_11 = arith.constant 0 : i32
    %dma_start3A_12 = tpu.memref_slice %arg12[%dma_start3A_9, %dma_start3A_10, %dma_start3A_11] : memref<5x80x64xf32, #tpu.memory_space<vmem>> -> memref<1x80x64xf32, #tpu.memory_space<vmem>>
    %dma_start3A_13 = tpu.memref_squeeze %dma_start3A_12 : memref<1x80x64xf32, #tpu.memory_space<vmem>> -> memref<80x64xf32, #tpu.memory_space<vmem>>
    %dma_start3A_14 = arith.constant 0 : i32
    %dma_start3A_15 = tpu.memref_slice %arg9[%dma_start3A, %dma_start3A_14] : memref<125x80xi32, #tpu.memory_space<vmem>> -> memref<1x80xi32, #tpu.memory_space<vmem>>
    %dma_start3A_16 = tpu.memref_squeeze %dma_start3A_15 : memref<1x80xi32, #tpu.memory_space<vmem>> -> memref<80xi32, #tpu.memory_space<vmem>>
    %dma_start3A_17 = arith.constant 0 : i32
    %dma_start3A_18 = arith.constant 0 : i32
    %dma_start3A_19 = tpu.memref_slice %arg2[%dma_start3A_17, %dma_start3A_18] : memref<10000x64xf32, #tpu.memory_space<hbm>> -> memref<10000x64xf32, #tpu.memory_space<hbm>>
    tpu.enqueue_indirect_dma source(%dma_start3A_19 : memref<10000x64xf32, #tpu.memory_space<hbm>>) target(%dma_start3A_13 : memref<80x64xf32, #tpu.memory_space<vmem>>) offsets(%dma_start3A_16 : memref<80xi32, #tpu.memory_space<vmem>>) semaphore(%arg19 : memref<!tpu.dma_semaphore, #tpu.memory_space<semaphore_mem>>)
    %dma_start3A_20 = arith.constant 1 : i32
    %dma_start3A_21 = arith.constant 1 : i32
    %dma_start3A_22 = arith.constant 0 : i32
    %dma_start3A_23 = arith.constant 0 : i32
    %dma_start3A_24 = tpu.memref_slice %arg12[%dma_start3A_21, %dma_start3A_22, %dma_start3A_23] : memref<5x80x64xf32, #tpu.memory_space<vmem>> -> memref<1x80x64xf32, #tpu.memory_space<vmem>>
    %dma_start3A_25 = tpu.memref_squeeze %dma_start3A_24 : memref<1x80x64xf32, #tpu.memory_space<vmem>> -> memref<80x64xf32, #tpu.memory_space<vmem>>
    %dma_start3A_26 = arith.constant 0 : i32
    %dma_start3A_27 = tpu.memref_slice %arg9[%dma_start3A_20, %dma_start3A_26] : memref<125x80xi32, #tpu.memory_space<vmem>> -> memref<1x80xi32, #tpu.memory_space<vmem>>
    %dma_start3A_28 = tpu.memref_squeeze %dma_start3A_27 : memref<1x80xi32, #tpu.memory_space<vmem>> -> memref<80xi32, #tpu.memory_space<vmem>>
    %dma_start3A_29 = arith.constant 0 : i32
    %dma_start3A_30 = arith.constant 0 : i32
    %dma_start3A_31 = tpu.memref_slice %arg2[%dma_start3A_29, %dma_start3A_30] : memref<10000x64xf32, #tpu.memory_space<hbm>> -> memref<10000x64xf32, #tpu.memory_space<hbm>>
    tpu.enqueue_indirect_dma source(%dma_start3A_31 : memref<10000x64xf32, #tpu.memory_space<hbm>>) target(%dma_start3A_25 : memref<80x64xf32, #tpu.memory_space<vmem>>) offsets(%dma_start3A_28 : memref<80xi32, #tpu.memory_space<vmem>>) semaphore(%arg20 : memref<!tpu.dma_semaphore, #tpu.memory_space<semaphore_mem>>)
    %dma_start3A_32 = arith.constant 2 : i32
    %dma_start3A_33 = arith.constant 2 : i32
    %dma_start3A_34 = arith.constant 0 : i32
    %dma_start3A_35 = arith.constant 0 : i32
    %dma_start3A_36 = tpu.memref_slice %arg12[%dma_start3A_33, %dma_start3A_34, %dma_start3A_35] : memref<5x80x64xf32, #tpu.memory_space<vmem>> -> memref<1x80x64xf32, #tpu.memory_space<vmem>>
    %dma_start3A_37 = tpu.memref_squeeze %dma_start3A_36 : memref<1x80x64xf32, #tpu.memory_space<vmem>> -> memref<80x64xf32, #tpu.memory_space<vmem>>
    %dma_start3A_38 = arith.constant 0 : i32
    %dma_start3A_39 = tpu.memref_slice %arg9[%dma_start3A_32, %dma_start3A_38] : memref<125x80xi32, #tpu.memory_space<vmem>> -> memref<1x80xi32, #tpu.memory_space<vmem>>
    %dma_start3A_40 = tpu.memref_squeeze %dma_start3A_39 : memref<1x80xi32, #tpu.memory_space<vmem>> -> memref<80xi32, #tpu.memory_space<vmem>>
    %dma_start3A_41 = arith.constant 0 : i32
    %dma_start3A_42 = arith.constant 0 : i32
    %dma_start3A_43 = tpu.memref_slice %arg2[%dma_start3A_41, %dma_start3A_42] : memref<10000x64xf32, #tpu.memory_space<hbm>> -> memref<10000x64xf32, #tpu.memory_space<hbm>>
    tpu.enqueue_indirect_dma source(%dma_start3A_43 : memref<10000x64xf32, #tpu.memory_space<hbm>>) target(%dma_start3A_37 : memref<80x64xf32, #tpu.memory_space<vmem>>) offsets(%dma_start3A_40 : memref<80xi32, #tpu.memory_space<vmem>>) semaphore(%arg21 : memref<!tpu.dma_semaphore, #tpu.memory_space<semaphore_mem>>)
    %dma_start3A_44 = arith.constant 3 : i32
    %dma_start3A_45 = arith.constant 3 : i32
    %dma_start3A_46 = arith.constant 0 : i32
    %dma_start3A_47 = arith.constant 0 : i32
    %dma_start3A_48 = tpu.memref_slice %arg12[%dma_start3A_45, %dma_start3A_46, %dma_start3A_47] : memref<5x80x64xf32, #tpu.memory_space<vmem>> -> memref<1x80x64xf32, #tpu.memory_space<vmem>>
    %dma_start3A_49 = tpu.memref_squeeze %dma_start3A_48 : memref<1x80x64xf32, #tpu.memory_space<vmem>> -> memref<80x64xf32, #tpu.memory_space<vmem>>
    %dma_start3A_50 = arith.constant 0 : i32
    %dma_start3A_51 = tpu.memref_slice %arg9[%dma_start3A_44, %dma_start3A_50] : memref<125x80xi32, #tpu.memory_space<vmem>> -> memref<1x80xi32, #tpu.memory_space<vmem>>
    %dma_start3A_52 = tpu.memref_squeeze %dma_start3A_51 : memref<1x80xi32, #tpu.memory_space<vmem>> -> memref<80xi32, #tpu.memory_space<vmem>>
    %dma_start3A_53 = arith.constant 0 : i32
    %dma_start3A_54 = arith.constant 0 : i32
    %dma_start3A_55 = tpu.memref_slice %arg2[%dma_start3A_53, %dma_start3A_54] : memref<10000x64xf32, #tpu.memory_space<hbm>> -> memref<10000x64xf32, #tpu.memory_space<hbm>>
    tpu.enqueue_indirect_dma source(%dma_start3A_55 : memref<10000x64xf32, #tpu.memory_space<hbm>>) target(%dma_start3A_49 : memref<80x64xf32, #tpu.memory_space<vmem>>) offsets(%dma_start3A_52 : memref<80xi32, #tpu.memory_space<vmem>>) semaphore(%arg22 : memref<!tpu.dma_semaphore, #tpu.memory_space<semaphore_mem>>)
    %dma_start3A_56 = arith.constant 4 : i32
    %dma_start3A_57 = arith.constant 4 : i32
    %dma_start3A_58 = arith.constant 0 : i32
    %dma_start3A_59 = arith.constant 0 : i32
    %dma_start3A_60 = tpu.memref_slice %arg12[%dma_start3A_57, %dma_start3A_58, %dma_start3A_59] : memref<5x80x64xf32, #tpu.memory_space<vmem>> -> memref<1x80x64xf32, #tpu.memory_space<vmem>>
    %dma_start3A_61 = tpu.memref_squeeze %dma_start3A_60 : memref<1x80x64xf32, #tpu.memory_space<vmem>> -> memref<80x64xf32, #tpu.memory_space<vmem>>
    %dma_start3A_62 = arith.constant 0 : i32
    %dma_start3A_63 = tpu.memref_slice %arg9[%dma_start3A_56, %dma_start3A_62] : memref<125x80xi32, #tpu.memory_space<vmem>> -> memref<1x80xi32, #tpu.memory_space<vmem>>
    %dma_start3A_64 = tpu.memref_squeeze %dma_start3A_63 : memref<1x80xi32, #tpu.memory_space<vmem>> -> memref<80xi32, #tpu.memory_space<vmem>>
    %dma_start3A_65 = arith.constant 0 : i32
    %dma_start3A_66 = arith.constant 0 : i32
    %dma_start3A_67 = tpu.memref_slice %arg2[%dma_start3A_65, %dma_start3A_66] : memref<10000x64xf32, #tpu.memory_space<hbm>> -> memref<10000x64xf32, #tpu.memory_space<hbm>>
    tpu.enqueue_indirect_dma source(%dma_start3A_67 : memref<10000x64xf32, #tpu.memory_space<hbm>>) target(%dma_start3A_61 : memref<80x64xf32, #tpu.memory_space<vmem>>) offsets(%dma_start3A_64 : memref<80xi32, #tpu.memory_space<vmem>>) semaphore(%arg23 : memref<!tpu.dma_semaphore, #tpu.memory_space<semaphore_mem>>)
    %scan3A = arith.constant 0 : i32
    %scan3A_68 = arith.constant 0 : i32
    %scan3A_69 = arith.constant 25 : i32
    %scan3A_70 = arith.addi %scan3A_68, %scan3A_69 : i32
    %scan3A_71 = arith.constant 1 : i32
    scf.for %scan3A_640 = %scan3A_68 to %scan3A_70 step %scan3A_71  : i32 {
      %mul3A_641 = arith.constant 5 : i32
      %mul3A_642 = arith.muli %scan3A_640, %mul3A_641 : i32
      %add3A_643 = arith.constant 0 : i32
      %add3A_644 = arith.addi %mul3A_642, %add3A_643 : i32
      %dma_wait3A_645 = arith.constant 0 : i32
      %dma_wait3A_646 = arith.constant 0 : i32
      %dma_wait3A_647 = arith.constant 0 : i32
      %dma_wait3A_648 = tpu.memref_slice %arg12[%dma_wait3A_645, %dma_wait3A_646, %dma_wait3A_647] : memref<5x80x64xf32, #tpu.memory_space<vmem>> -> memref<1x80x64xf32, #tpu.memory_space<vmem>>
      %dma_wait3A_649 = tpu.memref_squeeze %dma_wait3A_648 : memref<1x80x64xf32, #tpu.memory_space<vmem>> -> memref<80x64xf32, #tpu.memory_space<vmem>>
      %dma_wait3A_650 = arith.constant 0 : i32
      %dma_wait3A_651 = tpu.memref_slice %arg9[%add3A_644, %dma_wait3A_650] : memref<125x80xi32, #tpu.memory_space<vmem>> -> memref<1x80xi32, #tpu.memory_space<vmem>>
      %dma_wait3A_652 = tpu.memref_squeeze %dma_wait3A_651 : memref<1x80xi32, #tpu.memory_space<vmem>> -> memref<80xi32, #tpu.memory_space<vmem>>
      %dma_wait3A_653 = arith.constant 0 : i32
      %dma_wait3A_654 = arith.constant 0 : i32
      %dma_wait3A_655 = tpu.memref_slice %arg2[%dma_wait3A_653, %dma_wait3A_654] : memref<10000x64xf32, #tpu.memory_space<hbm>> -> memref<10000x64xf32, #tpu.memory_space<hbm>>
      tpu.wait_indirect_dma semaphore(%arg19 : memref<!tpu.dma_semaphore, #tpu.memory_space<semaphore_mem>>) src(%dma_wait3A_655 : memref<10000x64xf32, #tpu.memory_space<hbm>>) dst(%dma_wait3A_649 : memref<80x64xf32, #tpu.memory_space<vmem>>)
      %dma_start3A_656 = arith.constant 0 : i32
      %dma_start3A_657 = arith.constant 0 : i32
      %dma_start3A_658 = arith.constant 0 : i32
      %dma_start3A_659 = tpu.memref_slice %arg12[%dma_start3A_656, %dma_start3A_657, %dma_start3A_658] : memref<5x80x64xf32, #tpu.memory_space<vmem>> -> memref<1x80x64xf32, #tpu.memory_space<vmem>>
      %dma_start3A_660 = tpu.memref_squeeze %dma_start3A_659 : memref<1x80x64xf32, #tpu.memory_space<vmem>> -> memref<80x64xf32, #tpu.memory_space<vmem>>
      %dma_start3A_661 = arith.constant 0 : i32
      %dma_start3A_662 = tpu.memref_slice %arg10[%add3A_644, %dma_start3A_661] : memref<125x80xi32, #tpu.memory_space<vmem>> -> memref<1x80xi32, #tpu.memory_space<vmem>>
      %dma_start3A_663 = tpu.memref_squeeze %dma_start3A_662 : memref<1x80xi32, #tpu.memory_space<vmem>> -> memref<80xi32, #tpu.memory_space<vmem>>
      %dma_start3A_664 = arith.constant 0 : i32
      %dma_start3A_665 = arith.constant 0 : i32
      %dma_start3A_666 = tpu.memref_slice %arg17[%dma_start3A_664, %dma_start3A_665] : memref<10240x64xf32, #tpu.memory_space<vmem_shared>> -> memref<10240x64xf32, #tpu.memory_space<vmem_shared>>
      tpu.enqueue_indirect_dma source(%dma_start3A_660 : memref<80x64xf32, #tpu.memory_space<vmem>>) target(%dma_start3A_666 : memref<10240x64xf32, #tpu.memory_space<vmem_shared>>) offsets(%dma_start3A_663 : memref<80xi32, #tpu.memory_space<vmem>>) semaphore(%arg24 : memref<!tpu.dma_semaphore, #tpu.memory_space<semaphore_mem>>) {add = true}
      %dma_start3A_667 = arith.constant 0 : i32
      %dma_start3A_668 = tpu.memref_slice %arg10[%add3A_644, %dma_start3A_667] : memref<125x80xi32, #tpu.memory_space<vmem>> -> memref<1x80xi32, #tpu.memory_space<vmem>>
      %dma_start3A_669 = tpu.memref_squeeze %dma_start3A_668 : memref<1x80xi32, #tpu.memory_space<vmem>> -> memref<80xi32, #tpu.memory_space<vmem>>
      %dma_start3A_670 = arith.constant 0 : i32
      %dma_start3A_671 = tpu.memref_slice %arg18[%dma_start3A_670] : memref<10240xf32, #tpu.memory_space<vmem_shared>> -> memref<10240xf32, #tpu.memory_space<vmem_shared>>
      tpu.enqueue_indirect_dma source(%arg13 : memref<80xf32, #tpu.memory_space<vmem>>) target(%dma_start3A_671 : memref<10240xf32, #tpu.memory_space<vmem_shared>>) offsets(%dma_start3A_669 : memref<80xi32, #tpu.memory_space<vmem>>) semaphore(%arg24 : memref<!tpu.dma_semaphore, #tpu.memory_space<semaphore_mem>>) {add = true}
      %dma_start3A_672 = arith.constant 0 : i32
      %dma_start3A_673 = tpu.memref_slice %arg11[%add3A_644, %dma_start3A_672] : memref<125x80xi32, #tpu.memory_space<vmem>> -> memref<1x80xi32, #tpu.memory_space<vmem>>
      %dma_start3A_674 = tpu.memref_squeeze %dma_start3A_673 : memref<1x80xi32, #tpu.memory_space<vmem>> -> memref<80xi32, #tpu.memory_space<vmem>>
      %dma_start3A_675 = arith.constant 0 : i32
      %dma_start3A_676 = tpu.memref_slice %arg18[%dma_start3A_675] : memref<10240xf32, #tpu.memory_space<vmem_shared>> -> memref<10240xf32, #tpu.memory_space<vmem_shared>>
      tpu.enqueue_indirect_dma source(%arg13 : memref<80xf32, #tpu.memory_space<vmem>>) target(%dma_start3A_676 : memref<10240xf32, #tpu.memory_space<vmem_shared>>) offsets(%dma_start3A_674 : memref<80xi32, #tpu.memory_space<vmem>>) semaphore(%arg24 : memref<!tpu.dma_semaphore, #tpu.memory_space<semaphore_mem>>) {add = true}
      %ge3A = arith.constant 1 : i32
      %ge3A_677 = arith.cmpi sge, %add3A_644, %ge3A : i32
      %convert_element_type3A_678 = arith.extui %ge3A_677 : i1 to i32
      %cond3A_679 = arith.constant 0 : i32
      %cond3A_680 = arith.cmpi ne, %convert_element_type3A_678, %cond3A_679 : i32
      scf.if %cond3A_680 {
        %dma_wait3A_845 = arith.constant 4 : i32
        %dma_wait3A_846 = arith.constant 0 : i32
        %dma_wait3A_847 = arith.constant 0 : i32
        %dma_wait3A_848 = tpu.memref_slice %arg12[%dma_wait3A_845, %dma_wait3A_846, %dma_wait3A_847] : memref<5x80x64xf32, #tpu.memory_space<vmem>> -> memref<1x80x64xf32, #tpu.memory_space<vmem>>
        %dma_wait3A_849 = tpu.memref_squeeze %dma_wait3A_848 : memref<1x80x64xf32, #tpu.memory_space<vmem>> -> memref<80x64xf32, #tpu.memory_space<vmem>>
        %dma_wait3A_850 = arith.constant 0 : i32
        %dma_wait3A_851 = tpu.memref_slice %arg10[%add3A_644, %dma_wait3A_850] : memref<125x80xi32, #tpu.memory_space<vmem>> -> memref<1x80xi32, #tpu.memory_space<vmem>>
        %dma_wait3A_852 = tpu.memref_squeeze %dma_wait3A_851 : memref<1x80xi32, #tpu.memory_space<vmem>> -> memref<80xi32, #tpu.memory_space<vmem>>
        %dma_wait3A_853 = arith.constant 0 : i32
        %dma_wait3A_854 = arith.constant 0 : i32
        %dma_wait3A_855 = tpu.memref_slice %arg17[%dma_wait3A_853, %dma_wait3A_854] : memref<10240x64xf32, #tpu.memory_space<vmem_shared>> -> memref<10240x64xf32, #tpu.memory_space<vmem_shared>>
        tpu.wait_indirect_dma semaphore(%arg28 : memref<!tpu.dma_semaphore, #tpu.memory_space<semaphore_mem>>) src(%dma_wait3A_849 : memref<80x64xf32, #tpu.memory_space<vmem>>) dst(%dma_wait3A_855 : memref<10240x64xf32, #tpu.memory_space<vmem_shared>>)
        %dma_wait3A_856 = arith.constant 0 : i32
        %dma_wait3A_857 = tpu.memref_slice %arg10[%add3A_644, %dma_wait3A_856] : memref<125x80xi32, #tpu.memory_space<vmem>> -> memref<1x80xi32, #tpu.memory_space<vmem>>
        %dma_wait3A_858 = tpu.memref_squeeze %dma_wait3A_857 : memref<1x80xi32, #tpu.memory_space<vmem>> -> memref<80xi32, #tpu.memory_space<vmem>>
        %dma_wait3A_859 = arith.constant 0 : i32
        %dma_wait3A_860 = tpu.memref_slice %arg18[%dma_wait3A_859] : memref<10240xf32, #tpu.memory_space<vmem_shared>> -> memref<10240xf32, #tpu.memory_space<vmem_shared>>
        tpu.wait_indirect_dma semaphore(%arg28 : memref<!tpu.dma_semaphore, #tpu.memory_space<semaphore_mem>>) src(%arg13 : memref<80xf32, #tpu.memory_space<vmem>>) dst(%dma_wait3A_860 : memref<10240xf32, #tpu.memory_space<vmem_shared>>)
        %dma_wait3A_861 = arith.constant 0 : i32
        %dma_wait3A_862 = tpu.memref_slice %arg11[%add3A_644, %dma_wait3A_861] : memref<125x80xi32, #tpu.memory_space<vmem>> -> memref<1x80xi32, #tpu.memory_space<vmem>>
        %dma_wait3A_863 = tpu.memref_squeeze %dma_wait3A_862 : memref<1x80xi32, #tpu.memory_space<vmem>> -> memref<80xi32, #tpu.memory_space<vmem>>
        %dma_wait3A_864 = arith.constant 0 : i32
        %dma_wait3A_865 = tpu.memref_slice %arg18[%dma_wait3A_864] : memref<10240xf32, #tpu.memory_space<vmem_shared>> -> memref<10240xf32, #tpu.memory_space<vmem_shared>>
        tpu.wait_indirect_dma semaphore(%arg28 : memref<!tpu.dma_semaphore, #tpu.memory_space<semaphore_mem>>) src(%arg13 : memref<80xf32, #tpu.memory_space<vmem>>) dst(%dma_wait3A_865 : memref<10240xf32, #tpu.memory_space<vmem_shared>>)
        %sub3A_866 = arith.constant 1 : i32
        %sub3A_867 = arith.subi %add3A_644, %sub3A_866 : i32
        %add3A_868 = arith.constant 5 : i32
        %add3A_869 = arith.addi %sub3A_867, %add3A_868 : i32
        %lt3A = arith.constant 125 : i32
        %lt3A_870 = arith.cmpi slt, %add3A_869, %lt3A : i32
        %convert_element_type3A_871 = arith.extui %lt3A_870 : i1 to i32
        %cond3A_872 = arith.constant 0 : i32
        %cond3A_873 = arith.cmpi ne, %convert_element_type3A_871, %cond3A_872 : i32
        scf.if %cond3A_873 {
          %sub3A_874 = arith.constant 1 : i32
          %sub3A_875 = arith.subi %add3A_644, %sub3A_874 : i32
          %add3A_876 = arith.constant 5 : i32
          %add3A_877 = arith.addi %sub3A_875, %add3A_876 : i32
          %dma_start3A_878 = arith.constant 4 : i32
          %dma_start3A_879 = arith.constant 0 : i32
          %dma_start3A_880 = arith.constant 0 : i32
          %dma_start3A_881 = tpu.memref_slice %arg12[%dma_start3A_878, %dma_start3A_879, %dma_start3A_880] : memref<5x80x64xf32, #tpu.memory_space<vmem>> -> memref<1x80x64xf32, #tpu.memory_space<vmem>>
          %dma_start3A_882 = tpu.memref_squeeze %dma_start3A_881 : memref<1x80x64xf32, #tpu.memory_space<vmem>> -> memref<80x64xf32, #tpu.memory_space<vmem>>
          %dma_start3A_883 = arith.constant 0 : i32
          %dma_start3A_884 = tpu.memref_slice %arg9[%add3A_877, %dma_start3A_883] : memref<125x80xi32, #tpu.memory_space<vmem>> -> memref<1x80xi32, #tpu.memory_space<vmem>>
          %dma_start3A_885 = tpu.memref_squeeze %dma_start3A_884 : memref<1x80xi32, #tpu.memory_space<vmem>> -> memref<80xi32, #tpu.memory_space<vmem>>
          %dma_start3A_886 = arith.constant 0 : i32
          %dma_start3A_887 = arith.constant 0 : i32
          %dma_start3A_888 = tpu.memref_slice %arg2[%dma_start3A_886, %dma_start3A_887] : memref<10000x64xf32, #tpu.memory_space<hbm>> -> memref<10000x64xf32, #tpu.memory_space<hbm>>
          tpu.enqueue_indirect_dma source(%dma_start3A_888 : memref<10000x64xf32, #tpu.memory_space<hbm>>) target(%dma_start3A_882 : memref<80x64xf32, #tpu.memory_space<vmem>>) offsets(%dma_start3A_885 : memref<80xi32, #tpu.memory_space<vmem>>) semaphore(%arg23 : memref<!tpu.dma_semaphore, #tpu.memory_space<semaphore_mem>>)
        } else {
        }
      } else {
      }
      %mul3A_681 = arith.constant 5 : i32
      %mul3A_682 = arith.muli %scan3A_640, %mul3A_681 : i32
      %add3A_683 = arith.constant 1 : i32
      %add3A_684 = arith.addi %mul3A_682, %add3A_683 : i32
      %dma_wait3A_685 = arith.constant 1 : i32
      %dma_wait3A_686 = arith.constant 0 : i32
      %dma_wait3A_687 = arith.constant 0 : i32
      %dma_wait3A_688 = tpu.memref_slice %arg12[%dma_wait3A_685, %dma_wait3A_686, %dma_wait3A_687] : memref<5x80x64xf32, #tpu.memory_space<vmem>> -> memref<1x80x64xf32, #tpu.memory_space<vmem>>
      %dma_wait3A_689 = tpu.memref_squeeze %dma_wait3A_688 : memref<1x80x64xf32, #tpu.memory_space<vmem>> -> memref<80x64xf32, #tpu.memory_space<vmem>>
      %dma_wait3A_690 = arith.constant 0 : i32
      %dma_wait3A_691 = tpu.memref_slice %arg9[%add3A_684, %dma_wait3A_690] : memref<125x80xi32, #tpu.memory_space<vmem>> -> memref<1x80xi32, #tpu.memory_space<vmem>>
      %dma_wait3A_692 = tpu.memref_squeeze %dma_wait3A_691 : memref<1x80xi32, #tpu.memory_space<vmem>> -> memref<80xi32, #tpu.memory_space<vmem>>
      %dma_wait3A_693 = arith.constant 0 : i32
      %dma_wait3A_694 = arith.constant 0 : i32
      %dma_wait3A_695 = tpu.memref_slice %arg2[%dma_wait3A_693, %dma_wait3A_694] : memref<10000x64xf32, #tpu.memory_space<hbm>> -> memref<10000x64xf32, #tpu.memory_space<hbm>>
      tpu.wait_indirect_dma semaphore(%arg20 : memref<!tpu.dma_semaphore, #tpu.memory_space<semaphore_mem>>) src(%dma_wait3A_695 : memref<10000x64xf32, #tpu.memory_space<hbm>>) dst(%dma_wait3A_689 : memref<80x64xf32, #tpu.memory_space<vmem>>)
      %dma_start3A_696 = arith.constant 1 : i32
      %dma_start3A_697 = arith.constant 0 : i32
      %dma_start3A_698 = arith.constant 0 : i32
      %dma_start3A_699 = tpu.memref_slice %arg12[%dma_start3A_696, %dma_start3A_697, %dma_start3A_698] : memref<5x80x64xf32, #tpu.memory_space<vmem>> -> memref<1x80x64xf32, #tpu.memory_space<vmem>>
      %dma_start3A_700 = tpu.memref_squeeze %dma_start3A_699 : memref<1x80x64xf32, #tpu.memory_space<vmem>> -> memref<80x64xf32, #tpu.memory_space<vmem>>
      %dma_start3A_701 = arith.constant 0 : i32
      %dma_start3A_702 = tpu.memref_slice %arg10[%add3A_684, %dma_start3A_701] : memref<125x80xi32, #tpu.memory_space<vmem>> -> memref<1x80xi32, #tpu.memory_space<vmem>>
      %dma_start3A_703 = tpu.memref_squeeze %dma_start3A_702 : memref<1x80xi32, #tpu.memory_space<vmem>> -> memref<80xi32, #tpu.memory_space<vmem>>
      %dma_start3A_704 = arith.constant 0 : i32
      %dma_start3A_705 = arith.constant 0 : i32
      %dma_start3A_706 = tpu.memref_slice %arg17[%dma_start3A_704, %dma_start3A_705] : memref<10240x64xf32, #tpu.memory_space<vmem_shared>> -> memref<10240x64xf32, #tpu.memory_space<vmem_shared>>
      tpu.enqueue_indirect_dma source(%dma_start3A_700 : memref<80x64xf32, #tpu.memory_space<vmem>>) target(%dma_start3A_706 : memref<10240x64xf32, #tpu.memory_space<vmem_shared>>) offsets(%dma_start3A_703 : memref<80xi32, #tpu.memory_space<vmem>>) semaphore(%arg25 : memref<!tpu.dma_semaphore, #tpu.memory_space<semaphore_mem>>) {add = true}
      %dma_start3A_707 = arith.constant 0 : i32
      %dma_start3A_708 = tpu.memref_slice %arg10[%add3A_684, %dma_start3A_707] : memref<125x80xi32, #tpu.memory_space<vmem>> -> memref<1x80xi32, #tpu.memory_space<vmem>>
      %dma_start3A_709 = tpu.memref_squeeze %dma_start3A_708 : memref<1x80xi32, #tpu.memory_space<vmem>> -> memref<80xi32, #tpu.memory_space<vmem>>
      %dma_start3A_710 = arith.constant 0 : i32
      %dma_start3A_711 = tpu.memref_slice %arg18[%dma_start3A_710] : memref<10240xf32, #tpu.memory_space<vmem_shared>> -> memref<10240xf32, #tpu.memory_space<vmem_shared>>
      tpu.enqueue_indirect_dma source(%arg13 : memref<80xf32, #tpu.memory_space<vmem>>) target(%dma_start3A_711 : memref<10240xf32, #tpu.memory_space<vmem_shared>>) offsets(%dma_start3A_709 : memref<80xi32, #tpu.memory_space<vmem>>) semaphore(%arg25 : memref<!tpu.dma_semaphore, #tpu.memory_space<semaphore_mem>>) {add = true}
      %dma_start3A_712 = arith.constant 0 : i32
      %dma_start3A_713 = tpu.memref_slice %arg11[%add3A_684, %dma_start3A_712] : memref<125x80xi32, #tpu.memory_space<vmem>> -> memref<1x80xi32, #tpu.memory_space<vmem>>
      %dma_start3A_714 = tpu.memref_squeeze %dma_start3A_713 : memref<1x80xi32, #tpu.memory_space<vmem>> -> memref<80xi32, #tpu.memory_space<vmem>>
      %dma_start3A_715 = arith.constant 0 : i32
      %dma_start3A_716 = tpu.memref_slice %arg18[%dma_start3A_715] : memref<10240xf32, #tpu.memory_space<vmem_shared>> -> memref<10240xf32, #tpu.memory_space<vmem_shared>>
      tpu.enqueue_indirect_dma source(%arg13 : memref<80xf32, #tpu.memory_space<vmem>>) target(%dma_start3A_716 : memref<10240xf32, #tpu.memory_space<vmem_shared>>) offsets(%dma_start3A_714 : memref<80xi32, #tpu.memory_space<vmem>>) semaphore(%arg25 : memref<!tpu.dma_semaphore, #tpu.memory_space<semaphore_mem>>) {add = true}
      %ge3A_717 = arith.constant 1 : i32
      %ge3A_718 = arith.cmpi sge, %add3A_684, %ge3A_717 : i32
      %convert_element_type3A_719 = arith.extui %ge3A_718 : i1 to i32
      %cond3A_720 = arith.constant 0 : i32
      %cond3A_721 = arith.cmpi ne, %convert_element_type3A_719, %cond3A_720 : i32
      scf.if %cond3A_721 {
        %dma_wait3A_845 = arith.constant 0 : i32
        %dma_wait3A_846 = arith.constant 0 : i32
        %dma_wait3A_847 = arith.constant 0 : i32
        %dma_wait3A_848 = tpu.memref_slice %arg12[%dma_wait3A_845, %dma_wait3A_846, %dma_wait3A_847] : memref<5x80x64xf32, #tpu.memory_space<vmem>> -> memref<1x80x64xf32, #tpu.memory_space<vmem>>
        %dma_wait3A_849 = tpu.memref_squeeze %dma_wait3A_848 : memref<1x80x64xf32, #tpu.memory_space<vmem>> -> memref<80x64xf32, #tpu.memory_space<vmem>>
        %dma_wait3A_850 = arith.constant 0 : i32
        %dma_wait3A_851 = tpu.memref_slice %arg10[%add3A_684, %dma_wait3A_850] : memref<125x80xi32, #tpu.memory_space<vmem>> -> memref<1x80xi32, #tpu.memory_space<vmem>>
        %dma_wait3A_852 = tpu.memref_squeeze %dma_wait3A_851 : memref<1x80xi32, #tpu.memory_space<vmem>> -> memref<80xi32, #tpu.memory_space<vmem>>
        %dma_wait3A_853 = arith.constant 0 : i32
        %dma_wait3A_854 = arith.constant 0 : i32
        %dma_wait3A_855 = tpu.memref_slice %arg17[%dma_wait3A_853, %dma_wait3A_854] : memref<10240x64xf32, #tpu.memory_space<vmem_shared>> -> memref<10240x64xf32, #tpu.memory_space<vmem_shared>>
        tpu.wait_indirect_dma semaphore(%arg24 : memref<!tpu.dma_semaphore, #tpu.memory_space<semaphore_mem>>) src(%dma_wait3A_849 : memref<80x64xf32, #tpu.memory_space<vmem>>) dst(%dma_wait3A_855 : memref<10240x64xf32, #tpu.memory_space<vmem_shared>>)
        %dma_wait3A_856 = arith.constant 0 : i32
        %dma_wait3A_857 = tpu.memref_slice %arg10[%add3A_684, %dma_wait3A_856] : memref<125x80xi32, #tpu.memory_space<vmem>> -> memref<1x80xi32, #tpu.memory_space<vmem>>
        %dma_wait3A_858 = tpu.memref_squeeze %dma_wait3A_857 : memref<1x80xi32, #tpu.memory_space<vmem>> -> memref<80xi32, #tpu.memory_space<vmem>>
        %dma_wait3A_859 = arith.constant 0 : i32
        %dma_wait3A_860 = tpu.memref_slice %arg18[%dma_wait3A_859] : memref<10240xf32, #tpu.memory_space<vmem_shared>> -> memref<10240xf32, #tpu.memory_space<vmem_shared>>
        tpu.wait_indirect_dma semaphore(%arg24 : memref<!tpu.dma_semaphore, #tpu.memory_space<semaphore_mem>>) src(%arg13 : memref<80xf32, #tpu.memory_space<vmem>>) dst(%dma_wait3A_860 : memref<10240xf32, #tpu.memory_space<vmem_shared>>)
        %dma_wait3A_861 = arith.constant 0 : i32
        %dma_wait3A_862 = tpu.memref_slice %arg11[%add3A_684, %dma_wait3A_861] : memref<125x80xi32, #tpu.memory_space<vmem>> -> memref<1x80xi32, #tpu.memory_space<vmem>>
        %dma_wait3A_863 = tpu.memref_squeeze %dma_wait3A_862 : memref<1x80xi32, #tpu.memory_space<vmem>> -> memref<80xi32, #tpu.memory_space<vmem>>
        %dma_wait3A_864 = arith.constant 0 : i32
        %dma_wait3A_865 = tpu.memref_slice %arg18[%dma_wait3A_864] : memref<10240xf32, #tpu.memory_space<vmem_shared>> -> memref<10240xf32, #tpu.memory_space<vmem_shared>>
        tpu.wait_indirect_dma semaphore(%arg24 : memref<!tpu.dma_semaphore, #tpu.memory_space<semaphore_mem>>) src(%arg13 : memref<80xf32, #tpu.memory_space<vmem>>) dst(%dma_wait3A_865 : memref<10240xf32, #tpu.memory_space<vmem_shared>>)
        %sub3A_866 = arith.constant 1 : i32
        %sub3A_867 = arith.subi %add3A_684, %sub3A_866 : i32
        %add3A_868 = arith.constant 5 : i32
        %add3A_869 = arith.addi %sub3A_867, %add3A_868 : i32
        %lt3A = arith.constant 125 : i32
        %lt3A_870 = arith.cmpi slt, %add3A_869, %lt3A : i32
        %convert_element_type3A_871 = arith.extui %lt3A_870 : i1 to i32
        %cond3A_872 = arith.constant 0 : i32
        %cond3A_873 = arith.cmpi ne, %convert_element_type3A_871, %cond3A_872 : i32
        scf.if %cond3A_873 {
          %sub3A_874 = arith.constant 1 : i32
          %sub3A_875 = arith.subi %add3A_684, %sub3A_874 : i32
          %add3A_876 = arith.constant 5 : i32
          %add3A_877 = arith.addi %sub3A_875, %add3A_876 : i32
          %dma_start3A_878 = arith.constant 0 : i32
          %dma_start3A_879 = arith.constant 0 : i32
          %dma_start3A_880 = arith.constant 0 : i32
          %dma_start3A_881 = tpu.memref_slice %arg12[%dma_start3A_878, %dma_start3A_879, %dma_start3A_880] : memref<5x80x64xf32, #tpu.memory_space<vmem>> -> memref<1x80x64xf32, #tpu.memory_space<vmem>>
          %dma_start3A_882 = tpu.memref_squeeze %dma_start3A_881 : memref<1x80x64xf32, #tpu.memory_space<vmem>> -> memref<80x64xf32, #tpu.memory_space<vmem>>
          %dma_start3A_883 = arith.constant 0 : i32
          %dma_start3A_884 = tpu.memref_slice %arg9[%add3A_877, %dma_start3A_883] : memref<125x80xi32, #tpu.memory_space<vmem>> -> memref<1x80xi32, #tpu.memory_space<vmem>>
          %dma_start3A_885 = tpu.memref_squeeze %dma_start3A_884 : memref<1x80xi32, #tpu.memory_space<vmem>> -> memref<80xi32, #tpu.memory_space<vmem>>
          %dma_start3A_886 = arith.constant 0 : i32
          %dma_start3A_887 = arith.constant 0 : i32
          %dma_start3A_888 = tpu.memref_slice %arg2[%dma_start3A_886, %dma_start3A_887] : memref<10000x64xf32, #tpu.memory_space<hbm>> -> memref<10000x64xf32, #tpu.memory_space<hbm>>
          tpu.enqueue_indirect_dma source(%dma_start3A_888 : memref<10000x64xf32, #tpu.memory_space<hbm>>) target(%dma_start3A_882 : memref<80x64xf32, #tpu.memory_space<vmem>>) offsets(%dma_start3A_885 : memref<80xi32, #tpu.memory_space<vmem>>) semaphore(%arg19 : memref<!tpu.dma_semaphore, #tpu.memory_space<semaphore_mem>>)
        } else {
        }
      } else {
      }
      %mul3A_722 = arith.constant 5 : i32
      %mul3A_723 = arith.muli %scan3A_640, %mul3A_722 : i32
      %add3A_724 = arith.constant 2 : i32
      %add3A_725 = arith.addi %mul3A_723, %add3A_724 : i32
      %dma_wait3A_726 = arith.constant 2 : i32
      %dma_wait3A_727 = arith.constant 0 : i32
      %dma_wait3A_728 = arith.constant 0 : i32
      %dma_wait3A_729 = tpu.memref_slice %arg12[%dma_wait3A_726, %dma_wait3A_727, %dma_wait3A_728] : memref<5x80x64xf32, #tpu.memory_space<vmem>> -> memref<1x80x64xf32, #tpu.memory_space<vmem>>
      %dma_wait3A_730 = tpu.memref_squeeze %dma_wait3A_729 : memref<1x80x64xf32, #tpu.memory_space<vmem>> -> memref<80x64xf32, #tpu.memory_space<vmem>>
      %dma_wait3A_731 = arith.constant 0 : i32
      %dma_wait3A_732 = tpu.memref_slice %arg9[%add3A_725, %dma_wait3A_731] : memref<125x80xi32, #tpu.memory_space<vmem>> -> memref<1x80xi32, #tpu.memory_space<vmem>>
      %dma_wait3A_733 = tpu.memref_squeeze %dma_wait3A_732 : memref<1x80xi32, #tpu.memory_space<vmem>> -> memref<80xi32, #tpu.memory_space<vmem>>
      %dma_wait3A_734 = arith.constant 0 : i32
      %dma_wait3A_735 = arith.constant 0 : i32
      %dma_wait3A_736 = tpu.memref_slice %arg2[%dma_wait3A_734, %dma_wait3A_735] : memref<10000x64xf32, #tpu.memory_space<hbm>> -> memref<10000x64xf32, #tpu.memory_space<hbm>>
      tpu.wait_indirect_dma semaphore(%arg21 : memref<!tpu.dma_semaphore, #tpu.memory_space<semaphore_mem>>) src(%dma_wait3A_736 : memref<10000x64xf32, #tpu.memory_space<hbm>>) dst(%dma_wait3A_730 : memref<80x64xf32, #tpu.memory_space<vmem>>)
      %dma_start3A_737 = arith.constant 2 : i32
      %dma_start3A_738 = arith.constant 0 : i32
      %dma_start3A_739 = arith.constant 0 : i32
      %dma_start3A_740 = tpu.memref_slice %arg12[%dma_start3A_737, %dma_start3A_738, %dma_start3A_739] : memref<5x80x64xf32, #tpu.memory_space<vmem>> -> memref<1x80x64xf32, #tpu.memory_space<vmem>>
      %dma_start3A_741 = tpu.memref_squeeze %dma_start3A_740 : memref<1x80x64xf32, #tpu.memory_space<vmem>> -> memref<80x64xf32, #tpu.memory_space<vmem>>
      %dma_start3A_742 = arith.constant 0 : i32
      %dma_start3A_743 = tpu.memref_slice %arg10[%add3A_725, %dma_start3A_742] : memref<125x80xi32, #tpu.memory_space<vmem>> -> memref<1x80xi32, #tpu.memory_space<vmem>>
      %dma_start3A_744 = tpu.memref_squeeze %dma_start3A_743 : memref<1x80xi32, #tpu.memory_space<vmem>> -> memref<80xi32, #tpu.memory_space<vmem>>
      %dma_start3A_745 = arith.constant 0 : i32
      %dma_start3A_746 = arith.constant 0 : i32
      %dma_start3A_747 = tpu.memref_slice %arg17[%dma_start3A_745, %dma_start3A_746] : memref<10240x64xf32, #tpu.memory_space<vmem_shared>> -> memref<10240x64xf32, #tpu.memory_space<vmem_shared>>
      tpu.enqueue_indirect_dma source(%dma_start3A_741 : memref<80x64xf32, #tpu.memory_space<vmem>>) target(%dma_start3A_747 : memref<10240x64xf32, #tpu.memory_space<vmem_shared>>) offsets(%dma_start3A_744 : memref<80xi32, #tpu.memory_space<vmem>>) semaphore(%arg26 : memref<!tpu.dma_semaphore, #tpu.memory_space<semaphore_mem>>) {add = true}
      %dma_start3A_748 = arith.constant 0 : i32
      %dma_start3A_749 = tpu.memref_slice %arg10[%add3A_725, %dma_start3A_748] : memref<125x80xi32, #tpu.memory_space<vmem>> -> memref<1x80xi32, #tpu.memory_space<vmem>>
      %dma_start3A_750 = tpu.memref_squeeze %dma_start3A_749 : memref<1x80xi32, #tpu.memory_space<vmem>> -> memref<80xi32, #tpu.memory_space<vmem>>
      %dma_start3A_751 = arith.constant 0 : i32
      %dma_start3A_752 = tpu.memref_slice %arg18[%dma_start3A_751] : memref<10240xf32, #tpu.memory_space<vmem_shared>> -> memref<10240xf32, #tpu.memory_space<vmem_shared>>
      tpu.enqueue_indirect_dma source(%arg13 : memref<80xf32, #tpu.memory_space<vmem>>) target(%dma_start3A_752 : memref<10240xf32, #tpu.memory_space<vmem_shared>>) offsets(%dma_start3A_750 : memref<80xi32, #tpu.memory_space<vmem>>) semaphore(%arg26 : memref<!tpu.dma_semaphore, #tpu.memory_space<semaphore_mem>>) {add = true}
      %dma_start3A_753 = arith.constant 0 : i32
      %dma_start3A_754 = tpu.memref_slice %arg11[%add3A_725, %dma_start3A_753] : memref<125x80xi32, #tpu.memory_space<vmem>> -> memref<1x80xi32, #tpu.memory_space<vmem>>
      %dma_start3A_755 = tpu.memref_squeeze %dma_start3A_754 : memref<1x80xi32, #tpu.memory_space<vmem>> -> memref<80xi32, #tpu.memory_space<vmem>>
      %dma_start3A_756 = arith.constant 0 : i32
      %dma_start3A_757 = tpu.memref_slice %arg18[%dma_start3A_756] : memref<10240xf32, #tpu.memory_space<vmem_shared>> -> memref<10240xf32, #tpu.memory_space<vmem_shared>>
      tpu.enqueue_indirect_dma source(%arg13 : memref<80xf32, #tpu.memory_space<vmem>>) target(%dma_start3A_757 : memref<10240xf32, #tpu.memory_space<vmem_shared>>) offsets(%dma_start3A_755 : memref<80xi32, #tpu.memory_space<vmem>>) semaphore(%arg26 : memref<!tpu.dma_semaphore, #tpu.memory_space<semaphore_mem>>) {add = true}
      %ge3A_758 = arith.constant 1 : i32
      %ge3A_759 = arith.cmpi sge, %add3A_725, %ge3A_758 : i32
      %convert_element_type3A_760 = arith.extui %ge3A_759 : i1 to i32
      %cond3A_761 = arith.constant 0 : i32
      %cond3A_762 = arith.cmpi ne, %convert_element_type3A_760, %cond3A_761 : i32
      scf.if %cond3A_762 {
        %dma_wait3A_845 = arith.constant 1 : i32
        %dma_wait3A_846 = arith.constant 0 : i32
        %dma_wait3A_847 = arith.constant 0 : i32
        %dma_wait3A_848 = tpu.memref_slice %arg12[%dma_wait3A_845, %dma_wait3A_846, %dma_wait3A_847] : memref<5x80x64xf32, #tpu.memory_space<vmem>> -> memref<1x80x64xf32, #tpu.memory_space<vmem>>
        %dma_wait3A_849 = tpu.memref_squeeze %dma_wait3A_848 : memref<1x80x64xf32, #tpu.memory_space<vmem>> -> memref<80x64xf32, #tpu.memory_space<vmem>>
        %dma_wait3A_850 = arith.constant 0 : i32
        %dma_wait3A_851 = tpu.memref_slice %arg10[%add3A_725, %dma_wait3A_850] : memref<125x80xi32, #tpu.memory_space<vmem>> -> memref<1x80xi32, #tpu.memory_space<vmem>>
        %dma_wait3A_852 = tpu.memref_squeeze %dma_wait3A_851 : memref<1x80xi32, #tpu.memory_space<vmem>> -> memref<80xi32, #tpu.memory_space<vmem>>
        %dma_wait3A_853 = arith.constant 0 : i32
        %dma_wait3A_854 = arith.constant 0 : i32
        %dma_wait3A_855 = tpu.memref_slice %arg17[%dma_wait3A_853, %dma_wait3A_854] : memref<10240x64xf32, #tpu.memory_space<vmem_shared>> -> memref<10240x64xf32, #tpu.memory_space<vmem_shared>>
        tpu.wait_indirect_dma semaphore(%arg25 : memref<!tpu.dma_semaphore, #tpu.memory_space<semaphore_mem>>) src(%dma_wait3A_849 : memref<80x64xf32, #tpu.memory_space<vmem>>) dst(%dma_wait3A_855 : memref<10240x64xf32, #tpu.memory_space<vmem_shared>>)
        %dma_wait3A_856 = arith.constant 0 : i32
        %dma_wait3A_857 = tpu.memref_slice %arg10[%add3A_725, %dma_wait3A_856] : memref<125x80xi32, #tpu.memory_space<vmem>> -> memref<1x80xi32, #tpu.memory_space<vmem>>
        %dma_wait3A_858 = tpu.memref_squeeze %dma_wait3A_857 : memref<1x80xi32, #tpu.memory_space<vmem>> -> memref<80xi32, #tpu.memory_space<vmem>>
        %dma_wait3A_859 = arith.constant 0 : i32
        %dma_wait3A_860 = tpu.memref_slice %arg18[%dma_wait3A_859] : memref<10240xf32, #tpu.memory_space<vmem_shared>> -> memref<10240xf32, #tpu.memory_space<vmem_shared>>
        tpu.wait_indirect_dma semaphore(%arg25 : memref<!tpu.dma_semaphore, #tpu.memory_space<semaphore_mem>>) src(%arg13 : memref<80xf32, #tpu.memory_space<vmem>>) dst(%dma_wait3A_860 : memref<10240xf32, #tpu.memory_space<vmem_shared>>)
        %dma_wait3A_861 = arith.constant 0 : i32
        %dma_wait3A_862 = tpu.memref_slice %arg11[%add3A_725, %dma_wait3A_861] : memref<125x80xi32, #tpu.memory_space<vmem>> -> memref<1x80xi32, #tpu.memory_space<vmem>>
        %dma_wait3A_863 = tpu.memref_squeeze %dma_wait3A_862 : memref<1x80xi32, #tpu.memory_space<vmem>> -> memref<80xi32, #tpu.memory_space<vmem>>
        %dma_wait3A_864 = arith.constant 0 : i32
        %dma_wait3A_865 = tpu.memref_slice %arg18[%dma_wait3A_864] : memref<10240xf32, #tpu.memory_space<vmem_shared>> -> memref<10240xf32, #tpu.memory_space<vmem_shared>>
        tpu.wait_indirect_dma semaphore(%arg25 : memref<!tpu.dma_semaphore, #tpu.memory_space<semaphore_mem>>) src(%arg13 : memref<80xf32, #tpu.memory_space<vmem>>) dst(%dma_wait3A_865 : memref<10240xf32, #tpu.memory_space<vmem_shared>>)
        %sub3A_866 = arith.constant 1 : i32
        %sub3A_867 = arith.subi %add3A_725, %sub3A_866 : i32
        %add3A_868 = arith.constant 5 : i32
        %add3A_869 = arith.addi %sub3A_867, %add3A_868 : i32
        %lt3A = arith.constant 125 : i32
        %lt3A_870 = arith.cmpi slt, %add3A_869, %lt3A : i32
        %convert_element_type3A_871 = arith.extui %lt3A_870 : i1 to i32
        %cond3A_872 = arith.constant 0 : i32
        %cond3A_873 = arith.cmpi ne, %convert_element_type3A_871, %cond3A_872 : i32
        scf.if %cond3A_873 {
          %sub3A_874 = arith.constant 1 : i32
          %sub3A_875 = arith.subi %add3A_725, %sub3A_874 : i32
          %add3A_876 = arith.constant 5 : i32
          %add3A_877 = arith.addi %sub3A_875, %add3A_876 : i32
          %dma_start3A_878 = arith.constant 1 : i32
          %dma_start3A_879 = arith.constant 0 : i32
          %dma_start3A_880 = arith.constant 0 : i32
          %dma_start3A_881 = tpu.memref_slice %arg12[%dma_start3A_878, %dma_start3A_879, %dma_start3A_880] : memref<5x80x64xf32, #tpu.memory_space<vmem>> -> memref<1x80x64xf32, #tpu.memory_space<vmem>>
          %dma_start3A_882 = tpu.memref_squeeze %dma_start3A_881 : memref<1x80x64xf32, #tpu.memory_space<vmem>> -> memref<80x64xf32, #tpu.memory_space<vmem>>
          %dma_start3A_883 = arith.constant 0 : i32
          %dma_start3A_884 = tpu.memref_slice %arg9[%add3A_877, %dma_start3A_883] : memref<125x80xi32, #tpu.memory_space<vmem>> -> memref<1x80xi32, #tpu.memory_space<vmem>>
          %dma_start3A_885 = tpu.memref_squeeze %dma_start3A_884 : memref<1x80xi32, #tpu.memory_space<vmem>> -> memref<80xi32, #tpu.memory_space<vmem>>
          %dma_start3A_886 = arith.constant 0 : i32
          %dma_start3A_887 = arith.constant 0 : i32
          %dma_start3A_888 = tpu.memref_slice %arg2[%dma_start3A_886, %dma_start3A_887] : memref<10000x64xf32, #tpu.memory_space<hbm>> -> memref<10000x64xf32, #tpu.memory_space<hbm>>
          tpu.enqueue_indirect_dma source(%dma_start3A_888 : memref<10000x64xf32, #tpu.memory_space<hbm>>) target(%dma_start3A_882 : memref<80x64xf32, #tpu.memory_space<vmem>>) offsets(%dma_start3A_885 : memref<80xi32, #tpu.memory_space<vmem>>) semaphore(%arg20 : memref<!tpu.dma_semaphore, #tpu.memory_space<semaphore_mem>>)
        } else {
        }
      } else {
      }
      %mul3A_763 = arith.constant 5 : i32
      %mul3A_764 = arith.muli %scan3A_640, %mul3A_763 : i32
      %add3A_765 = arith.constant 3 : i32
      %add3A_766 = arith.addi %mul3A_764, %add3A_765 : i32
      %dma_wait3A_767 = arith.constant 3 : i32
      %dma_wait3A_768 = arith.constant 0 : i32
      %dma_wait3A_769 = arith.constant 0 : i32
      %dma_wait3A_770 = tpu.memref_slice %arg12[%dma_wait3A_767, %dma_wait3A_768, %dma_wait3A_769] : memref<5x80x64xf32, #tpu.memory_space<vmem>> -> memref<1x80x64xf32, #tpu.memory_space<vmem>>
      %dma_wait3A_771 = tpu.memref_squeeze %dma_wait3A_770 : memref<1x80x64xf32, #tpu.memory_space<vmem>> -> memref<80x64xf32, #tpu.memory_space<vmem>>
      %dma_wait3A_772 = arith.constant 0 : i32
      %dma_wait3A_773 = tpu.memref_slice %arg9[%add3A_766, %dma_wait3A_772] : memref<125x80xi32, #tpu.memory_space<vmem>> -> memref<1x80xi32, #tpu.memory_space<vmem>>
      %dma_wait3A_774 = tpu.memref_squeeze %dma_wait3A_773 : memref<1x80xi32, #tpu.memory_space<vmem>> -> memref<80xi32, #tpu.memory_space<vmem>>
      %dma_wait3A_775 = arith.constant 0 : i32
      %dma_wait3A_776 = arith.constant 0 : i32
      %dma_wait3A_777 = tpu.memref_slice %arg2[%dma_wait3A_775, %dma_wait3A_776] : memref<10000x64xf32, #tpu.memory_space<hbm>> -> memref<10000x64xf32, #tpu.memory_space<hbm>>
      tpu.wait_indirect_dma semaphore(%arg22 : memref<!tpu.dma_semaphore, #tpu.memory_space<semaphore_mem>>) src(%dma_wait3A_777 : memref<10000x64xf32, #tpu.memory_space<hbm>>) dst(%dma_wait3A_771 : memref<80x64xf32, #tpu.memory_space<vmem>>)
      %dma_start3A_778 = arith.constant 3 : i32
      %dma_start3A_779 = arith.constant 0 : i32
      %dma_start3A_780 = arith.constant 0 : i32
      %dma_start3A_781 = tpu.memref_slice %arg12[%dma_start3A_778, %dma_start3A_779, %dma_start3A_780] : memref<5x80x64xf32, #tpu.memory_space<vmem>> -> memref<1x80x64xf32, #tpu.memory_space<vmem>>
      %dma_start3A_782 = tpu.memref_squeeze %dma_start3A_781 : memref<1x80x64xf32, #tpu.memory_space<vmem>> -> memref<80x64xf32, #tpu.memory_space<vmem>>
      %dma_start3A_783 = arith.constant 0 : i32
      %dma_start3A_784 = tpu.memref_slice %arg10[%add3A_766, %dma_start3A_783] : memref<125x80xi32, #tpu.memory_space<vmem>> -> memref<1x80xi32, #tpu.memory_space<vmem>>
      %dma_start3A_785 = tpu.memref_squeeze %dma_start3A_784 : memref<1x80xi32, #tpu.memory_space<vmem>> -> memref<80xi32, #tpu.memory_space<vmem>>
      %dma_start3A_786 = arith.constant 0 : i32
      %dma_start3A_787 = arith.constant 0 : i32
      %dma_start3A_788 = tpu.memref_slice %arg17[%dma_start3A_786, %dma_start3A_787] : memref<10240x64xf32, #tpu.memory_space<vmem_shared>> -> memref<10240x64xf32, #tpu.memory_space<vmem_shared>>
      tpu.enqueue_indirect_dma source(%dma_start3A_782 : memref<80x64xf32, #tpu.memory_space<vmem>>) target(%dma_start3A_788 : memref<10240x64xf32, #tpu.memory_space<vmem_shared>>) offsets(%dma_start3A_785 : memref<80xi32, #tpu.memory_space<vmem>>) semaphore(%arg27 : memref<!tpu.dma_semaphore, #tpu.memory_space<semaphore_mem>>) {add = true}
      %dma_start3A_789 = arith.constant 0 : i32
      %dma_start3A_790 = tpu.memref_slice %arg10[%add3A_766, %dma_start3A_789] : memref<125x80xi32, #tpu.memory_space<vmem>> -> memref<1x80xi32, #tpu.memory_space<vmem>>
      %dma_start3A_791 = tpu.memref_squeeze %dma_start3A_790 : memref<1x80xi32, #tpu.memory_space<vmem>> -> memref<80xi32, #tpu.memory_space<vmem>>
      %dma_start3A_792 = arith.constant 0 : i32
      %dma_start3A_793 = tpu.memref_slice %arg18[%dma_start3A_792] : memref<10240xf32, #tpu.memory_space<vmem_shared>> -> memref<10240xf32, #tpu.memory_space<vmem_shared>>
      tpu.enqueue_indirect_dma source(%arg13 : memref<80xf32, #tpu.memory_space<vmem>>) target(%dma_start3A_793 : memref<10240xf32, #tpu.memory_space<vmem_shared>>) offsets(%dma_start3A_791 : memref<80xi32, #tpu.memory_space<vmem>>) semaphore(%arg27 : memref<!tpu.dma_semaphore, #tpu.memory_space<semaphore_mem>>) {add = true}
      %dma_start3A_794 = arith.constant 0 : i32
      %dma_start3A_795 = tpu.memref_slice %arg11[%add3A_766, %dma_start3A_794] : memref<125x80xi32, #tpu.memory_space<vmem>> -> memref<1x80xi32, #tpu.memory_space<vmem>>
      %dma_start3A_796 = tpu.memref_squeeze %dma_start3A_795 : memref<1x80xi32, #tpu.memory_space<vmem>> -> memref<80xi32, #tpu.memory_space<vmem>>
      %dma_start3A_797 = arith.constant 0 : i32
      %dma_start3A_798 = tpu.memref_slice %arg18[%dma_start3A_797] : memref<10240xf32, #tpu.memory_space<vmem_shared>> -> memref<10240xf32, #tpu.memory_space<vmem_shared>>
      tpu.enqueue_indirect_dma source(%arg13 : memref<80xf32, #tpu.memory_space<vmem>>) target(%dma_start3A_798 : memref<10240xf32, #tpu.memory_space<vmem_shared>>) offsets(%dma_start3A_796 : memref<80xi32, #tpu.memory_space<vmem>>) semaphore(%arg27 : memref<!tpu.dma_semaphore, #tpu.memory_space<semaphore_mem>>) {add = true}
      %ge3A_799 = arith.constant 1 : i32
      %ge3A_800 = arith.cmpi sge, %add3A_766, %ge3A_799 : i32
      %convert_element_type3A_801 = arith.extui %ge3A_800 : i1 to i32
      %cond3A_802 = arith.constant 0 : i32
      %cond3A_803 = arith.cmpi ne, %convert_element_type3A_801, %cond3A_802 : i32
      scf.if %cond3A_803 {
        %dma_wait3A_845 = arith.constant 2 : i32
        %dma_wait3A_846 = arith.constant 0 : i32
        %dma_wait3A_847 = arith.constant 0 : i32
        %dma_wait3A_848 = tpu.memref_slice %arg12[%dma_wait3A_845, %dma_wait3A_846, %dma_wait3A_847] : memref<5x80x64xf32, #tpu.memory_space<vmem>> -> memref<1x80x64xf32, #tpu.memory_space<vmem>>
        %dma_wait3A_849 = tpu.memref_squeeze %dma_wait3A_848 : memref<1x80x64xf32, #tpu.memory_space<vmem>> -> memref<80x64xf32, #tpu.memory_space<vmem>>
        %dma_wait3A_850 = arith.constant 0 : i32
        %dma_wait3A_851 = tpu.memref_slice %arg10[%add3A_766, %dma_wait3A_850] : memref<125x80xi32, #tpu.memory_space<vmem>> -> memref<1x80xi32, #tpu.memory_space<vmem>>
        %dma_wait3A_852 = tpu.memref_squeeze %dma_wait3A_851 : memref<1x80xi32, #tpu.memory_space<vmem>> -> memref<80xi32, #tpu.memory_space<vmem>>
        %dma_wait3A_853 = arith.constant 0 : i32
        %dma_wait3A_854 = arith.constant 0 : i32
        %dma_wait3A_855 = tpu.memref_slice %arg17[%dma_wait3A_853, %dma_wait3A_854] : memref<10240x64xf32, #tpu.memory_space<vmem_shared>> -> memref<10240x64xf32, #tpu.memory_space<vmem_shared>>
        tpu.wait_indirect_dma semaphore(%arg26 : memref<!tpu.dma_semaphore, #tpu.memory_space<semaphore_mem>>) src(%dma_wait3A_849 : memref<80x64xf32, #tpu.memory_space<vmem>>) dst(%dma_wait3A_855 : memref<10240x64xf32, #tpu.memory_space<vmem_shared>>)
        %dma_wait3A_856 = arith.constant 0 : i32
        %dma_wait3A_857 = tpu.memref_slice %arg10[%add3A_766, %dma_wait3A_856] : memref<125x80xi32, #tpu.memory_space<vmem>> -> memref<1x80xi32, #tpu.memory_space<vmem>>
        %dma_wait3A_858 = tpu.memref_squeeze %dma_wait3A_857 : memref<1x80xi32, #tpu.memory_space<vmem>> -> memref<80xi32, #tpu.memory_space<vmem>>
        %dma_wait3A_859 = arith.constant 0 : i32
        %dma_wait3A_860 = tpu.memref_slice %arg18[%dma_wait3A_859] : memref<10240xf32, #tpu.memory_space<vmem_shared>> -> memref<10240xf32, #tpu.memory_space<vmem_shared>>
        tpu.wait_indirect_dma semaphore(%arg26 : memref<!tpu.dma_semaphore, #tpu.memory_space<semaphore_mem>>) src(%arg13 : memref<80xf32, #tpu.memory_space<vmem>>) dst(%dma_wait3A_860 : memref<10240xf32, #tpu.memory_space<vmem_shared>>)
        %dma_wait3A_861 = arith.constant 0 : i32
        %dma_wait3A_862 = tpu.memref_slice %arg11[%add3A_766, %dma_wait3A_861] : memref<125x80xi32, #tpu.memory_space<vmem>> -> memref<1x80xi32, #tpu.memory_space<vmem>>
        %dma_wait3A_863 = tpu.memref_squeeze %dma_wait3A_862 : memref<1x80xi32, #tpu.memory_space<vmem>> -> memref<80xi32, #tpu.memory_space<vmem>>
        %dma_wait3A_864 = arith.constant 0 : i32
        %dma_wait3A_865 = tpu.memref_slice %arg18[%dma_wait3A_864] : memref<10240xf32, #tpu.memory_space<vmem_shared>> -> memref<10240xf32, #tpu.memory_space<vmem_shared>>
        tpu.wait_indirect_dma semaphore(%arg26 : memref<!tpu.dma_semaphore, #tpu.memory_space<semaphore_mem>>) src(%arg13 : memref<80xf32, #tpu.memory_space<vmem>>) dst(%dma_wait3A_865 : memref<10240xf32, #tpu.memory_space<vmem_shared>>)
        %sub3A_866 = arith.constant 1 : i32
        %sub3A_867 = arith.subi %add3A_766, %sub3A_866 : i32
        %add3A_868 = arith.constant 5 : i32
        %add3A_869 = arith.addi %sub3A_867, %add3A_868 : i32
        %lt3A = arith.constant 125 : i32
        %lt3A_870 = arith.cmpi slt, %add3A_869, %lt3A : i32
        %convert_element_type3A_871 = arith.extui %lt3A_870 : i1 to i32
        %cond3A_872 = arith.constant 0 : i32
        %cond3A_873 = arith.cmpi ne, %convert_element_type3A_871, %cond3A_872 : i32
        scf.if %cond3A_873 {
          %sub3A_874 = arith.constant 1 : i32
          %sub3A_875 = arith.subi %add3A_766, %sub3A_874 : i32
          %add3A_876 = arith.constant 5 : i32
          %add3A_877 = arith.addi %sub3A_875, %add3A_876 : i32
          %dma_start3A_878 = arith.constant 2 : i32
          %dma_start3A_879 = arith.constant 0 : i32
          %dma_start3A_880 = arith.constant 0 : i32
          %dma_start3A_881 = tpu.memref_slice %arg12[%dma_start3A_878, %dma_start3A_879, %dma_start3A_880] : memref<5x80x64xf32, #tpu.memory_space<vmem>> -> memref<1x80x64xf32, #tpu.memory_space<vmem>>
          %dma_start3A_882 = tpu.memref_squeeze %dma_start3A_881 : memref<1x80x64xf32, #tpu.memory_space<vmem>> -> memref<80x64xf32, #tpu.memory_space<vmem>>
          %dma_start3A_883 = arith.constant 0 : i32
          %dma_start3A_884 = tpu.memref_slice %arg9[%add3A_877, %dma_start3A_883] : memref<125x80xi32, #tpu.memory_space<vmem>> -> memref<1x80xi32, #tpu.memory_space<vmem>>
          %dma_start3A_885 = tpu.memref_squeeze %dma_start3A_884 : memref<1x80xi32, #tpu.memory_space<vmem>> -> memref<80xi32, #tpu.memory_space<vmem>>
          %dma_start3A_886 = arith.constant 0 : i32
          %dma_start3A_887 = arith.constant 0 : i32
          %dma_start3A_888 = tpu.memref_slice %arg2[%dma_start3A_886, %dma_start3A_887] : memref<10000x64xf32, #tpu.memory_space<hbm>> -> memref<10000x64xf32, #tpu.memory_space<hbm>>
          tpu.enqueue_indirect_dma source(%dma_start3A_888 : memref<10000x64xf32, #tpu.memory_space<hbm>>) target(%dma_start3A_882 : memref<80x64xf32, #tpu.memory_space<vmem>>) offsets(%dma_start3A_885 : memref<80xi32, #tpu.memory_space<vmem>>) semaphore(%arg21 : memref<!tpu.dma_semaphore, #tpu.memory_space<semaphore_mem>>)
        } else {
        }
      } else {
      }
      %mul3A_804 = arith.constant 5 : i32
      %mul3A_805 = arith.muli %scan3A_640, %mul3A_804 : i32
      %add3A_806 = arith.constant 4 : i32
      %add3A_807 = arith.addi %mul3A_805, %add3A_806 : i32
      %dma_wait3A_808 = arith.constant 4 : i32
      %dma_wait3A_809 = arith.constant 0 : i32
      %dma_wait3A_810 = arith.constant 0 : i32
      %dma_wait3A_811 = tpu.memref_slice %arg12[%dma_wait3A_808, %dma_wait3A_809, %dma_wait3A_810] : memref<5x80x64xf32, #tpu.memory_space<vmem>> -> memref<1x80x64xf32, #tpu.memory_space<vmem>>
      %dma_wait3A_812 = tpu.memref_squeeze %dma_wait3A_811 : memref<1x80x64xf32, #tpu.memory_space<vmem>> -> memref<80x64xf32, #tpu.memory_space<vmem>>
      %dma_wait3A_813 = arith.constant 0 : i32
      %dma_wait3A_814 = tpu.memref_slice %arg9[%add3A_807, %dma_wait3A_813] : memref<125x80xi32, #tpu.memory_space<vmem>> -> memref<1x80xi32, #tpu.memory_space<vmem>>
      %dma_wait3A_815 = tpu.memref_squeeze %dma_wait3A_814 : memref<1x80xi32, #tpu.memory_space<vmem>> -> memref<80xi32, #tpu.memory_space<vmem>>
      %dma_wait3A_816 = arith.constant 0 : i32
      %dma_wait3A_817 = arith.constant 0 : i32
      %dma_wait3A_818 = tpu.memref_slice %arg2[%dma_wait3A_816, %dma_wait3A_817] : memref<10000x64xf32, #tpu.memory_space<hbm>> -> memref<10000x64xf32, #tpu.memory_space<hbm>>
      tpu.wait_indirect_dma semaphore(%arg23 : memref<!tpu.dma_semaphore, #tpu.memory_space<semaphore_mem>>) src(%dma_wait3A_818 : memref<10000x64xf32, #tpu.memory_space<hbm>>) dst(%dma_wait3A_812 : memref<80x64xf32, #tpu.memory_space<vmem>>)
      %dma_start3A_819 = arith.constant 4 : i32
      %dma_start3A_820 = arith.constant 0 : i32
      %dma_start3A_821 = arith.constant 0 : i32
      %dma_start3A_822 = tpu.memref_slice %arg12[%dma_start3A_819, %dma_start3A_820, %dma_start3A_821] : memref<5x80x64xf32, #tpu.memory_space<vmem>> -> memref<1x80x64xf32, #tpu.memory_space<vmem>>
      %dma_start3A_823 = tpu.memref_squeeze %dma_start3A_822 : memref<1x80x64xf32, #tpu.memory_space<vmem>> -> memref<80x64xf32, #tpu.memory_space<vmem>>
      %dma_start3A_824 = arith.constant 0 : i32
      %dma_start3A_825 = tpu.memref_slice %arg10[%add3A_807, %dma_start3A_824] : memref<125x80xi32, #tpu.memory_space<vmem>> -> memref<1x80xi32, #tpu.memory_space<vmem>>
      %dma_start3A_826 = tpu.memref_squeeze %dma_start3A_825 : memref<1x80xi32, #tpu.memory_space<vmem>> -> memref<80xi32, #tpu.memory_space<vmem>>
      %dma_start3A_827 = arith.constant 0 : i32
      %dma_start3A_828 = arith.constant 0 : i32
      %dma_start3A_829 = tpu.memref_slice %arg17[%dma_start3A_827, %dma_start3A_828] : memref<10240x64xf32, #tpu.memory_space<vmem_shared>> -> memref<10240x64xf32, #tpu.memory_space<vmem_shared>>
      tpu.enqueue_indirect_dma source(%dma_start3A_823 : memref<80x64xf32, #tpu.memory_space<vmem>>) target(%dma_start3A_829 : memref<10240x64xf32, #tpu.memory_space<vmem_shared>>) offsets(%dma_start3A_826 : memref<80xi32, #tpu.memory_space<vmem>>) semaphore(%arg28 : memref<!tpu.dma_semaphore, #tpu.memory_space<semaphore_mem>>) {add = true}
      %dma_start3A_830 = arith.constant 0 : i32
      %dma_start3A_831 = tpu.memref_slice %arg10[%add3A_807, %dma_start3A_830] : memref<125x80xi32, #tpu.memory_space<vmem>> -> memref<1x80xi32, #tpu.memory_space<vmem>>
      %dma_start3A_832 = tpu.memref_squeeze %dma_start3A_831 : memref<1x80xi32, #tpu.memory_space<vmem>> -> memref<80xi32, #tpu.memory_space<vmem>>
      %dma_start3A_833 = arith.constant 0 : i32
      %dma_start3A_834 = tpu.memref_slice %arg18[%dma_start3A_833] : memref<10240xf32, #tpu.memory_space<vmem_shared>> -> memref<10240xf32, #tpu.memory_space<vmem_shared>>
      tpu.enqueue_indirect_dma source(%arg13 : memref<80xf32, #tpu.memory_space<vmem>>) target(%dma_start3A_834 : memref<10240xf32, #tpu.memory_space<vmem_shared>>) offsets(%dma_start3A_832 : memref<80xi32, #tpu.memory_space<vmem>>) semaphore(%arg28 : memref<!tpu.dma_semaphore, #tpu.memory_space<semaphore_mem>>) {add = true}
      %dma_start3A_835 = arith.constant 0 : i32
      %dma_start3A_836 = tpu.memref_slice %arg11[%add3A_807, %dma_start3A_835] : memref<125x80xi32, #tpu.memory_space<vmem>> -> memref<1x80xi32, #tpu.memory_space<vmem>>
      %dma_start3A_837 = tpu.memref_squeeze %dma_start3A_836 : memref<1x80xi32, #tpu.memory_space<vmem>> -> memref<80xi32, #tpu.memory_space<vmem>>
      %dma_start3A_838 = arith.constant 0 : i32
      %dma_start3A_839 = tpu.memref_slice %arg18[%dma_start3A_838] : memref<10240xf32, #tpu.memory_space<vmem_shared>> -> memref<10240xf32, #tpu.memory_space<vmem_shared>>
      tpu.enqueue_indirect_dma source(%arg13 : memref<80xf32, #tpu.memory_space<vmem>>) target(%dma_start3A_839 : memref<10240xf32, #tpu.memory_space<vmem_shared>>) offsets(%dma_start3A_837 : memref<80xi32, #tpu.memory_space<vmem>>) semaphore(%arg28 : memref<!tpu.dma_semaphore, #tpu.memory_space<semaphore_mem>>) {add = true}
      %ge3A_840 = arith.constant 1 : i32
      %ge3A_841 = arith.cmpi sge, %add3A_807, %ge3A_840 : i32
      %convert_element_type3A_842 = arith.extui %ge3A_841 : i1 to i32
      %cond3A_843 = arith.constant 0 : i32
      %cond3A_844 = arith.cmpi ne, %convert_element_type3A_842, %cond3A_843 : i32
      scf.if %cond3A_844 {
        %dma_wait3A_845 = arith.constant 3 : i32
        %dma_wait3A_846 = arith.constant 0 : i32
        %dma_wait3A_847 = arith.constant 0 : i32
        %dma_wait3A_848 = tpu.memref_slice %arg12[%dma_wait3A_845, %dma_wait3A_846, %dma_wait3A_847] : memref<5x80x64xf32, #tpu.memory_space<vmem>> -> memref<1x80x64xf32, #tpu.memory_space<vmem>>
        %dma_wait3A_849 = tpu.memref_squeeze %dma_wait3A_848 : memref<1x80x64xf32, #tpu.memory_space<vmem>> -> memref<80x64xf32, #tpu.memory_space<vmem>>
        %dma_wait3A_850 = arith.constant 0 : i32
        %dma_wait3A_851 = tpu.memref_slice %arg10[%add3A_807, %dma_wait3A_850] : memref<125x80xi32, #tpu.memory_space<vmem>> -> memref<1x80xi32, #tpu.memory_space<vmem>>
        %dma_wait3A_852 = tpu.memref_squeeze %dma_wait3A_851 : memref<1x80xi32, #tpu.memory_space<vmem>> -> memref<80xi32, #tpu.memory_space<vmem>>
        %dma_wait3A_853 = arith.constant 0 : i32
        %dma_wait3A_854 = arith.constant 0 : i32
        %dma_wait3A_855 = tpu.memref_slice %arg17[%dma_wait3A_853, %dma_wait3A_854] : memref<10240x64xf32, #tpu.memory_space<vmem_shared>> -> memref<10240x64xf32, #tpu.memory_space<vmem_shared>>
        tpu.wait_indirect_dma semaphore(%arg27 : memref<!tpu.dma_semaphore, #tpu.memory_space<semaphore_mem>>) src(%dma_wait3A_849 : memref<80x64xf32, #tpu.memory_space<vmem>>) dst(%dma_wait3A_855 : memref<10240x64xf32, #tpu.memory_space<vmem_shared>>)
        %dma_wait3A_856 = arith.constant 0 : i32
        %dma_wait3A_857 = tpu.memref_slice %arg10[%add3A_807, %dma_wait3A_856] : memref<125x80xi32, #tpu.memory_space<vmem>> -> memref<1x80xi32, #tpu.memory_space<vmem>>
        %dma_wait3A_858 = tpu.memref_squeeze %dma_wait3A_857 : memref<1x80xi32, #tpu.memory_space<vmem>> -> memref<80xi32, #tpu.memory_space<vmem>>
        %dma_wait3A_859 = arith.constant 0 : i32
        %dma_wait3A_860 = tpu.memref_slice %arg18[%dma_wait3A_859] : memref<10240xf32, #tpu.memory_space<vmem_shared>> -> memref<10240xf32, #tpu.memory_space<vmem_shared>>
        tpu.wait_indirect_dma semaphore(%arg27 : memref<!tpu.dma_semaphore, #tpu.memory_space<semaphore_mem>>) src(%arg13 : memref<80xf32, #tpu.memory_space<vmem>>) dst(%dma_wait3A_860 : memref<10240xf32, #tpu.memory_space<vmem_shared>>)
        %dma_wait3A_861 = arith.constant 0 : i32
        %dma_wait3A_862 = tpu.memref_slice %arg11[%add3A_807, %dma_wait3A_861] : memref<125x80xi32, #tpu.memory_space<vmem>> -> memref<1x80xi32, #tpu.memory_space<vmem>>
        %dma_wait3A_863 = tpu.memref_squeeze %dma_wait3A_862 : memref<1x80xi32, #tpu.memory_space<vmem>> -> memref<80xi32, #tpu.memory_space<vmem>>
        %dma_wait3A_864 = arith.constant 0 : i32
        %dma_wait3A_865 = tpu.memref_slice %arg18[%dma_wait3A_864] : memref<10240xf32, #tpu.memory_space<vmem_shared>> -> memref<10240xf32, #tpu.memory_space<vmem_shared>>
        tpu.wait_indirect_dma semaphore(%arg27 : memref<!tpu.dma_semaphore, #tpu.memory_space<semaphore_mem>>) src(%arg13 : memref<80xf32, #tpu.memory_space<vmem>>) dst(%dma_wait3A_865 : memref<10240xf32, #tpu.memory_space<vmem_shared>>)
        %sub3A_866 = arith.constant 1 : i32
        %sub3A_867 = arith.subi %add3A_807, %sub3A_866 : i32
        %add3A_868 = arith.constant 5 : i32
        %add3A_869 = arith.addi %sub3A_867, %add3A_868 : i32
        %lt3A = arith.constant 125 : i32
        %lt3A_870 = arith.cmpi slt, %add3A_869, %lt3A : i32
        %convert_element_type3A_871 = arith.extui %lt3A_870 : i1 to i32
        %cond3A_872 = arith.constant 0 : i32
        %cond3A_873 = arith.cmpi ne, %convert_element_type3A_871, %cond3A_872 : i32
        scf.if %cond3A_873 {
          %sub3A_874 = arith.constant 1 : i32
          %sub3A_875 = arith.subi %add3A_807, %sub3A_874 : i32
          %add3A_876 = arith.constant 5 : i32
          %add3A_877 = arith.addi %sub3A_875, %add3A_876 : i32
          %dma_start3A_878 = arith.constant 3 : i32
          %dma_start3A_879 = arith.constant 0 : i32
          %dma_start3A_880 = arith.constant 0 : i32
          %dma_start3A_881 = tpu.memref_slice %arg12[%dma_start3A_878, %dma_start3A_879, %dma_start3A_880] : memref<5x80x64xf32, #tpu.memory_space<vmem>> -> memref<1x80x64xf32, #tpu.memory_space<vmem>>
          %dma_start3A_882 = tpu.memref_squeeze %dma_start3A_881 : memref<1x80x64xf32, #tpu.memory_space<vmem>> -> memref<80x64xf32, #tpu.memory_space<vmem>>
          %dma_start3A_883 = arith.constant 0 : i32
          %dma_start3A_884 = tpu.memref_slice %arg9[%add3A_877, %dma_start3A_883] : memref<125x80xi32, #tpu.memory_space<vmem>> -> memref<1x80xi32, #tpu.memory_space<vmem>>
          %dma_start3A_885 = tpu.memref_squeeze %dma_start3A_884 : memref<1x80xi32, #tpu.memory_space<vmem>> -> memref<80xi32, #tpu.memory_space<vmem>>
          %dma_start3A_886 = arith.constant 0 : i32
          %dma_start3A_887 = arith.constant 0 : i32
          %dma_start3A_888 = tpu.memref_slice %arg2[%dma_start3A_886, %dma_start3A_887] : memref<10000x64xf32, #tpu.memory_space<hbm>> -> memref<10000x64xf32, #tpu.memory_space<hbm>>
          tpu.enqueue_indirect_dma source(%dma_start3A_888 : memref<10000x64xf32, #tpu.memory_space<hbm>>) target(%dma_start3A_882 : memref<80x64xf32, #tpu.memory_space<vmem>>) offsets(%dma_start3A_885 : memref<80xi32, #tpu.memory_space<vmem>>) semaphore(%arg22 : memref<!tpu.dma_semaphore, #tpu.memory_space<semaphore_mem>>)
        } else {
        }
      } else {
      }
    }
    %scan3A_72 = arith.constant 25 : i32
    %dma_wait3A = arith.constant 4 : i32
    %dma_wait3A_73 = arith.constant 124 : i32
    %dma_wait3A_74 = arith.constant 0 : i32
    %dma_wait3A_75 = arith.constant 0 : i32
    %dma_wait3A_76 = tpu.memref_slice %arg12[%dma_wait3A, %dma_wait3A_74, %dma_wait3A_75] : memref<5x80x64xf32, #tpu.memory_space<vmem>> -> memref<1x80x64xf32, #tpu.memory_space<vmem>>
    %dma_wait3A_77 = tpu.memref_squeeze %dma_wait3A_76 : memref<1x80x64xf32, #tpu.memory_space<vmem>> -> memref<80x64xf32, #tpu.memory_space<vmem>>
    %dma_wait3A_78 = arith.constant 0 : i32
    %dma_wait3A_79 = tpu.memref_slice %arg10[%dma_wait3A_73, %dma_wait3A_78] : memref<125x80xi32, #tpu.memory_space<vmem>> -> memref<1x80xi32, #tpu.memory_space<vmem>>
    %dma_wait3A_80 = tpu.memref_squeeze %dma_wait3A_79 : memref<1x80xi32, #tpu.memory_space<vmem>> -> memref<80xi32, #tpu.memory_space<vmem>>
    %dma_wait3A_81 = arith.constant 0 : i32
    %dma_wait3A_82 = arith.constant 0 : i32
    %dma_wait3A_83 = tpu.memref_slice %arg17[%dma_wait3A_81, %dma_wait3A_82] : memref<10240x64xf32, #tpu.memory_space<vmem_shared>> -> memref<10240x64xf32, #tpu.memory_space<vmem_shared>>
    tpu.wait_indirect_dma semaphore(%arg28 : memref<!tpu.dma_semaphore, #tpu.memory_space<semaphore_mem>>) src(%dma_wait3A_77 : memref<80x64xf32, #tpu.memory_space<vmem>>) dst(%dma_wait3A_83 : memref<10240x64xf32, #tpu.memory_space<vmem_shared>>)
    %dma_wait3A_84 = arith.constant 124 : i32
    %dma_wait3A_85 = arith.constant 0 : i32
    %dma_wait3A_86 = tpu.memref_slice %arg10[%dma_wait3A_84, %dma_wait3A_85] : memref<125x80xi32, #tpu.memory_space<vmem>> -> memref<1x80xi32, #tpu.memory_space<vmem>>
    %dma_wait3A_87 = tpu.memref_squeeze %dma_wait3A_86 : memref<1x80xi32, #tpu.memory_space<vmem>> -> memref<80xi32, #tpu.memory_space<vmem>>
    %dma_wait3A_88 = arith.constant 0 : i32
    %dma_wait3A_89 = tpu.memref_slice %arg18[%dma_wait3A_88] : memref<10240xf32, #tpu.memory_space<vmem_shared>> -> memref<10240xf32, #tpu.memory_space<vmem_shared>>
    tpu.wait_indirect_dma semaphore(%arg28 : memref<!tpu.dma_semaphore, #tpu.memory_space<semaphore_mem>>) src(%arg13 : memref<80xf32, #tpu.memory_space<vmem>>) dst(%dma_wait3A_89 : memref<10240xf32, #tpu.memory_space<vmem_shared>>)
    %dma_wait3A_90 = arith.constant 124 : i32
    %dma_wait3A_91 = arith.constant 0 : i32
    %dma_wait3A_92 = tpu.memref_slice %arg11[%dma_wait3A_90, %dma_wait3A_91] : memref<125x80xi32, #tpu.memory_space<vmem>> -> memref<1x80xi32, #tpu.memory_space<vmem>>
    %dma_wait3A_93 = tpu.memref_squeeze %dma_wait3A_92 : memref<1x80xi32, #tpu.memory_space<vmem>> -> memref<80xi32, #tpu.memory_space<vmem>>
    %dma_wait3A_94 = arith.constant 0 : i32
    %dma_wait3A_95 = tpu.memref_slice %arg18[%dma_wait3A_94] : memref<10240xf32, #tpu.memory_space<vmem_shared>> -> memref<10240xf32, #tpu.memory_space<vmem_shared>>
    tpu.wait_indirect_dma semaphore(%arg28 : memref<!tpu.dma_semaphore, #tpu.memory_space<semaphore_mem>>) src(%arg13 : memref<80xf32, #tpu.memory_space<vmem>>) dst(%dma_wait3A_95 : memref<10240xf32, #tpu.memory_space<vmem_shared>>)
    %barrier3A_96 = arith.constant 0 : index
    tpu.barrier barrier_id(%barrier3A_96)
    %mul3A_97 = arith.constant 640 : i32
    %mul3A_98 = arith.muli %arg1, %mul3A_97 : i32
    %add3A_99 = arith.constant 0 : i32
    %add3A_100 = arith.addi %mul3A_98, %add3A_99 : i32
    "tpu.region"() ({
      %run_scoped3A_640 = tpu.sem_alloc : memref<!tpu.dma_semaphore, #tpu.memory_space<semaphore_mem>>
      %dma_start3A_641 = arith.constant 0 : i32
      %dma_start3A_642 = tpu.memref_slice %arg17[%add3A_100, %dma_start3A_641] : memref<10240x64xf32, #tpu.memory_space<vmem_shared>> -> memref<320x64xf32, #tpu.memory_space<vmem_shared>>
      %dma_start3A_643 = arith.constant 0 : i32
      %dma_start3A_644 = tpu.memref_slice %arg17[%add3A_100, %dma_start3A_643] : memref<10240x64xf32, #tpu.memory_space<vmem_shared>> -> memref<320x64xf32, #tpu.memory_space<vmem_shared>>
      tpu.enqueue_dma source(%dma_start3A_644 : memref<320x64xf32, #tpu.memory_space<vmem_shared>>) target(%arg14 : memref<320x64xf32, #tpu.memory_space<vmem>>) target_semaphore(%run_scoped3A_640 : memref<!tpu.dma_semaphore, #tpu.memory_space<semaphore_mem>>)
      %dma_wait3A_645 = arith.constant 0 : i32
      %dma_wait3A_646 = tpu.memref_slice %arg17[%add3A_100, %dma_wait3A_645] : memref<10240x64xf32, #tpu.memory_space<vmem_shared>> -> memref<320x64xf32, #tpu.memory_space<vmem_shared>>
      %dma_wait3A_647 = arith.constant 0 : i32
      %dma_wait3A_648 = tpu.memref_slice %arg17[%add3A_100, %dma_wait3A_647] : memref<10240x64xf32, #tpu.memory_space<vmem_shared>> -> memref<320x64xf32, #tpu.memory_space<vmem_shared>>
      tpu.wait_dma2 semaphore(%run_scoped3A_640 : memref<!tpu.dma_semaphore, #tpu.memory_space<semaphore_mem>>) src(%dma_wait3A_648 : memref<320x64xf32, #tpu.memory_space<vmem_shared>>) dst(%arg14 : memref<320x64xf32, #tpu.memory_space<vmem>>)
      tpu.yield
    }) : () -> ()
    "tpu.region"() ({
      %run_scoped3A_640 = tpu.sem_alloc : memref<!tpu.dma_semaphore, #tpu.memory_space<semaphore_mem>>
      %dma_start3A_641 = tpu.memref_slice %arg18[%add3A_100] : memref<10240xf32, #tpu.memory_space<vmem_shared>> -> memref<320xf32, #tpu.memory_space<vmem_shared>>
      %dma_start3A_642 = tpu.memref_slice %arg18[%add3A_100] : memref<10240xf32, #tpu.memory_space<vmem_shared>> -> memref<320xf32, #tpu.memory_space<vmem_shared>>
      tpu.enqueue_dma source(%dma_start3A_642 : memref<320xf32, #tpu.memory_space<vmem_shared>>) target(%arg15 : memref<320xf32, #tpu.memory_space<vmem>>) target_semaphore(%run_scoped3A_640 : memref<!tpu.dma_semaphore, #tpu.memory_space<semaphore_mem>>)
      %dma_wait3A_643 = tpu.memref_slice %arg18[%add3A_100] : memref<10240xf32, #tpu.memory_space<vmem_shared>> -> memref<320xf32, #tpu.memory_space<vmem_shared>>
      %dma_wait3A_644 = tpu.memref_slice %arg18[%add3A_100] : memref<10240xf32, #tpu.memory_space<vmem_shared>> -> memref<320xf32, #tpu.memory_space<vmem_shared>>
      tpu.wait_dma2 semaphore(%run_scoped3A_640 : memref<!tpu.dma_semaphore, #tpu.memory_space<semaphore_mem>>) src(%dma_wait3A_644 : memref<320xf32, #tpu.memory_space<vmem_shared>>) dst(%arg15 : memref<320xf32, #tpu.memory_space<vmem>>)
      tpu.yield
    }) : () -> ()
    %get3A = arith.constant 0 : index
    %get3A_101 = tpu.vector_load %arg15[%get3A] {strides = array<i32>} : memref<320xf32, #tpu.memory_space<vmem>>, vector<16xf32>,
    %get3A_102 = vector.shape_cast %get3A_101 : vector<16xf32> to vector<16xf32>
    %max3A = arith.constant 1.000000e+00 : f32
    %max3A_103 = vector.broadcast %max3A : f32 to vector<16xf32>
    %max3A_104 = arith.maximumf %get3A_102, %max3A_103 : vector<16xf32>
    %div3A = arith.constant 1.000000e+00 : f32
    %div3A_105 = vector.broadcast %div3A : f32 to vector<16xf32>
    %div3A_106 = arith.divf %div3A_105, %max3A_104 : vector<16xf32>
    %swap3A = arith.constant 0 : index
    %swap3A_107 = tpu.vector_load %arg16[%swap3A] {strides = array<i32>} : memref<320xf32, #tpu.memory_space<vmem>>, vector<16xf32>,
    %swap3A_108 = vector.shape_cast %swap3A_107 : vector<16xf32> to vector<16xf32>
    %swap3A_109 = vector.shape_cast %div3A_106 : vector<16xf32> to vector<16xf32>
    tpu.vector_store %arg16[%swap3A], %swap3A_109 {strides = array<i32>} : memref<320xf32, #tpu.memory_space<vmem>>, vector<16xf32>,
    %get3A_110 = arith.constant 16 : index
    %get3A_111 = tpu.vector_load %arg15[%get3A_110] {strides = array<i32>} : memref<320xf32, #tpu.memory_space<vmem>>, vector<16xf32>,
    %get3A_112 = vector.shape_cast %get3A_111 : vector<16xf32> to vector<16xf32>
    %max3A_113 = arith.constant 1.000000e+00 : f32
    %max3A_114 = vector.broadcast %max3A_113 : f32 to vector<16xf32>
    %max3A_115 = arith.maximumf %get3A_112, %max3A_114 : vector<16xf32>
    %div3A_116 = arith.constant 1.000000e+00 : f32
    %div3A_117 = vector.broadcast %div3A_116 : f32 to vector<16xf32>
    %div3A_118 = arith.divf %div3A_117, %max3A_115 : vector<16xf32>
    %swap3A_119 = arith.constant 16 : index
    %swap3A_120 = tpu.vector_load %arg16[%swap3A_119] {strides = array<i32>} : memref<320xf32, #tpu.memory_space<vmem>>, vector<16xf32>,
    %swap3A_121 = vector.shape_cast %swap3A_120 : vector<16xf32> to vector<16xf32>
    %swap3A_122 = vector.shape_cast %div3A_118 : vector<16xf32> to vector<16xf32>
    tpu.vector_store %arg16[%swap3A_119], %swap3A_122 {strides = array<i32>} : memref<320xf32, #tpu.memory_space<vmem>>, vector<16xf32>,
    %get3A_123 = arith.constant 32 : index
    %get3A_124 = tpu.vector_load %arg15[%get3A_123] {strides = array<i32>} : memref<320xf32, #tpu.memory_space<vmem>>, vector<16xf32>,
    %get3A_125 = vector.shape_cast %get3A_124 : vector<16xf32> to vector<16xf32>
    %max3A_126 = arith.constant 1.000000e+00 : f32
    %max3A_127 = vector.broadcast %max3A_126 : f32 to vector<16xf32>
    %max3A_128 = arith.maximumf %get3A_125, %max3A_127 : vector<16xf32>
    %div3A_129 = arith.constant 1.000000e+00 : f32
    %div3A_130 = vector.broadcast %div3A_129 : f32 to vector<16xf32>
    %div3A_131 = arith.divf %div3A_130, %max3A_128 : vector<16xf32>
    %swap3A_132 = arith.constant 32 : index
    %swap3A_133 = tpu.vector_load %arg16[%swap3A_132] {strides = array<i32>} : memref<320xf32, #tpu.memory_space<vmem>>, vector<16xf32>,
    %swap3A_134 = vector.shape_cast %swap3A_133 : vector<16xf32> to vector<16xf32>
    %swap3A_135 = vector.shape_cast %div3A_131 : vector<16xf32> to vector<16xf32>
    tpu.vector_store %arg16[%swap3A_132], %swap3A_135 {strides = array<i32>} : memref<320xf32, #tpu.memory_space<vmem>>, vector<16xf32>,
    %get3A_136 = arith.constant 48 : index
    %get3A_137 = tpu.vector_load %arg15[%get3A_136] {strides = array<i32>} : memref<320xf32, #tpu.memory_space<vmem>>, vector<16xf32>,
    %get3A_138 = vector.shape_cast %get3A_137 : vector<16xf32> to vector<16xf32>
    %max3A_139 = arith.constant 1.000000e+00 : f32
    %max3A_140 = vector.broadcast %max3A_139 : f32 to vector<16xf32>
    %max3A_141 = arith.maximumf %get3A_138, %max3A_140 : vector<16xf32>
    %div3A_142 = arith.constant 1.000000e+00 : f32
    %div3A_143 = vector.broadcast %div3A_142 : f32 to vector<16xf32>
    %div3A_144 = arith.divf %div3A_143, %max3A_141 : vector<16xf32>
    %swap3A_145 = arith.constant 48 : index
    %swap3A_146 = tpu.vector_load %arg16[%swap3A_145] {strides = array<i32>} : memref<320xf32, #tpu.memory_space<vmem>>, vector<16xf32>,
    %swap3A_147 = vector.shape_cast %swap3A_146 : vector<16xf32> to vector<16xf32>
    %swap3A_148 = vector.shape_cast %div3A_144 : vector<16xf32> to vector<16xf32>
    tpu.vector_store %arg16[%swap3A_145], %swap3A_148 {strides = array<i32>} : memref<320xf32, #tpu.memory_space<vmem>>, vector<16xf32>,
    %get3A_149 = arith.constant 64 : index
    %get3A_150 = tpu.vector_load %arg15[%get3A_149] {strides = array<i32>} : memref<320xf32, #tpu.memory_space<vmem>>, vector<16xf32>,
    %get3A_151 = vector.shape_cast %get3A_150 : vector<16xf32> to vector<16xf32>
    %max3A_152 = arith.constant 1.000000e+00 : f32
    %max3A_153 = vector.broadcast %max3A_152 : f32 to vector<16xf32>
    %max3A_154 = arith.maximumf %get3A_151, %max3A_153 : vector<16xf32>
    %div3A_155 = arith.constant 1.000000e+00 : f32
    %div3A_156 = vector.broadcast %div3A_155 : f32 to vector<16xf32>
    %div3A_157 = arith.divf %div3A_156, %max3A_154 : vector<16xf32>
    %swap3A_158 = arith.constant 64 : index
    %swap3A_159 = tpu.vector_load %arg16[%swap3A_158] {strides = array<i32>} : memref<320xf32, #tpu.memory_space<vmem>>, vector<16xf32>,
    %swap3A_160 = vector.shape_cast %swap3A_159 : vector<16xf32> to vector<16xf32>
    %swap3A_161 = vector.shape_cast %div3A_157 : vector<16xf32> to vector<16xf32>
    tpu.vector_store %arg16[%swap3A_158], %swap3A_161 {strides = array<i32>} : memref<320xf32, #tpu.memory_space<vmem>>, vector<16xf32>,
    %get3A_162 = arith.constant 80 : index
    %get3A_163 = tpu.vector_load %arg15[%get3A_162] {strides = array<i32>} : memref<320xf32, #tpu.memory_space<vmem>>, vector<16xf32>,
    %get3A_164 = vector.shape_cast %get3A_163 : vector<16xf32> to vector<16xf32>
    %max3A_165 = arith.constant 1.000000e+00 : f32
    %max3A_166 = vector.broadcast %max3A_165 : f32 to vector<16xf32>
    %max3A_167 = arith.maximumf %get3A_164, %max3A_166 : vector<16xf32>
    %div3A_168 = arith.constant 1.000000e+00 : f32
    %div3A_169 = vector.broadcast %div3A_168 : f32 to vector<16xf32>
    %div3A_170 = arith.divf %div3A_169, %max3A_167 : vector<16xf32>
    %swap3A_171 = arith.constant 80 : index
    %swap3A_172 = tpu.vector_load %arg16[%swap3A_171] {strides = array<i32>} : memref<320xf32, #tpu.memory_space<vmem>>, vector<16xf32>,
    %swap3A_173 = vector.shape_cast %swap3A_172 : vector<16xf32> to vector<16xf32>
    %swap3A_174 = vector.shape_cast %div3A_170 : vector<16xf32> to vector<16xf32>
    tpu.vector_store %arg16[%swap3A_171], %swap3A_174 {strides = array<i32>} : memref<320xf32, #tpu.memory_space<vmem>>, vector<16xf32>,
    %get3A_175 = arith.constant 96 : index
    %get3A_176 = tpu.vector_load %arg15[%get3A_175] {strides = array<i32>} : memref<320xf32, #tpu.memory_space<vmem>>, vector<16xf32>,
    %get3A_177 = vector.shape_cast %get3A_176 : vector<16xf32> to vector<16xf32>
    %max3A_178 = arith.constant 1.000000e+00 : f32
    %max3A_179 = vector.broadcast %max3A_178 : f32 to vector<16xf32>
    %max3A_180 = arith.maximumf %get3A_177, %max3A_179 : vector<16xf32>
    %div3A_181 = arith.constant 1.000000e+00 : f32
    %div3A_182 = vector.broadcast %div3A_181 : f32 to vector<16xf32>
    %div3A_183 = arith.divf %div3A_182, %max3A_180 : vector<16xf32>
    %swap3A_184 = arith.constant 96 : index
    %swap3A_185 = tpu.vector_load %arg16[%swap3A_184] {strides = array<i32>} : memref<320xf32, #tpu.memory_space<vmem>>, vector<16xf32>,
    %swap3A_186 = vector.shape_cast %swap3A_185 : vector<16xf32> to vector<16xf32>
    %swap3A_187 = vector.shape_cast %div3A_183 : vector<16xf32> to vector<16xf32>
    tpu.vector_store %arg16[%swap3A_184], %swap3A_187 {strides = array<i32>} : memref<320xf32, #tpu.memory_space<vmem>>, vector<16xf32>,
    %get3A_188 = arith.constant 112 : index
    %get3A_189 = tpu.vector_load %arg15[%get3A_188] {strides = array<i32>} : memref<320xf32, #tpu.memory_space<vmem>>, vector<16xf32>,
    %get3A_190 = vector.shape_cast %get3A_189 : vector<16xf32> to vector<16xf32>
    %max3A_191 = arith.constant 1.000000e+00 : f32
    %max3A_192 = vector.broadcast %max3A_191 : f32 to vector<16xf32>
    %max3A_193 = arith.maximumf %get3A_190, %max3A_192 : vector<16xf32>
    %div3A_194 = arith.constant 1.000000e+00 : f32
    %div3A_195 = vector.broadcast %div3A_194 : f32 to vector<16xf32>
    %div3A_196 = arith.divf %div3A_195, %max3A_193 : vector<16xf32>
    %swap3A_197 = arith.constant 112 : index
    %swap3A_198 = tpu.vector_load %arg16[%swap3A_197] {strides = array<i32>} : memref<320xf32, #tpu.memory_space<vmem>>, vector<16xf32>,
    %swap3A_199 = vector.shape_cast %swap3A_198 : vector<16xf32> to vector<16xf32>
    %swap3A_200 = vector.shape_cast %div3A_196 : vector<16xf32> to vector<16xf32>
    tpu.vector_store %arg16[%swap3A_197], %swap3A_200 {strides = array<i32>} : memref<320xf32, #tpu.memory_space<vmem>>, vector<16xf32>,
    %get3A_201 = arith.constant 128 : index
    %get3A_202 = tpu.vector_load %arg15[%get3A_201] {strides = array<i32>} : memref<320xf32, #tpu.memory_space<vmem>>, vector<16xf32>,
    %get3A_203 = vector.shape_cast %get3A_202 : vector<16xf32> to vector<16xf32>
    %max3A_204 = arith.constant 1.000000e+00 : f32
    %max3A_205 = vector.broadcast %max3A_204 : f32 to vector<16xf32>
    %max3A_206 = arith.maximumf %get3A_203, %max3A_205 : vector<16xf32>
    %div3A_207 = arith.constant 1.000000e+00 : f32
    %div3A_208 = vector.broadcast %div3A_207 : f32 to vector<16xf32>
    %div3A_209 = arith.divf %div3A_208, %max3A_206 : vector<16xf32>
    %swap3A_210 = arith.constant 128 : index
    %swap3A_211 = tpu.vector_load %arg16[%swap3A_210] {strides = array<i32>} : memref<320xf32, #tpu.memory_space<vmem>>, vector<16xf32>,
    %swap3A_212 = vector.shape_cast %swap3A_211 : vector<16xf32> to vector<16xf32>
    %swap3A_213 = vector.shape_cast %div3A_209 : vector<16xf32> to vector<16xf32>
    tpu.vector_store %arg16[%swap3A_210], %swap3A_213 {strides = array<i32>} : memref<320xf32, #tpu.memory_space<vmem>>, vector<16xf32>,
    %get3A_214 = arith.constant 144 : index
    %get3A_215 = tpu.vector_load %arg15[%get3A_214] {strides = array<i32>} : memref<320xf32, #tpu.memory_space<vmem>>, vector<16xf32>,
    %get3A_216 = vector.shape_cast %get3A_215 : vector<16xf32> to vector<16xf32>
    %max3A_217 = arith.constant 1.000000e+00 : f32
    %max3A_218 = vector.broadcast %max3A_217 : f32 to vector<16xf32>
    %max3A_219 = arith.maximumf %get3A_216, %max3A_218 : vector<16xf32>
    %div3A_220 = arith.constant 1.000000e+00 : f32
    %div3A_221 = vector.broadcast %div3A_220 : f32 to vector<16xf32>
    %div3A_222 = arith.divf %div3A_221, %max3A_219 : vector<16xf32>
    %swap3A_223 = arith.constant 144 : index
    %swap3A_224 = tpu.vector_load %arg16[%swap3A_223] {strides = array<i32>} : memref<320xf32, #tpu.memory_space<vmem>>, vector<16xf32>,
    %swap3A_225 = vector.shape_cast %swap3A_224 : vector<16xf32> to vector<16xf32>
    %swap3A_226 = vector.shape_cast %div3A_222 : vector<16xf32> to vector<16xf32>
    tpu.vector_store %arg16[%swap3A_223], %swap3A_226 {strides = array<i32>} : memref<320xf32, #tpu.memory_space<vmem>>, vector<16xf32>,
    %get3A_227 = arith.constant 160 : index
    %get3A_228 = tpu.vector_load %arg15[%get3A_227] {strides = array<i32>} : memref<320xf32, #tpu.memory_space<vmem>>, vector<16xf32>,
    %get3A_229 = vector.shape_cast %get3A_228 : vector<16xf32> to vector<16xf32>
    %max3A_230 = arith.constant 1.000000e+00 : f32
    %max3A_231 = vector.broadcast %max3A_230 : f32 to vector<16xf32>
    %max3A_232 = arith.maximumf %get3A_229, %max3A_231 : vector<16xf32>
    %div3A_233 = arith.constant 1.000000e+00 : f32
    %div3A_234 = vector.broadcast %div3A_233 : f32 to vector<16xf32>
    %div3A_235 = arith.divf %div3A_234, %max3A_232 : vector<16xf32>
    %swap3A_236 = arith.constant 160 : index
    %swap3A_237 = tpu.vector_load %arg16[%swap3A_236] {strides = array<i32>} : memref<320xf32, #tpu.memory_space<vmem>>, vector<16xf32>,
    %swap3A_238 = vector.shape_cast %swap3A_237 : vector<16xf32> to vector<16xf32>
    %swap3A_239 = vector.shape_cast %div3A_235 : vector<16xf32> to vector<16xf32>
    tpu.vector_store %arg16[%swap3A_236], %swap3A_239 {strides = array<i32>} : memref<320xf32, #tpu.memory_space<vmem>>, vector<16xf32>,
    %get3A_240 = arith.constant 176 : index
    %get3A_241 = tpu.vector_load %arg15[%get3A_240] {strides = array<i32>} : memref<320xf32, #tpu.memory_space<vmem>>, vector<16xf32>,
    %get3A_242 = vector.shape_cast %get3A_241 : vector<16xf32> to vector<16xf32>
    %max3A_243 = arith.constant 1.000000e+00 : f32
    %max3A_244 = vector.broadcast %max3A_243 : f32 to vector<16xf32>
    %max3A_245 = arith.maximumf %get3A_242, %max3A_244 : vector<16xf32>
    %div3A_246 = arith.constant 1.000000e+00 : f32
    %div3A_247 = vector.broadcast %div3A_246 : f32 to vector<16xf32>
    %div3A_248 = arith.divf %div3A_247, %max3A_245 : vector<16xf32>
    %swap3A_249 = arith.constant 176 : index
    %swap3A_250 = tpu.vector_load %arg16[%swap3A_249] {strides = array<i32>} : memref<320xf32, #tpu.memory_space<vmem>>, vector<16xf32>,
    %swap3A_251 = vector.shape_cast %swap3A_250 : vector<16xf32> to vector<16xf32>
    %swap3A_252 = vector.shape_cast %div3A_248 : vector<16xf32> to vector<16xf32>
    tpu.vector_store %arg16[%swap3A_249], %swap3A_252 {strides = array<i32>} : memref<320xf32, #tpu.memory_space<vmem>>, vector<16xf32>,
    %get3A_253 = arith.constant 192 : index
    %get3A_254 = tpu.vector_load %arg15[%get3A_253] {strides = array<i32>} : memref<320xf32, #tpu.memory_space<vmem>>, vector<16xf32>,
    %get3A_255 = vector.shape_cast %get3A_254 : vector<16xf32> to vector<16xf32>
    %max3A_256 = arith.constant 1.000000e+00 : f32
    %max3A_257 = vector.broadcast %max3A_256 : f32 to vector<16xf32>
    %max3A_258 = arith.maximumf %get3A_255, %max3A_257 : vector<16xf32>
    %div3A_259 = arith.constant 1.000000e+00 : f32
    %div3A_260 = vector.broadcast %div3A_259 : f32 to vector<16xf32>
    %div3A_261 = arith.divf %div3A_260, %max3A_258 : vector<16xf32>
    %swap3A_262 = arith.constant 192 : index
    %swap3A_263 = tpu.vector_load %arg16[%swap3A_262] {strides = array<i32>} : memref<320xf32, #tpu.memory_space<vmem>>, vector<16xf32>,
    %swap3A_264 = vector.shape_cast %swap3A_263 : vector<16xf32> to vector<16xf32>
    %swap3A_265 = vector.shape_cast %div3A_261 : vector<16xf32> to vector<16xf32>
    tpu.vector_store %arg16[%swap3A_262], %swap3A_265 {strides = array<i32>} : memref<320xf32, #tpu.memory_space<vmem>>, vector<16xf32>,
    %get3A_266 = arith.constant 208 : index
    %get3A_267 = tpu.vector_load %arg15[%get3A_266] {strides = array<i32>} : memref<320xf32, #tpu.memory_space<vmem>>, vector<16xf32>,
    %get3A_268 = vector.shape_cast %get3A_267 : vector<16xf32> to vector<16xf32>
    %max3A_269 = arith.constant 1.000000e+00 : f32
    %max3A_270 = vector.broadcast %max3A_269 : f32 to vector<16xf32>
    %max3A_271 = arith.maximumf %get3A_268, %max3A_270 : vector<16xf32>
    %div3A_272 = arith.constant 1.000000e+00 : f32
    %div3A_273 = vector.broadcast %div3A_272 : f32 to vector<16xf32>
    %div3A_274 = arith.divf %div3A_273, %max3A_271 : vector<16xf32>
    %swap3A_275 = arith.constant 208 : index
    %swap3A_276 = tpu.vector_load %arg16[%swap3A_275] {strides = array<i32>} : memref<320xf32, #tpu.memory_space<vmem>>, vector<16xf32>,
    %swap3A_277 = vector.shape_cast %swap3A_276 : vector<16xf32> to vector<16xf32>
    %swap3A_278 = vector.shape_cast %div3A_274 : vector<16xf32> to vector<16xf32>
    tpu.vector_store %arg16[%swap3A_275], %swap3A_278 {strides = array<i32>} : memref<320xf32, #tpu.memory_space<vmem>>, vector<16xf32>,
    %get3A_279 = arith.constant 224 : index
    %get3A_280 = tpu.vector_load %arg15[%get3A_279] {strides = array<i32>} : memref<320xf32, #tpu.memory_space<vmem>>, vector<16xf32>,
    %get3A_281 = vector.shape_cast %get3A_280 : vector<16xf32> to vector<16xf32>
    %max3A_282 = arith.constant 1.000000e+00 : f32
    %max3A_283 = vector.broadcast %max3A_282 : f32 to vector<16xf32>
    %max3A_284 = arith.maximumf %get3A_281, %max3A_283 : vector<16xf32>
    %div3A_285 = arith.constant 1.000000e+00 : f32
    %div3A_286 = vector.broadcast %div3A_285 : f32 to vector<16xf32>
    %div3A_287 = arith.divf %div3A_286, %max3A_284 : vector<16xf32>
    %swap3A_288 = arith.constant 224 : index
    %swap3A_289 = tpu.vector_load %arg16[%swap3A_288] {strides = array<i32>} : memref<320xf32, #tpu.memory_space<vmem>>, vector<16xf32>,
    %swap3A_290 = vector.shape_cast %swap3A_289 : vector<16xf32> to vector<16xf32>
    %swap3A_291 = vector.shape_cast %div3A_287 : vector<16xf32> to vector<16xf32>
    tpu.vector_store %arg16[%swap3A_288], %swap3A_291 {strides = array<i32>} : memref<320xf32, #tpu.memory_space<vmem>>, vector<16xf32>,
    %get3A_292 = arith.constant 240 : index
    %get3A_293 = tpu.vector_load %arg15[%get3A_292] {strides = array<i32>} : memref<320xf32, #tpu.memory_space<vmem>>, vector<16xf32>,
    %get3A_294 = vector.shape_cast %get3A_293 : vector<16xf32> to vector<16xf32>
    %max3A_295 = arith.constant 1.000000e+00 : f32
    %max3A_296 = vector.broadcast %max3A_295 : f32 to vector<16xf32>
    %max3A_297 = arith.maximumf %get3A_294, %max3A_296 : vector<16xf32>
    %div3A_298 = arith.constant 1.000000e+00 : f32
    %div3A_299 = vector.broadcast %div3A_298 : f32 to vector<16xf32>
    %div3A_300 = arith.divf %div3A_299, %max3A_297 : vector<16xf32>
    %swap3A_301 = arith.constant 240 : index
    %swap3A_302 = tpu.vector_load %arg16[%swap3A_301] {strides = array<i32>} : memref<320xf32, #tpu.memory_space<vmem>>, vector<16xf32>,
    %swap3A_303 = vector.shape_cast %swap3A_302 : vector<16xf32> to vector<16xf32>
    %swap3A_304 = vector.shape_cast %div3A_300 : vector<16xf32> to vector<16xf32>
    tpu.vector_store %arg16[%swap3A_301], %swap3A_304 {strides = array<i32>} : memref<320xf32, #tpu.memory_space<vmem>>, vector<16xf32>,
    %get3A_305 = arith.constant 256 : index
    %get3A_306 = tpu.vector_load %arg15[%get3A_305] {strides = array<i32>} : memref<320xf32, #tpu.memory_space<vmem>>, vector<16xf32>,
    %get3A_307 = vector.shape_cast %get3A_306 : vector<16xf32> to vector<16xf32>
    %max3A_308 = arith.constant 1.000000e+00 : f32
    %max3A_309 = vector.broadcast %max3A_308 : f32 to vector<16xf32>
    %max3A_310 = arith.maximumf %get3A_307, %max3A_309 : vector<16xf32>
    %div3A_311 = arith.constant 1.000000e+00 : f32
    %div3A_312 = vector.broadcast %div3A_311 : f32 to vector<16xf32>
    %div3A_313 = arith.divf %div3A_312, %max3A_310 : vector<16xf32>
    %swap3A_314 = arith.constant 256 : index
    %swap3A_315 = tpu.vector_load %arg16[%swap3A_314] {strides = array<i32>} : memref<320xf32, #tpu.memory_space<vmem>>, vector<16xf32>,
    %swap3A_316 = vector.shape_cast %swap3A_315 : vector<16xf32> to vector<16xf32>
    %swap3A_317 = vector.shape_cast %div3A_313 : vector<16xf32> to vector<16xf32>
    tpu.vector_store %arg16[%swap3A_314], %swap3A_317 {strides = array<i32>} : memref<320xf32, #tpu.memory_space<vmem>>, vector<16xf32>,
    %get3A_318 = arith.constant 272 : index
    %get3A_319 = tpu.vector_load %arg15[%get3A_318] {strides = array<i32>} : memref<320xf32, #tpu.memory_space<vmem>>, vector<16xf32>,
    %get3A_320 = vector.shape_cast %get3A_319 : vector<16xf32> to vector<16xf32>
    %max3A_321 = arith.constant 1.000000e+00 : f32
    %max3A_322 = vector.broadcast %max3A_321 : f32 to vector<16xf32>
    %max3A_323 = arith.maximumf %get3A_320, %max3A_322 : vector<16xf32>
    %div3A_324 = arith.constant 1.000000e+00 : f32
    %div3A_325 = vector.broadcast %div3A_324 : f32 to vector<16xf32>
    %div3A_326 = arith.divf %div3A_325, %max3A_323 : vector<16xf32>
    %swap3A_327 = arith.constant 272 : index
    %swap3A_328 = tpu.vector_load %arg16[%swap3A_327] {strides = array<i32>} : memref<320xf32, #tpu.memory_space<vmem>>, vector<16xf32>,
    %swap3A_329 = vector.shape_cast %swap3A_328 : vector<16xf32> to vector<16xf32>
    %swap3A_330 = vector.shape_cast %div3A_326 : vector<16xf32> to vector<16xf32>
    tpu.vector_store %arg16[%swap3A_327], %swap3A_330 {strides = array<i32>} : memref<320xf32, #tpu.memory_space<vmem>>, vector<16xf32>,
    %get3A_331 = arith.constant 288 : index
    %get3A_332 = tpu.vector_load %arg15[%get3A_331] {strides = array<i32>} : memref<320xf32, #tpu.memory_space<vmem>>, vector<16xf32>,
    %get3A_333 = vector.shape_cast %get3A_332 : vector<16xf32> to vector<16xf32>
    %max3A_334 = arith.constant 1.000000e+00 : f32
    %max3A_335 = vector.broadcast %max3A_334 : f32 to vector<16xf32>
    %max3A_336 = arith.maximumf %get3A_333, %max3A_335 : vector<16xf32>
    %div3A_337 = arith.constant 1.000000e+00 : f32
    %div3A_338 = vector.broadcast %div3A_337 : f32 to vector<16xf32>
    %div3A_339 = arith.divf %div3A_338, %max3A_336 : vector<16xf32>
    %swap3A_340 = arith.constant 288 : index
    %swap3A_341 = tpu.vector_load %arg16[%swap3A_340] {strides = array<i32>} : memref<320xf32, #tpu.memory_space<vmem>>, vector<16xf32>,
    %swap3A_342 = vector.shape_cast %swap3A_341 : vector<16xf32> to vector<16xf32>
    %swap3A_343 = vector.shape_cast %div3A_339 : vector<16xf32> to vector<16xf32>
    tpu.vector_store %arg16[%swap3A_340], %swap3A_343 {strides = array<i32>} : memref<320xf32, #tpu.memory_space<vmem>>, vector<16xf32>,
    %get3A_344 = arith.constant 304 : index
    %get3A_345 = tpu.vector_load %arg15[%get3A_344] {strides = array<i32>} : memref<320xf32, #tpu.memory_space<vmem>>, vector<16xf32>,
    %get3A_346 = vector.shape_cast %get3A_345 : vector<16xf32> to vector<16xf32>
    %max3A_347 = arith.constant 1.000000e+00 : f32
    %max3A_348 = vector.broadcast %max3A_347 : f32 to vector<16xf32>
    %max3A_349 = arith.maximumf %get3A_346, %max3A_348 : vector<16xf32>
    %div3A_350 = arith.constant 1.000000e+00 : f32
    %div3A_351 = vector.broadcast %div3A_350 : f32 to vector<16xf32>
    %div3A_352 = arith.divf %div3A_351, %max3A_349 : vector<16xf32>
    %swap3A_353 = arith.constant 304 : index
    %swap3A_354 = tpu.vector_load %arg16[%swap3A_353] {strides = array<i32>} : memref<320xf32, #tpu.memory_space<vmem>>, vector<16xf32>,
    %swap3A_355 = vector.shape_cast %swap3A_354 : vector<16xf32> to vector<16xf32>
    %swap3A_356 = vector.shape_cast %div3A_352 : vector<16xf32> to vector<16xf32>
    tpu.vector_store %arg16[%swap3A_353], %swap3A_356 {strides = array<i32>} : memref<320xf32, #tpu.memory_space<vmem>>, vector<16xf32>,
    %scan3A_357 = arith.constant 0 : i32
    %scan3A_358 = arith.constant 0 : i32
    %scan3A_359 = arith.constant 20 : i32
    %scan3A_360 = arith.addi %scan3A_358, %scan3A_359 : i32
    %scan3A_361 = arith.constant 1 : i32
    scf.for %scan3A_640 = %scan3A_358 to %scan3A_360 step %scan3A_361  : i32 {
      %mul3A_641 = arith.constant 16 : i32
      %mul3A_642 = arith.muli %scan3A_640, %mul3A_641 : i32
      %get3A_643 = arith.index_cast %mul3A_642 : i32 to index
      %get3A_644 = tpu.vector_load %arg16[%get3A_643] {strides = array<i32>} : memref<320xf32, #tpu.memory_space<vmem>>, vector<16xf32>,
      %get3A_645 = vector.shape_cast %get3A_644 : vector<16xf32> to vector<16xf32>
      %mul3A_646 = arith.constant 16 : i32
      %mul3A_647 = arith.muli %scan3A_640, %mul3A_646 : i32
      %add3A_648 = arith.constant 0 : i32
      %add3A_649 = arith.addi %mul3A_647, %add3A_648 : i32
      %slice3A = vector.extract_strided_slice %get3A_645 {offsets = [0], sizes = [1], strides = [1]} : vector<16xf32> to vector<1xf32>
      %squeeze3A = vector.extract %slice3A[0] : f32 from vector<1xf32>
      %get3A_650 = arith.index_cast %add3A_649 : i32 to index
      %get3A_651 = arith.constant 0 : index
      %get3A_652 = tpu.vector_load %arg14[%get3A_650, %get3A_651] {strides = array<i32>} : memref<320x64xf32, #tpu.memory_space<vmem>>, vector<1x16xf32>,
      %get3A_653 = vector.shape_cast %get3A_652 : vector<1x16xf32> to vector<16xf32>
      %mul3A_654 = vector.broadcast %squeeze3A : f32 to vector<16xf32>
      %mul3A_655 = arith.mulf %get3A_653, %mul3A_654 : vector<16xf32>
      %swap3A_656 = arith.index_cast %add3A_649 : i32 to index
      %swap3A_657 = arith.constant 0 : index
      %swap3A_658 = tpu.vector_load %arg14[%swap3A_656, %swap3A_657] {strides = array<i32>} : memref<320x64xf32, #tpu.memory_space<vmem>>, vector<1x16xf32>,
      %swap3A_659 = vector.shape_cast %swap3A_658 : vector<1x16xf32> to vector<16xf32>
      %swap3A_660 = vector.shape_cast %mul3A_655 : vector<16xf32> to vector<1x16xf32>
      tpu.vector_store %arg14[%swap3A_656, %swap3A_657], %swap3A_660 {strides = array<i32>} : memref<320x64xf32, #tpu.memory_space<vmem>>, vector<1x16xf32>,
      %get3A_661 = arith.index_cast %add3A_649 : i32 to index
      %get3A_662 = arith.constant 16 : index
      %get3A_663 = tpu.vector_load %arg14[%get3A_661, %get3A_662] {strides = array<i32>} : memref<320x64xf32, #tpu.memory_space<vmem>>, vector<1x16xf32>,
      %get3A_664 = vector.shape_cast %get3A_663 : vector<1x16xf32> to vector<16xf32>
      %mul3A_665 = vector.broadcast %squeeze3A : f32 to vector<16xf32>
      %mul3A_666 = arith.mulf %get3A_664, %mul3A_665 : vector<16xf32>
      %swap3A_667 = arith.index_cast %add3A_649 : i32 to index
      %swap3A_668 = arith.constant 16 : index
      %swap3A_669 = tpu.vector_load %arg14[%swap3A_667, %swap3A_668] {strides = array<i32>} : memref<320x64xf32, #tpu.memory_space<vmem>>, vector<1x16xf32>,
      %swap3A_670 = vector.shape_cast %swap3A_669 : vector<1x16xf32> to vector<16xf32>
      %swap3A_671 = vector.shape_cast %mul3A_666 : vector<16xf32> to vector<1x16xf32>
      tpu.vector_store %arg14[%swap3A_667, %swap3A_668], %swap3A_671 {strides = array<i32>} : memref<320x64xf32, #tpu.memory_space<vmem>>, vector<1x16xf32>,
      %get3A_672 = arith.index_cast %add3A_649 : i32 to index
      %get3A_673 = arith.constant 32 : index
      %get3A_674 = tpu.vector_load %arg14[%get3A_672, %get3A_673] {strides = array<i32>} : memref<320x64xf32, #tpu.memory_space<vmem>>, vector<1x16xf32>,
      %get3A_675 = vector.shape_cast %get3A_674 : vector<1x16xf32> to vector<16xf32>
      %mul3A_676 = vector.broadcast %squeeze3A : f32 to vector<16xf32>
      %mul3A_677 = arith.mulf %get3A_675, %mul3A_676 : vector<16xf32>
      %swap3A_678 = arith.index_cast %add3A_649 : i32 to index
      %swap3A_679 = arith.constant 32 : index
      %swap3A_680 = tpu.vector_load %arg14[%swap3A_678, %swap3A_679] {strides = array<i32>} : memref<320x64xf32, #tpu.memory_space<vmem>>, vector<1x16xf32>,
      %swap3A_681 = vector.shape_cast %swap3A_680 : vector<1x16xf32> to vector<16xf32>
      %swap3A_682 = vector.shape_cast %mul3A_677 : vector<16xf32> to vector<1x16xf32>
      tpu.vector_store %arg14[%swap3A_678, %swap3A_679], %swap3A_682 {strides = array<i32>} : memref<320x64xf32, #tpu.memory_space<vmem>>, vector<1x16xf32>,
      %get3A_683 = arith.index_cast %add3A_649 : i32 to index
      %get3A_684 = arith.constant 48 : index
      %get3A_685 = tpu.vector_load %arg14[%get3A_683, %get3A_684] {strides = array<i32>} : memref<320x64xf32, #tpu.memory_space<vmem>>, vector<1x16xf32>,
      %get3A_686 = vector.shape_cast %get3A_685 : vector<1x16xf32> to vector<16xf32>
      %mul3A_687 = vector.broadcast %squeeze3A : f32 to vector<16xf32>
      %mul3A_688 = arith.mulf %get3A_686, %mul3A_687 : vector<16xf32>
      %swap3A_689 = arith.index_cast %add3A_649 : i32 to index
      %swap3A_690 = arith.constant 48 : index
      %swap3A_691 = tpu.vector_load %arg14[%swap3A_689, %swap3A_690] {strides = array<i32>} : memref<320x64xf32, #tpu.memory_space<vmem>>, vector<1x16xf32>,
      %swap3A_692 = vector.shape_cast %swap3A_691 : vector<1x16xf32> to vector<16xf32>
      %swap3A_693 = vector.shape_cast %mul3A_688 : vector<16xf32> to vector<1x16xf32>
      tpu.vector_store %arg14[%swap3A_689, %swap3A_690], %swap3A_693 {strides = array<i32>} : memref<320x64xf32, #tpu.memory_space<vmem>>, vector<1x16xf32>,
      %mul3A_694 = arith.constant 16 : i32
      %mul3A_695 = arith.muli %scan3A_640, %mul3A_694 : i32
      %add3A_696 = arith.constant 1 : i32
      %add3A_697 = arith.addi %mul3A_695, %add3A_696 : i32
      %slice3A_698 = vector.extract_strided_slice %get3A_645 {offsets = [1], sizes = [1], strides = [1]} : vector<16xf32> to vector<1xf32>
      %squeeze3A_699 = vector.extract %slice3A_698[0] : f32 from vector<1xf32>
      %get3A_700 = arith.index_cast %add3A_697 : i32 to index
      %get3A_701 = arith.constant 0 : index
      %get3A_702 = tpu.vector_load %arg14[%get3A_700, %get3A_701] {strides = array<i32>} : memref<320x64xf32, #tpu.memory_space<vmem>>, vector<1x16xf32>,
      %get3A_703 = vector.shape_cast %get3A_702 : vector<1x16xf32> to vector<16xf32>
      %mul3A_704 = vector.broadcast %squeeze3A_699 : f32 to vector<16xf32>
      %mul3A_705 = arith.mulf %get3A_703, %mul3A_704 : vector<16xf32>
      %swap3A_706 = arith.index_cast %add3A_697 : i32 to index
      %swap3A_707 = arith.constant 0 : index
      %swap3A_708 = tpu.vector_load %arg14[%swap3A_706, %swap3A_707] {strides = array<i32>} : memref<320x64xf32, #tpu.memory_space<vmem>>, vector<1x16xf32>,
      %swap3A_709 = vector.shape_cast %swap3A_708 : vector<1x16xf32> to vector<16xf32>
      %swap3A_710 = vector.shape_cast %mul3A_705 : vector<16xf32> to vector<1x16xf32>
      tpu.vector_store %arg14[%swap3A_706, %swap3A_707], %swap3A_710 {strides = array<i32>} : memref<320x64xf32, #tpu.memory_space<vmem>>, vector<1x16xf32>,
      %get3A_711 = arith.index_cast %add3A_697 : i32 to index
      %get3A_712 = arith.constant 16 : index
      %get3A_713 = tpu.vector_load %arg14[%get3A_711, %get3A_712] {strides = array<i32>} : memref<320x64xf32, #tpu.memory_space<vmem>>, vector<1x16xf32>,
      %get3A_714 = vector.shape_cast %get3A_713 : vector<1x16xf32> to vector<16xf32>
      %mul3A_715 = vector.broadcast %squeeze3A_699 : f32 to vector<16xf32>
      %mul3A_716 = arith.mulf %get3A_714, %mul3A_715 : vector<16xf32>
      %swap3A_717 = arith.index_cast %add3A_697 : i32 to index
      %swap3A_718 = arith.constant 16 : index
      %swap3A_719 = tpu.vector_load %arg14[%swap3A_717, %swap3A_718] {strides = array<i32>} : memref<320x64xf32, #tpu.memory_space<vmem>>, vector<1x16xf32>,
      %swap3A_720 = vector.shape_cast %swap3A_719 : vector<1x16xf32> to vector<16xf32>
      %swap3A_721 = vector.shape_cast %mul3A_716 : vector<16xf32> to vector<1x16xf32>
      tpu.vector_store %arg14[%swap3A_717, %swap3A_718], %swap3A_721 {strides = array<i32>} : memref<320x64xf32, #tpu.memory_space<vmem>>, vector<1x16xf32>,
      %get3A_722 = arith.index_cast %add3A_697 : i32 to index
      %get3A_723 = arith.constant 32 : index
      %get3A_724 = tpu.vector_load %arg14[%get3A_722, %get3A_723] {strides = array<i32>} : memref<320x64xf32, #tpu.memory_space<vmem>>, vector<1x16xf32>,
      %get3A_725 = vector.shape_cast %get3A_724 : vector<1x16xf32> to vector<16xf32>
      %mul3A_726 = vector.broadcast %squeeze3A_699 : f32 to vector<16xf32>
      %mul3A_727 = arith.mulf %get3A_725, %mul3A_726 : vector<16xf32>
      %swap3A_728 = arith.index_cast %add3A_697 : i32 to index
      %swap3A_729 = arith.constant 32 : index
      %swap3A_730 = tpu.vector_load %arg14[%swap3A_728, %swap3A_729] {strides = array<i32>} : memref<320x64xf32, #tpu.memory_space<vmem>>, vector<1x16xf32>,
      %swap3A_731 = vector.shape_cast %swap3A_730 : vector<1x16xf32> to vector<16xf32>
      %swap3A_732 = vector.shape_cast %mul3A_727 : vector<16xf32> to vector<1x16xf32>
      tpu.vector_store %arg14[%swap3A_728, %swap3A_729], %swap3A_732 {strides = array<i32>} : memref<320x64xf32, #tpu.memory_space<vmem>>, vector<1x16xf32>,
      %get3A_733 = arith.index_cast %add3A_697 : i32 to index
      %get3A_734 = arith.constant 48 : index
      %get3A_735 = tpu.vector_load %arg14[%get3A_733, %get3A_734] {strides = array<i32>} : memref<320x64xf32, #tpu.memory_space<vmem>>, vector<1x16xf32>,
      %get3A_736 = vector.shape_cast %get3A_735 : vector<1x16xf32> to vector<16xf32>
      %mul3A_737 = vector.broadcast %squeeze3A_699 : f32 to vector<16xf32>
      %mul3A_738 = arith.mulf %get3A_736, %mul3A_737 : vector<16xf32>
      %swap3A_739 = arith.index_cast %add3A_697 : i32 to index
      %swap3A_740 = arith.constant 48 : index
      %swap3A_741 = tpu.vector_load %arg14[%swap3A_739, %swap3A_740] {strides = array<i32>} : memref<320x64xf32, #tpu.memory_space<vmem>>, vector<1x16xf32>,
      %swap3A_742 = vector.shape_cast %swap3A_741 : vector<1x16xf32> to vector<16xf32>
      %swap3A_743 = vector.shape_cast %mul3A_738 : vector<16xf32> to vector<1x16xf32>
      tpu.vector_store %arg14[%swap3A_739, %swap3A_740], %swap3A_743 {strides = array<i32>} : memref<320x64xf32, #tpu.memory_space<vmem>>, vector<1x16xf32>,
      %mul3A_744 = arith.constant 16 : i32
      %mul3A_745 = arith.muli %scan3A_640, %mul3A_744 : i32
      %add3A_746 = arith.constant 2 : i32
      %add3A_747 = arith.addi %mul3A_745, %add3A_746 : i32
      %slice3A_748 = vector.extract_strided_slice %get3A_645 {offsets = [2], sizes = [1], strides = [1]} : vector<16xf32> to vector<1xf32>
      %squeeze3A_749 = vector.extract %slice3A_748[0] : f32 from vector<1xf32>
      %get3A_750 = arith.index_cast %add3A_747 : i32 to index
      %get3A_751 = arith.constant 0 : index
      %get3A_752 = tpu.vector_load %arg14[%get3A_750, %get3A_751] {strides = array<i32>} : memref<320x64xf32, #tpu.memory_space<vmem>>, vector<1x16xf32>,
      %get3A_753 = vector.shape_cast %get3A_752 : vector<1x16xf32> to vector<16xf32>
      %mul3A_754 = vector.broadcast %squeeze3A_749 : f32 to vector<16xf32>
      %mul3A_755 = arith.mulf %get3A_753, %mul3A_754 : vector<16xf32>
      %swap3A_756 = arith.index_cast %add3A_747 : i32 to index
      %swap3A_757 = arith.constant 0 : index
      %swap3A_758 = tpu.vector_load %arg14[%swap3A_756, %swap3A_757] {strides = array<i32>} : memref<320x64xf32, #tpu.memory_space<vmem>>, vector<1x16xf32>,
      %swap3A_759 = vector.shape_cast %swap3A_758 : vector<1x16xf32> to vector<16xf32>
      %swap3A_760 = vector.shape_cast %mul3A_755 : vector<16xf32> to vector<1x16xf32>
      tpu.vector_store %arg14[%swap3A_756, %swap3A_757], %swap3A_760 {strides = array<i32>} : memref<320x64xf32, #tpu.memory_space<vmem>>, vector<1x16xf32>,
      %get3A_761 = arith.index_cast %add3A_747 : i32 to index
      %get3A_762 = arith.constant 16 : index
      %get3A_763 = tpu.vector_load %arg14[%get3A_761, %get3A_762] {strides = array<i32>} : memref<320x64xf32, #tpu.memory_space<vmem>>, vector<1x16xf32>,
      %get3A_764 = vector.shape_cast %get3A_763 : vector<1x16xf32> to vector<16xf32>
      %mul3A_765 = vector.broadcast %squeeze3A_749 : f32 to vector<16xf32>
      %mul3A_766 = arith.mulf %get3A_764, %mul3A_765 : vector<16xf32>
      %swap3A_767 = arith.index_cast %add3A_747 : i32 to index
      %swap3A_768 = arith.constant 16 : index
      %swap3A_769 = tpu.vector_load %arg14[%swap3A_767, %swap3A_768] {strides = array<i32>} : memref<320x64xf32, #tpu.memory_space<vmem>>, vector<1x16xf32>,
      %swap3A_770 = vector.shape_cast %swap3A_769 : vector<1x16xf32> to vector<16xf32>
      %swap3A_771 = vector.shape_cast %mul3A_766 : vector<16xf32> to vector<1x16xf32>
      tpu.vector_store %arg14[%swap3A_767, %swap3A_768], %swap3A_771 {strides = array<i32>} : memref<320x64xf32, #tpu.memory_space<vmem>>, vector<1x16xf32>,
      %get3A_772 = arith.index_cast %add3A_747 : i32 to index
      %get3A_773 = arith.constant 32 : index
      %get3A_774 = tpu.vector_load %arg14[%get3A_772, %get3A_773] {strides = array<i32>} : memref<320x64xf32, #tpu.memory_space<vmem>>, vector<1x16xf32>,
      %get3A_775 = vector.shape_cast %get3A_774 : vector<1x16xf32> to vector<16xf32>
      %mul3A_776 = vector.broadcast %squeeze3A_749 : f32 to vector<16xf32>
      %mul3A_777 = arith.mulf %get3A_775, %mul3A_776 : vector<16xf32>
      %swap3A_778 = arith.index_cast %add3A_747 : i32 to index
      %swap3A_779 = arith.constant 32 : index
      %swap3A_780 = tpu.vector_load %arg14[%swap3A_778, %swap3A_779] {strides = array<i32>} : memref<320x64xf32, #tpu.memory_space<vmem>>, vector<1x16xf32>,
      %swap3A_781 = vector.shape_cast %swap3A_780 : vector<1x16xf32> to vector<16xf32>
      %swap3A_782 = vector.shape_cast %mul3A_777 : vector<16xf32> to vector<1x16xf32>
      tpu.vector_store %arg14[%swap3A_778, %swap3A_779], %swap3A_782 {strides = array<i32>} : memref<320x64xf32, #tpu.memory_space<vmem>>, vector<1x16xf32>,
      %get3A_783 = arith.index_cast %add3A_747 : i32 to index
      %get3A_784 = arith.constant 48 : index
      %get3A_785 = tpu.vector_load %arg14[%get3A_783, %get3A_784] {strides = array<i32>} : memref<320x64xf32, #tpu.memory_space<vmem>>, vector<1x16xf32>,
      %get3A_786 = vector.shape_cast %get3A_785 : vector<1x16xf32> to vector<16xf32>
      %mul3A_787 = vector.broadcast %squeeze3A_749 : f32 to vector<16xf32>
      %mul3A_788 = arith.mulf %get3A_786, %mul3A_787 : vector<16xf32>
      %swap3A_789 = arith.index_cast %add3A_747 : i32 to index
      %swap3A_790 = arith.constant 48 : index
      %swap3A_791 = tpu.vector_load %arg14[%swap3A_789, %swap3A_790] {strides = array<i32>} : memref<320x64xf32, #tpu.memory_space<vmem>>, vector<1x16xf32>,
      %swap3A_792 = vector.shape_cast %swap3A_791 : vector<1x16xf32> to vector<16xf32>
      %swap3A_793 = vector.shape_cast %mul3A_788 : vector<16xf32> to vector<1x16xf32>
      tpu.vector_store %arg14[%swap3A_789, %swap3A_790], %swap3A_793 {strides = array<i32>} : memref<320x64xf32, #tpu.memory_space<vmem>>, vector<1x16xf32>,
      %mul3A_794 = arith.constant 16 : i32
      %mul3A_795 = arith.muli %scan3A_640, %mul3A_794 : i32
      %add3A_796 = arith.constant 3 : i32
      %add3A_797 = arith.addi %mul3A_795, %add3A_796 : i32
      %slice3A_798 = vector.extract_strided_slice %get3A_645 {offsets = [3], sizes = [1], strides = [1]} : vector<16xf32> to vector<1xf32>
      %squeeze3A_799 = vector.extract %slice3A_798[0] : f32 from vector<1xf32>
      %get3A_800 = arith.index_cast %add3A_797 : i32 to index
      %get3A_801 = arith.constant 0 : index
      %get3A_802 = tpu.vector_load %arg14[%get3A_800, %get3A_801] {strides = array<i32>} : memref<320x64xf32, #tpu.memory_space<vmem>>, vector<1x16xf32>,
      %get3A_803 = vector.shape_cast %get3A_802 : vector<1x16xf32> to vector<16xf32>
      %mul3A_804 = vector.broadcast %squeeze3A_799 : f32 to vector<16xf32>
      %mul3A_805 = arith.mulf %get3A_803, %mul3A_804 : vector<16xf32>
      %swap3A_806 = arith.index_cast %add3A_797 : i32 to index
      %swap3A_807 = arith.constant 0 : index
      %swap3A_808 = tpu.vector_load %arg14[%swap3A_806, %swap3A_807] {strides = array<i32>} : memref<320x64xf32, #tpu.memory_space<vmem>>, vector<1x16xf32>,
      %swap3A_809 = vector.shape_cast %swap3A_808 : vector<1x16xf32> to vector<16xf32>
      %swap3A_810 = vector.shape_cast %mul3A_805 : vector<16xf32> to vector<1x16xf32>
      tpu.vector_store %arg14[%swap3A_806, %swap3A_807], %swap3A_810 {strides = array<i32>} : memref<320x64xf32, #tpu.memory_space<vmem>>, vector<1x16xf32>,
      %get3A_811 = arith.index_cast %add3A_797 : i32 to index
      %get3A_812 = arith.constant 16 : index
      %get3A_813 = tpu.vector_load %arg14[%get3A_811, %get3A_812] {strides = array<i32>} : memref<320x64xf32, #tpu.memory_space<vmem>>, vector<1x16xf32>,
      %get3A_814 = vector.shape_cast %get3A_813 : vector<1x16xf32> to vector<16xf32>
      %mul3A_815 = vector.broadcast %squeeze3A_799 : f32 to vector<16xf32>
      %mul3A_816 = arith.mulf %get3A_814, %mul3A_815 : vector<16xf32>
      %swap3A_817 = arith.index_cast %add3A_797 : i32 to index
      %swap3A_818 = arith.constant 16 : index
      %swap3A_819 = tpu.vector_load %arg14[%swap3A_817, %swap3A_818] {strides = array<i32>} : memref<320x64xf32, #tpu.memory_space<vmem>>, vector<1x16xf32>,
      %swap3A_820 = vector.shape_cast %swap3A_819 : vector<1x16xf32> to vector<16xf32>
      %swap3A_821 = vector.shape_cast %mul3A_816 : vector<16xf32> to vector<1x16xf32>
      tpu.vector_store %arg14[%swap3A_817, %swap3A_818], %swap3A_821 {strides = array<i32>} : memref<320x64xf32, #tpu.memory_space<vmem>>, vector<1x16xf32>,
      %get3A_822 = arith.index_cast %add3A_797 : i32 to index
      %get3A_823 = arith.constant 32 : index
      %get3A_824 = tpu.vector_load %arg14[%get3A_822, %get3A_823] {strides = array<i32>} : memref<320x64xf32, #tpu.memory_space<vmem>>, vector<1x16xf32>,
      %get3A_825 = vector.shape_cast %get3A_824 : vector<1x16xf32> to vector<16xf32>
      %mul3A_826 = vector.broadcast %squeeze3A_799 : f32 to vector<16xf32>
      %mul3A_827 = arith.mulf %get3A_825, %mul3A_826 : vector<16xf32>
      %swap3A_828 = arith.index_cast %add3A_797 : i32 to index
      %swap3A_829 = arith.constant 32 : index
      %swap3A_830 = tpu.vector_load %arg14[%swap3A_828, %swap3A_829] {strides = array<i32>} : memref<320x64xf32, #tpu.memory_space<vmem>>, vector<1x16xf32>,
      %swap3A_831 = vector.shape_cast %swap3A_830 : vector<1x16xf32> to vector<16xf32>
      %swap3A_832 = vector.shape_cast %mul3A_827 : vector<16xf32> to vector<1x16xf32>
      tpu.vector_store %arg14[%swap3A_828, %swap3A_829], %swap3A_832 {strides = array<i32>} : memref<320x64xf32, #tpu.memory_space<vmem>>, vector<1x16xf32>,
      %get3A_833 = arith.index_cast %add3A_797 : i32 to index
      %get3A_834 = arith.constant 48 : index
      %get3A_835 = tpu.vector_load %arg14[%get3A_833, %get3A_834] {strides = array<i32>} : memref<320x64xf32, #tpu.memory_space<vmem>>, vector<1x16xf32>,
      %get3A_836 = vector.shape_cast %get3A_835 : vector<1x16xf32> to vector<16xf32>
      %mul3A_837 = vector.broadcast %squeeze3A_799 : f32 to vector<16xf32>
      %mul3A_838 = arith.mulf %get3A_836, %mul3A_837 : vector<16xf32>
      %swap3A_839 = arith.index_cast %add3A_797 : i32 to index
      %swap3A_840 = arith.constant 48 : index
      %swap3A_841 = tpu.vector_load %arg14[%swap3A_839, %swap3A_840] {strides = array<i32>} : memref<320x64xf32, #tpu.memory_space<vmem>>, vector<1x16xf32>,
      %swap3A_842 = vector.shape_cast %swap3A_841 : vector<1x16xf32> to vector<16xf32>
      %swap3A_843 = vector.shape_cast %mul3A_838 : vector<16xf32> to vector<1x16xf32>
      tpu.vector_store %arg14[%swap3A_839, %swap3A_840], %swap3A_843 {strides = array<i32>} : memref<320x64xf32, #tpu.memory_space<vmem>>, vector<1x16xf32>,
      %mul3A_844 = arith.constant 16 : i32
      %mul3A_845 = arith.muli %scan3A_640, %mul3A_844 : i32
      %add3A_846 = arith.constant 4 : i32
      %add3A_847 = arith.addi %mul3A_845, %add3A_846 : i32
      %slice3A_848 = vector.extract_strided_slice %get3A_645 {offsets = [4], sizes = [1], strides = [1]} : vector<16xf32> to vector<1xf32>
      %squeeze3A_849 = vector.extract %slice3A_848[0] : f32 from vector<1xf32>
      %get3A_850 = arith.index_cast %add3A_847 : i32 to index
      %get3A_851 = arith.constant 0 : index
      %get3A_852 = tpu.vector_load %arg14[%get3A_850, %get3A_851] {strides = array<i32>} : memref<320x64xf32, #tpu.memory_space<vmem>>, vector<1x16xf32>,
      %get3A_853 = vector.shape_cast %get3A_852 : vector<1x16xf32> to vector<16xf32>
      %mul3A_854 = vector.broadcast %squeeze3A_849 : f32 to vector<16xf32>
      %mul3A_855 = arith.mulf %get3A_853, %mul3A_854 : vector<16xf32>
      %swap3A_856 = arith.index_cast %add3A_847 : i32 to index
      %swap3A_857 = arith.constant 0 : index
      %swap3A_858 = tpu.vector_load %arg14[%swap3A_856, %swap3A_857] {strides = array<i32>} : memref<320x64xf32, #tpu.memory_space<vmem>>, vector<1x16xf32>,
      %swap3A_859 = vector.shape_cast %swap3A_858 : vector<1x16xf32> to vector<16xf32>
      %swap3A_860 = vector.shape_cast %mul3A_855 : vector<16xf32> to vector<1x16xf32>
      tpu.vector_store %arg14[%swap3A_856, %swap3A_857], %swap3A_860 {strides = array<i32>} : memref<320x64xf32, #tpu.memory_space<vmem>>, vector<1x16xf32>,
      %get3A_861 = arith.index_cast %add3A_847 : i32 to index
      %get3A_862 = arith.constant 16 : index
      %get3A_863 = tpu.vector_load %arg14[%get3A_861, %get3A_862] {strides = array<i32>} : memref<320x64xf32, #tpu.memory_space<vmem>>, vector<1x16xf32>,
      %get3A_864 = vector.shape_cast %get3A_863 : vector<1x16xf32> to vector<16xf32>
      %mul3A_865 = vector.broadcast %squeeze3A_849 : f32 to vector<16xf32>
      %mul3A_866 = arith.mulf %get3A_864, %mul3A_865 : vector<16xf32>
      %swap3A_867 = arith.index_cast %add3A_847 : i32 to index
      %swap3A_868 = arith.constant 16 : index
      %swap3A_869 = tpu.vector_load %arg14[%swap3A_867, %swap3A_868] {strides = array<i32>} : memref<320x64xf32, #tpu.memory_space<vmem>>, vector<1x16xf32>,
      %swap3A_870 = vector.shape_cast %swap3A_869 : vector<1x16xf32> to vector<16xf32>
      %swap3A_871 = vector.shape_cast %mul3A_866 : vector<16xf32> to vector<1x16xf32>
      tpu.vector_store %arg14[%swap3A_867, %swap3A_868], %swap3A_871 {strides = array<i32>} : memref<320x64xf32, #tpu.memory_space<vmem>>, vector<1x16xf32>,
      %get3A_872 = arith.index_cast %add3A_847 : i32 to index
      %get3A_873 = arith.constant 32 : index
      %get3A_874 = tpu.vector_load %arg14[%get3A_872, %get3A_873] {strides = array<i32>} : memref<320x64xf32, #tpu.memory_space<vmem>>, vector<1x16xf32>,
      %get3A_875 = vector.shape_cast %get3A_874 : vector<1x16xf32> to vector<16xf32>
      %mul3A_876 = vector.broadcast %squeeze3A_849 : f32 to vector<16xf32>
      %mul3A_877 = arith.mulf %get3A_875, %mul3A_876 : vector<16xf32>
      %swap3A_878 = arith.index_cast %add3A_847 : i32 to index
      %swap3A_879 = arith.constant 32 : index
      %swap3A_880 = tpu.vector_load %arg14[%swap3A_878, %swap3A_879] {strides = array<i32>} : memref<320x64xf32, #tpu.memory_space<vmem>>, vector<1x16xf32>,
      %swap3A_881 = vector.shape_cast %swap3A_880 : vector<1x16xf32> to vector<16xf32>
      %swap3A_882 = vector.shape_cast %mul3A_877 : vector<16xf32> to vector<1x16xf32>
      tpu.vector_store %arg14[%swap3A_878, %swap3A_879], %swap3A_882 {strides = array<i32>} : memref<320x64xf32, #tpu.memory_space<vmem>>, vector<1x16xf32>,
      %get3A_883 = arith.index_cast %add3A_847 : i32 to index
      %get3A_884 = arith.constant 48 : index
      %get3A_885 = tpu.vector_load %arg14[%get3A_883, %get3A_884] {strides = array<i32>} : memref<320x64xf32, #tpu.memory_space<vmem>>, vector<1x16xf32>,
      %get3A_886 = vector.shape_cast %get3A_885 : vector<1x16xf32> to vector<16xf32>
      %mul3A_887 = vector.broadcast %squeeze3A_849 : f32 to vector<16xf32>
      %mul3A_888 = arith.mulf %get3A_886, %mul3A_887 : vector<16xf32>
      %swap3A_889 = arith.index_cast %add3A_847 : i32 to index
      %swap3A_890 = arith.constant 48 : index
      %swap3A_891 = tpu.vector_load %arg14[%swap3A_889, %swap3A_890] {strides = array<i32>} : memref<320x64xf32, #tpu.memory_space<vmem>>, vector<1x16xf32>,
      %swap3A_892 = vector.shape_cast %swap3A_891 : vector<1x16xf32> to vector<16xf32>
      %swap3A_893 = vector.shape_cast %mul3A_888 : vector<16xf32> to vector<1x16xf32>
      tpu.vector_store %arg14[%swap3A_889, %swap3A_890], %swap3A_893 {strides = array<i32>} : memref<320x64xf32, #tpu.memory_space<vmem>>, vector<1x16xf32>,
      %mul3A_894 = arith.constant 16 : i32
      %mul3A_895 = arith.muli %scan3A_640, %mul3A_894 : i32
      %add3A_896 = arith.constant 5 : i32
      %add3A_897 = arith.addi %mul3A_895, %add3A_896 : i32
      %slice3A_898 = vector.extract_strided_slice %get3A_645 {offsets = [5], sizes = [1], strides = [1]} : vector<16xf32> to vector<1xf32>
      %squeeze3A_899 = vector.extract %slice3A_898[0] : f32 from vector<1xf32>
      %get3A_900 = arith.index_cast %add3A_897 : i32 to index
      %get3A_901 = arith.constant 0 : index
      %get3A_902 = tpu.vector_load %arg14[%get3A_900, %get3A_901] {strides = array<i32>} : memref<320x64xf32, #tpu.memory_space<vmem>>, vector<1x16xf32>,
      %get3A_903 = vector.shape_cast %get3A_902 : vector<1x16xf32> to vector<16xf32>
      %mul3A_904 = vector.broadcast %squeeze3A_899 : f32 to vector<16xf32>
      %mul3A_905 = arith.mulf %get3A_903, %mul3A_904 : vector<16xf32>
      %swap3A_906 = arith.index_cast %add3A_897 : i32 to index
      %swap3A_907 = arith.constant 0 : index
      %swap3A_908 = tpu.vector_load %arg14[%swap3A_906, %swap3A_907] {strides = array<i32>} : memref<320x64xf32, #tpu.memory_space<vmem>>, vector<1x16xf32>,
      %swap3A_909 = vector.shape_cast %swap3A_908 : vector<1x16xf32> to vector<16xf32>
      %swap3A_910 = vector.shape_cast %mul3A_905 : vector<16xf32> to vector<1x16xf32>
      tpu.vector_store %arg14[%swap3A_906, %swap3A_907], %swap3A_910 {strides = array<i32>} : memref<320x64xf32, #tpu.memory_space<vmem>>, vector<1x16xf32>,
      %get3A_911 = arith.index_cast %add3A_897 : i32 to index
      %get3A_912 = arith.constant 16 : index
      %get3A_913 = tpu.vector_load %arg14[%get3A_911, %get3A_912] {strides = array<i32>} : memref<320x64xf32, #tpu.memory_space<vmem>>, vector<1x16xf32>,
      %get3A_914 = vector.shape_cast %get3A_913 : vector<1x16xf32> to vector<16xf32>
      %mul3A_915 = vector.broadcast %squeeze3A_899 : f32 to vector<16xf32>
      %mul3A_916 = arith.mulf %get3A_914, %mul3A_915 : vector<16xf32>
      %swap3A_917 = arith.index_cast %add3A_897 : i32 to index
      %swap3A_918 = arith.constant 16 : index
      %swap3A_919 = tpu.vector_load %arg14[%swap3A_917, %swap3A_918] {strides = array<i32>} : memref<320x64xf32, #tpu.memory_space<vmem>>, vector<1x16xf32>,
      %swap3A_920 = vector.shape_cast %swap3A_919 : vector<1x16xf32> to vector<16xf32>
      %swap3A_921 = vector.shape_cast %mul3A_916 : vector<16xf32> to vector<1x16xf32>
      tpu.vector_store %arg14[%swap3A_917, %swap3A_918], %swap3A_921 {strides = array<i32>} : memref<320x64xf32, #tpu.memory_space<vmem>>, vector<1x16xf32>,
      %get3A_922 = arith.index_cast %add3A_897 : i32 to index
      %get3A_923 = arith.constant 32 : index
      %get3A_924 = tpu.vector_load %arg14[%get3A_922, %get3A_923] {strides = array<i32>} : memref<320x64xf32, #tpu.memory_space<vmem>>, vector<1x16xf32>,
      %get3A_925 = vector.shape_cast %get3A_924 : vector<1x16xf32> to vector<16xf32>
      %mul3A_926 = vector.broadcast %squeeze3A_899 : f32 to vector<16xf32>
      %mul3A_927 = arith.mulf %get3A_925, %mul3A_926 : vector<16xf32>
      %swap3A_928 = arith.index_cast %add3A_897 : i32 to index
      %swap3A_929 = arith.constant 32 : index
      %swap3A_930 = tpu.vector_load %arg14[%swap3A_928, %swap3A_929] {strides = array<i32>} : memref<320x64xf32, #tpu.memory_space<vmem>>, vector<1x16xf32>,
      %swap3A_931 = vector.shape_cast %swap3A_930 : vector<1x16xf32> to vector<16xf32>
      %swap3A_932 = vector.shape_cast %mul3A_927 : vector<16xf32> to vector<1x16xf32>
      tpu.vector_store %arg14[%swap3A_928, %swap3A_929], %swap3A_932 {strides = array<i32>} : memref<320x64xf32, #tpu.memory_space<vmem>>, vector<1x16xf32>,
      %get3A_933 = arith.index_cast %add3A_897 : i32 to index
      %get3A_934 = arith.constant 48 : index
      %get3A_935 = tpu.vector_load %arg14[%get3A_933, %get3A_934] {strides = array<i32>} : memref<320x64xf32, #tpu.memory_space<vmem>>, vector<1x16xf32>,
      %get3A_936 = vector.shape_cast %get3A_935 : vector<1x16xf32> to vector<16xf32>
      %mul3A_937 = vector.broadcast %squeeze3A_899 : f32 to vector<16xf32>
      %mul3A_938 = arith.mulf %get3A_936, %mul3A_937 : vector<16xf32>
      %swap3A_939 = arith.index_cast %add3A_897 : i32 to index
      %swap3A_940 = arith.constant 48 : index
      %swap3A_941 = tpu.vector_load %arg14[%swap3A_939, %swap3A_940] {strides = array<i32>} : memref<320x64xf32, #tpu.memory_space<vmem>>, vector<1x16xf32>,
      %swap3A_942 = vector.shape_cast %swap3A_941 : vector<1x16xf32> to vector<16xf32>
      %swap3A_943 = vector.shape_cast %mul3A_938 : vector<16xf32> to vector<1x16xf32>
      tpu.vector_store %arg14[%swap3A_939, %swap3A_940], %swap3A_943 {strides = array<i32>} : memref<320x64xf32, #tpu.memory_space<vmem>>, vector<1x16xf32>,
      %mul3A_944 = arith.constant 16 : i32
      %mul3A_945 = arith.muli %scan3A_640, %mul3A_944 : i32
      %add3A_946 = arith.constant 6 : i32
      %add3A_947 = arith.addi %mul3A_945, %add3A_946 : i32
      %slice3A_948 = vector.extract_strided_slice %get3A_645 {offsets = [6], sizes = [1], strides = [1]} : vector<16xf32> to vector<1xf32>
      %squeeze3A_949 = vector.extract %slice3A_948[0] : f32 from vector<1xf32>
      %get3A_950 = arith.index_cast %add3A_947 : i32 to index
      %get3A_951 = arith.constant 0 : index
      %get3A_952 = tpu.vector_load %arg14[%get3A_950, %get3A_951] {strides = array<i32>} : memref<320x64xf32, #tpu.memory_space<vmem>>, vector<1x16xf32>,
      %get3A_953 = vector.shape_cast %get3A_952 : vector<1x16xf32> to vector<16xf32>
      %mul3A_954 = vector.broadcast %squeeze3A_949 : f32 to vector<16xf32>
      %mul3A_955 = arith.mulf %get3A_953, %mul3A_954 : vector<16xf32>
      %swap3A_956 = arith.index_cast %add3A_947 : i32 to index
      %swap3A_957 = arith.constant 0 : index
      %swap3A_958 = tpu.vector_load %arg14[%swap3A_956, %swap3A_957] {strides = array<i32>} : memref<320x64xf32, #tpu.memory_space<vmem>>, vector<1x16xf32>,
      %swap3A_959 = vector.shape_cast %swap3A_958 : vector<1x16xf32> to vector<16xf32>
      %swap3A_960 = vector.shape_cast %mul3A_955 : vector<16xf32> to vector<1x16xf32>
      tpu.vector_store %arg14[%swap3A_956, %swap3A_957], %swap3A_960 {strides = array<i32>} : memref<320x64xf32, #tpu.memory_space<vmem>>, vector<1x16xf32>,
      %get3A_961 = arith.index_cast %add3A_947 : i32 to index
      %get3A_962 = arith.constant 16 : index
      %get3A_963 = tpu.vector_load %arg14[%get3A_961, %get3A_962] {strides = array<i32>} : memref<320x64xf32, #tpu.memory_space<vmem>>, vector<1x16xf32>,
      %get3A_964 = vector.shape_cast %get3A_963 : vector<1x16xf32> to vector<16xf32>
      %mul3A_965 = vector.broadcast %squeeze3A_949 : f32 to vector<16xf32>
      %mul3A_966 = arith.mulf %get3A_964, %mul3A_965 : vector<16xf32>
      %swap3A_967 = arith.index_cast %add3A_947 : i32 to index
      %swap3A_968 = arith.constant 16 : index
      %swap3A_969 = tpu.vector_load %arg14[%swap3A_967, %swap3A_968] {strides = array<i32>} : memref<320x64xf32, #tpu.memory_space<vmem>>, vector<1x16xf32>,
      %swap3A_970 = vector.shape_cast %swap3A_969 : vector<1x16xf32> to vector<16xf32>
      %swap3A_971 = vector.shape_cast %mul3A_966 : vector<16xf32> to vector<1x16xf32>
      tpu.vector_store %arg14[%swap3A_967, %swap3A_968], %swap3A_971 {strides = array<i32>} : memref<320x64xf32, #tpu.memory_space<vmem>>, vector<1x16xf32>,
      %get3A_972 = arith.index_cast %add3A_947 : i32 to index
      %get3A_973 = arith.constant 32 : index
      %get3A_974 = tpu.vector_load %arg14[%get3A_972, %get3A_973] {strides = array<i32>} : memref<320x64xf32, #tpu.memory_space<vmem>>, vector<1x16xf32>,
      %get3A_975 = vector.shape_cast %get3A_974 : vector<1x16xf32> to vector<16xf32>
      %mul3A_976 = vector.broadcast %squeeze3A_949 : f32 to vector<16xf32>
      %mul3A_977 = arith.mulf %get3A_975, %mul3A_976 : vector<16xf32>
      %swap3A_978 = arith.index_cast %add3A_947 : i32 to index
      %swap3A_979 = arith.constant 32 : index
      %swap3A_980 = tpu.vector_load %arg14[%swap3A_978, %swap3A_979] {strides = array<i32>} : memref<320x64xf32, #tpu.memory_space<vmem>>, vector<1x16xf32>,
      %swap3A_981 = vector.shape_cast %swap3A_980 : vector<1x16xf32> to vector<16xf32>
      %swap3A_982 = vector.shape_cast %mul3A_977 : vector<16xf32> to vector<1x16xf32>
      tpu.vector_store %arg14[%swap3A_978, %swap3A_979], %swap3A_982 {strides = array<i32>} : memref<320x64xf32, #tpu.memory_space<vmem>>, vector<1x16xf32>,
      %get3A_983 = arith.index_cast %add3A_947 : i32 to index
      %get3A_984 = arith.constant 48 : index
      %get3A_985 = tpu.vector_load %arg14[%get3A_983, %get3A_984] {strides = array<i32>} : memref<320x64xf32, #tpu.memory_space<vmem>>, vector<1x16xf32>,
      %get3A_986 = vector.shape_cast %get3A_985 : vector<1x16xf32> to vector<16xf32>
      %mul3A_987 = vector.broadcast %squeeze3A_949 : f32 to vector<16xf32>
      %mul3A_988 = arith.mulf %get3A_986, %mul3A_987 : vector<16xf32>
      %swap3A_989 = arith.index_cast %add3A_947 : i32 to index
      %swap3A_990 = arith.constant 48 : index
      %swap3A_991 = tpu.vector_load %arg14[%swap3A_989, %swap3A_990] {strides = array<i32>} : memref<320x64xf32, #tpu.memory_space<vmem>>, vector<1x16xf32>,
      %swap3A_992 = vector.shape_cast %swap3A_991 : vector<1x16xf32> to vector<16xf32>
      %swap3A_993 = vector.shape_cast %mul3A_988 : vector<16xf32> to vector<1x16xf32>
      tpu.vector_store %arg14[%swap3A_989, %swap3A_990], %swap3A_993 {strides = array<i32>} : memref<320x64xf32, #tpu.memory_space<vmem>>, vector<1x16xf32>,
      %mul3A_994 = arith.constant 16 : i32
      %mul3A_995 = arith.muli %scan3A_640, %mul3A_994 : i32
      %add3A_996 = arith.constant 7 : i32
      %add3A_997 = arith.addi %mul3A_995, %add3A_996 : i32
      %slice3A_998 = vector.extract_strided_slice %get3A_645 {offsets = [7], sizes = [1], strides = [1]} : vector<16xf32> to vector<1xf32>
      %squeeze3A_999 = vector.extract %slice3A_998[0] : f32 from vector<1xf32>
      %get3A_1000 = arith.index_cast %add3A_997 : i32 to index
      %get3A_1001 = arith.constant 0 : index
      %get3A_1002 = tpu.vector_load %arg14[%get3A_1000, %get3A_1001] {strides = array<i32>} : memref<320x64xf32, #tpu.memory_space<vmem>>, vector<1x16xf32>,
      %get3A_1003 = vector.shape_cast %get3A_1002 : vector<1x16xf32> to vector<16xf32>
      %mul3A_1004 = vector.broadcast %squeeze3A_999 : f32 to vector<16xf32>
      %mul3A_1005 = arith.mulf %get3A_1003, %mul3A_1004 : vector<16xf32>
      %swap3A_1006 = arith.index_cast %add3A_997 : i32 to index
      %swap3A_1007 = arith.constant 0 : index
      %swap3A_1008 = tpu.vector_load %arg14[%swap3A_1006, %swap3A_1007] {strides = array<i32>} : memref<320x64xf32, #tpu.memory_space<vmem>>, vector<1x16xf32>,
      %swap3A_1009 = vector.shape_cast %swap3A_1008 : vector<1x16xf32> to vector<16xf32>
      %swap3A_1010 = vector.shape_cast %mul3A_1005 : vector<16xf32> to vector<1x16xf32>
      tpu.vector_store %arg14[%swap3A_1006, %swap3A_1007], %swap3A_1010 {strides = array<i32>} : memref<320x64xf32, #tpu.memory_space<vmem>>, vector<1x16xf32>,
      %get3A_1011 = arith.index_cast %add3A_997 : i32 to index
      %get3A_1012 = arith.constant 16 : index
      %get3A_1013 = tpu.vector_load %arg14[%get3A_1011, %get3A_1012] {strides = array<i32>} : memref<320x64xf32, #tpu.memory_space<vmem>>, vector<1x16xf32>,
      %get3A_1014 = vector.shape_cast %get3A_1013 : vector<1x16xf32> to vector<16xf32>
      %mul3A_1015 = vector.broadcast %squeeze3A_999 : f32 to vector<16xf32>
      %mul3A_1016 = arith.mulf %get3A_1014, %mul3A_1015 : vector<16xf32>
      %swap3A_1017 = arith.index_cast %add3A_997 : i32 to index
      %swap3A_1018 = arith.constant 16 : index
      %swap3A_1019 = tpu.vector_load %arg14[%swap3A_1017, %swap3A_1018] {strides = array<i32>} : memref<320x64xf32, #tpu.memory_space<vmem>>, vector<1x16xf32>,
      %swap3A_1020 = vector.shape_cast %swap3A_1019 : vector<1x16xf32> to vector<16xf32>
      %swap3A_1021 = vector.shape_cast %mul3A_1016 : vector<16xf32> to vector<1x16xf32>
      tpu.vector_store %arg14[%swap3A_1017, %swap3A_1018], %swap3A_1021 {strides = array<i32>} : memref<320x64xf32, #tpu.memory_space<vmem>>, vector<1x16xf32>,
      %get3A_1022 = arith.index_cast %add3A_997 : i32 to index
      %get3A_1023 = arith.constant 32 : index
      %get3A_1024 = tpu.vector_load %arg14[%get3A_1022, %get3A_1023] {strides = array<i32>} : memref<320x64xf32, #tpu.memory_space<vmem>>, vector<1x16xf32>,
      %get3A_1025 = vector.shape_cast %get3A_1024 : vector<1x16xf32> to vector<16xf32>
      %mul3A_1026 = vector.broadcast %squeeze3A_999 : f32 to vector<16xf32>
      %mul3A_1027 = arith.mulf %get3A_1025, %mul3A_1026 : vector<16xf32>
      %swap3A_1028 = arith.index_cast %add3A_997 : i32 to index
      %swap3A_1029 = arith.constant 32 : index
      %swap3A_1030 = tpu.vector_load %arg14[%swap3A_1028, %swap3A_1029] {strides = array<i32>} : memref<320x64xf32, #tpu.memory_space<vmem>>, vector<1x16xf32>,
      %swap3A_1031 = vector.shape_cast %swap3A_1030 : vector<1x16xf32> to vector<16xf32>
      %swap3A_1032 = vector.shape_cast %mul3A_1027 : vector<16xf32> to vector<1x16xf32>
      tpu.vector_store %arg14[%swap3A_1028, %swap3A_1029], %swap3A_1032 {strides = array<i32>} : memref<320x64xf32, #tpu.memory_space<vmem>>, vector<1x16xf32>,
      %get3A_1033 = arith.index_cast %add3A_997 : i32 to index
      %get3A_1034 = arith.constant 48 : index
      %get3A_1035 = tpu.vector_load %arg14[%get3A_1033, %get3A_1034] {strides = array<i32>} : memref<320x64xf32, #tpu.memory_space<vmem>>, vector<1x16xf32>,
      %get3A_1036 = vector.shape_cast %get3A_1035 : vector<1x16xf32> to vector<16xf32>
      %mul3A_1037 = vector.broadcast %squeeze3A_999 : f32 to vector<16xf32>
      %mul3A_1038 = arith.mulf %get3A_1036, %mul3A_1037 : vector<16xf32>
      %swap3A_1039 = arith.index_cast %add3A_997 : i32 to index
      %swap3A_1040 = arith.constant 48 : index
      %swap3A_1041 = tpu.vector_load %arg14[%swap3A_1039, %swap3A_1040] {strides = array<i32>} : memref<320x64xf32, #tpu.memory_space<vmem>>, vector<1x16xf32>,
      %swap3A_1042 = vector.shape_cast %swap3A_1041 : vector<1x16xf32> to vector<16xf32>
      %swap3A_1043 = vector.shape_cast %mul3A_1038 : vector<16xf32> to vector<1x16xf32>
      tpu.vector_store %arg14[%swap3A_1039, %swap3A_1040], %swap3A_1043 {strides = array<i32>} : memref<320x64xf32, #tpu.memory_space<vmem>>, vector<1x16xf32>,
      %mul3A_1044 = arith.constant 16 : i32
      %mul3A_1045 = arith.muli %scan3A_640, %mul3A_1044 : i32
      %add3A_1046 = arith.constant 8 : i32
      %add3A_1047 = arith.addi %mul3A_1045, %add3A_1046 : i32
      %slice3A_1048 = vector.extract_strided_slice %get3A_645 {offsets = [8], sizes = [1], strides = [1]} : vector<16xf32> to vector<1xf32>
      %squeeze3A_1049 = vector.extract %slice3A_1048[0] : f32 from vector<1xf32>
      %get3A_1050 = arith.index_cast %add3A_1047 : i32 to index
      %get3A_1051 = arith.constant 0 : index
      %get3A_1052 = tpu.vector_load %arg14[%get3A_1050, %get3A_1051] {strides = array<i32>} : memref<320x64xf32, #tpu.memory_space<vmem>>, vector<1x16xf32>,
      %get3A_1053 = vector.shape_cast %get3A_1052 : vector<1x16xf32> to vector<16xf32>
      %mul3A_1054 = vector.broadcast %squeeze3A_1049 : f32 to vector<16xf32>
      %mul3A_1055 = arith.mulf %get3A_1053, %mul3A_1054 : vector<16xf32>
      %swap3A_1056 = arith.index_cast %add3A_1047 : i32 to index
      %swap3A_1057 = arith.constant 0 : index
      %swap3A_1058 = tpu.vector_load %arg14[%swap3A_1056, %swap3A_1057] {strides = array<i32>} : memref<320x64xf32, #tpu.memory_space<vmem>>, vector<1x16xf32>,
      %swap3A_1059 = vector.shape_cast %swap3A_1058 : vector<1x16xf32> to vector<16xf32>
      %swap3A_1060 = vector.shape_cast %mul3A_1055 : vector<16xf32> to vector<1x16xf32>
      tpu.vector_store %arg14[%swap3A_1056, %swap3A_1057], %swap3A_1060 {strides = array<i32>} : memref<320x64xf32, #tpu.memory_space<vmem>>, vector<1x16xf32>,
      %get3A_1061 = arith.index_cast %add3A_1047 : i32 to index
      %get3A_1062 = arith.constant 16 : index
      %get3A_1063 = tpu.vector_load %arg14[%get3A_1061, %get3A_1062] {strides = array<i32>} : memref<320x64xf32, #tpu.memory_space<vmem>>, vector<1x16xf32>,
      %get3A_1064 = vector.shape_cast %get3A_1063 : vector<1x16xf32> to vector<16xf32>
      %mul3A_1065 = vector.broadcast %squeeze3A_1049 : f32 to vector<16xf32>
      %mul3A_1066 = arith.mulf %get3A_1064, %mul3A_1065 : vector<16xf32>
      %swap3A_1067 = arith.index_cast %add3A_1047 : i32 to index
      %swap3A_1068 = arith.constant 16 : index
      %swap3A_1069 = tpu.vector_load %arg14[%swap3A_1067, %swap3A_1068] {strides = array<i32>} : memref<320x64xf32, #tpu.memory_space<vmem>>, vector<1x16xf32>,
      %swap3A_1070 = vector.shape_cast %swap3A_1069 : vector<1x16xf32> to vector<16xf32>
      %swap3A_1071 = vector.shape_cast %mul3A_1066 : vector<16xf32> to vector<1x16xf32>
      tpu.vector_store %arg14[%swap3A_1067, %swap3A_1068], %swap3A_1071 {strides = array<i32>} : memref<320x64xf32, #tpu.memory_space<vmem>>, vector<1x16xf32>,
      %get3A_1072 = arith.index_cast %add3A_1047 : i32 to index
      %get3A_1073 = arith.constant 32 : index
      %get3A_1074 = tpu.vector_load %arg14[%get3A_1072, %get3A_1073] {strides = array<i32>} : memref<320x64xf32, #tpu.memory_space<vmem>>, vector<1x16xf32>,
      %get3A_1075 = vector.shape_cast %get3A_1074 : vector<1x16xf32> to vector<16xf32>
      %mul3A_1076 = vector.broadcast %squeeze3A_1049 : f32 to vector<16xf32>
      %mul3A_1077 = arith.mulf %get3A_1075, %mul3A_1076 : vector<16xf32>
      %swap3A_1078 = arith.index_cast %add3A_1047 : i32 to index
      %swap3A_1079 = arith.constant 32 : index
      %swap3A_1080 = tpu.vector_load %arg14[%swap3A_1078, %swap3A_1079] {strides = array<i32>} : memref<320x64xf32, #tpu.memory_space<vmem>>, vector<1x16xf32>,
      %swap3A_1081 = vector.shape_cast %swap3A_1080 : vector<1x16xf32> to vector<16xf32>
      %swap3A_1082 = vector.shape_cast %mul3A_1077 : vector<16xf32> to vector<1x16xf32>
      tpu.vector_store %arg14[%swap3A_1078, %swap3A_1079], %swap3A_1082 {strides = array<i32>} : memref<320x64xf32, #tpu.memory_space<vmem>>, vector<1x16xf32>,
      %get3A_1083 = arith.index_cast %add3A_1047 : i32 to index
      %get3A_1084 = arith.constant 48 : index
      %get3A_1085 = tpu.vector_load %arg14[%get3A_1083, %get3A_1084] {strides = array<i32>} : memref<320x64xf32, #tpu.memory_space<vmem>>, vector<1x16xf32>,
      %get3A_1086 = vector.shape_cast %get3A_1085 : vector<1x16xf32> to vector<16xf32>
      %mul3A_1087 = vector.broadcast %squeeze3A_1049 : f32 to vector<16xf32>
      %mul3A_1088 = arith.mulf %get3A_1086, %mul3A_1087 : vector<16xf32>
      %swap3A_1089 = arith.index_cast %add3A_1047 : i32 to index
      %swap3A_1090 = arith.constant 48 : index
      %swap3A_1091 = tpu.vector_load %arg14[%swap3A_1089, %swap3A_1090] {strides = array<i32>} : memref<320x64xf32, #tpu.memory_space<vmem>>, vector<1x16xf32>,
      %swap3A_1092 = vector.shape_cast %swap3A_1091 : vector<1x16xf32> to vector<16xf32>
      %swap3A_1093 = vector.shape_cast %mul3A_1088 : vector<16xf32> to vector<1x16xf32>
      tpu.vector_store %arg14[%swap3A_1089, %swap3A_1090], %swap3A_1093 {strides = array<i32>} : memref<320x64xf32, #tpu.memory_space<vmem>>, vector<1x16xf32>,
      %mul3A_1094 = arith.constant 16 : i32
      %mul3A_1095 = arith.muli %scan3A_640, %mul3A_1094 : i32
      %add3A_1096 = arith.constant 9 : i32
      %add3A_1097 = arith.addi %mul3A_1095, %add3A_1096 : i32
      %slice3A_1098 = vector.extract_strided_slice %get3A_645 {offsets = [9], sizes = [1], strides = [1]} : vector<16xf32> to vector<1xf32>
      %squeeze3A_1099 = vector.extract %slice3A_1098[0] : f32 from vector<1xf32>
      %get3A_1100 = arith.index_cast %add3A_1097 : i32 to index
      %get3A_1101 = arith.constant 0 : index
      %get3A_1102 = tpu.vector_load %arg14[%get3A_1100, %get3A_1101] {strides = array<i32>} : memref<320x64xf32, #tpu.memory_space<vmem>>, vector<1x16xf32>,
      %get3A_1103 = vector.shape_cast %get3A_1102 : vector<1x16xf32> to vector<16xf32>
      %mul3A_1104 = vector.broadcast %squeeze3A_1099 : f32 to vector<16xf32>
      %mul3A_1105 = arith.mulf %get3A_1103, %mul3A_1104 : vector<16xf32>
      %swap3A_1106 = arith.index_cast %add3A_1097 : i32 to index
      %swap3A_1107 = arith.constant 0 : index
      %swap3A_1108 = tpu.vector_load %arg14[%swap3A_1106, %swap3A_1107] {strides = array<i32>} : memref<320x64xf32, #tpu.memory_space<vmem>>, vector<1x16xf32>,
      %swap3A_1109 = vector.shape_cast %swap3A_1108 : vector<1x16xf32> to vector<16xf32>
      %swap3A_1110 = vector.shape_cast %mul3A_1105 : vector<16xf32> to vector<1x16xf32>
      tpu.vector_store %arg14[%swap3A_1106, %swap3A_1107], %swap3A_1110 {strides = array<i32>} : memref<320x64xf32, #tpu.memory_space<vmem>>, vector<1x16xf32>,
      %get3A_1111 = arith.index_cast %add3A_1097 : i32 to index
      %get3A_1112 = arith.constant 16 : index
      %get3A_1113 = tpu.vector_load %arg14[%get3A_1111, %get3A_1112] {strides = array<i32>} : memref<320x64xf32, #tpu.memory_space<vmem>>, vector<1x16xf32>,
      %get3A_1114 = vector.shape_cast %get3A_1113 : vector<1x16xf32> to vector<16xf32>
      %mul3A_1115 = vector.broadcast %squeeze3A_1099 : f32 to vector<16xf32>
      %mul3A_1116 = arith.mulf %get3A_1114, %mul3A_1115 : vector<16xf32>
      %swap3A_1117 = arith.index_cast %add3A_1097 : i32 to index
      %swap3A_1118 = arith.constant 16 : index
      %swap3A_1119 = tpu.vector_load %arg14[%swap3A_1117, %swap3A_1118] {strides = array<i32>} : memref<320x64xf32, #tpu.memory_space<vmem>>, vector<1x16xf32>,
      %swap3A_1120 = vector.shape_cast %swap3A_1119 : vector<1x16xf32> to vector<16xf32>
      %swap3A_1121 = vector.shape_cast %mul3A_1116 : vector<16xf32> to vector<1x16xf32>
      tpu.vector_store %arg14[%swap3A_1117, %swap3A_1118], %swap3A_1121 {strides = array<i32>} : memref<320x64xf32, #tpu.memory_space<vmem>>, vector<1x16xf32>,
      %get3A_1122 = arith.index_cast %add3A_1097 : i32 to index
      %get3A_1123 = arith.constant 32 : index
      %get3A_1124 = tpu.vector_load %arg14[%get3A_1122, %get3A_1123] {strides = array<i32>} : memref<320x64xf32, #tpu.memory_space<vmem>>, vector<1x16xf32>,
      %get3A_1125 = vector.shape_cast %get3A_1124 : vector<1x16xf32> to vector<16xf32>
      %mul3A_1126 = vector.broadcast %squeeze3A_1099 : f32 to vector<16xf32>
      %mul3A_1127 = arith.mulf %get3A_1125, %mul3A_1126 : vector<16xf32>
      %swap3A_1128 = arith.index_cast %add3A_1097 : i32 to index
      %swap3A_1129 = arith.constant 32 : index
      %swap3A_1130 = tpu.vector_load %arg14[%swap3A_1128, %swap3A_1129] {strides = array<i32>} : memref<320x64xf32, #tpu.memory_space<vmem>>, vector<1x16xf32>,
      %swap3A_1131 = vector.shape_cast %swap3A_1130 : vector<1x16xf32> to vector<16xf32>
      %swap3A_1132 = vector.shape_cast %mul3A_1127 : vector<16xf32> to vector<1x16xf32>
      tpu.vector_store %arg14[%swap3A_1128, %swap3A_1129], %swap3A_1132 {strides = array<i32>} : memref<320x64xf32, #tpu.memory_space<vmem>>, vector<1x16xf32>,
      %get3A_1133 = arith.index_cast %add3A_1097 : i32 to index
      %get3A_1134 = arith.constant 48 : index
      %get3A_1135 = tpu.vector_load %arg14[%get3A_1133, %get3A_1134] {strides = array<i32>} : memref<320x64xf32, #tpu.memory_space<vmem>>, vector<1x16xf32>,
      %get3A_1136 = vector.shape_cast %get3A_1135 : vector<1x16xf32> to vector<16xf32>
      %mul3A_1137 = vector.broadcast %squeeze3A_1099 : f32 to vector<16xf32>
      %mul3A_1138 = arith.mulf %get3A_1136, %mul3A_1137 : vector<16xf32>
      %swap3A_1139 = arith.index_cast %add3A_1097 : i32 to index
      %swap3A_1140 = arith.constant 48 : index
      %swap3A_1141 = tpu.vector_load %arg14[%swap3A_1139, %swap3A_1140] {strides = array<i32>} : memref<320x64xf32, #tpu.memory_space<vmem>>, vector<1x16xf32>,
      %swap3A_1142 = vector.shape_cast %swap3A_1141 : vector<1x16xf32> to vector<16xf32>
      %swap3A_1143 = vector.shape_cast %mul3A_1138 : vector<16xf32> to vector<1x16xf32>
      tpu.vector_store %arg14[%swap3A_1139, %swap3A_1140], %swap3A_1143 {strides = array<i32>} : memref<320x64xf32, #tpu.memory_space<vmem>>, vector<1x16xf32>,
      %mul3A_1144 = arith.constant 16 : i32
      %mul3A_1145 = arith.muli %scan3A_640, %mul3A_1144 : i32
      %add3A_1146 = arith.constant 10 : i32
      %add3A_1147 = arith.addi %mul3A_1145, %add3A_1146 : i32
      %slice3A_1148 = vector.extract_strided_slice %get3A_645 {offsets = [10], sizes = [1], strides = [1]} : vector<16xf32> to vector<1xf32>
      %squeeze3A_1149 = vector.extract %slice3A_1148[0] : f32 from vector<1xf32>
      %get3A_1150 = arith.index_cast %add3A_1147 : i32 to index
      %get3A_1151 = arith.constant 0 : index
      %get3A_1152 = tpu.vector_load %arg14[%get3A_1150, %get3A_1151] {strides = array<i32>} : memref<320x64xf32, #tpu.memory_space<vmem>>, vector<1x16xf32>,
      %get3A_1153 = vector.shape_cast %get3A_1152 : vector<1x16xf32> to vector<16xf32>
      %mul3A_1154 = vector.broadcast %squeeze3A_1149 : f32 to vector<16xf32>
      %mul3A_1155 = arith.mulf %get3A_1153, %mul3A_1154 : vector<16xf32>
      %swap3A_1156 = arith.index_cast %add3A_1147 : i32 to index
      %swap3A_1157 = arith.constant 0 : index
      %swap3A_1158 = tpu.vector_load %arg14[%swap3A_1156, %swap3A_1157] {strides = array<i32>} : memref<320x64xf32, #tpu.memory_space<vmem>>, vector<1x16xf32>,
      %swap3A_1159 = vector.shape_cast %swap3A_1158 : vector<1x16xf32> to vector<16xf32>
      %swap3A_1160 = vector.shape_cast %mul3A_1155 : vector<16xf32> to vector<1x16xf32>
      tpu.vector_store %arg14[%swap3A_1156, %swap3A_1157], %swap3A_1160 {strides = array<i32>} : memref<320x64xf32, #tpu.memory_space<vmem>>, vector<1x16xf32>,
      %get3A_1161 = arith.index_cast %add3A_1147 : i32 to index
      %get3A_1162 = arith.constant 16 : index
      %get3A_1163 = tpu.vector_load %arg14[%get3A_1161, %get3A_1162] {strides = array<i32>} : memref<320x64xf32, #tpu.memory_space<vmem>>, vector<1x16xf32>,
      %get3A_1164 = vector.shape_cast %get3A_1163 : vector<1x16xf32> to vector<16xf32>
      %mul3A_1165 = vector.broadcast %squeeze3A_1149 : f32 to vector<16xf32>
      %mul3A_1166 = arith.mulf %get3A_1164, %mul3A_1165 : vector<16xf32>
      %swap3A_1167 = arith.index_cast %add3A_1147 : i32 to index
      %swap3A_1168 = arith.constant 16 : index
      %swap3A_1169 = tpu.vector_load %arg14[%swap3A_1167, %swap3A_1168] {strides = array<i32>} : memref<320x64xf32, #tpu.memory_space<vmem>>, vector<1x16xf32>,
      %swap3A_1170 = vector.shape_cast %swap3A_1169 : vector<1x16xf32> to vector<16xf32>
      %swap3A_1171 = vector.shape_cast %mul3A_1166 : vector<16xf32> to vector<1x16xf32>
      tpu.vector_store %arg14[%swap3A_1167, %swap3A_1168], %swap3A_1171 {strides = array<i32>} : memref<320x64xf32, #tpu.memory_space<vmem>>, vector<1x16xf32>,
      %get3A_1172 = arith.index_cast %add3A_1147 : i32 to index
      %get3A_1173 = arith.constant 32 : index
      %get3A_1174 = tpu.vector_load %arg14[%get3A_1172, %get3A_1173] {strides = array<i32>} : memref<320x64xf32, #tpu.memory_space<vmem>>, vector<1x16xf32>,
      %get3A_1175 = vector.shape_cast %get3A_1174 : vector<1x16xf32> to vector<16xf32>
      %mul3A_1176 = vector.broadcast %squeeze3A_1149 : f32 to vector<16xf32>
      %mul3A_1177 = arith.mulf %get3A_1175, %mul3A_1176 : vector<16xf32>
      %swap3A_1178 = arith.index_cast %add3A_1147 : i32 to index
      %swap3A_1179 = arith.constant 32 : index
      %swap3A_1180 = tpu.vector_load %arg14[%swap3A_1178, %swap3A_1179] {strides = array<i32>} : memref<320x64xf32, #tpu.memory_space<vmem>>, vector<1x16xf32>,
      %swap3A_1181 = vector.shape_cast %swap3A_1180 : vector<1x16xf32> to vector<16xf32>
      %swap3A_1182 = vector.shape_cast %mul3A_1177 : vector<16xf32> to vector<1x16xf32>
      tpu.vector_store %arg14[%swap3A_1178, %swap3A_1179], %swap3A_1182 {strides = array<i32>} : memref<320x64xf32, #tpu.memory_space<vmem>>, vector<1x16xf32>,
      %get3A_1183 = arith.index_cast %add3A_1147 : i32 to index
      %get3A_1184 = arith.constant 48 : index
      %get3A_1185 = tpu.vector_load %arg14[%get3A_1183, %get3A_1184] {strides = array<i32>} : memref<320x64xf32, #tpu.memory_space<vmem>>, vector<1x16xf32>,
      %get3A_1186 = vector.shape_cast %get3A_1185 : vector<1x16xf32> to vector<16xf32>
      %mul3A_1187 = vector.broadcast %squeeze3A_1149 : f32 to vector<16xf32>
      %mul3A_1188 = arith.mulf %get3A_1186, %mul3A_1187 : vector<16xf32>
      %swap3A_1189 = arith.index_cast %add3A_1147 : i32 to index
      %swap3A_1190 = arith.constant 48 : index
      %swap3A_1191 = tpu.vector_load %arg14[%swap3A_1189, %swap3A_1190] {strides = array<i32>} : memref<320x64xf32, #tpu.memory_space<vmem>>, vector<1x16xf32>,
      %swap3A_1192 = vector.shape_cast %swap3A_1191 : vector<1x16xf32> to vector<16xf32>
      %swap3A_1193 = vector.shape_cast %mul3A_1188 : vector<16xf32> to vector<1x16xf32>
      tpu.vector_store %arg14[%swap3A_1189, %swap3A_1190], %swap3A_1193 {strides = array<i32>} : memref<320x64xf32, #tpu.memory_space<vmem>>, vector<1x16xf32>,
      %mul3A_1194 = arith.constant 16 : i32
      %mul3A_1195 = arith.muli %scan3A_640, %mul3A_1194 : i32
      %add3A_1196 = arith.constant 11 : i32
      %add3A_1197 = arith.addi %mul3A_1195, %add3A_1196 : i32
      %slice3A_1198 = vector.extract_strided_slice %get3A_645 {offsets = [11], sizes = [1], strides = [1]} : vector<16xf32> to vector<1xf32>
      %squeeze3A_1199 = vector.extract %slice3A_1198[0] : f32 from vector<1xf32>
      %get3A_1200 = arith.index_cast %add3A_1197 : i32 to index
      %get3A_1201 = arith.constant 0 : index
      %get3A_1202 = tpu.vector_load %arg14[%get3A_1200, %get3A_1201] {strides = array<i32>} : memref<320x64xf32, #tpu.memory_space<vmem>>, vector<1x16xf32>,
      %get3A_1203 = vector.shape_cast %get3A_1202 : vector<1x16xf32> to vector<16xf32>
      %mul3A_1204 = vector.broadcast %squeeze3A_1199 : f32 to vector<16xf32>
      %mul3A_1205 = arith.mulf %get3A_1203, %mul3A_1204 : vector<16xf32>
      %swap3A_1206 = arith.index_cast %add3A_1197 : i32 to index
      %swap3A_1207 = arith.constant 0 : index
      %swap3A_1208 = tpu.vector_load %arg14[%swap3A_1206, %swap3A_1207] {strides = array<i32>} : memref<320x64xf32, #tpu.memory_space<vmem>>, vector<1x16xf32>,
      %swap3A_1209 = vector.shape_cast %swap3A_1208 : vector<1x16xf32> to vector<16xf32>
      %swap3A_1210 = vector.shape_cast %mul3A_1205 : vector<16xf32> to vector<1x16xf32>
      tpu.vector_store %arg14[%swap3A_1206, %swap3A_1207], %swap3A_1210 {strides = array<i32>} : memref<320x64xf32, #tpu.memory_space<vmem>>, vector<1x16xf32>,
      %get3A_1211 = arith.index_cast %add3A_1197 : i32 to index
      %get3A_1212 = arith.constant 16 : index
      %get3A_1213 = tpu.vector_load %arg14[%get3A_1211, %get3A_1212] {strides = array<i32>} : memref<320x64xf32, #tpu.memory_space<vmem>>, vector<1x16xf32>,
      %get3A_1214 = vector.shape_cast %get3A_1213 : vector<1x16xf32> to vector<16xf32>
      %mul3A_1215 = vector.broadcast %squeeze3A_1199 : f32 to vector<16xf32>
      %mul3A_1216 = arith.mulf %get3A_1214, %mul3A_1215 : vector<16xf32>
      %swap3A_1217 = arith.index_cast %add3A_1197 : i32 to index
      %swap3A_1218 = arith.constant 16 : index
      %swap3A_1219 = tpu.vector_load %arg14[%swap3A_1217, %swap3A_1218] {strides = array<i32>} : memref<320x64xf32, #tpu.memory_space<vmem>>, vector<1x16xf32>,
      %swap3A_1220 = vector.shape_cast %swap3A_1219 : vector<1x16xf32> to vector<16xf32>
      %swap3A_1221 = vector.shape_cast %mul3A_1216 : vector<16xf32> to vector<1x16xf32>
      tpu.vector_store %arg14[%swap3A_1217, %swap3A_1218], %swap3A_1221 {strides = array<i32>} : memref<320x64xf32, #tpu.memory_space<vmem>>, vector<1x16xf32>,
      %get3A_1222 = arith.index_cast %add3A_1197 : i32 to index
      %get3A_1223 = arith.constant 32 : index
      %get3A_1224 = tpu.vector_load %arg14[%get3A_1222, %get3A_1223] {strides = array<i32>} : memref<320x64xf32, #tpu.memory_space<vmem>>, vector<1x16xf32>,
      %get3A_1225 = vector.shape_cast %get3A_1224 : vector<1x16xf32> to vector<16xf32>
      %mul3A_1226 = vector.broadcast %squeeze3A_1199 : f32 to vector<16xf32>
      %mul3A_1227 = arith.mulf %get3A_1225, %mul3A_1226 : vector<16xf32>
      %swap3A_1228 = arith.index_cast %add3A_1197 : i32 to index
      %swap3A_1229 = arith.constant 32 : index
      %swap3A_1230 = tpu.vector_load %arg14[%swap3A_1228, %swap3A_1229] {strides = array<i32>} : memref<320x64xf32, #tpu.memory_space<vmem>>, vector<1x16xf32>,
      %swap3A_1231 = vector.shape_cast %swap3A_1230 : vector<1x16xf32> to vector<16xf32>
      %swap3A_1232 = vector.shape_cast %mul3A_1227 : vector<16xf32> to vector<1x16xf32>
      tpu.vector_store %arg14[%swap3A_1228, %swap3A_1229], %swap3A_1232 {strides = array<i32>} : memref<320x64xf32, #tpu.memory_space<vmem>>, vector<1x16xf32>,
      %get3A_1233 = arith.index_cast %add3A_1197 : i32 to index
      %get3A_1234 = arith.constant 48 : index
      %get3A_1235 = tpu.vector_load %arg14[%get3A_1233, %get3A_1234] {strides = array<i32>} : memref<320x64xf32, #tpu.memory_space<vmem>>, vector<1x16xf32>,
      %get3A_1236 = vector.shape_cast %get3A_1235 : vector<1x16xf32> to vector<16xf32>
      %mul3A_1237 = vector.broadcast %squeeze3A_1199 : f32 to vector<16xf32>
      %mul3A_1238 = arith.mulf %get3A_1236, %mul3A_1237 : vector<16xf32>
      %swap3A_1239 = arith.index_cast %add3A_1197 : i32 to index
      %swap3A_1240 = arith.constant 48 : index
      %swap3A_1241 = tpu.vector_load %arg14[%swap3A_1239, %swap3A_1240] {strides = array<i32>} : memref<320x64xf32, #tpu.memory_space<vmem>>, vector<1x16xf32>,
      %swap3A_1242 = vector.shape_cast %swap3A_1241 : vector<1x16xf32> to vector<16xf32>
      %swap3A_1243 = vector.shape_cast %mul3A_1238 : vector<16xf32> to vector<1x16xf32>
      tpu.vector_store %arg14[%swap3A_1239, %swap3A_1240], %swap3A_1243 {strides = array<i32>} : memref<320x64xf32, #tpu.memory_space<vmem>>, vector<1x16xf32>,
      %mul3A_1244 = arith.constant 16 : i32
      %mul3A_1245 = arith.muli %scan3A_640, %mul3A_1244 : i32
      %add3A_1246 = arith.constant 12 : i32
      %add3A_1247 = arith.addi %mul3A_1245, %add3A_1246 : i32
      %slice3A_1248 = vector.extract_strided_slice %get3A_645 {offsets = [12], sizes = [1], strides = [1]} : vector<16xf32> to vector<1xf32>
      %squeeze3A_1249 = vector.extract %slice3A_1248[0] : f32 from vector<1xf32>
      %get3A_1250 = arith.index_cast %add3A_1247 : i32 to index
      %get3A_1251 = arith.constant 0 : index
      %get3A_1252 = tpu.vector_load %arg14[%get3A_1250, %get3A_1251] {strides = array<i32>} : memref<320x64xf32, #tpu.memory_space<vmem>>, vector<1x16xf32>,
      %get3A_1253 = vector.shape_cast %get3A_1252 : vector<1x16xf32> to vector<16xf32>
      %mul3A_1254 = vector.broadcast %squeeze3A_1249 : f32 to vector<16xf32>
      %mul3A_1255 = arith.mulf %get3A_1253, %mul3A_1254 : vector<16xf32>
      %swap3A_1256 = arith.index_cast %add3A_1247 : i32 to index
      %swap3A_1257 = arith.constant 0 : index
      %swap3A_1258 = tpu.vector_load %arg14[%swap3A_1256, %swap3A_1257] {strides = array<i32>} : memref<320x64xf32, #tpu.memory_space<vmem>>, vector<1x16xf32>,
      %swap3A_1259 = vector.shape_cast %swap3A_1258 : vector<1x16xf32> to vector<16xf32>
      %swap3A_1260 = vector.shape_cast %mul3A_1255 : vector<16xf32> to vector<1x16xf32>
      tpu.vector_store %arg14[%swap3A_1256, %swap3A_1257], %swap3A_1260 {strides = array<i32>} : memref<320x64xf32, #tpu.memory_space<vmem>>, vector<1x16xf32>,
      %get3A_1261 = arith.index_cast %add3A_1247 : i32 to index
      %get3A_1262 = arith.constant 16 : index
      %get3A_1263 = tpu.vector_load %arg14[%get3A_1261, %get3A_1262] {strides = array<i32>} : memref<320x64xf32, #tpu.memory_space<vmem>>, vector<1x16xf32>,
      %get3A_1264 = vector.shape_cast %get3A_1263 : vector<1x16xf32> to vector<16xf32>
      %mul3A_1265 = vector.broadcast %squeeze3A_1249 : f32 to vector<16xf32>
      %mul3A_1266 = arith.mulf %get3A_1264, %mul3A_1265 : vector<16xf32>
      %swap3A_1267 = arith.index_cast %add3A_1247 : i32 to index
      %swap3A_1268 = arith.constant 16 : index
      %swap3A_1269 = tpu.vector_load %arg14[%swap3A_1267, %swap3A_1268] {strides = array<i32>} : memref<320x64xf32, #tpu.memory_space<vmem>>, vector<1x16xf32>,
      %swap3A_1270 = vector.shape_cast %swap3A_1269 : vector<1x16xf32> to vector<16xf32>
      %swap3A_1271 = vector.shape_cast %mul3A_1266 : vector<16xf32> to vector<1x16xf32>
      tpu.vector_store %arg14[%swap3A_1267, %swap3A_1268], %swap3A_1271 {strides = array<i32>} : memref<320x64xf32, #tpu.memory_space<vmem>>, vector<1x16xf32>,
      %get3A_1272 = arith.index_cast %add3A_1247 : i32 to index
      %get3A_1273 = arith.constant 32 : index
      %get3A_1274 = tpu.vector_load %arg14[%get3A_1272, %get3A_1273] {strides = array<i32>} : memref<320x64xf32, #tpu.memory_space<vmem>>, vector<1x16xf32>,
      %get3A_1275 = vector.shape_cast %get3A_1274 : vector<1x16xf32> to vector<16xf32>
      %mul3A_1276 = vector.broadcast %squeeze3A_1249 : f32 to vector<16xf32>
      %mul3A_1277 = arith.mulf %get3A_1275, %mul3A_1276 : vector<16xf32>
      %swap3A_1278 = arith.index_cast %add3A_1247 : i32 to index
      %swap3A_1279 = arith.constant 32 : index
      %swap3A_1280 = tpu.vector_load %arg14[%swap3A_1278, %swap3A_1279] {strides = array<i32>} : memref<320x64xf32, #tpu.memory_space<vmem>>, vector<1x16xf32>,
      %swap3A_1281 = vector.shape_cast %swap3A_1280 : vector<1x16xf32> to vector<16xf32>
      %swap3A_1282 = vector.shape_cast %mul3A_1277 : vector<16xf32> to vector<1x16xf32>
      tpu.vector_store %arg14[%swap3A_1278, %swap3A_1279], %swap3A_1282 {strides = array<i32>} : memref<320x64xf32, #tpu.memory_space<vmem>>, vector<1x16xf32>,
      %get3A_1283 = arith.index_cast %add3A_1247 : i32 to index
      %get3A_1284 = arith.constant 48 : index
      %get3A_1285 = tpu.vector_load %arg14[%get3A_1283, %get3A_1284] {strides = array<i32>} : memref<320x64xf32, #tpu.memory_space<vmem>>, vector<1x16xf32>,
      %get3A_1286 = vector.shape_cast %get3A_1285 : vector<1x16xf32> to vector<16xf32>
      %mul3A_1287 = vector.broadcast %squeeze3A_1249 : f32 to vector<16xf32>
      %mul3A_1288 = arith.mulf %get3A_1286, %mul3A_1287 : vector<16xf32>
      %swap3A_1289 = arith.index_cast %add3A_1247 : i32 to index
      %swap3A_1290 = arith.constant 48 : index
      %swap3A_1291 = tpu.vector_load %arg14[%swap3A_1289, %swap3A_1290] {strides = array<i32>} : memref<320x64xf32, #tpu.memory_space<vmem>>, vector<1x16xf32>,
      %swap3A_1292 = vector.shape_cast %swap3A_1291 : vector<1x16xf32> to vector<16xf32>
      %swap3A_1293 = vector.shape_cast %mul3A_1288 : vector<16xf32> to vector<1x16xf32>
      tpu.vector_store %arg14[%swap3A_1289, %swap3A_1290], %swap3A_1293 {strides = array<i32>} : memref<320x64xf32, #tpu.memory_space<vmem>>, vector<1x16xf32>,
      %mul3A_1294 = arith.constant 16 : i32
      %mul3A_1295 = arith.muli %scan3A_640, %mul3A_1294 : i32
      %add3A_1296 = arith.constant 13 : i32
      %add3A_1297 = arith.addi %mul3A_1295, %add3A_1296 : i32
      %slice3A_1298 = vector.extract_strided_slice %get3A_645 {offsets = [13], sizes = [1], strides = [1]} : vector<16xf32> to vector<1xf32>
      %squeeze3A_1299 = vector.extract %slice3A_1298[0] : f32 from vector<1xf32>
      %get3A_1300 = arith.index_cast %add3A_1297 : i32 to index
      %get3A_1301 = arith.constant 0 : index
      %get3A_1302 = tpu.vector_load %arg14[%get3A_1300, %get3A_1301] {strides = array<i32>} : memref<320x64xf32, #tpu.memory_space<vmem>>, vector<1x16xf32>,
      %get3A_1303 = vector.shape_cast %get3A_1302 : vector<1x16xf32> to vector<16xf32>
      %mul3A_1304 = vector.broadcast %squeeze3A_1299 : f32 to vector<16xf32>
      %mul3A_1305 = arith.mulf %get3A_1303, %mul3A_1304 : vector<16xf32>
      %swap3A_1306 = arith.index_cast %add3A_1297 : i32 to index
      %swap3A_1307 = arith.constant 0 : index
      %swap3A_1308 = tpu.vector_load %arg14[%swap3A_1306, %swap3A_1307] {strides = array<i32>} : memref<320x64xf32, #tpu.memory_space<vmem>>, vector<1x16xf32>,
      %swap3A_1309 = vector.shape_cast %swap3A_1308 : vector<1x16xf32> to vector<16xf32>
      %swap3A_1310 = vector.shape_cast %mul3A_1305 : vector<16xf32> to vector<1x16xf32>
      tpu.vector_store %arg14[%swap3A_1306, %swap3A_1307], %swap3A_1310 {strides = array<i32>} : memref<320x64xf32, #tpu.memory_space<vmem>>, vector<1x16xf32>,
      %get3A_1311 = arith.index_cast %add3A_1297 : i32 to index
      %get3A_1312 = arith.constant 16 : index
      %get3A_1313 = tpu.vector_load %arg14[%get3A_1311, %get3A_1312] {strides = array<i32>} : memref<320x64xf32, #tpu.memory_space<vmem>>, vector<1x16xf32>,
      %get3A_1314 = vector.shape_cast %get3A_1313 : vector<1x16xf32> to vector<16xf32>
      %mul3A_1315 = vector.broadcast %squeeze3A_1299 : f32 to vector<16xf32>
      %mul3A_1316 = arith.mulf %get3A_1314, %mul3A_1315 : vector<16xf32>
      %swap3A_1317 = arith.index_cast %add3A_1297 : i32 to index
      %swap3A_1318 = arith.constant 16 : index
      %swap3A_1319 = tpu.vector_load %arg14[%swap3A_1317, %swap3A_1318] {strides = array<i32>} : memref<320x64xf32, #tpu.memory_space<vmem>>, vector<1x16xf32>,
      %swap3A_1320 = vector.shape_cast %swap3A_1319 : vector<1x16xf32> to vector<16xf32>
      %swap3A_1321 = vector.shape_cast %mul3A_1316 : vector<16xf32> to vector<1x16xf32>
      tpu.vector_store %arg14[%swap3A_1317, %swap3A_1318], %swap3A_1321 {strides = array<i32>} : memref<320x64xf32, #tpu.memory_space<vmem>>, vector<1x16xf32>,
      %get3A_1322 = arith.index_cast %add3A_1297 : i32 to index
      %get3A_1323 = arith.constant 32 : index
      %get3A_1324 = tpu.vector_load %arg14[%get3A_1322, %get3A_1323] {strides = array<i32>} : memref<320x64xf32, #tpu.memory_space<vmem>>, vector<1x16xf32>,
      %get3A_1325 = vector.shape_cast %get3A_1324 : vector<1x16xf32> to vector<16xf32>
      %mul3A_1326 = vector.broadcast %squeeze3A_1299 : f32 to vector<16xf32>
      %mul3A_1327 = arith.mulf %get3A_1325, %mul3A_1326 : vector<16xf32>
      %swap3A_1328 = arith.index_cast %add3A_1297 : i32 to index
      %swap3A_1329 = arith.constant 32 : index
      %swap3A_1330 = tpu.vector_load %arg14[%swap3A_1328, %swap3A_1329] {strides = array<i32>} : memref<320x64xf32, #tpu.memory_space<vmem>>, vector<1x16xf32>,
      %swap3A_1331 = vector.shape_cast %swap3A_1330 : vector<1x16xf32> to vector<16xf32>
      %swap3A_1332 = vector.shape_cast %mul3A_1327 : vector<16xf32> to vector<1x16xf32>
      tpu.vector_store %arg14[%swap3A_1328, %swap3A_1329], %swap3A_1332 {strides = array<i32>} : memref<320x64xf32, #tpu.memory_space<vmem>>, vector<1x16xf32>,
      %get3A_1333 = arith.index_cast %add3A_1297 : i32 to index
      %get3A_1334 = arith.constant 48 : index
      %get3A_1335 = tpu.vector_load %arg14[%get3A_1333, %get3A_1334] {strides = array<i32>} : memref<320x64xf32, #tpu.memory_space<vmem>>, vector<1x16xf32>,
      %get3A_1336 = vector.shape_cast %get3A_1335 : vector<1x16xf32> to vector<16xf32>
      %mul3A_1337 = vector.broadcast %squeeze3A_1299 : f32 to vector<16xf32>
      %mul3A_1338 = arith.mulf %get3A_1336, %mul3A_1337 : vector<16xf32>
      %swap3A_1339 = arith.index_cast %add3A_1297 : i32 to index
      %swap3A_1340 = arith.constant 48 : index
      %swap3A_1341 = tpu.vector_load %arg14[%swap3A_1339, %swap3A_1340] {strides = array<i32>} : memref<320x64xf32, #tpu.memory_space<vmem>>, vector<1x16xf32>,
      %swap3A_1342 = vector.shape_cast %swap3A_1341 : vector<1x16xf32> to vector<16xf32>
      %swap3A_1343 = vector.shape_cast %mul3A_1338 : vector<16xf32> to vector<1x16xf32>
      tpu.vector_store %arg14[%swap3A_1339, %swap3A_1340], %swap3A_1343 {strides = array<i32>} : memref<320x64xf32, #tpu.memory_space<vmem>>, vector<1x16xf32>,
      %mul3A_1344 = arith.constant 16 : i32
      %mul3A_1345 = arith.muli %scan3A_640, %mul3A_1344 : i32
      %add3A_1346 = arith.constant 14 : i32
      %add3A_1347 = arith.addi %mul3A_1345, %add3A_1346 : i32
      %slice3A_1348 = vector.extract_strided_slice %get3A_645 {offsets = [14], sizes = [1], strides = [1]} : vector<16xf32> to vector<1xf32>
      %squeeze3A_1349 = vector.extract %slice3A_1348[0] : f32 from vector<1xf32>
      %get3A_1350 = arith.index_cast %add3A_1347 : i32 to index
      %get3A_1351 = arith.constant 0 : index
      %get3A_1352 = tpu.vector_load %arg14[%get3A_1350, %get3A_1351] {strides = array<i32>} : memref<320x64xf32, #tpu.memory_space<vmem>>, vector<1x16xf32>,
      %get3A_1353 = vector.shape_cast %get3A_1352 : vector<1x16xf32> to vector<16xf32>
      %mul3A_1354 = vector.broadcast %squeeze3A_1349 : f32 to vector<16xf32>
      %mul3A_1355 = arith.mulf %get3A_1353, %mul3A_1354 : vector<16xf32>
      %swap3A_1356 = arith.index_cast %add3A_1347 : i32 to index
      %swap3A_1357 = arith.constant 0 : index
      %swap3A_1358 = tpu.vector_load %arg14[%swap3A_1356, %swap3A_1357] {strides = array<i32>} : memref<320x64xf32, #tpu.memory_space<vmem>>, vector<1x16xf32>,
      %swap3A_1359 = vector.shape_cast %swap3A_1358 : vector<1x16xf32> to vector<16xf32>
      %swap3A_1360 = vector.shape_cast %mul3A_1355 : vector<16xf32> to vector<1x16xf32>
      tpu.vector_store %arg14[%swap3A_1356, %swap3A_1357], %swap3A_1360 {strides = array<i32>} : memref<320x64xf32, #tpu.memory_space<vmem>>, vector<1x16xf32>,
      %get3A_1361 = arith.index_cast %add3A_1347 : i32 to index
      %get3A_1362 = arith.constant 16 : index
      %get3A_1363 = tpu.vector_load %arg14[%get3A_1361, %get3A_1362] {strides = array<i32>} : memref<320x64xf32, #tpu.memory_space<vmem>>, vector<1x16xf32>,
      %get3A_1364 = vector.shape_cast %get3A_1363 : vector<1x16xf32> to vector<16xf32>
      %mul3A_1365 = vector.broadcast %squeeze3A_1349 : f32 to vector<16xf32>
      %mul3A_1366 = arith.mulf %get3A_1364, %mul3A_1365 : vector<16xf32>
      %swap3A_1367 = arith.index_cast %add3A_1347 : i32 to index
      %swap3A_1368 = arith.constant 16 : index
      %swap3A_1369 = tpu.vector_load %arg14[%swap3A_1367, %swap3A_1368] {strides = array<i32>} : memref<320x64xf32, #tpu.memory_space<vmem>>, vector<1x16xf32>,
      %swap3A_1370 = vector.shape_cast %swap3A_1369 : vector<1x16xf32> to vector<16xf32>
      %swap3A_1371 = vector.shape_cast %mul3A_1366 : vector<16xf32> to vector<1x16xf32>
      tpu.vector_store %arg14[%swap3A_1367, %swap3A_1368], %swap3A_1371 {strides = array<i32>} : memref<320x64xf32, #tpu.memory_space<vmem>>, vector<1x16xf32>,
      %get3A_1372 = arith.index_cast %add3A_1347 : i32 to index
      %get3A_1373 = arith.constant 32 : index
      %get3A_1374 = tpu.vector_load %arg14[%get3A_1372, %get3A_1373] {strides = array<i32>} : memref<320x64xf32, #tpu.memory_space<vmem>>, vector<1x16xf32>,
      %get3A_1375 = vector.shape_cast %get3A_1374 : vector<1x16xf32> to vector<16xf32>
      %mul3A_1376 = vector.broadcast %squeeze3A_1349 : f32 to vector<16xf32>
      %mul3A_1377 = arith.mulf %get3A_1375, %mul3A_1376 : vector<16xf32>
      %swap3A_1378 = arith.index_cast %add3A_1347 : i32 to index
      %swap3A_1379 = arith.constant 32 : index
      %swap3A_1380 = tpu.vector_load %arg14[%swap3A_1378, %swap3A_1379] {strides = array<i32>} : memref<320x64xf32, #tpu.memory_space<vmem>>, vector<1x16xf32>,
      %swap3A_1381 = vector.shape_cast %swap3A_1380 : vector<1x16xf32> to vector<16xf32>
      %swap3A_1382 = vector.shape_cast %mul3A_1377 : vector<16xf32> to vector<1x16xf32>
      tpu.vector_store %arg14[%swap3A_1378, %swap3A_1379], %swap3A_1382 {strides = array<i32>} : memref<320x64xf32, #tpu.memory_space<vmem>>, vector<1x16xf32>,
      %get3A_1383 = arith.index_cast %add3A_1347 : i32 to index
      %get3A_1384 = arith.constant 48 : index
      %get3A_1385 = tpu.vector_load %arg14[%get3A_1383, %get3A_1384] {strides = array<i32>} : memref<320x64xf32, #tpu.memory_space<vmem>>, vector<1x16xf32>,
      %get3A_1386 = vector.shape_cast %get3A_1385 : vector<1x16xf32> to vector<16xf32>
      %mul3A_1387 = vector.broadcast %squeeze3A_1349 : f32 to vector<16xf32>
      %mul3A_1388 = arith.mulf %get3A_1386, %mul3A_1387 : vector<16xf32>
      %swap3A_1389 = arith.index_cast %add3A_1347 : i32 to index
      %swap3A_1390 = arith.constant 48 : index
      %swap3A_1391 = tpu.vector_load %arg14[%swap3A_1389, %swap3A_1390] {strides = array<i32>} : memref<320x64xf32, #tpu.memory_space<vmem>>, vector<1x16xf32>,
      %swap3A_1392 = vector.shape_cast %swap3A_1391 : vector<1x16xf32> to vector<16xf32>
      %swap3A_1393 = vector.shape_cast %mul3A_1388 : vector<16xf32> to vector<1x16xf32>
      tpu.vector_store %arg14[%swap3A_1389, %swap3A_1390], %swap3A_1393 {strides = array<i32>} : memref<320x64xf32, #tpu.memory_space<vmem>>, vector<1x16xf32>,
      %mul3A_1394 = arith.constant 16 : i32
      %mul3A_1395 = arith.muli %scan3A_640, %mul3A_1394 : i32
      %add3A_1396 = arith.constant 15 : i32
      %add3A_1397 = arith.addi %mul3A_1395, %add3A_1396 : i32
      %slice3A_1398 = vector.extract_strided_slice %get3A_645 {offsets = [15], sizes = [1], strides = [1]} : vector<16xf32> to vector<1xf32>
      %squeeze3A_1399 = vector.extract %slice3A_1398[0] : f32 from vector<1xf32>
      %get3A_1400 = arith.index_cast %add3A_1397 : i32 to index
      %get3A_1401 = arith.constant 0 : index
      %get3A_1402 = tpu.vector_load %arg14[%get3A_1400, %get3A_1401] {strides = array<i32>} : memref<320x64xf32, #tpu.memory_space<vmem>>, vector<1x16xf32>,
      %get3A_1403 = vector.shape_cast %get3A_1402 : vector<1x16xf32> to vector<16xf32>
      %mul3A_1404 = vector.broadcast %squeeze3A_1399 : f32 to vector<16xf32>
      %mul3A_1405 = arith.mulf %get3A_1403, %mul3A_1404 : vector<16xf32>
      %swap3A_1406 = arith.index_cast %add3A_1397 : i32 to index
      %swap3A_1407 = arith.constant 0 : index
      %swap3A_1408 = tpu.vector_load %arg14[%swap3A_1406, %swap3A_1407] {strides = array<i32>} : memref<320x64xf32, #tpu.memory_space<vmem>>, vector<1x16xf32>,
      %swap3A_1409 = vector.shape_cast %swap3A_1408 : vector<1x16xf32> to vector<16xf32>
      %swap3A_1410 = vector.shape_cast %mul3A_1405 : vector<16xf32> to vector<1x16xf32>
      tpu.vector_store %arg14[%swap3A_1406, %swap3A_1407], %swap3A_1410 {strides = array<i32>} : memref<320x64xf32, #tpu.memory_space<vmem>>, vector<1x16xf32>,
      %get3A_1411 = arith.index_cast %add3A_1397 : i32 to index
      %get3A_1412 = arith.constant 16 : index
      %get3A_1413 = tpu.vector_load %arg14[%get3A_1411, %get3A_1412] {strides = array<i32>} : memref<320x64xf32, #tpu.memory_space<vmem>>, vector<1x16xf32>,
      %get3A_1414 = vector.shape_cast %get3A_1413 : vector<1x16xf32> to vector<16xf32>
      %mul3A_1415 = vector.broadcast %squeeze3A_1399 : f32 to vector<16xf32>
      %mul3A_1416 = arith.mulf %get3A_1414, %mul3A_1415 : vector<16xf32>
      %swap3A_1417 = arith.index_cast %add3A_1397 : i32 to index
      %swap3A_1418 = arith.constant 16 : index
      %swap3A_1419 = tpu.vector_load %arg14[%swap3A_1417, %swap3A_1418] {strides = array<i32>} : memref<320x64xf32, #tpu.memory_space<vmem>>, vector<1x16xf32>,
      %swap3A_1420 = vector.shape_cast %swap3A_1419 : vector<1x16xf32> to vector<16xf32>
      %swap3A_1421 = vector.shape_cast %mul3A_1416 : vector<16xf32> to vector<1x16xf32>
      tpu.vector_store %arg14[%swap3A_1417, %swap3A_1418], %swap3A_1421 {strides = array<i32>} : memref<320x64xf32, #tpu.memory_space<vmem>>, vector<1x16xf32>,
      %get3A_1422 = arith.index_cast %add3A_1397 : i32 to index
      %get3A_1423 = arith.constant 32 : index
      %get3A_1424 = tpu.vector_load %arg14[%get3A_1422, %get3A_1423] {strides = array<i32>} : memref<320x64xf32, #tpu.memory_space<vmem>>, vector<1x16xf32>,
      %get3A_1425 = vector.shape_cast %get3A_1424 : vector<1x16xf32> to vector<16xf32>
      %mul3A_1426 = vector.broadcast %squeeze3A_1399 : f32 to vector<16xf32>
      %mul3A_1427 = arith.mulf %get3A_1425, %mul3A_1426 : vector<16xf32>
      %swap3A_1428 = arith.index_cast %add3A_1397 : i32 to index
      %swap3A_1429 = arith.constant 32 : index
      %swap3A_1430 = tpu.vector_load %arg14[%swap3A_1428, %swap3A_1429] {strides = array<i32>} : memref<320x64xf32, #tpu.memory_space<vmem>>, vector<1x16xf32>,
      %swap3A_1431 = vector.shape_cast %swap3A_1430 : vector<1x16xf32> to vector<16xf32>
      %swap3A_1432 = vector.shape_cast %mul3A_1427 : vector<16xf32> to vector<1x16xf32>
      tpu.vector_store %arg14[%swap3A_1428, %swap3A_1429], %swap3A_1432 {strides = array<i32>} : memref<320x64xf32, #tpu.memory_space<vmem>>, vector<1x16xf32>,
      %get3A_1433 = arith.index_cast %add3A_1397 : i32 to index
      %get3A_1434 = arith.constant 48 : index
      %get3A_1435 = tpu.vector_load %arg14[%get3A_1433, %get3A_1434] {strides = array<i32>} : memref<320x64xf32, #tpu.memory_space<vmem>>, vector<1x16xf32>,
      %get3A_1436 = vector.shape_cast %get3A_1435 : vector<1x16xf32> to vector<16xf32>
      %mul3A_1437 = vector.broadcast %squeeze3A_1399 : f32 to vector<16xf32>
      %mul3A_1438 = arith.mulf %get3A_1436, %mul3A_1437 : vector<16xf32>
      %swap3A_1439 = arith.index_cast %add3A_1397 : i32 to index
      %swap3A_1440 = arith.constant 48 : index
      %swap3A_1441 = tpu.vector_load %arg14[%swap3A_1439, %swap3A_1440] {strides = array<i32>} : memref<320x64xf32, #tpu.memory_space<vmem>>, vector<1x16xf32>,
      %swap3A_1442 = vector.shape_cast %swap3A_1441 : vector<1x16xf32> to vector<16xf32>
      %swap3A_1443 = vector.shape_cast %mul3A_1438 : vector<16xf32> to vector<1x16xf32>
      tpu.vector_store %arg14[%swap3A_1439, %swap3A_1440], %swap3A_1443 {strides = array<i32>} : memref<320x64xf32, #tpu.memory_space<vmem>>, vector<1x16xf32>,
    }
    %scan3A_362 = arith.constant 20 : i32
    "tpu.region"() ({
      %run_scoped3A_640 = tpu.sem_alloc : memref<!tpu.dma_semaphore, #tpu.memory_space<semaphore_mem>>
      %dma_start3A_641 = arith.constant 0 : i32
      %dma_start3A_642 = arith.constant 0 : i32
      %dma_start3A_643 = tpu.memref_slice %arg7[%arg0, %dma_start3A_641, %dma_start3A_642] : memref<2x10240x64xf32, #tpu.memory_space<hbm>> -> memref<1x10240x64xf32, #tpu.memory_space<hbm>>
      %dma_start3A_644 = tpu.memref_squeeze %dma_start3A_643 : memref<1x10240x64xf32, #tpu.memory_space<hbm>> -> memref<10240x64xf32, #tpu.memory_space<hbm>>
      %dma_start3A_645 = arith.constant 0 : i32
      %dma_start3A_646 = tpu.memref_slice %dma_start3A_644[%add3A_100, %dma_start3A_645] : memref<10240x64xf32, #tpu.memory_space<hbm>> -> memref<320x64xf32, #tpu.memory_space<hbm>>
      %dma_start3A_647 = arith.constant 0 : i32
      %dma_start3A_648 = arith.constant 0 : i32
      %dma_start3A_649 = tpu.memref_slice %arg7[%arg0, %dma_start3A_647, %dma_start3A_648] : memref<2x10240x64xf32, #tpu.memory_space<hbm>> -> memref<1x10240x64xf32, #tpu.memory_space<hbm>>
      %dma_start3A_650 = tpu.memref_squeeze %dma_start3A_649 : memref<1x10240x64xf32, #tpu.memory_space<hbm>> -> memref<10240x64xf32, #tpu.memory_space<hbm>>
      %dma_start3A_651 = arith.constant 0 : i32
      %dma_start3A_652 = tpu.memref_slice %dma_start3A_650[%add3A_100, %dma_start3A_651] : memref<10240x64xf32, #tpu.memory_space<hbm>> -> memref<320x64xf32, #tpu.memory_space<hbm>>
      tpu.enqueue_dma source(%arg14 : memref<320x64xf32, #tpu.memory_space<vmem>>) target(%dma_start3A_652 : memref<320x64xf32, #tpu.memory_space<hbm>>) target_semaphore(%run_scoped3A_640 : memref<!tpu.dma_semaphore, #tpu.memory_space<semaphore_mem>>)
      %dma_wait3A_653 = arith.constant 0 : i32
      %dma_wait3A_654 = arith.constant 0 : i32
      %dma_wait3A_655 = tpu.memref_slice %arg7[%arg0, %dma_wait3A_653, %dma_wait3A_654] : memref<2x10240x64xf32, #tpu.memory_space<hbm>> -> memref<1x10240x64xf32, #tpu.memory_space<hbm>>
      %dma_wait3A_656 = tpu.memref_squeeze %dma_wait3A_655 : memref<1x10240x64xf32, #tpu.memory_space<hbm>> -> memref<10240x64xf32, #tpu.memory_space<hbm>>
      %dma_wait3A_657 = arith.constant 0 : i32
      %dma_wait3A_658 = tpu.memref_slice %dma_wait3A_656[%add3A_100, %dma_wait3A_657] : memref<10240x64xf32, #tpu.memory_space<hbm>> -> memref<320x64xf32, #tpu.memory_space<hbm>>
      %dma_wait3A_659 = arith.constant 0 : i32
      %dma_wait3A_660 = arith.constant 0 : i32
      %dma_wait3A_661 = tpu.memref_slice %arg7[%arg0, %dma_wait3A_659, %dma_wait3A_660] : memref<2x10240x64xf32, #tpu.memory_space<hbm>> -> memref<1x10240x64xf32, #tpu.memory_space<hbm>>
      %dma_wait3A_662 = tpu.memref_squeeze %dma_wait3A_661 : memref<1x10240x64xf32, #tpu.memory_space<hbm>> -> memref<10240x64xf32, #tpu.memory_space<hbm>>
      %dma_wait3A_663 = arith.constant 0 : i32
      %dma_wait3A_664 = tpu.memref_slice %dma_wait3A_662[%add3A_100, %dma_wait3A_663] : memref<10240x64xf32, #tpu.memory_space<hbm>> -> memref<320x64xf32, #tpu.memory_space<hbm>>
      tpu.wait_dma2 semaphore(%run_scoped3A_640 : memref<!tpu.dma_semaphore, #tpu.memory_space<semaphore_mem>>) src(%arg14 : memref<320x64xf32, #tpu.memory_space<vmem>>) dst(%dma_wait3A_664 : memref<320x64xf32, #tpu.memory_space<hbm>>)
      tpu.yield
    }) : () -> ()
    %eq3A = arith.constant 0 : i32
    %eq3A_363 = arith.cmpi eq, %arg0, %eq3A : i32
    %convert_element_type3A = arith.extui %eq3A_363 : i1 to i32
    %cond3A = arith.constant 0 : i32
    %cond3A_364 = arith.cmpi ne, %convert_element_type3A, %cond3A : i32
    scf.if %cond3A_364 {
      "tpu.region"() ({
        %run_scoped3A_640 = tpu.sem_alloc : memref<!tpu.dma_semaphore, #tpu.memory_space<semaphore_mem>>
        %dma_start3A_641 = tpu.memref_slice %arg8[%add3A_100] : memref<10240xf32, #tpu.memory_space<hbm>> -> memref<320xf32, #tpu.memory_space<hbm>>
        %dma_start3A_642 = tpu.memref_slice %arg8[%add3A_100] : memref<10240xf32, #tpu.memory_space<hbm>> -> memref<320xf32, #tpu.memory_space<hbm>>
        tpu.enqueue_dma source(%arg16 : memref<320xf32, #tpu.memory_space<vmem>>) target(%dma_start3A_642 : memref<320xf32, #tpu.memory_space<hbm>>) target_semaphore(%run_scoped3A_640 : memref<!tpu.dma_semaphore, #tpu.memory_space<semaphore_mem>>)
        %dma_wait3A_643 = tpu.memref_slice %arg8[%add3A_100] : memref<10240xf32, #tpu.memory_space<hbm>> -> memref<320xf32, #tpu.memory_space<hbm>>
        %dma_wait3A_644 = tpu.memref_slice %arg8[%add3A_100] : memref<10240xf32, #tpu.memory_space<hbm>> -> memref<320xf32, #tpu.memory_space<hbm>>
        tpu.wait_dma2 semaphore(%run_scoped3A_640 : memref<!tpu.dma_semaphore, #tpu.memory_space<semaphore_mem>>) src(%arg16 : memref<320xf32, #tpu.memory_space<vmem>>) dst(%dma_wait3A_644 : memref<320xf32, #tpu.memory_space<hbm>>)
        tpu.yield
      }) : () -> ()
    } else {
    }
    %mul3A_365 = arith.constant 640 : i32
    %mul3A_366 = arith.muli %arg1, %mul3A_365 : i32
    %add3A_367 = arith.constant 320 : i32
    %add3A_368 = arith.addi %mul3A_366, %add3A_367 : i32
    "tpu.region"() ({
      %run_scoped3A_640 = tpu.sem_alloc : memref<!tpu.dma_semaphore, #tpu.memory_space<semaphore_mem>>
      %dma_start3A_641 = arith.constant 0 : i32
      %dma_start3A_642 = tpu.memref_slice %arg17[%add3A_368, %dma_start3A_641] : memref<10240x64xf32, #tpu.memory_space<vmem_shared>> -> memref<320x64xf32, #tpu.memory_space<vmem_shared>>
      %dma_start3A_643 = arith.constant 0 : i32
      %dma_start3A_644 = tpu.memref_slice %arg17[%add3A_368, %dma_start3A_643] : memref<10240x64xf32, #tpu.memory_space<vmem_shared>> -> memref<320x64xf32, #tpu.memory_space<vmem_shared>>
      tpu.enqueue_dma source(%dma_start3A_644 : memref<320x64xf32, #tpu.memory_space<vmem_shared>>) target(%arg14 : memref<320x64xf32, #tpu.memory_space<vmem>>) target_semaphore(%run_scoped3A_640 : memref<!tpu.dma_semaphore, #tpu.memory_space<semaphore_mem>>)
      %dma_wait3A_645 = arith.constant 0 : i32
      %dma_wait3A_646 = tpu.memref_slice %arg17[%add3A_368, %dma_wait3A_645] : memref<10240x64xf32, #tpu.memory_space<vmem_shared>> -> memref<320x64xf32, #tpu.memory_space<vmem_shared>>
      %dma_wait3A_647 = arith.constant 0 : i32
      %dma_wait3A_648 = tpu.memref_slice %arg17[%add3A_368, %dma_wait3A_647] : memref<10240x64xf32, #tpu.memory_space<vmem_shared>> -> memref<320x64xf32, #tpu.memory_space<vmem_shared>>
      tpu.wait_dma2 semaphore(%run_scoped3A_640 : memref<!tpu.dma_semaphore, #tpu.memory_space<semaphore_mem>>) src(%dma_wait3A_648 : memref<320x64xf32, #tpu.memory_space<vmem_shared>>) dst(%arg14 : memref<320x64xf32, #tpu.memory_space<vmem>>)
      tpu.yield
    }) : () -> ()
    "tpu.region"() ({
      %run_scoped3A_640 = tpu.sem_alloc : memref<!tpu.dma_semaphore, #tpu.memory_space<semaphore_mem>>
      %dma_start3A_641 = tpu.memref_slice %arg18[%add3A_368] : memref<10240xf32, #tpu.memory_space<vmem_shared>> -> memref<320xf32, #tpu.memory_space<vmem_shared>>
      %dma_start3A_642 = tpu.memref_slice %arg18[%add3A_368] : memref<10240xf32, #tpu.memory_space<vmem_shared>> -> memref<320xf32, #tpu.memory_space<vmem_shared>>
      tpu.enqueue_dma source(%dma_start3A_642 : memref<320xf32, #tpu.memory_space<vmem_shared>>) target(%arg15 : memref<320xf32, #tpu.memory_space<vmem>>) target_semaphore(%run_scoped3A_640 : memref<!tpu.dma_semaphore, #tpu.memory_space<semaphore_mem>>)
      %dma_wait3A_643 = tpu.memref_slice %arg18[%add3A_368] : memref<10240xf32, #tpu.memory_space<vmem_shared>> -> memref<320xf32, #tpu.memory_space<vmem_shared>>
      %dma_wait3A_644 = tpu.memref_slice %arg18[%add3A_368] : memref<10240xf32, #tpu.memory_space<vmem_shared>> -> memref<320xf32, #tpu.memory_space<vmem_shared>>
      tpu.wait_dma2 semaphore(%run_scoped3A_640 : memref<!tpu.dma_semaphore, #tpu.memory_space<semaphore_mem>>) src(%dma_wait3A_644 : memref<320xf32, #tpu.memory_space<vmem_shared>>) dst(%arg15 : memref<320xf32, #tpu.memory_space<vmem>>)
      tpu.yield
    }) : () -> ()
    %get3A_369 = arith.constant 0 : index
    %get3A_370 = tpu.vector_load %arg15[%get3A_369] {strides = array<i32>} : memref<320xf32, #tpu.memory_space<vmem>>, vector<16xf32>,
    %get3A_371 = vector.shape_cast %get3A_370 : vector<16xf32> to vector<16xf32>
    %max3A_372 = arith.constant 1.000000e+00 : f32
    %max3A_373 = vector.broadcast %max3A_372 : f32 to vector<16xf32>
    %max3A_374 = arith.maximumf %get3A_371, %max3A_373 : vector<16xf32>
    %div3A_375 = arith.constant 1.000000e+00 : f32
    %div3A_376 = vector.broadcast %div3A_375 : f32 to vector<16xf32>
    %div3A_377 = arith.divf %div3A_376, %max3A_374 : vector<16xf32>
    %swap3A_378 = arith.constant 0 : index
    %swap3A_379 = tpu.vector_load %arg16[%swap3A_378] {strides = array<i32>} : memref<320xf32, #tpu.memory_space<vmem>>, vector<16xf32>,
    %swap3A_380 = vector.shape_cast %swap3A_379 : vector<16xf32> to vector<16xf32>
    %swap3A_381 = vector.shape_cast %div3A_377 : vector<16xf32> to vector<16xf32>
    tpu.vector_store %arg16[%swap3A_378], %swap3A_381 {strides = array<i32>} : memref<320xf32, #tpu.memory_space<vmem>>, vector<16xf32>,
    %get3A_382 = arith.constant 16 : index
    %get3A_383 = tpu.vector_load %arg15[%get3A_382] {strides = array<i32>} : memref<320xf32, #tpu.memory_space<vmem>>, vector<16xf32>,
    %get3A_384 = vector.shape_cast %get3A_383 : vector<16xf32> to vector<16xf32>
    %max3A_385 = arith.constant 1.000000e+00 : f32
    %max3A_386 = vector.broadcast %max3A_385 : f32 to vector<16xf32>
    %max3A_387 = arith.maximumf %get3A_384, %max3A_386 : vector<16xf32>
    %div3A_388 = arith.constant 1.000000e+00 : f32
    %div3A_389 = vector.broadcast %div3A_388 : f32 to vector<16xf32>
    %div3A_390 = arith.divf %div3A_389, %max3A_387 : vector<16xf32>
    %swap3A_391 = arith.constant 16 : index
    %swap3A_392 = tpu.vector_load %arg16[%swap3A_391] {strides = array<i32>} : memref<320xf32, #tpu.memory_space<vmem>>, vector<16xf32>,
    %swap3A_393 = vector.shape_cast %swap3A_392 : vector<16xf32> to vector<16xf32>
    %swap3A_394 = vector.shape_cast %div3A_390 : vector<16xf32> to vector<16xf32>
    tpu.vector_store %arg16[%swap3A_391], %swap3A_394 {strides = array<i32>} : memref<320xf32, #tpu.memory_space<vmem>>, vector<16xf32>,
    %get3A_395 = arith.constant 32 : index
    %get3A_396 = tpu.vector_load %arg15[%get3A_395] {strides = array<i32>} : memref<320xf32, #tpu.memory_space<vmem>>, vector<16xf32>,
    %get3A_397 = vector.shape_cast %get3A_396 : vector<16xf32> to vector<16xf32>
    %max3A_398 = arith.constant 1.000000e+00 : f32
    %max3A_399 = vector.broadcast %max3A_398 : f32 to vector<16xf32>
    %max3A_400 = arith.maximumf %get3A_397, %max3A_399 : vector<16xf32>
    %div3A_401 = arith.constant 1.000000e+00 : f32
    %div3A_402 = vector.broadcast %div3A_401 : f32 to vector<16xf32>
    %div3A_403 = arith.divf %div3A_402, %max3A_400 : vector<16xf32>
    %swap3A_404 = arith.constant 32 : index
    %swap3A_405 = tpu.vector_load %arg16[%swap3A_404] {strides = array<i32>} : memref<320xf32, #tpu.memory_space<vmem>>, vector<16xf32>,
    %swap3A_406 = vector.shape_cast %swap3A_405 : vector<16xf32> to vector<16xf32>
    %swap3A_407 = vector.shape_cast %div3A_403 : vector<16xf32> to vector<16xf32>
    tpu.vector_store %arg16[%swap3A_404], %swap3A_407 {strides = array<i32>} : memref<320xf32, #tpu.memory_space<vmem>>, vector<16xf32>,
    %get3A_408 = arith.constant 48 : index
    %get3A_409 = tpu.vector_load %arg15[%get3A_408] {strides = array<i32>} : memref<320xf32, #tpu.memory_space<vmem>>, vector<16xf32>,
    %get3A_410 = vector.shape_cast %get3A_409 : vector<16xf32> to vector<16xf32>
    %max3A_411 = arith.constant 1.000000e+00 : f32
    %max3A_412 = vector.broadcast %max3A_411 : f32 to vector<16xf32>
    %max3A_413 = arith.maximumf %get3A_410, %max3A_412 : vector<16xf32>
    %div3A_414 = arith.constant 1.000000e+00 : f32
    %div3A_415 = vector.broadcast %div3A_414 : f32 to vector<16xf32>
    %div3A_416 = arith.divf %div3A_415, %max3A_413 : vector<16xf32>
    %swap3A_417 = arith.constant 48 : index
    %swap3A_418 = tpu.vector_load %arg16[%swap3A_417] {strides = array<i32>} : memref<320xf32, #tpu.memory_space<vmem>>, vector<16xf32>,
    %swap3A_419 = vector.shape_cast %swap3A_418 : vector<16xf32> to vector<16xf32>
    %swap3A_420 = vector.shape_cast %div3A_416 : vector<16xf32> to vector<16xf32>
    tpu.vector_store %arg16[%swap3A_417], %swap3A_420 {strides = array<i32>} : memref<320xf32, #tpu.memory_space<vmem>>, vector<16xf32>,
    %get3A_421 = arith.constant 64 : index
    %get3A_422 = tpu.vector_load %arg15[%get3A_421] {strides = array<i32>} : memref<320xf32, #tpu.memory_space<vmem>>, vector<16xf32>,
    %get3A_423 = vector.shape_cast %get3A_422 : vector<16xf32> to vector<16xf32>
    %max3A_424 = arith.constant 1.000000e+00 : f32
    %max3A_425 = vector.broadcast %max3A_424 : f32 to vector<16xf32>
    %max3A_426 = arith.maximumf %get3A_423, %max3A_425 : vector<16xf32>
    %div3A_427 = arith.constant 1.000000e+00 : f32
    %div3A_428 = vector.broadcast %div3A_427 : f32 to vector<16xf32>
    %div3A_429 = arith.divf %div3A_428, %max3A_426 : vector<16xf32>
    %swap3A_430 = arith.constant 64 : index
    %swap3A_431 = tpu.vector_load %arg16[%swap3A_430] {strides = array<i32>} : memref<320xf32, #tpu.memory_space<vmem>>, vector<16xf32>,
    %swap3A_432 = vector.shape_cast %swap3A_431 : vector<16xf32> to vector<16xf32>
    %swap3A_433 = vector.shape_cast %div3A_429 : vector<16xf32> to vector<16xf32>
    tpu.vector_store %arg16[%swap3A_430], %swap3A_433 {strides = array<i32>} : memref<320xf32, #tpu.memory_space<vmem>>, vector<16xf32>,
    %get3A_434 = arith.constant 80 : index
    %get3A_435 = tpu.vector_load %arg15[%get3A_434] {strides = array<i32>} : memref<320xf32, #tpu.memory_space<vmem>>, vector<16xf32>,
    %get3A_436 = vector.shape_cast %get3A_435 : vector<16xf32> to vector<16xf32>
    %max3A_437 = arith.constant 1.000000e+00 : f32
    %max3A_438 = vector.broadcast %max3A_437 : f32 to vector<16xf32>
    %max3A_439 = arith.maximumf %get3A_436, %max3A_438 : vector<16xf32>
    %div3A_440 = arith.constant 1.000000e+00 : f32
    %div3A_441 = vector.broadcast %div3A_440 : f32 to vector<16xf32>
    %div3A_442 = arith.divf %div3A_441, %max3A_439 : vector<16xf32>
    %swap3A_443 = arith.constant 80 : index
    %swap3A_444 = tpu.vector_load %arg16[%swap3A_443] {strides = array<i32>} : memref<320xf32, #tpu.memory_space<vmem>>, vector<16xf32>,
    %swap3A_445 = vector.shape_cast %swap3A_444 : vector<16xf32> to vector<16xf32>
    %swap3A_446 = vector.shape_cast %div3A_442 : vector<16xf32> to vector<16xf32>
    tpu.vector_store %arg16[%swap3A_443], %swap3A_446 {strides = array<i32>} : memref<320xf32, #tpu.memory_space<vmem>>, vector<16xf32>,
    %get3A_447 = arith.constant 96 : index
    %get3A_448 = tpu.vector_load %arg15[%get3A_447] {strides = array<i32>} : memref<320xf32, #tpu.memory_space<vmem>>, vector<16xf32>,
    %get3A_449 = vector.shape_cast %get3A_448 : vector<16xf32> to vector<16xf32>
    %max3A_450 = arith.constant 1.000000e+00 : f32
    %max3A_451 = vector.broadcast %max3A_450 : f32 to vector<16xf32>
    %max3A_452 = arith.maximumf %get3A_449, %max3A_451 : vector<16xf32>
    %div3A_453 = arith.constant 1.000000e+00 : f32
    %div3A_454 = vector.broadcast %div3A_453 : f32 to vector<16xf32>
    %div3A_455 = arith.divf %div3A_454, %max3A_452 : vector<16xf32>
    %swap3A_456 = arith.constant 96 : index
    %swap3A_457 = tpu.vector_load %arg16[%swap3A_456] {strides = array<i32>} : memref<320xf32, #tpu.memory_space<vmem>>, vector<16xf32>,
    %swap3A_458 = vector.shape_cast %swap3A_457 : vector<16xf32> to vector<16xf32>
    %swap3A_459 = vector.shape_cast %div3A_455 : vector<16xf32> to vector<16xf32>
    tpu.vector_store %arg16[%swap3A_456], %swap3A_459 {strides = array<i32>} : memref<320xf32, #tpu.memory_space<vmem>>, vector<16xf32>,
    %get3A_460 = arith.constant 112 : index
    %get3A_461 = tpu.vector_load %arg15[%get3A_460] {strides = array<i32>} : memref<320xf32, #tpu.memory_space<vmem>>, vector<16xf32>,
    %get3A_462 = vector.shape_cast %get3A_461 : vector<16xf32> to vector<16xf32>
    %max3A_463 = arith.constant 1.000000e+00 : f32
    %max3A_464 = vector.broadcast %max3A_463 : f32 to vector<16xf32>
    %max3A_465 = arith.maximumf %get3A_462, %max3A_464 : vector<16xf32>
    %div3A_466 = arith.constant 1.000000e+00 : f32
    %div3A_467 = vector.broadcast %div3A_466 : f32 to vector<16xf32>
    %div3A_468 = arith.divf %div3A_467, %max3A_465 : vector<16xf32>
    %swap3A_469 = arith.constant 112 : index
    %swap3A_470 = tpu.vector_load %arg16[%swap3A_469] {strides = array<i32>} : memref<320xf32, #tpu.memory_space<vmem>>, vector<16xf32>,
    %swap3A_471 = vector.shape_cast %swap3A_470 : vector<16xf32> to vector<16xf32>
    %swap3A_472 = vector.shape_cast %div3A_468 : vector<16xf32> to vector<16xf32>
    tpu.vector_store %arg16[%swap3A_469], %swap3A_472 {strides = array<i32>} : memref<320xf32, #tpu.memory_space<vmem>>, vector<16xf32>,
    %get3A_473 = arith.constant 128 : index
    %get3A_474 = tpu.vector_load %arg15[%get3A_473] {strides = array<i32>} : memref<320xf32, #tpu.memory_space<vmem>>, vector<16xf32>,
    %get3A_475 = vector.shape_cast %get3A_474 : vector<16xf32> to vector<16xf32>
    %max3A_476 = arith.constant 1.000000e+00 : f32
    %max3A_477 = vector.broadcast %max3A_476 : f32 to vector<16xf32>
    %max3A_478 = arith.maximumf %get3A_475, %max3A_477 : vector<16xf32>
    %div3A_479 = arith.constant 1.000000e+00 : f32
    %div3A_480 = vector.broadcast %div3A_479 : f32 to vector<16xf32>
    %div3A_481 = arith.divf %div3A_480, %max3A_478 : vector<16xf32>
    %swap3A_482 = arith.constant 128 : index
    %swap3A_483 = tpu.vector_load %arg16[%swap3A_482] {strides = array<i32>} : memref<320xf32, #tpu.memory_space<vmem>>, vector<16xf32>,
    %swap3A_484 = vector.shape_cast %swap3A_483 : vector<16xf32> to vector<16xf32>
    %swap3A_485 = vector.shape_cast %div3A_481 : vector<16xf32> to vector<16xf32>
    tpu.vector_store %arg16[%swap3A_482], %swap3A_485 {strides = array<i32>} : memref<320xf32, #tpu.memory_space<vmem>>, vector<16xf32>,
    %get3A_486 = arith.constant 144 : index
    %get3A_487 = tpu.vector_load %arg15[%get3A_486] {strides = array<i32>} : memref<320xf32, #tpu.memory_space<vmem>>, vector<16xf32>,
    %get3A_488 = vector.shape_cast %get3A_487 : vector<16xf32> to vector<16xf32>
    %max3A_489 = arith.constant 1.000000e+00 : f32
    %max3A_490 = vector.broadcast %max3A_489 : f32 to vector<16xf32>
    %max3A_491 = arith.maximumf %get3A_488, %max3A_490 : vector<16xf32>
    %div3A_492 = arith.constant 1.000000e+00 : f32
    %div3A_493 = vector.broadcast %div3A_492 : f32 to vector<16xf32>
    %div3A_494 = arith.divf %div3A_493, %max3A_491 : vector<16xf32>
    %swap3A_495 = arith.constant 144 : index
    %swap3A_496 = tpu.vector_load %arg16[%swap3A_495] {strides = array<i32>} : memref<320xf32, #tpu.memory_space<vmem>>, vector<16xf32>,
    %swap3A_497 = vector.shape_cast %swap3A_496 : vector<16xf32> to vector<16xf32>
    %swap3A_498 = vector.shape_cast %div3A_494 : vector<16xf32> to vector<16xf32>
    tpu.vector_store %arg16[%swap3A_495], %swap3A_498 {strides = array<i32>} : memref<320xf32, #tpu.memory_space<vmem>>, vector<16xf32>,
    %get3A_499 = arith.constant 160 : index
    %get3A_500 = tpu.vector_load %arg15[%get3A_499] {strides = array<i32>} : memref<320xf32, #tpu.memory_space<vmem>>, vector<16xf32>,
    %get3A_501 = vector.shape_cast %get3A_500 : vector<16xf32> to vector<16xf32>
    %max3A_502 = arith.constant 1.000000e+00 : f32
    %max3A_503 = vector.broadcast %max3A_502 : f32 to vector<16xf32>
    %max3A_504 = arith.maximumf %get3A_501, %max3A_503 : vector<16xf32>
    %div3A_505 = arith.constant 1.000000e+00 : f32
    %div3A_506 = vector.broadcast %div3A_505 : f32 to vector<16xf32>
    %div3A_507 = arith.divf %div3A_506, %max3A_504 : vector<16xf32>
    %swap3A_508 = arith.constant 160 : index
    %swap3A_509 = tpu.vector_load %arg16[%swap3A_508] {strides = array<i32>} : memref<320xf32, #tpu.memory_space<vmem>>, vector<16xf32>,
    %swap3A_510 = vector.shape_cast %swap3A_509 : vector<16xf32> to vector<16xf32>
    %swap3A_511 = vector.shape_cast %div3A_507 : vector<16xf32> to vector<16xf32>
    tpu.vector_store %arg16[%swap3A_508], %swap3A_511 {strides = array<i32>} : memref<320xf32, #tpu.memory_space<vmem>>, vector<16xf32>,
    %get3A_512 = arith.constant 176 : index
    %get3A_513 = tpu.vector_load %arg15[%get3A_512] {strides = array<i32>} : memref<320xf32, #tpu.memory_space<vmem>>, vector<16xf32>,
    %get3A_514 = vector.shape_cast %get3A_513 : vector<16xf32> to vector<16xf32>
    %max3A_515 = arith.constant 1.000000e+00 : f32
    %max3A_516 = vector.broadcast %max3A_515 : f32 to vector<16xf32>
    %max3A_517 = arith.maximumf %get3A_514, %max3A_516 : vector<16xf32>
    %div3A_518 = arith.constant 1.000000e+00 : f32
    %div3A_519 = vector.broadcast %div3A_518 : f32 to vector<16xf32>
    %div3A_520 = arith.divf %div3A_519, %max3A_517 : vector<16xf32>
    %swap3A_521 = arith.constant 176 : index
    %swap3A_522 = tpu.vector_load %arg16[%swap3A_521] {strides = array<i32>} : memref<320xf32, #tpu.memory_space<vmem>>, vector<16xf32>,
    %swap3A_523 = vector.shape_cast %swap3A_522 : vector<16xf32> to vector<16xf32>
    %swap3A_524 = vector.shape_cast %div3A_520 : vector<16xf32> to vector<16xf32>
    tpu.vector_store %arg16[%swap3A_521], %swap3A_524 {strides = array<i32>} : memref<320xf32, #tpu.memory_space<vmem>>, vector<16xf32>,
    %get3A_525 = arith.constant 192 : index
    %get3A_526 = tpu.vector_load %arg15[%get3A_525] {strides = array<i32>} : memref<320xf32, #tpu.memory_space<vmem>>, vector<16xf32>,
    %get3A_527 = vector.shape_cast %get3A_526 : vector<16xf32> to vector<16xf32>
    %max3A_528 = arith.constant 1.000000e+00 : f32
    %max3A_529 = vector.broadcast %max3A_528 : f32 to vector<16xf32>
    %max3A_530 = arith.maximumf %get3A_527, %max3A_529 : vector<16xf32>
    %div3A_531 = arith.constant 1.000000e+00 : f32
    %div3A_532 = vector.broadcast %div3A_531 : f32 to vector<16xf32>
    %div3A_533 = arith.divf %div3A_532, %max3A_530 : vector<16xf32>
    %swap3A_534 = arith.constant 192 : index
    %swap3A_535 = tpu.vector_load %arg16[%swap3A_534] {strides = array<i32>} : memref<320xf32, #tpu.memory_space<vmem>>, vector<16xf32>,
    %swap3A_536 = vector.shape_cast %swap3A_535 : vector<16xf32> to vector<16xf32>
    %swap3A_537 = vector.shape_cast %div3A_533 : vector<16xf32> to vector<16xf32>
    tpu.vector_store %arg16[%swap3A_534], %swap3A_537 {strides = array<i32>} : memref<320xf32, #tpu.memory_space<vmem>>, vector<16xf32>,
    %get3A_538 = arith.constant 208 : index
    %get3A_539 = tpu.vector_load %arg15[%get3A_538] {strides = array<i32>} : memref<320xf32, #tpu.memory_space<vmem>>, vector<16xf32>,
    %get3A_540 = vector.shape_cast %get3A_539 : vector<16xf32> to vector<16xf32>
    %max3A_541 = arith.constant 1.000000e+00 : f32
    %max3A_542 = vector.broadcast %max3A_541 : f32 to vector<16xf32>
    %max3A_543 = arith.maximumf %get3A_540, %max3A_542 : vector<16xf32>
    %div3A_544 = arith.constant 1.000000e+00 : f32
    %div3A_545 = vector.broadcast %div3A_544 : f32 to vector<16xf32>
    %div3A_546 = arith.divf %div3A_545, %max3A_543 : vector<16xf32>
    %swap3A_547 = arith.constant 208 : index
    %swap3A_548 = tpu.vector_load %arg16[%swap3A_547] {strides = array<i32>} : memref<320xf32, #tpu.memory_space<vmem>>, vector<16xf32>,
    %swap3A_549 = vector.shape_cast %swap3A_548 : vector<16xf32> to vector<16xf32>
    %swap3A_550 = vector.shape_cast %div3A_546 : vector<16xf32> to vector<16xf32>
    tpu.vector_store %arg16[%swap3A_547], %swap3A_550 {strides = array<i32>} : memref<320xf32, #tpu.memory_space<vmem>>, vector<16xf32>,
    %get3A_551 = arith.constant 224 : index
    %get3A_552 = tpu.vector_load %arg15[%get3A_551] {strides = array<i32>} : memref<320xf32, #tpu.memory_space<vmem>>, vector<16xf32>,
    %get3A_553 = vector.shape_cast %get3A_552 : vector<16xf32> to vector<16xf32>
    %max3A_554 = arith.constant 1.000000e+00 : f32
    %max3A_555 = vector.broadcast %max3A_554 : f32 to vector<16xf32>
    %max3A_556 = arith.maximumf %get3A_553, %max3A_555 : vector<16xf32>
    %div3A_557 = arith.constant 1.000000e+00 : f32
    %div3A_558 = vector.broadcast %div3A_557 : f32 to vector<16xf32>
    %div3A_559 = arith.divf %div3A_558, %max3A_556 : vector<16xf32>
    %swap3A_560 = arith.constant 224 : index
    %swap3A_561 = tpu.vector_load %arg16[%swap3A_560] {strides = array<i32>} : memref<320xf32, #tpu.memory_space<vmem>>, vector<16xf32>,
    %swap3A_562 = vector.shape_cast %swap3A_561 : vector<16xf32> to vector<16xf32>
    %swap3A_563 = vector.shape_cast %div3A_559 : vector<16xf32> to vector<16xf32>
    tpu.vector_store %arg16[%swap3A_560], %swap3A_563 {strides = array<i32>} : memref<320xf32, #tpu.memory_space<vmem>>, vector<16xf32>,
    %get3A_564 = arith.constant 240 : index
    %get3A_565 = tpu.vector_load %arg15[%get3A_564] {strides = array<i32>} : memref<320xf32, #tpu.memory_space<vmem>>, vector<16xf32>,
    %get3A_566 = vector.shape_cast %get3A_565 : vector<16xf32> to vector<16xf32>
    %max3A_567 = arith.constant 1.000000e+00 : f32
    %max3A_568 = vector.broadcast %max3A_567 : f32 to vector<16xf32>
    %max3A_569 = arith.maximumf %get3A_566, %max3A_568 : vector<16xf32>
    %div3A_570 = arith.constant 1.000000e+00 : f32
    %div3A_571 = vector.broadcast %div3A_570 : f32 to vector<16xf32>
    %div3A_572 = arith.divf %div3A_571, %max3A_569 : vector<16xf32>
    %swap3A_573 = arith.constant 240 : index
    %swap3A_574 = tpu.vector_load %arg16[%swap3A_573] {strides = array<i32>} : memref<320xf32, #tpu.memory_space<vmem>>, vector<16xf32>,
    %swap3A_575 = vector.shape_cast %swap3A_574 : vector<16xf32> to vector<16xf32>
    %swap3A_576 = vector.shape_cast %div3A_572 : vector<16xf32> to vector<16xf32>
    tpu.vector_store %arg16[%swap3A_573], %swap3A_576 {strides = array<i32>} : memref<320xf32, #tpu.memory_space<vmem>>, vector<16xf32>,
    %get3A_577 = arith.constant 256 : index
    %get3A_578 = tpu.vector_load %arg15[%get3A_577] {strides = array<i32>} : memref<320xf32, #tpu.memory_space<vmem>>, vector<16xf32>,
    %get3A_579 = vector.shape_cast %get3A_578 : vector<16xf32> to vector<16xf32>
    %max3A_580 = arith.constant 1.000000e+00 : f32
    %max3A_581 = vector.broadcast %max3A_580 : f32 to vector<16xf32>
    %max3A_582 = arith.maximumf %get3A_579, %max3A_581 : vector<16xf32>
    %div3A_583 = arith.constant 1.000000e+00 : f32
    %div3A_584 = vector.broadcast %div3A_583 : f32 to vector<16xf32>
    %div3A_585 = arith.divf %div3A_584, %max3A_582 : vector<16xf32>
    %swap3A_586 = arith.constant 256 : index
    %swap3A_587 = tpu.vector_load %arg16[%swap3A_586] {strides = array<i32>} : memref<320xf32, #tpu.memory_space<vmem>>, vector<16xf32>,
    %swap3A_588 = vector.shape_cast %swap3A_587 : vector<16xf32> to vector<16xf32>
    %swap3A_589 = vector.shape_cast %div3A_585 : vector<16xf32> to vector<16xf32>
    tpu.vector_store %arg16[%swap3A_586], %swap3A_589 {strides = array<i32>} : memref<320xf32, #tpu.memory_space<vmem>>, vector<16xf32>,
    %get3A_590 = arith.constant 272 : index
    %get3A_591 = tpu.vector_load %arg15[%get3A_590] {strides = array<i32>} : memref<320xf32, #tpu.memory_space<vmem>>, vector<16xf32>,
    %get3A_592 = vector.shape_cast %get3A_591 : vector<16xf32> to vector<16xf32>
    %max3A_593 = arith.constant 1.000000e+00 : f32
    %max3A_594 = vector.broadcast %max3A_593 : f32 to vector<16xf32>
    %max3A_595 = arith.maximumf %get3A_592, %max3A_594 : vector<16xf32>
    %div3A_596 = arith.constant 1.000000e+00 : f32
    %div3A_597 = vector.broadcast %div3A_596 : f32 to vector<16xf32>
    %div3A_598 = arith.divf %div3A_597, %max3A_595 : vector<16xf32>
    %swap3A_599 = arith.constant 272 : index
    %swap3A_600 = tpu.vector_load %arg16[%swap3A_599] {strides = array<i32>} : memref<320xf32, #tpu.memory_space<vmem>>, vector<16xf32>,
    %swap3A_601 = vector.shape_cast %swap3A_600 : vector<16xf32> to vector<16xf32>
    %swap3A_602 = vector.shape_cast %div3A_598 : vector<16xf32> to vector<16xf32>
    tpu.vector_store %arg16[%swap3A_599], %swap3A_602 {strides = array<i32>} : memref<320xf32, #tpu.memory_space<vmem>>, vector<16xf32>,
    %get3A_603 = arith.constant 288 : index
    %get3A_604 = tpu.vector_load %arg15[%get3A_603] {strides = array<i32>} : memref<320xf32, #tpu.memory_space<vmem>>, vector<16xf32>,
    %get3A_605 = vector.shape_cast %get3A_604 : vector<16xf32> to vector<16xf32>
    %max3A_606 = arith.constant 1.000000e+00 : f32
    %max3A_607 = vector.broadcast %max3A_606 : f32 to vector<16xf32>
    %max3A_608 = arith.maximumf %get3A_605, %max3A_607 : vector<16xf32>
    %div3A_609 = arith.constant 1.000000e+00 : f32
    %div3A_610 = vector.broadcast %div3A_609 : f32 to vector<16xf32>
    %div3A_611 = arith.divf %div3A_610, %max3A_608 : vector<16xf32>
    %swap3A_612 = arith.constant 288 : index
    %swap3A_613 = tpu.vector_load %arg16[%swap3A_612] {strides = array<i32>} : memref<320xf32, #tpu.memory_space<vmem>>, vector<16xf32>,
    %swap3A_614 = vector.shape_cast %swap3A_613 : vector<16xf32> to vector<16xf32>
    %swap3A_615 = vector.shape_cast %div3A_611 : vector<16xf32> to vector<16xf32>
    tpu.vector_store %arg16[%swap3A_612], %swap3A_615 {strides = array<i32>} : memref<320xf32, #tpu.memory_space<vmem>>, vector<16xf32>,
    %get3A_616 = arith.constant 304 : index
    %get3A_617 = tpu.vector_load %arg15[%get3A_616] {strides = array<i32>} : memref<320xf32, #tpu.memory_space<vmem>>, vector<16xf32>,
    %get3A_618 = vector.shape_cast %get3A_617 : vector<16xf32> to vector<16xf32>
    %max3A_619 = arith.constant 1.000000e+00 : f32
    %max3A_620 = vector.broadcast %max3A_619 : f32 to vector<16xf32>
    %max3A_621 = arith.maximumf %get3A_618, %max3A_620 : vector<16xf32>
    %div3A_622 = arith.constant 1.000000e+00 : f32
    %div3A_623 = vector.broadcast %div3A_622 : f32 to vector<16xf32>
    %div3A_624 = arith.divf %div3A_623, %max3A_621 : vector<16xf32>
    %swap3A_625 = arith.constant 304 : index
    %swap3A_626 = tpu.vector_load %arg16[%swap3A_625] {strides = array<i32>} : memref<320xf32, #tpu.memory_space<vmem>>, vector<16xf32>,
    %swap3A_627 = vector.shape_cast %swap3A_626 : vector<16xf32> to vector<16xf32>
    %swap3A_628 = vector.shape_cast %div3A_624 : vector<16xf32> to vector<16xf32>
    tpu.vector_store %arg16[%swap3A_625], %swap3A_628 {strides = array<i32>} : memref<320xf32, #tpu.memory_space<vmem>>, vector<16xf32>,
    %scan3A_629 = arith.constant 0 : i32
    %scan3A_630 = arith.constant 0 : i32
    %scan3A_631 = arith.constant 20 : i32
    %scan3A_632 = arith.addi %scan3A_630, %scan3A_631 : i32
    %scan3A_633 = arith.constant 1 : i32
    scf.for %scan3A_640 = %scan3A_630 to %scan3A_632 step %scan3A_633  : i32 {
      %mul3A_641 = arith.constant 16 : i32
      %mul3A_642 = arith.muli %scan3A_640, %mul3A_641 : i32
      %get3A_643 = arith.index_cast %mul3A_642 : i32 to index
      %get3A_644 = tpu.vector_load %arg16[%get3A_643] {strides = array<i32>} : memref<320xf32, #tpu.memory_space<vmem>>, vector<16xf32>,
      %get3A_645 = vector.shape_cast %get3A_644 : vector<16xf32> to vector<16xf32>
      %mul3A_646 = arith.constant 16 : i32
      %mul3A_647 = arith.muli %scan3A_640, %mul3A_646 : i32
      %add3A_648 = arith.constant 0 : i32
      %add3A_649 = arith.addi %mul3A_647, %add3A_648 : i32
      %slice3A = vector.extract_strided_slice %get3A_645 {offsets = [0], sizes = [1], strides = [1]} : vector<16xf32> to vector<1xf32>
      %squeeze3A = vector.extract %slice3A[0] : f32 from vector<1xf32>
      %get3A_650 = arith.index_cast %add3A_649 : i32 to index
      %get3A_651 = arith.constant 0 : index
      %get3A_652 = tpu.vector_load %arg14[%get3A_650, %get3A_651] {strides = array<i32>} : memref<320x64xf32, #tpu.memory_space<vmem>>, vector<1x16xf32>,
      %get3A_653 = vector.shape_cast %get3A_652 : vector<1x16xf32> to vector<16xf32>
      %mul3A_654 = vector.broadcast %squeeze3A : f32 to vector<16xf32>
      %mul3A_655 = arith.mulf %get3A_653, %mul3A_654 : vector<16xf32>
      %swap3A_656 = arith.index_cast %add3A_649 : i32 to index
      %swap3A_657 = arith.constant 0 : index
      %swap3A_658 = tpu.vector_load %arg14[%swap3A_656, %swap3A_657] {strides = array<i32>} : memref<320x64xf32, #tpu.memory_space<vmem>>, vector<1x16xf32>,
      %swap3A_659 = vector.shape_cast %swap3A_658 : vector<1x16xf32> to vector<16xf32>
      %swap3A_660 = vector.shape_cast %mul3A_655 : vector<16xf32> to vector<1x16xf32>
      tpu.vector_store %arg14[%swap3A_656, %swap3A_657], %swap3A_660 {strides = array<i32>} : memref<320x64xf32, #tpu.memory_space<vmem>>, vector<1x16xf32>,
      %get3A_661 = arith.index_cast %add3A_649 : i32 to index
      %get3A_662 = arith.constant 16 : index
      %get3A_663 = tpu.vector_load %arg14[%get3A_661, %get3A_662] {strides = array<i32>} : memref<320x64xf32, #tpu.memory_space<vmem>>, vector<1x16xf32>,
      %get3A_664 = vector.shape_cast %get3A_663 : vector<1x16xf32> to vector<16xf32>
      %mul3A_665 = vector.broadcast %squeeze3A : f32 to vector<16xf32>
      %mul3A_666 = arith.mulf %get3A_664, %mul3A_665 : vector<16xf32>
      %swap3A_667 = arith.index_cast %add3A_649 : i32 to index
      %swap3A_668 = arith.constant 16 : index
      %swap3A_669 = tpu.vector_load %arg14[%swap3A_667, %swap3A_668] {strides = array<i32>} : memref<320x64xf32, #tpu.memory_space<vmem>>, vector<1x16xf32>,
      %swap3A_670 = vector.shape_cast %swap3A_669 : vector<1x16xf32> to vector<16xf32>
      %swap3A_671 = vector.shape_cast %mul3A_666 : vector<16xf32> to vector<1x16xf32>
      tpu.vector_store %arg14[%swap3A_667, %swap3A_668], %swap3A_671 {strides = array<i32>} : memref<320x64xf32, #tpu.memory_space<vmem>>, vector<1x16xf32>,
      %get3A_672 = arith.index_cast %add3A_649 : i32 to index
      %get3A_673 = arith.constant 32 : index
      %get3A_674 = tpu.vector_load %arg14[%get3A_672, %get3A_673] {strides = array<i32>} : memref<320x64xf32, #tpu.memory_space<vmem>>, vector<1x16xf32>,
      %get3A_675 = vector.shape_cast %get3A_674 : vector<1x16xf32> to vector<16xf32>
      %mul3A_676 = vector.broadcast %squeeze3A : f32 to vector<16xf32>
      %mul3A_677 = arith.mulf %get3A_675, %mul3A_676 : vector<16xf32>
      %swap3A_678 = arith.index_cast %add3A_649 : i32 to index
      %swap3A_679 = arith.constant 32 : index
      %swap3A_680 = tpu.vector_load %arg14[%swap3A_678, %swap3A_679] {strides = array<i32>} : memref<320x64xf32, #tpu.memory_space<vmem>>, vector<1x16xf32>,
      %swap3A_681 = vector.shape_cast %swap3A_680 : vector<1x16xf32> to vector<16xf32>
      %swap3A_682 = vector.shape_cast %mul3A_677 : vector<16xf32> to vector<1x16xf32>
      tpu.vector_store %arg14[%swap3A_678, %swap3A_679], %swap3A_682 {strides = array<i32>} : memref<320x64xf32, #tpu.memory_space<vmem>>, vector<1x16xf32>,
      %get3A_683 = arith.index_cast %add3A_649 : i32 to index
      %get3A_684 = arith.constant 48 : index
      %get3A_685 = tpu.vector_load %arg14[%get3A_683, %get3A_684] {strides = array<i32>} : memref<320x64xf32, #tpu.memory_space<vmem>>, vector<1x16xf32>,
      %get3A_686 = vector.shape_cast %get3A_685 : vector<1x16xf32> to vector<16xf32>
      %mul3A_687 = vector.broadcast %squeeze3A : f32 to vector<16xf32>
      %mul3A_688 = arith.mulf %get3A_686, %mul3A_687 : vector<16xf32>
      %swap3A_689 = arith.index_cast %add3A_649 : i32 to index
      %swap3A_690 = arith.constant 48 : index
      %swap3A_691 = tpu.vector_load %arg14[%swap3A_689, %swap3A_690] {strides = array<i32>} : memref<320x64xf32, #tpu.memory_space<vmem>>, vector<1x16xf32>,
      %swap3A_692 = vector.shape_cast %swap3A_691 : vector<1x16xf32> to vector<16xf32>
      %swap3A_693 = vector.shape_cast %mul3A_688 : vector<16xf32> to vector<1x16xf32>
      tpu.vector_store %arg14[%swap3A_689, %swap3A_690], %swap3A_693 {strides = array<i32>} : memref<320x64xf32, #tpu.memory_space<vmem>>, vector<1x16xf32>,
      %mul3A_694 = arith.constant 16 : i32
      %mul3A_695 = arith.muli %scan3A_640, %mul3A_694 : i32
      %add3A_696 = arith.constant 1 : i32
      %add3A_697 = arith.addi %mul3A_695, %add3A_696 : i32
      %slice3A_698 = vector.extract_strided_slice %get3A_645 {offsets = [1], sizes = [1], strides = [1]} : vector<16xf32> to vector<1xf32>
      %squeeze3A_699 = vector.extract %slice3A_698[0] : f32 from vector<1xf32>
      %get3A_700 = arith.index_cast %add3A_697 : i32 to index
      %get3A_701 = arith.constant 0 : index
      %get3A_702 = tpu.vector_load %arg14[%get3A_700, %get3A_701] {strides = array<i32>} : memref<320x64xf32, #tpu.memory_space<vmem>>, vector<1x16xf32>,
      %get3A_703 = vector.shape_cast %get3A_702 : vector<1x16xf32> to vector<16xf32>
      %mul3A_704 = vector.broadcast %squeeze3A_699 : f32 to vector<16xf32>
      %mul3A_705 = arith.mulf %get3A_703, %mul3A_704 : vector<16xf32>
      %swap3A_706 = arith.index_cast %add3A_697 : i32 to index
      %swap3A_707 = arith.constant 0 : index
      %swap3A_708 = tpu.vector_load %arg14[%swap3A_706, %swap3A_707] {strides = array<i32>} : memref<320x64xf32, #tpu.memory_space<vmem>>, vector<1x16xf32>,
      %swap3A_709 = vector.shape_cast %swap3A_708 : vector<1x16xf32> to vector<16xf32>
      %swap3A_710 = vector.shape_cast %mul3A_705 : vector<16xf32> to vector<1x16xf32>
      tpu.vector_store %arg14[%swap3A_706, %swap3A_707], %swap3A_710 {strides = array<i32>} : memref<320x64xf32, #tpu.memory_space<vmem>>, vector<1x16xf32>,
      %get3A_711 = arith.index_cast %add3A_697 : i32 to index
      %get3A_712 = arith.constant 16 : index
      %get3A_713 = tpu.vector_load %arg14[%get3A_711, %get3A_712] {strides = array<i32>} : memref<320x64xf32, #tpu.memory_space<vmem>>, vector<1x16xf32>,
      %get3A_714 = vector.shape_cast %get3A_713 : vector<1x16xf32> to vector<16xf32>
      %mul3A_715 = vector.broadcast %squeeze3A_699 : f32 to vector<16xf32>
      %mul3A_716 = arith.mulf %get3A_714, %mul3A_715 : vector<16xf32>
      %swap3A_717 = arith.index_cast %add3A_697 : i32 to index
      %swap3A_718 = arith.constant 16 : index
      %swap3A_719 = tpu.vector_load %arg14[%swap3A_717, %swap3A_718] {strides = array<i32>} : memref<320x64xf32, #tpu.memory_space<vmem>>, vector<1x16xf32>,
      %swap3A_720 = vector.shape_cast %swap3A_719 : vector<1x16xf32> to vector<16xf32>
      %swap3A_721 = vector.shape_cast %mul3A_716 : vector<16xf32> to vector<1x16xf32>
      tpu.vector_store %arg14[%swap3A_717, %swap3A_718], %swap3A_721 {strides = array<i32>} : memref<320x64xf32, #tpu.memory_space<vmem>>, vector<1x16xf32>,
      %get3A_722 = arith.index_cast %add3A_697 : i32 to index
      %get3A_723 = arith.constant 32 : index
      %get3A_724 = tpu.vector_load %arg14[%get3A_722, %get3A_723] {strides = array<i32>} : memref<320x64xf32, #tpu.memory_space<vmem>>, vector<1x16xf32>,
      %get3A_725 = vector.shape_cast %get3A_724 : vector<1x16xf32> to vector<16xf32>
      %mul3A_726 = vector.broadcast %squeeze3A_699 : f32 to vector<16xf32>
      %mul3A_727 = arith.mulf %get3A_725, %mul3A_726 : vector<16xf32>
      %swap3A_728 = arith.index_cast %add3A_697 : i32 to index
      %swap3A_729 = arith.constant 32 : index
      %swap3A_730 = tpu.vector_load %arg14[%swap3A_728, %swap3A_729] {strides = array<i32>} : memref<320x64xf32, #tpu.memory_space<vmem>>, vector<1x16xf32>,
      %swap3A_731 = vector.shape_cast %swap3A_730 : vector<1x16xf32> to vector<16xf32>
      %swap3A_732 = vector.shape_cast %mul3A_727 : vector<16xf32> to vector<1x16xf32>
      tpu.vector_store %arg14[%swap3A_728, %swap3A_729], %swap3A_732 {strides = array<i32>} : memref<320x64xf32, #tpu.memory_space<vmem>>, vector<1x16xf32>,
      %get3A_733 = arith.index_cast %add3A_697 : i32 to index
      %get3A_734 = arith.constant 48 : index
      %get3A_735 = tpu.vector_load %arg14[%get3A_733, %get3A_734] {strides = array<i32>} : memref<320x64xf32, #tpu.memory_space<vmem>>, vector<1x16xf32>,
      %get3A_736 = vector.shape_cast %get3A_735 : vector<1x16xf32> to vector<16xf32>
      %mul3A_737 = vector.broadcast %squeeze3A_699 : f32 to vector<16xf32>
      %mul3A_738 = arith.mulf %get3A_736, %mul3A_737 : vector<16xf32>
      %swap3A_739 = arith.index_cast %add3A_697 : i32 to index
      %swap3A_740 = arith.constant 48 : index
      %swap3A_741 = tpu.vector_load %arg14[%swap3A_739, %swap3A_740] {strides = array<i32>} : memref<320x64xf32, #tpu.memory_space<vmem>>, vector<1x16xf32>,
      %swap3A_742 = vector.shape_cast %swap3A_741 : vector<1x16xf32> to vector<16xf32>
      %swap3A_743 = vector.shape_cast %mul3A_738 : vector<16xf32> to vector<1x16xf32>
      tpu.vector_store %arg14[%swap3A_739, %swap3A_740], %swap3A_743 {strides = array<i32>} : memref<320x64xf32, #tpu.memory_space<vmem>>, vector<1x16xf32>,
      %mul3A_744 = arith.constant 16 : i32
      %mul3A_745 = arith.muli %scan3A_640, %mul3A_744 : i32
      %add3A_746 = arith.constant 2 : i32
      %add3A_747 = arith.addi %mul3A_745, %add3A_746 : i32
      %slice3A_748 = vector.extract_strided_slice %get3A_645 {offsets = [2], sizes = [1], strides = [1]} : vector<16xf32> to vector<1xf32>
      %squeeze3A_749 = vector.extract %slice3A_748[0] : f32 from vector<1xf32>
      %get3A_750 = arith.index_cast %add3A_747 : i32 to index
      %get3A_751 = arith.constant 0 : index
      %get3A_752 = tpu.vector_load %arg14[%get3A_750, %get3A_751] {strides = array<i32>} : memref<320x64xf32, #tpu.memory_space<vmem>>, vector<1x16xf32>,
      %get3A_753 = vector.shape_cast %get3A_752 : vector<1x16xf32> to vector<16xf32>
      %mul3A_754 = vector.broadcast %squeeze3A_749 : f32 to vector<16xf32>
      %mul3A_755 = arith.mulf %get3A_753, %mul3A_754 : vector<16xf32>
      %swap3A_756 = arith.index_cast %add3A_747 : i32 to index
      %swap3A_757 = arith.constant 0 : index
      %swap3A_758 = tpu.vector_load %arg14[%swap3A_756, %swap3A_757] {strides = array<i32>} : memref<320x64xf32, #tpu.memory_space<vmem>>, vector<1x16xf32>,
      %swap3A_759 = vector.shape_cast %swap3A_758 : vector<1x16xf32> to vector<16xf32>
      %swap3A_760 = vector.shape_cast %mul3A_755 : vector<16xf32> to vector<1x16xf32>
      tpu.vector_store %arg14[%swap3A_756, %swap3A_757], %swap3A_760 {strides = array<i32>} : memref<320x64xf32, #tpu.memory_space<vmem>>, vector<1x16xf32>,
      %get3A_761 = arith.index_cast %add3A_747 : i32 to index
      %get3A_762 = arith.constant 16 : index
      %get3A_763 = tpu.vector_load %arg14[%get3A_761, %get3A_762] {strides = array<i32>} : memref<320x64xf32, #tpu.memory_space<vmem>>, vector<1x16xf32>,
      %get3A_764 = vector.shape_cast %get3A_763 : vector<1x16xf32> to vector<16xf32>
      %mul3A_765 = vector.broadcast %squeeze3A_749 : f32 to vector<16xf32>
      %mul3A_766 = arith.mulf %get3A_764, %mul3A_765 : vector<16xf32>
      %swap3A_767 = arith.index_cast %add3A_747 : i32 to index
      %swap3A_768 = arith.constant 16 : index
      %swap3A_769 = tpu.vector_load %arg14[%swap3A_767, %swap3A_768] {strides = array<i32>} : memref<320x64xf32, #tpu.memory_space<vmem>>, vector<1x16xf32>,
      %swap3A_770 = vector.shape_cast %swap3A_769 : vector<1x16xf32> to vector<16xf32>
      %swap3A_771 = vector.shape_cast %mul3A_766 : vector<16xf32> to vector<1x16xf32>
      tpu.vector_store %arg14[%swap3A_767, %swap3A_768], %swap3A_771 {strides = array<i32>} : memref<320x64xf32, #tpu.memory_space<vmem>>, vector<1x16xf32>,
      %get3A_772 = arith.index_cast %add3A_747 : i32 to index
      %get3A_773 = arith.constant 32 : index
      %get3A_774 = tpu.vector_load %arg14[%get3A_772, %get3A_773] {strides = array<i32>} : memref<320x64xf32, #tpu.memory_space<vmem>>, vector<1x16xf32>,
      %get3A_775 = vector.shape_cast %get3A_774 : vector<1x16xf32> to vector<16xf32>
      %mul3A_776 = vector.broadcast %squeeze3A_749 : f32 to vector<16xf32>
      %mul3A_777 = arith.mulf %get3A_775, %mul3A_776 : vector<16xf32>
      %swap3A_778 = arith.index_cast %add3A_747 : i32 to index
      %swap3A_779 = arith.constant 32 : index
      %swap3A_780 = tpu.vector_load %arg14[%swap3A_778, %swap3A_779] {strides = array<i32>} : memref<320x64xf32, #tpu.memory_space<vmem>>, vector<1x16xf32>,
      %swap3A_781 = vector.shape_cast %swap3A_780 : vector<1x16xf32> to vector<16xf32>
      %swap3A_782 = vector.shape_cast %mul3A_777 : vector<16xf32> to vector<1x16xf32>
      tpu.vector_store %arg14[%swap3A_778, %swap3A_779], %swap3A_782 {strides = array<i32>} : memref<320x64xf32, #tpu.memory_space<vmem>>, vector<1x16xf32>,
      %get3A_783 = arith.index_cast %add3A_747 : i32 to index
      %get3A_784 = arith.constant 48 : index
      %get3A_785 = tpu.vector_load %arg14[%get3A_783, %get3A_784] {strides = array<i32>} : memref<320x64xf32, #tpu.memory_space<vmem>>, vector<1x16xf32>,
      %get3A_786 = vector.shape_cast %get3A_785 : vector<1x16xf32> to vector<16xf32>
      %mul3A_787 = vector.broadcast %squeeze3A_749 : f32 to vector<16xf32>
      %mul3A_788 = arith.mulf %get3A_786, %mul3A_787 : vector<16xf32>
      %swap3A_789 = arith.index_cast %add3A_747 : i32 to index
      %swap3A_790 = arith.constant 48 : index
      %swap3A_791 = tpu.vector_load %arg14[%swap3A_789, %swap3A_790] {strides = array<i32>} : memref<320x64xf32, #tpu.memory_space<vmem>>, vector<1x16xf32>,
      %swap3A_792 = vector.shape_cast %swap3A_791 : vector<1x16xf32> to vector<16xf32>
      %swap3A_793 = vector.shape_cast %mul3A_788 : vector<16xf32> to vector<1x16xf32>
      tpu.vector_store %arg14[%swap3A_789, %swap3A_790], %swap3A_793 {strides = array<i32>} : memref<320x64xf32, #tpu.memory_space<vmem>>, vector<1x16xf32>,
      %mul3A_794 = arith.constant 16 : i32
      %mul3A_795 = arith.muli %scan3A_640, %mul3A_794 : i32
      %add3A_796 = arith.constant 3 : i32
      %add3A_797 = arith.addi %mul3A_795, %add3A_796 : i32
      %slice3A_798 = vector.extract_strided_slice %get3A_645 {offsets = [3], sizes = [1], strides = [1]} : vector<16xf32> to vector<1xf32>
      %squeeze3A_799 = vector.extract %slice3A_798[0] : f32 from vector<1xf32>
      %get3A_800 = arith.index_cast %add3A_797 : i32 to index
      %get3A_801 = arith.constant 0 : index
      %get3A_802 = tpu.vector_load %arg14[%get3A_800, %get3A_801] {strides = array<i32>} : memref<320x64xf32, #tpu.memory_space<vmem>>, vector<1x16xf32>,
      %get3A_803 = vector.shape_cast %get3A_802 : vector<1x16xf32> to vector<16xf32>
      %mul3A_804 = vector.broadcast %squeeze3A_799 : f32 to vector<16xf32>
      %mul3A_805 = arith.mulf %get3A_803, %mul3A_804 : vector<16xf32>
      %swap3A_806 = arith.index_cast %add3A_797 : i32 to index
      %swap3A_807 = arith.constant 0 : index
      %swap3A_808 = tpu.vector_load %arg14[%swap3A_806, %swap3A_807] {strides = array<i32>} : memref<320x64xf32, #tpu.memory_space<vmem>>, vector<1x16xf32>,
      %swap3A_809 = vector.shape_cast %swap3A_808 : vector<1x16xf32> to vector<16xf32>
      %swap3A_810 = vector.shape_cast %mul3A_805 : vector<16xf32> to vector<1x16xf32>
      tpu.vector_store %arg14[%swap3A_806, %swap3A_807], %swap3A_810 {strides = array<i32>} : memref<320x64xf32, #tpu.memory_space<vmem>>, vector<1x16xf32>,
      %get3A_811 = arith.index_cast %add3A_797 : i32 to index
      %get3A_812 = arith.constant 16 : index
      %get3A_813 = tpu.vector_load %arg14[%get3A_811, %get3A_812] {strides = array<i32>} : memref<320x64xf32, #tpu.memory_space<vmem>>, vector<1x16xf32>,
      %get3A_814 = vector.shape_cast %get3A_813 : vector<1x16xf32> to vector<16xf32>
      %mul3A_815 = vector.broadcast %squeeze3A_799 : f32 to vector<16xf32>
      %mul3A_816 = arith.mulf %get3A_814, %mul3A_815 : vector<16xf32>
      %swap3A_817 = arith.index_cast %add3A_797 : i32 to index
      %swap3A_818 = arith.constant 16 : index
      %swap3A_819 = tpu.vector_load %arg14[%swap3A_817, %swap3A_818] {strides = array<i32>} : memref<320x64xf32, #tpu.memory_space<vmem>>, vector<1x16xf32>,
      %swap3A_820 = vector.shape_cast %swap3A_819 : vector<1x16xf32> to vector<16xf32>
      %swap3A_821 = vector.shape_cast %mul3A_816 : vector<16xf32> to vector<1x16xf32>
      tpu.vector_store %arg14[%swap3A_817, %swap3A_818], %swap3A_821 {strides = array<i32>} : memref<320x64xf32, #tpu.memory_space<vmem>>, vector<1x16xf32>,
      %get3A_822 = arith.index_cast %add3A_797 : i32 to index
      %get3A_823 = arith.constant 32 : index
      %get3A_824 = tpu.vector_load %arg14[%get3A_822, %get3A_823] {strides = array<i32>} : memref<320x64xf32, #tpu.memory_space<vmem>>, vector<1x16xf32>,
      %get3A_825 = vector.shape_cast %get3A_824 : vector<1x16xf32> to vector<16xf32>
      %mul3A_826 = vector.broadcast %squeeze3A_799 : f32 to vector<16xf32>
      %mul3A_827 = arith.mulf %get3A_825, %mul3A_826 : vector<16xf32>
      %swap3A_828 = arith.index_cast %add3A_797 : i32 to index
      %swap3A_829 = arith.constant 32 : index
      %swap3A_830 = tpu.vector_load %arg14[%swap3A_828, %swap3A_829] {strides = array<i32>} : memref<320x64xf32, #tpu.memory_space<vmem>>, vector<1x16xf32>,
      %swap3A_831 = vector.shape_cast %swap3A_830 : vector<1x16xf32> to vector<16xf32>
      %swap3A_832 = vector.shape_cast %mul3A_827 : vector<16xf32> to vector<1x16xf32>
      tpu.vector_store %arg14[%swap3A_828, %swap3A_829], %swap3A_832 {strides = array<i32>} : memref<320x64xf32, #tpu.memory_space<vmem>>, vector<1x16xf32>,
      %get3A_833 = arith.index_cast %add3A_797 : i32 to index
      %get3A_834 = arith.constant 48 : index
      %get3A_835 = tpu.vector_load %arg14[%get3A_833, %get3A_834] {strides = array<i32>} : memref<320x64xf32, #tpu.memory_space<vmem>>, vector<1x16xf32>,
      %get3A_836 = vector.shape_cast %get3A_835 : vector<1x16xf32> to vector<16xf32>
      %mul3A_837 = vector.broadcast %squeeze3A_799 : f32 to vector<16xf32>
      %mul3A_838 = arith.mulf %get3A_836, %mul3A_837 : vector<16xf32>
      %swap3A_839 = arith.index_cast %add3A_797 : i32 to index
      %swap3A_840 = arith.constant 48 : index
      %swap3A_841 = tpu.vector_load %arg14[%swap3A_839, %swap3A_840] {strides = array<i32>} : memref<320x64xf32, #tpu.memory_space<vmem>>, vector<1x16xf32>,
      %swap3A_842 = vector.shape_cast %swap3A_841 : vector<1x16xf32> to vector<16xf32>
      %swap3A_843 = vector.shape_cast %mul3A_838 : vector<16xf32> to vector<1x16xf32>
      tpu.vector_store %arg14[%swap3A_839, %swap3A_840], %swap3A_843 {strides = array<i32>} : memref<320x64xf32, #tpu.memory_space<vmem>>, vector<1x16xf32>,
      %mul3A_844 = arith.constant 16 : i32
      %mul3A_845 = arith.muli %scan3A_640, %mul3A_844 : i32
      %add3A_846 = arith.constant 4 : i32
      %add3A_847 = arith.addi %mul3A_845, %add3A_846 : i32
      %slice3A_848 = vector.extract_strided_slice %get3A_645 {offsets = [4], sizes = [1], strides = [1]} : vector<16xf32> to vector<1xf32>
      %squeeze3A_849 = vector.extract %slice3A_848[0] : f32 from vector<1xf32>
      %get3A_850 = arith.index_cast %add3A_847 : i32 to index
      %get3A_851 = arith.constant 0 : index
      %get3A_852 = tpu.vector_load %arg14[%get3A_850, %get3A_851] {strides = array<i32>} : memref<320x64xf32, #tpu.memory_space<vmem>>, vector<1x16xf32>,
      %get3A_853 = vector.shape_cast %get3A_852 : vector<1x16xf32> to vector<16xf32>
      %mul3A_854 = vector.broadcast %squeeze3A_849 : f32 to vector<16xf32>
      %mul3A_855 = arith.mulf %get3A_853, %mul3A_854 : vector<16xf32>
      %swap3A_856 = arith.index_cast %add3A_847 : i32 to index
      %swap3A_857 = arith.constant 0 : index
      %swap3A_858 = tpu.vector_load %arg14[%swap3A_856, %swap3A_857] {strides = array<i32>} : memref<320x64xf32, #tpu.memory_space<vmem>>, vector<1x16xf32>,
      %swap3A_859 = vector.shape_cast %swap3A_858 : vector<1x16xf32> to vector<16xf32>
      %swap3A_860 = vector.shape_cast %mul3A_855 : vector<16xf32> to vector<1x16xf32>
      tpu.vector_store %arg14[%swap3A_856, %swap3A_857], %swap3A_860 {strides = array<i32>} : memref<320x64xf32, #tpu.memory_space<vmem>>, vector<1x16xf32>,
      %get3A_861 = arith.index_cast %add3A_847 : i32 to index
      %get3A_862 = arith.constant 16 : index
      %get3A_863 = tpu.vector_load %arg14[%get3A_861, %get3A_862] {strides = array<i32>} : memref<320x64xf32, #tpu.memory_space<vmem>>, vector<1x16xf32>,
      %get3A_864 = vector.shape_cast %get3A_863 : vector<1x16xf32> to vector<16xf32>
      %mul3A_865 = vector.broadcast %squeeze3A_849 : f32 to vector<16xf32>
      %mul3A_866 = arith.mulf %get3A_864, %mul3A_865 : vector<16xf32>
      %swap3A_867 = arith.index_cast %add3A_847 : i32 to index
      %swap3A_868 = arith.constant 16 : index
      %swap3A_869 = tpu.vector_load %arg14[%swap3A_867, %swap3A_868] {strides = array<i32>} : memref<320x64xf32, #tpu.memory_space<vmem>>, vector<1x16xf32>,
      %swap3A_870 = vector.shape_cast %swap3A_869 : vector<1x16xf32> to vector<16xf32>
      %swap3A_871 = vector.shape_cast %mul3A_866 : vector<16xf32> to vector<1x16xf32>
      tpu.vector_store %arg14[%swap3A_867, %swap3A_868], %swap3A_871 {strides = array<i32>} : memref<320x64xf32, #tpu.memory_space<vmem>>, vector<1x16xf32>,
      %get3A_872 = arith.index_cast %add3A_847 : i32 to index
      %get3A_873 = arith.constant 32 : index
      %get3A_874 = tpu.vector_load %arg14[%get3A_872, %get3A_873] {strides = array<i32>} : memref<320x64xf32, #tpu.memory_space<vmem>>, vector<1x16xf32>,
      %get3A_875 = vector.shape_cast %get3A_874 : vector<1x16xf32> to vector<16xf32>
      %mul3A_876 = vector.broadcast %squeeze3A_849 : f32 to vector<16xf32>
      %mul3A_877 = arith.mulf %get3A_875, %mul3A_876 : vector<16xf32>
      %swap3A_878 = arith.index_cast %add3A_847 : i32 to index
      %swap3A_879 = arith.constant 32 : index
      %swap3A_880 = tpu.vector_load %arg14[%swap3A_878, %swap3A_879] {strides = array<i32>} : memref<320x64xf32, #tpu.memory_space<vmem>>, vector<1x16xf32>,
      %swap3A_881 = vector.shape_cast %swap3A_880 : vector<1x16xf32> to vector<16xf32>
      %swap3A_882 = vector.shape_cast %mul3A_877 : vector<16xf32> to vector<1x16xf32>
      tpu.vector_store %arg14[%swap3A_878, %swap3A_879], %swap3A_882 {strides = array<i32>} : memref<320x64xf32, #tpu.memory_space<vmem>>, vector<1x16xf32>,
      %get3A_883 = arith.index_cast %add3A_847 : i32 to index
      %get3A_884 = arith.constant 48 : index
      %get3A_885 = tpu.vector_load %arg14[%get3A_883, %get3A_884] {strides = array<i32>} : memref<320x64xf32, #tpu.memory_space<vmem>>, vector<1x16xf32>,
      %get3A_886 = vector.shape_cast %get3A_885 : vector<1x16xf32> to vector<16xf32>
      %mul3A_887 = vector.broadcast %squeeze3A_849 : f32 to vector<16xf32>
      %mul3A_888 = arith.mulf %get3A_886, %mul3A_887 : vector<16xf32>
      %swap3A_889 = arith.index_cast %add3A_847 : i32 to index
      %swap3A_890 = arith.constant 48 : index
      %swap3A_891 = tpu.vector_load %arg14[%swap3A_889, %swap3A_890] {strides = array<i32>} : memref<320x64xf32, #tpu.memory_space<vmem>>, vector<1x16xf32>,
      %swap3A_892 = vector.shape_cast %swap3A_891 : vector<1x16xf32> to vector<16xf32>
      %swap3A_893 = vector.shape_cast %mul3A_888 : vector<16xf32> to vector<1x16xf32>
      tpu.vector_store %arg14[%swap3A_889, %swap3A_890], %swap3A_893 {strides = array<i32>} : memref<320x64xf32, #tpu.memory_space<vmem>>, vector<1x16xf32>,
      %mul3A_894 = arith.constant 16 : i32
      %mul3A_895 = arith.muli %scan3A_640, %mul3A_894 : i32
      %add3A_896 = arith.constant 5 : i32
      %add3A_897 = arith.addi %mul3A_895, %add3A_896 : i32
      %slice3A_898 = vector.extract_strided_slice %get3A_645 {offsets = [5], sizes = [1], strides = [1]} : vector<16xf32> to vector<1xf32>
      %squeeze3A_899 = vector.extract %slice3A_898[0] : f32 from vector<1xf32>
      %get3A_900 = arith.index_cast %add3A_897 : i32 to index
      %get3A_901 = arith.constant 0 : index
      %get3A_902 = tpu.vector_load %arg14[%get3A_900, %get3A_901] {strides = array<i32>} : memref<320x64xf32, #tpu.memory_space<vmem>>, vector<1x16xf32>,
      %get3A_903 = vector.shape_cast %get3A_902 : vector<1x16xf32> to vector<16xf32>
      %mul3A_904 = vector.broadcast %squeeze3A_899 : f32 to vector<16xf32>
      %mul3A_905 = arith.mulf %get3A_903, %mul3A_904 : vector<16xf32>
      %swap3A_906 = arith.index_cast %add3A_897 : i32 to index
      %swap3A_907 = arith.constant 0 : index
      %swap3A_908 = tpu.vector_load %arg14[%swap3A_906, %swap3A_907] {strides = array<i32>} : memref<320x64xf32, #tpu.memory_space<vmem>>, vector<1x16xf32>,
      %swap3A_909 = vector.shape_cast %swap3A_908 : vector<1x16xf32> to vector<16xf32>
      %swap3A_910 = vector.shape_cast %mul3A_905 : vector<16xf32> to vector<1x16xf32>
      tpu.vector_store %arg14[%swap3A_906, %swap3A_907], %swap3A_910 {strides = array<i32>} : memref<320x64xf32, #tpu.memory_space<vmem>>, vector<1x16xf32>,
      %get3A_911 = arith.index_cast %add3A_897 : i32 to index
      %get3A_912 = arith.constant 16 : index
      %get3A_913 = tpu.vector_load %arg14[%get3A_911, %get3A_912] {strides = array<i32>} : memref<320x64xf32, #tpu.memory_space<vmem>>, vector<1x16xf32>,
      %get3A_914 = vector.shape_cast %get3A_913 : vector<1x16xf32> to vector<16xf32>
      %mul3A_915 = vector.broadcast %squeeze3A_899 : f32 to vector<16xf32>
      %mul3A_916 = arith.mulf %get3A_914, %mul3A_915 : vector<16xf32>
      %swap3A_917 = arith.index_cast %add3A_897 : i32 to index
      %swap3A_918 = arith.constant 16 : index
      %swap3A_919 = tpu.vector_load %arg14[%swap3A_917, %swap3A_918] {strides = array<i32>} : memref<320x64xf32, #tpu.memory_space<vmem>>, vector<1x16xf32>,
      %swap3A_920 = vector.shape_cast %swap3A_919 : vector<1x16xf32> to vector<16xf32>
      %swap3A_921 = vector.shape_cast %mul3A_916 : vector<16xf32> to vector<1x16xf32>
      tpu.vector_store %arg14[%swap3A_917, %swap3A_918], %swap3A_921 {strides = array<i32>} : memref<320x64xf32, #tpu.memory_space<vmem>>, vector<1x16xf32>,
      %get3A_922 = arith.index_cast %add3A_897 : i32 to index
      %get3A_923 = arith.constant 32 : index
      %get3A_924 = tpu.vector_load %arg14[%get3A_922, %get3A_923] {strides = array<i32>} : memref<320x64xf32, #tpu.memory_space<vmem>>, vector<1x16xf32>,
      %get3A_925 = vector.shape_cast %get3A_924 : vector<1x16xf32> to vector<16xf32>
      %mul3A_926 = vector.broadcast %squeeze3A_899 : f32 to vector<16xf32>
      %mul3A_927 = arith.mulf %get3A_925, %mul3A_926 : vector<16xf32>
      %swap3A_928 = arith.index_cast %add3A_897 : i32 to index
      %swap3A_929 = arith.constant 32 : index
      %swap3A_930 = tpu.vector_load %arg14[%swap3A_928, %swap3A_929] {strides = array<i32>} : memref<320x64xf32, #tpu.memory_space<vmem>>, vector<1x16xf32>,
      %swap3A_931 = vector.shape_cast %swap3A_930 : vector<1x16xf32> to vector<16xf32>
      %swap3A_932 = vector.shape_cast %mul3A_927 : vector<16xf32> to vector<1x16xf32>
      tpu.vector_store %arg14[%swap3A_928, %swap3A_929], %swap3A_932 {strides = array<i32>} : memref<320x64xf32, #tpu.memory_space<vmem>>, vector<1x16xf32>,
      %get3A_933 = arith.index_cast %add3A_897 : i32 to index
      %get3A_934 = arith.constant 48 : index
      %get3A_935 = tpu.vector_load %arg14[%get3A_933, %get3A_934] {strides = array<i32>} : memref<320x64xf32, #tpu.memory_space<vmem>>, vector<1x16xf32>,
      %get3A_936 = vector.shape_cast %get3A_935 : vector<1x16xf32> to vector<16xf32>
      %mul3A_937 = vector.broadcast %squeeze3A_899 : f32 to vector<16xf32>
      %mul3A_938 = arith.mulf %get3A_936, %mul3A_937 : vector<16xf32>
      %swap3A_939 = arith.index_cast %add3A_897 : i32 to index
      %swap3A_940 = arith.constant 48 : index
      %swap3A_941 = tpu.vector_load %arg14[%swap3A_939, %swap3A_940] {strides = array<i32>} : memref<320x64xf32, #tpu.memory_space<vmem>>, vector<1x16xf32>,
      %swap3A_942 = vector.shape_cast %swap3A_941 : vector<1x16xf32> to vector<16xf32>
      %swap3A_943 = vector.shape_cast %mul3A_938 : vector<16xf32> to vector<1x16xf32>
      tpu.vector_store %arg14[%swap3A_939, %swap3A_940], %swap3A_943 {strides = array<i32>} : memref<320x64xf32, #tpu.memory_space<vmem>>, vector<1x16xf32>,
      %mul3A_944 = arith.constant 16 : i32
      %mul3A_945 = arith.muli %scan3A_640, %mul3A_944 : i32
      %add3A_946 = arith.constant 6 : i32
      %add3A_947 = arith.addi %mul3A_945, %add3A_946 : i32
      %slice3A_948 = vector.extract_strided_slice %get3A_645 {offsets = [6], sizes = [1], strides = [1]} : vector<16xf32> to vector<1xf32>
      %squeeze3A_949 = vector.extract %slice3A_948[0] : f32 from vector<1xf32>
      %get3A_950 = arith.index_cast %add3A_947 : i32 to index
      %get3A_951 = arith.constant 0 : index
      %get3A_952 = tpu.vector_load %arg14[%get3A_950, %get3A_951] {strides = array<i32>} : memref<320x64xf32, #tpu.memory_space<vmem>>, vector<1x16xf32>,
      %get3A_953 = vector.shape_cast %get3A_952 : vector<1x16xf32> to vector<16xf32>
      %mul3A_954 = vector.broadcast %squeeze3A_949 : f32 to vector<16xf32>
      %mul3A_955 = arith.mulf %get3A_953, %mul3A_954 : vector<16xf32>
      %swap3A_956 = arith.index_cast %add3A_947 : i32 to index
      %swap3A_957 = arith.constant 0 : index
      %swap3A_958 = tpu.vector_load %arg14[%swap3A_956, %swap3A_957] {strides = array<i32>} : memref<320x64xf32, #tpu.memory_space<vmem>>, vector<1x16xf32>,
      %swap3A_959 = vector.shape_cast %swap3A_958 : vector<1x16xf32> to vector<16xf32>
      %swap3A_960 = vector.shape_cast %mul3A_955 : vector<16xf32> to vector<1x16xf32>
      tpu.vector_store %arg14[%swap3A_956, %swap3A_957], %swap3A_960 {strides = array<i32>} : memref<320x64xf32, #tpu.memory_space<vmem>>, vector<1x16xf32>,
      %get3A_961 = arith.index_cast %add3A_947 : i32 to index
      %get3A_962 = arith.constant 16 : index
      %get3A_963 = tpu.vector_load %arg14[%get3A_961, %get3A_962] {strides = array<i32>} : memref<320x64xf32, #tpu.memory_space<vmem>>, vector<1x16xf32>,
      %get3A_964 = vector.shape_cast %get3A_963 : vector<1x16xf32> to vector<16xf32>
      %mul3A_965 = vector.broadcast %squeeze3A_949 : f32 to vector<16xf32>
      %mul3A_966 = arith.mulf %get3A_964, %mul3A_965 : vector<16xf32>
      %swap3A_967 = arith.index_cast %add3A_947 : i32 to index
      %swap3A_968 = arith.constant 16 : index
      %swap3A_969 = tpu.vector_load %arg14[%swap3A_967, %swap3A_968] {strides = array<i32>} : memref<320x64xf32, #tpu.memory_space<vmem>>, vector<1x16xf32>,
      %swap3A_970 = vector.shape_cast %swap3A_969 : vector<1x16xf32> to vector<16xf32>
      %swap3A_971 = vector.shape_cast %mul3A_966 : vector<16xf32> to vector<1x16xf32>
      tpu.vector_store %arg14[%swap3A_967, %swap3A_968], %swap3A_971 {strides = array<i32>} : memref<320x64xf32, #tpu.memory_space<vmem>>, vector<1x16xf32>,
      %get3A_972 = arith.index_cast %add3A_947 : i32 to index
      %get3A_973 = arith.constant 32 : index
      %get3A_974 = tpu.vector_load %arg14[%get3A_972, %get3A_973] {strides = array<i32>} : memref<320x64xf32, #tpu.memory_space<vmem>>, vector<1x16xf32>,
      %get3A_975 = vector.shape_cast %get3A_974 : vector<1x16xf32> to vector<16xf32>
      %mul3A_976 = vector.broadcast %squeeze3A_949 : f32 to vector<16xf32>
      %mul3A_977 = arith.mulf %get3A_975, %mul3A_976 : vector<16xf32>
      %swap3A_978 = arith.index_cast %add3A_947 : i32 to index
      %swap3A_979 = arith.constant 32 : index
      %swap3A_980 = tpu.vector_load %arg14[%swap3A_978, %swap3A_979] {strides = array<i32>} : memref<320x64xf32, #tpu.memory_space<vmem>>, vector<1x16xf32>,
      %swap3A_981 = vector.shape_cast %swap3A_980 : vector<1x16xf32> to vector<16xf32>
      %swap3A_982 = vector.shape_cast %mul3A_977 : vector<16xf32> to vector<1x16xf32>
      tpu.vector_store %arg14[%swap3A_978, %swap3A_979], %swap3A_982 {strides = array<i32>} : memref<320x64xf32, #tpu.memory_space<vmem>>, vector<1x16xf32>,
      %get3A_983 = arith.index_cast %add3A_947 : i32 to index
      %get3A_984 = arith.constant 48 : index
      %get3A_985 = tpu.vector_load %arg14[%get3A_983, %get3A_984] {strides = array<i32>} : memref<320x64xf32, #tpu.memory_space<vmem>>, vector<1x16xf32>,
      %get3A_986 = vector.shape_cast %get3A_985 : vector<1x16xf32> to vector<16xf32>
      %mul3A_987 = vector.broadcast %squeeze3A_949 : f32 to vector<16xf32>
      %mul3A_988 = arith.mulf %get3A_986, %mul3A_987 : vector<16xf32>
      %swap3A_989 = arith.index_cast %add3A_947 : i32 to index
      %swap3A_990 = arith.constant 48 : index
      %swap3A_991 = tpu.vector_load %arg14[%swap3A_989, %swap3A_990] {strides = array<i32>} : memref<320x64xf32, #tpu.memory_space<vmem>>, vector<1x16xf32>,
      %swap3A_992 = vector.shape_cast %swap3A_991 : vector<1x16xf32> to vector<16xf32>
      %swap3A_993 = vector.shape_cast %mul3A_988 : vector<16xf32> to vector<1x16xf32>
      tpu.vector_store %arg14[%swap3A_989, %swap3A_990], %swap3A_993 {strides = array<i32>} : memref<320x64xf32, #tpu.memory_space<vmem>>, vector<1x16xf32>,
      %mul3A_994 = arith.constant 16 : i32
      %mul3A_995 = arith.muli %scan3A_640, %mul3A_994 : i32
      %add3A_996 = arith.constant 7 : i32
      %add3A_997 = arith.addi %mul3A_995, %add3A_996 : i32
      %slice3A_998 = vector.extract_strided_slice %get3A_645 {offsets = [7], sizes = [1], strides = [1]} : vector<16xf32> to vector<1xf32>
      %squeeze3A_999 = vector.extract %slice3A_998[0] : f32 from vector<1xf32>
      %get3A_1000 = arith.index_cast %add3A_997 : i32 to index
      %get3A_1001 = arith.constant 0 : index
      %get3A_1002 = tpu.vector_load %arg14[%get3A_1000, %get3A_1001] {strides = array<i32>} : memref<320x64xf32, #tpu.memory_space<vmem>>, vector<1x16xf32>,
      %get3A_1003 = vector.shape_cast %get3A_1002 : vector<1x16xf32> to vector<16xf32>
      %mul3A_1004 = vector.broadcast %squeeze3A_999 : f32 to vector<16xf32>
      %mul3A_1005 = arith.mulf %get3A_1003, %mul3A_1004 : vector<16xf32>
      %swap3A_1006 = arith.index_cast %add3A_997 : i32 to index
      %swap3A_1007 = arith.constant 0 : index
      %swap3A_1008 = tpu.vector_load %arg14[%swap3A_1006, %swap3A_1007] {strides = array<i32>} : memref<320x64xf32, #tpu.memory_space<vmem>>, vector<1x16xf32>,
      %swap3A_1009 = vector.shape_cast %swap3A_1008 : vector<1x16xf32> to vector<16xf32>
      %swap3A_1010 = vector.shape_cast %mul3A_1005 : vector<16xf32> to vector<1x16xf32>
      tpu.vector_store %arg14[%swap3A_1006, %swap3A_1007], %swap3A_1010 {strides = array<i32>} : memref<320x64xf32, #tpu.memory_space<vmem>>, vector<1x16xf32>,
      %get3A_1011 = arith.index_cast %add3A_997 : i32 to index
      %get3A_1012 = arith.constant 16 : index
      %get3A_1013 = tpu.vector_load %arg14[%get3A_1011, %get3A_1012] {strides = array<i32>} : memref<320x64xf32, #tpu.memory_space<vmem>>, vector<1x16xf32>,
      %get3A_1014 = vector.shape_cast %get3A_1013 : vector<1x16xf32> to vector<16xf32>
      %mul3A_1015 = vector.broadcast %squeeze3A_999 : f32 to vector<16xf32>
      %mul3A_1016 = arith.mulf %get3A_1014, %mul3A_1015 : vector<16xf32>
      %swap3A_1017 = arith.index_cast %add3A_997 : i32 to index
      %swap3A_1018 = arith.constant 16 : index
      %swap3A_1019 = tpu.vector_load %arg14[%swap3A_1017, %swap3A_1018] {strides = array<i32>} : memref<320x64xf32, #tpu.memory_space<vmem>>, vector<1x16xf32>,
      %swap3A_1020 = vector.shape_cast %swap3A_1019 : vector<1x16xf32> to vector<16xf32>
      %swap3A_1021 = vector.shape_cast %mul3A_1016 : vector<16xf32> to vector<1x16xf32>
      tpu.vector_store %arg14[%swap3A_1017, %swap3A_1018], %swap3A_1021 {strides = array<i32>} : memref<320x64xf32, #tpu.memory_space<vmem>>, vector<1x16xf32>,
      %get3A_1022 = arith.index_cast %add3A_997 : i32 to index
      %get3A_1023 = arith.constant 32 : index
      %get3A_1024 = tpu.vector_load %arg14[%get3A_1022, %get3A_1023] {strides = array<i32>} : memref<320x64xf32, #tpu.memory_space<vmem>>, vector<1x16xf32>,
      %get3A_1025 = vector.shape_cast %get3A_1024 : vector<1x16xf32> to vector<16xf32>
      %mul3A_1026 = vector.broadcast %squeeze3A_999 : f32 to vector<16xf32>
      %mul3A_1027 = arith.mulf %get3A_1025, %mul3A_1026 : vector<16xf32>
      %swap3A_1028 = arith.index_cast %add3A_997 : i32 to index
      %swap3A_1029 = arith.constant 32 : index
      %swap3A_1030 = tpu.vector_load %arg14[%swap3A_1028, %swap3A_1029] {strides = array<i32>} : memref<320x64xf32, #tpu.memory_space<vmem>>, vector<1x16xf32>,
      %swap3A_1031 = vector.shape_cast %swap3A_1030 : vector<1x16xf32> to vector<16xf32>
      %swap3A_1032 = vector.shape_cast %mul3A_1027 : vector<16xf32> to vector<1x16xf32>
      tpu.vector_store %arg14[%swap3A_1028, %swap3A_1029], %swap3A_1032 {strides = array<i32>} : memref<320x64xf32, #tpu.memory_space<vmem>>, vector<1x16xf32>,
      %get3A_1033 = arith.index_cast %add3A_997 : i32 to index
      %get3A_1034 = arith.constant 48 : index
      %get3A_1035 = tpu.vector_load %arg14[%get3A_1033, %get3A_1034] {strides = array<i32>} : memref<320x64xf32, #tpu.memory_space<vmem>>, vector<1x16xf32>,
      %get3A_1036 = vector.shape_cast %get3A_1035 : vector<1x16xf32> to vector<16xf32>
      %mul3A_1037 = vector.broadcast %squeeze3A_999 : f32 to vector<16xf32>
      %mul3A_1038 = arith.mulf %get3A_1036, %mul3A_1037 : vector<16xf32>
      %swap3A_1039 = arith.index_cast %add3A_997 : i32 to index
      %swap3A_1040 = arith.constant 48 : index
      %swap3A_1041 = tpu.vector_load %arg14[%swap3A_1039, %swap3A_1040] {strides = array<i32>} : memref<320x64xf32, #tpu.memory_space<vmem>>, vector<1x16xf32>,
      %swap3A_1042 = vector.shape_cast %swap3A_1041 : vector<1x16xf32> to vector<16xf32>
      %swap3A_1043 = vector.shape_cast %mul3A_1038 : vector<16xf32> to vector<1x16xf32>
      tpu.vector_store %arg14[%swap3A_1039, %swap3A_1040], %swap3A_1043 {strides = array<i32>} : memref<320x64xf32, #tpu.memory_space<vmem>>, vector<1x16xf32>,
      %mul3A_1044 = arith.constant 16 : i32
      %mul3A_1045 = arith.muli %scan3A_640, %mul3A_1044 : i32
      %add3A_1046 = arith.constant 8 : i32
      %add3A_1047 = arith.addi %mul3A_1045, %add3A_1046 : i32
      %slice3A_1048 = vector.extract_strided_slice %get3A_645 {offsets = [8], sizes = [1], strides = [1]} : vector<16xf32> to vector<1xf32>
      %squeeze3A_1049 = vector.extract %slice3A_1048[0] : f32 from vector<1xf32>
      %get3A_1050 = arith.index_cast %add3A_1047 : i32 to index
      %get3A_1051 = arith.constant 0 : index
      %get3A_1052 = tpu.vector_load %arg14[%get3A_1050, %get3A_1051] {strides = array<i32>} : memref<320x64xf32, #tpu.memory_space<vmem>>, vector<1x16xf32>,
      %get3A_1053 = vector.shape_cast %get3A_1052 : vector<1x16xf32> to vector<16xf32>
      %mul3A_1054 = vector.broadcast %squeeze3A_1049 : f32 to vector<16xf32>
      %mul3A_1055 = arith.mulf %get3A_1053, %mul3A_1054 : vector<16xf32>
      %swap3A_1056 = arith.index_cast %add3A_1047 : i32 to index
      %swap3A_1057 = arith.constant 0 : index
      %swap3A_1058 = tpu.vector_load %arg14[%swap3A_1056, %swap3A_1057] {strides = array<i32>} : memref<320x64xf32, #tpu.memory_space<vmem>>, vector<1x16xf32>,
      %swap3A_1059 = vector.shape_cast %swap3A_1058 : vector<1x16xf32> to vector<16xf32>
      %swap3A_1060 = vector.shape_cast %mul3A_1055 : vector<16xf32> to vector<1x16xf32>
      tpu.vector_store %arg14[%swap3A_1056, %swap3A_1057], %swap3A_1060 {strides = array<i32>} : memref<320x64xf32, #tpu.memory_space<vmem>>, vector<1x16xf32>,
      %get3A_1061 = arith.index_cast %add3A_1047 : i32 to index
      %get3A_1062 = arith.constant 16 : index
      %get3A_1063 = tpu.vector_load %arg14[%get3A_1061, %get3A_1062] {strides = array<i32>} : memref<320x64xf32, #tpu.memory_space<vmem>>, vector<1x16xf32>,
      %get3A_1064 = vector.shape_cast %get3A_1063 : vector<1x16xf32> to vector<16xf32>
      %mul3A_1065 = vector.broadcast %squeeze3A_1049 : f32 to vector<16xf32>
      %mul3A_1066 = arith.mulf %get3A_1064, %mul3A_1065 : vector<16xf32>
      %swap3A_1067 = arith.index_cast %add3A_1047 : i32 to index
      %swap3A_1068 = arith.constant 16 : index
      %swap3A_1069 = tpu.vector_load %arg14[%swap3A_1067, %swap3A_1068] {strides = array<i32>} : memref<320x64xf32, #tpu.memory_space<vmem>>, vector<1x16xf32>,
      %swap3A_1070 = vector.shape_cast %swap3A_1069 : vector<1x16xf32> to vector<16xf32>
      %swap3A_1071 = vector.shape_cast %mul3A_1066 : vector<16xf32> to vector<1x16xf32>
      tpu.vector_store %arg14[%swap3A_1067, %swap3A_1068], %swap3A_1071 {strides = array<i32>} : memref<320x64xf32, #tpu.memory_space<vmem>>, vector<1x16xf32>,
      %get3A_1072 = arith.index_cast %add3A_1047 : i32 to index
      %get3A_1073 = arith.constant 32 : index
      %get3A_1074 = tpu.vector_load %arg14[%get3A_1072, %get3A_1073] {strides = array<i32>} : memref<320x64xf32, #tpu.memory_space<vmem>>, vector<1x16xf32>,
      %get3A_1075 = vector.shape_cast %get3A_1074 : vector<1x16xf32> to vector<16xf32>
      %mul3A_1076 = vector.broadcast %squeeze3A_1049 : f32 to vector<16xf32>
      %mul3A_1077 = arith.mulf %get3A_1075, %mul3A_1076 : vector<16xf32>
      %swap3A_1078 = arith.index_cast %add3A_1047 : i32 to index
      %swap3A_1079 = arith.constant 32 : index
      %swap3A_1080 = tpu.vector_load %arg14[%swap3A_1078, %swap3A_1079] {strides = array<i32>} : memref<320x64xf32, #tpu.memory_space<vmem>>, vector<1x16xf32>,
      %swap3A_1081 = vector.shape_cast %swap3A_1080 : vector<1x16xf32> to vector<16xf32>
      %swap3A_1082 = vector.shape_cast %mul3A_1077 : vector<16xf32> to vector<1x16xf32>
      tpu.vector_store %arg14[%swap3A_1078, %swap3A_1079], %swap3A_1082 {strides = array<i32>} : memref<320x64xf32, #tpu.memory_space<vmem>>, vector<1x16xf32>,
      %get3A_1083 = arith.index_cast %add3A_1047 : i32 to index
      %get3A_1084 = arith.constant 48 : index
      %get3A_1085 = tpu.vector_load %arg14[%get3A_1083, %get3A_1084] {strides = array<i32>} : memref<320x64xf32, #tpu.memory_space<vmem>>, vector<1x16xf32>,
      %get3A_1086 = vector.shape_cast %get3A_1085 : vector<1x16xf32> to vector<16xf32>
      %mul3A_1087 = vector.broadcast %squeeze3A_1049 : f32 to vector<16xf32>
      %mul3A_1088 = arith.mulf %get3A_1086, %mul3A_1087 : vector<16xf32>
      %swap3A_1089 = arith.index_cast %add3A_1047 : i32 to index
      %swap3A_1090 = arith.constant 48 : index
      %swap3A_1091 = tpu.vector_load %arg14[%swap3A_1089, %swap3A_1090] {strides = array<i32>} : memref<320x64xf32, #tpu.memory_space<vmem>>, vector<1x16xf32>,
      %swap3A_1092 = vector.shape_cast %swap3A_1091 : vector<1x16xf32> to vector<16xf32>
      %swap3A_1093 = vector.shape_cast %mul3A_1088 : vector<16xf32> to vector<1x16xf32>
      tpu.vector_store %arg14[%swap3A_1089, %swap3A_1090], %swap3A_1093 {strides = array<i32>} : memref<320x64xf32, #tpu.memory_space<vmem>>, vector<1x16xf32>,
      %mul3A_1094 = arith.constant 16 : i32
      %mul3A_1095 = arith.muli %scan3A_640, %mul3A_1094 : i32
      %add3A_1096 = arith.constant 9 : i32
      %add3A_1097 = arith.addi %mul3A_1095, %add3A_1096 : i32
      %slice3A_1098 = vector.extract_strided_slice %get3A_645 {offsets = [9], sizes = [1], strides = [1]} : vector<16xf32> to vector<1xf32>
      %squeeze3A_1099 = vector.extract %slice3A_1098[0] : f32 from vector<1xf32>
      %get3A_1100 = arith.index_cast %add3A_1097 : i32 to index
      %get3A_1101 = arith.constant 0 : index
      %get3A_1102 = tpu.vector_load %arg14[%get3A_1100, %get3A_1101] {strides = array<i32>} : memref<320x64xf32, #tpu.memory_space<vmem>>, vector<1x16xf32>,
      %get3A_1103 = vector.shape_cast %get3A_1102 : vector<1x16xf32> to vector<16xf32>
      %mul3A_1104 = vector.broadcast %squeeze3A_1099 : f32 to vector<16xf32>
      %mul3A_1105 = arith.mulf %get3A_1103, %mul3A_1104 : vector<16xf32>
      %swap3A_1106 = arith.index_cast %add3A_1097 : i32 to index
      %swap3A_1107 = arith.constant 0 : index
      %swap3A_1108 = tpu.vector_load %arg14[%swap3A_1106, %swap3A_1107] {strides = array<i32>} : memref<320x64xf32, #tpu.memory_space<vmem>>, vector<1x16xf32>,
      %swap3A_1109 = vector.shape_cast %swap3A_1108 : vector<1x16xf32> to vector<16xf32>
      %swap3A_1110 = vector.shape_cast %mul3A_1105 : vector<16xf32> to vector<1x16xf32>
      tpu.vector_store %arg14[%swap3A_1106, %swap3A_1107], %swap3A_1110 {strides = array<i32>} : memref<320x64xf32, #tpu.memory_space<vmem>>, vector<1x16xf32>,
      %get3A_1111 = arith.index_cast %add3A_1097 : i32 to index
      %get3A_1112 = arith.constant 16 : index
      %get3A_1113 = tpu.vector_load %arg14[%get3A_1111, %get3A_1112] {strides = array<i32>} : memref<320x64xf32, #tpu.memory_space<vmem>>, vector<1x16xf32>,
      %get3A_1114 = vector.shape_cast %get3A_1113 : vector<1x16xf32> to vector<16xf32>
      %mul3A_1115 = vector.broadcast %squeeze3A_1099 : f32 to vector<16xf32>
      %mul3A_1116 = arith.mulf %get3A_1114, %mul3A_1115 : vector<16xf32>
      %swap3A_1117 = arith.index_cast %add3A_1097 : i32 to index
      %swap3A_1118 = arith.constant 16 : index
      %swap3A_1119 = tpu.vector_load %arg14[%swap3A_1117, %swap3A_1118] {strides = array<i32>} : memref<320x64xf32, #tpu.memory_space<vmem>>, vector<1x16xf32>,
      %swap3A_1120 = vector.shape_cast %swap3A_1119 : vector<1x16xf32> to vector<16xf32>
      %swap3A_1121 = vector.shape_cast %mul3A_1116 : vector<16xf32> to vector<1x16xf32>
      tpu.vector_store %arg14[%swap3A_1117, %swap3A_1118], %swap3A_1121 {strides = array<i32>} : memref<320x64xf32, #tpu.memory_space<vmem>>, vector<1x16xf32>,
      %get3A_1122 = arith.index_cast %add3A_1097 : i32 to index
      %get3A_1123 = arith.constant 32 : index
      %get3A_1124 = tpu.vector_load %arg14[%get3A_1122, %get3A_1123] {strides = array<i32>} : memref<320x64xf32, #tpu.memory_space<vmem>>, vector<1x16xf32>,
      %get3A_1125 = vector.shape_cast %get3A_1124 : vector<1x16xf32> to vector<16xf32>
      %mul3A_1126 = vector.broadcast %squeeze3A_1099 : f32 to vector<16xf32>
      %mul3A_1127 = arith.mulf %get3A_1125, %mul3A_1126 : vector<16xf32>
      %swap3A_1128 = arith.index_cast %add3A_1097 : i32 to index
      %swap3A_1129 = arith.constant 32 : index
      %swap3A_1130 = tpu.vector_load %arg14[%swap3A_1128, %swap3A_1129] {strides = array<i32>} : memref<320x64xf32, #tpu.memory_space<vmem>>, vector<1x16xf32>,
      %swap3A_1131 = vector.shape_cast %swap3A_1130 : vector<1x16xf32> to vector<16xf32>
      %swap3A_1132 = vector.shape_cast %mul3A_1127 : vector<16xf32> to vector<1x16xf32>
      tpu.vector_store %arg14[%swap3A_1128, %swap3A_1129], %swap3A_1132 {strides = array<i32>} : memref<320x64xf32, #tpu.memory_space<vmem>>, vector<1x16xf32>,
      %get3A_1133 = arith.index_cast %add3A_1097 : i32 to index
      %get3A_1134 = arith.constant 48 : index
      %get3A_1135 = tpu.vector_load %arg14[%get3A_1133, %get3A_1134] {strides = array<i32>} : memref<320x64xf32, #tpu.memory_space<vmem>>, vector<1x16xf32>,
      %get3A_1136 = vector.shape_cast %get3A_1135 : vector<1x16xf32> to vector<16xf32>
      %mul3A_1137 = vector.broadcast %squeeze3A_1099 : f32 to vector<16xf32>
      %mul3A_1138 = arith.mulf %get3A_1136, %mul3A_1137 : vector<16xf32>
      %swap3A_1139 = arith.index_cast %add3A_1097 : i32 to index
      %swap3A_1140 = arith.constant 48 : index
      %swap3A_1141 = tpu.vector_load %arg14[%swap3A_1139, %swap3A_1140] {strides = array<i32>} : memref<320x64xf32, #tpu.memory_space<vmem>>, vector<1x16xf32>,
      %swap3A_1142 = vector.shape_cast %swap3A_1141 : vector<1x16xf32> to vector<16xf32>
      %swap3A_1143 = vector.shape_cast %mul3A_1138 : vector<16xf32> to vector<1x16xf32>
      tpu.vector_store %arg14[%swap3A_1139, %swap3A_1140], %swap3A_1143 {strides = array<i32>} : memref<320x64xf32, #tpu.memory_space<vmem>>, vector<1x16xf32>,
      %mul3A_1144 = arith.constant 16 : i32
      %mul3A_1145 = arith.muli %scan3A_640, %mul3A_1144 : i32
      %add3A_1146 = arith.constant 10 : i32
      %add3A_1147 = arith.addi %mul3A_1145, %add3A_1146 : i32
      %slice3A_1148 = vector.extract_strided_slice %get3A_645 {offsets = [10], sizes = [1], strides = [1]} : vector<16xf32> to vector<1xf32>
      %squeeze3A_1149 = vector.extract %slice3A_1148[0] : f32 from vector<1xf32>
      %get3A_1150 = arith.index_cast %add3A_1147 : i32 to index
      %get3A_1151 = arith.constant 0 : index
      %get3A_1152 = tpu.vector_load %arg14[%get3A_1150, %get3A_1151] {strides = array<i32>} : memref<320x64xf32, #tpu.memory_space<vmem>>, vector<1x16xf32>,
      %get3A_1153 = vector.shape_cast %get3A_1152 : vector<1x16xf32> to vector<16xf32>
      %mul3A_1154 = vector.broadcast %squeeze3A_1149 : f32 to vector<16xf32>
      %mul3A_1155 = arith.mulf %get3A_1153, %mul3A_1154 : vector<16xf32>
      %swap3A_1156 = arith.index_cast %add3A_1147 : i32 to index
      %swap3A_1157 = arith.constant 0 : index
      %swap3A_1158 = tpu.vector_load %arg14[%swap3A_1156, %swap3A_1157] {strides = array<i32>} : memref<320x64xf32, #tpu.memory_space<vmem>>, vector<1x16xf32>,
      %swap3A_1159 = vector.shape_cast %swap3A_1158 : vector<1x16xf32> to vector<16xf32>
      %swap3A_1160 = vector.shape_cast %mul3A_1155 : vector<16xf32> to vector<1x16xf32>
      tpu.vector_store %arg14[%swap3A_1156, %swap3A_1157], %swap3A_1160 {strides = array<i32>} : memref<320x64xf32, #tpu.memory_space<vmem>>, vector<1x16xf32>,
      %get3A_1161 = arith.index_cast %add3A_1147 : i32 to index
      %get3A_1162 = arith.constant 16 : index
      %get3A_1163 = tpu.vector_load %arg14[%get3A_1161, %get3A_1162] {strides = array<i32>} : memref<320x64xf32, #tpu.memory_space<vmem>>, vector<1x16xf32>,
      %get3A_1164 = vector.shape_cast %get3A_1163 : vector<1x16xf32> to vector<16xf32>
      %mul3A_1165 = vector.broadcast %squeeze3A_1149 : f32 to vector<16xf32>
      %mul3A_1166 = arith.mulf %get3A_1164, %mul3A_1165 : vector<16xf32>
      %swap3A_1167 = arith.index_cast %add3A_1147 : i32 to index
      %swap3A_1168 = arith.constant 16 : index
      %swap3A_1169 = tpu.vector_load %arg14[%swap3A_1167, %swap3A_1168] {strides = array<i32>} : memref<320x64xf32, #tpu.memory_space<vmem>>, vector<1x16xf32>,
      %swap3A_1170 = vector.shape_cast %swap3A_1169 : vector<1x16xf32> to vector<16xf32>
      %swap3A_1171 = vector.shape_cast %mul3A_1166 : vector<16xf32> to vector<1x16xf32>
      tpu.vector_store %arg14[%swap3A_1167, %swap3A_1168], %swap3A_1171 {strides = array<i32>} : memref<320x64xf32, #tpu.memory_space<vmem>>, vector<1x16xf32>,
      %get3A_1172 = arith.index_cast %add3A_1147 : i32 to index
      %get3A_1173 = arith.constant 32 : index
      %get3A_1174 = tpu.vector_load %arg14[%get3A_1172, %get3A_1173] {strides = array<i32>} : memref<320x64xf32, #tpu.memory_space<vmem>>, vector<1x16xf32>,
      %get3A_1175 = vector.shape_cast %get3A_1174 : vector<1x16xf32> to vector<16xf32>
      %mul3A_1176 = vector.broadcast %squeeze3A_1149 : f32 to vector<16xf32>
      %mul3A_1177 = arith.mulf %get3A_1175, %mul3A_1176 : vector<16xf32>
      %swap3A_1178 = arith.index_cast %add3A_1147 : i32 to index
      %swap3A_1179 = arith.constant 32 : index
      %swap3A_1180 = tpu.vector_load %arg14[%swap3A_1178, %swap3A_1179] {strides = array<i32>} : memref<320x64xf32, #tpu.memory_space<vmem>>, vector<1x16xf32>,
      %swap3A_1181 = vector.shape_cast %swap3A_1180 : vector<1x16xf32> to vector<16xf32>
      %swap3A_1182 = vector.shape_cast %mul3A_1177 : vector<16xf32> to vector<1x16xf32>
      tpu.vector_store %arg14[%swap3A_1178, %swap3A_1179], %swap3A_1182 {strides = array<i32>} : memref<320x64xf32, #tpu.memory_space<vmem>>, vector<1x16xf32>,
      %get3A_1183 = arith.index_cast %add3A_1147 : i32 to index
      %get3A_1184 = arith.constant 48 : index
      %get3A_1185 = tpu.vector_load %arg14[%get3A_1183, %get3A_1184] {strides = array<i32>} : memref<320x64xf32, #tpu.memory_space<vmem>>, vector<1x16xf32>,
      %get3A_1186 = vector.shape_cast %get3A_1185 : vector<1x16xf32> to vector<16xf32>
      %mul3A_1187 = vector.broadcast %squeeze3A_1149 : f32 to vector<16xf32>
      %mul3A_1188 = arith.mulf %get3A_1186, %mul3A_1187 : vector<16xf32>
      %swap3A_1189 = arith.index_cast %add3A_1147 : i32 to index
      %swap3A_1190 = arith.constant 48 : index
      %swap3A_1191 = tpu.vector_load %arg14[%swap3A_1189, %swap3A_1190] {strides = array<i32>} : memref<320x64xf32, #tpu.memory_space<vmem>>, vector<1x16xf32>,
      %swap3A_1192 = vector.shape_cast %swap3A_1191 : vector<1x16xf32> to vector<16xf32>
      %swap3A_1193 = vector.shape_cast %mul3A_1188 : vector<16xf32> to vector<1x16xf32>
      tpu.vector_store %arg14[%swap3A_1189, %swap3A_1190], %swap3A_1193 {strides = array<i32>} : memref<320x64xf32, #tpu.memory_space<vmem>>, vector<1x16xf32>,
      %mul3A_1194 = arith.constant 16 : i32
      %mul3A_1195 = arith.muli %scan3A_640, %mul3A_1194 : i32
      %add3A_1196 = arith.constant 11 : i32
      %add3A_1197 = arith.addi %mul3A_1195, %add3A_1196 : i32
      %slice3A_1198 = vector.extract_strided_slice %get3A_645 {offsets = [11], sizes = [1], strides = [1]} : vector<16xf32> to vector<1xf32>
      %squeeze3A_1199 = vector.extract %slice3A_1198[0] : f32 from vector<1xf32>
      %get3A_1200 = arith.index_cast %add3A_1197 : i32 to index
      %get3A_1201 = arith.constant 0 : index
      %get3A_1202 = tpu.vector_load %arg14[%get3A_1200, %get3A_1201] {strides = array<i32>} : memref<320x64xf32, #tpu.memory_space<vmem>>, vector<1x16xf32>,
      %get3A_1203 = vector.shape_cast %get3A_1202 : vector<1x16xf32> to vector<16xf32>
      %mul3A_1204 = vector.broadcast %squeeze3A_1199 : f32 to vector<16xf32>
      %mul3A_1205 = arith.mulf %get3A_1203, %mul3A_1204 : vector<16xf32>
      %swap3A_1206 = arith.index_cast %add3A_1197 : i32 to index
      %swap3A_1207 = arith.constant 0 : index
      %swap3A_1208 = tpu.vector_load %arg14[%swap3A_1206, %swap3A_1207] {strides = array<i32>} : memref<320x64xf32, #tpu.memory_space<vmem>>, vector<1x16xf32>,
      %swap3A_1209 = vector.shape_cast %swap3A_1208 : vector<1x16xf32> to vector<16xf32>
      %swap3A_1210 = vector.shape_cast %mul3A_1205 : vector<16xf32> to vector<1x16xf32>
      tpu.vector_store %arg14[%swap3A_1206, %swap3A_1207], %swap3A_1210 {strides = array<i32>} : memref<320x64xf32, #tpu.memory_space<vmem>>, vector<1x16xf32>,
      %get3A_1211 = arith.index_cast %add3A_1197 : i32 to index
      %get3A_1212 = arith.constant 16 : index
      %get3A_1213 = tpu.vector_load %arg14[%get3A_1211, %get3A_1212] {strides = array<i32>} : memref<320x64xf32, #tpu.memory_space<vmem>>, vector<1x16xf32>,
      %get3A_1214 = vector.shape_cast %get3A_1213 : vector<1x16xf32> to vector<16xf32>
      %mul3A_1215 = vector.broadcast %squeeze3A_1199 : f32 to vector<16xf32>
      %mul3A_1216 = arith.mulf %get3A_1214, %mul3A_1215 : vector<16xf32>
      %swap3A_1217 = arith.index_cast %add3A_1197 : i32 to index
      %swap3A_1218 = arith.constant 16 : index
      %swap3A_1219 = tpu.vector_load %arg14[%swap3A_1217, %swap3A_1218] {strides = array<i32>} : memref<320x64xf32, #tpu.memory_space<vmem>>, vector<1x16xf32>,
      %swap3A_1220 = vector.shape_cast %swap3A_1219 : vector<1x16xf32> to vector<16xf32>
      %swap3A_1221 = vector.shape_cast %mul3A_1216 : vector<16xf32> to vector<1x16xf32>
      tpu.vector_store %arg14[%swap3A_1217, %swap3A_1218], %swap3A_1221 {strides = array<i32>} : memref<320x64xf32, #tpu.memory_space<vmem>>, vector<1x16xf32>,
      %get3A_1222 = arith.index_cast %add3A_1197 : i32 to index
      %get3A_1223 = arith.constant 32 : index
      %get3A_1224 = tpu.vector_load %arg14[%get3A_1222, %get3A_1223] {strides = array<i32>} : memref<320x64xf32, #tpu.memory_space<vmem>>, vector<1x16xf32>,
      %get3A_1225 = vector.shape_cast %get3A_1224 : vector<1x16xf32> to vector<16xf32>
      %mul3A_1226 = vector.broadcast %squeeze3A_1199 : f32 to vector<16xf32>
      %mul3A_1227 = arith.mulf %get3A_1225, %mul3A_1226 : vector<16xf32>
      %swap3A_1228 = arith.index_cast %add3A_1197 : i32 to index
      %swap3A_1229 = arith.constant 32 : index
      %swap3A_1230 = tpu.vector_load %arg14[%swap3A_1228, %swap3A_1229] {strides = array<i32>} : memref<320x64xf32, #tpu.memory_space<vmem>>, vector<1x16xf32>,
      %swap3A_1231 = vector.shape_cast %swap3A_1230 : vector<1x16xf32> to vector<16xf32>
      %swap3A_1232 = vector.shape_cast %mul3A_1227 : vector<16xf32> to vector<1x16xf32>
      tpu.vector_store %arg14[%swap3A_1228, %swap3A_1229], %swap3A_1232 {strides = array<i32>} : memref<320x64xf32, #tpu.memory_space<vmem>>, vector<1x16xf32>,
      %get3A_1233 = arith.index_cast %add3A_1197 : i32 to index
      %get3A_1234 = arith.constant 48 : index
      %get3A_1235 = tpu.vector_load %arg14[%get3A_1233, %get3A_1234] {strides = array<i32>} : memref<320x64xf32, #tpu.memory_space<vmem>>, vector<1x16xf32>,
      %get3A_1236 = vector.shape_cast %get3A_1235 : vector<1x16xf32> to vector<16xf32>
      %mul3A_1237 = vector.broadcast %squeeze3A_1199 : f32 to vector<16xf32>
      %mul3A_1238 = arith.mulf %get3A_1236, %mul3A_1237 : vector<16xf32>
      %swap3A_1239 = arith.index_cast %add3A_1197 : i32 to index
      %swap3A_1240 = arith.constant 48 : index
      %swap3A_1241 = tpu.vector_load %arg14[%swap3A_1239, %swap3A_1240] {strides = array<i32>} : memref<320x64xf32, #tpu.memory_space<vmem>>, vector<1x16xf32>,
      %swap3A_1242 = vector.shape_cast %swap3A_1241 : vector<1x16xf32> to vector<16xf32>
      %swap3A_1243 = vector.shape_cast %mul3A_1238 : vector<16xf32> to vector<1x16xf32>
      tpu.vector_store %arg14[%swap3A_1239, %swap3A_1240], %swap3A_1243 {strides = array<i32>} : memref<320x64xf32, #tpu.memory_space<vmem>>, vector<1x16xf32>,
      %mul3A_1244 = arith.constant 16 : i32
      %mul3A_1245 = arith.muli %scan3A_640, %mul3A_1244 : i32
      %add3A_1246 = arith.constant 12 : i32
      %add3A_1247 = arith.addi %mul3A_1245, %add3A_1246 : i32
      %slice3A_1248 = vector.extract_strided_slice %get3A_645 {offsets = [12], sizes = [1], strides = [1]} : vector<16xf32> to vector<1xf32>
      %squeeze3A_1249 = vector.extract %slice3A_1248[0] : f32 from vector<1xf32>
      %get3A_1250 = arith.index_cast %add3A_1247 : i32 to index
      %get3A_1251 = arith.constant 0 : index
      %get3A_1252 = tpu.vector_load %arg14[%get3A_1250, %get3A_1251] {strides = array<i32>} : memref<320x64xf32, #tpu.memory_space<vmem>>, vector<1x16xf32>,
      %get3A_1253 = vector.shape_cast %get3A_1252 : vector<1x16xf32> to vector<16xf32>
      %mul3A_1254 = vector.broadcast %squeeze3A_1249 : f32 to vector<16xf32>
      %mul3A_1255 = arith.mulf %get3A_1253, %mul3A_1254 : vector<16xf32>
      %swap3A_1256 = arith.index_cast %add3A_1247 : i32 to index
      %swap3A_1257 = arith.constant 0 : index
      %swap3A_1258 = tpu.vector_load %arg14[%swap3A_1256, %swap3A_1257] {strides = array<i32>} : memref<320x64xf32, #tpu.memory_space<vmem>>, vector<1x16xf32>,
      %swap3A_1259 = vector.shape_cast %swap3A_1258 : vector<1x16xf32> to vector<16xf32>
      %swap3A_1260 = vector.shape_cast %mul3A_1255 : vector<16xf32> to vector<1x16xf32>
      tpu.vector_store %arg14[%swap3A_1256, %swap3A_1257], %swap3A_1260 {strides = array<i32>} : memref<320x64xf32, #tpu.memory_space<vmem>>, vector<1x16xf32>,
      %get3A_1261 = arith.index_cast %add3A_1247 : i32 to index
      %get3A_1262 = arith.constant 16 : index
      %get3A_1263 = tpu.vector_load %arg14[%get3A_1261, %get3A_1262] {strides = array<i32>} : memref<320x64xf32, #tpu.memory_space<vmem>>, vector<1x16xf32>,
      %get3A_1264 = vector.shape_cast %get3A_1263 : vector<1x16xf32> to vector<16xf32>
      %mul3A_1265 = vector.broadcast %squeeze3A_1249 : f32 to vector<16xf32>
      %mul3A_1266 = arith.mulf %get3A_1264, %mul3A_1265 : vector<16xf32>
      %swap3A_1267 = arith.index_cast %add3A_1247 : i32 to index
      %swap3A_1268 = arith.constant 16 : index
      %swap3A_1269 = tpu.vector_load %arg14[%swap3A_1267, %swap3A_1268] {strides = array<i32>} : memref<320x64xf32, #tpu.memory_space<vmem>>, vector<1x16xf32>,
      %swap3A_1270 = vector.shape_cast %swap3A_1269 : vector<1x16xf32> to vector<16xf32>
      %swap3A_1271 = vector.shape_cast %mul3A_1266 : vector<16xf32> to vector<1x16xf32>
      tpu.vector_store %arg14[%swap3A_1267, %swap3A_1268], %swap3A_1271 {strides = array<i32>} : memref<320x64xf32, #tpu.memory_space<vmem>>, vector<1x16xf32>,
      %get3A_1272 = arith.index_cast %add3A_1247 : i32 to index
      %get3A_1273 = arith.constant 32 : index
      %get3A_1274 = tpu.vector_load %arg14[%get3A_1272, %get3A_1273] {strides = array<i32>} : memref<320x64xf32, #tpu.memory_space<vmem>>, vector<1x16xf32>,
      %get3A_1275 = vector.shape_cast %get3A_1274 : vector<1x16xf32> to vector<16xf32>
      %mul3A_1276 = vector.broadcast %squeeze3A_1249 : f32 to vector<16xf32>
      %mul3A_1277 = arith.mulf %get3A_1275, %mul3A_1276 : vector<16xf32>
      %swap3A_1278 = arith.index_cast %add3A_1247 : i32 to index
      %swap3A_1279 = arith.constant 32 : index
      %swap3A_1280 = tpu.vector_load %arg14[%swap3A_1278, %swap3A_1279] {strides = array<i32>} : memref<320x64xf32, #tpu.memory_space<vmem>>, vector<1x16xf32>,
      %swap3A_1281 = vector.shape_cast %swap3A_1280 : vector<1x16xf32> to vector<16xf32>
      %swap3A_1282 = vector.shape_cast %mul3A_1277 : vector<16xf32> to vector<1x16xf32>
      tpu.vector_store %arg14[%swap3A_1278, %swap3A_1279], %swap3A_1282 {strides = array<i32>} : memref<320x64xf32, #tpu.memory_space<vmem>>, vector<1x16xf32>,
      %get3A_1283 = arith.index_cast %add3A_1247 : i32 to index
      %get3A_1284 = arith.constant 48 : index
      %get3A_1285 = tpu.vector_load %arg14[%get3A_1283, %get3A_1284] {strides = array<i32>} : memref<320x64xf32, #tpu.memory_space<vmem>>, vector<1x16xf32>,
      %get3A_1286 = vector.shape_cast %get3A_1285 : vector<1x16xf32> to vector<16xf32>
      %mul3A_1287 = vector.broadcast %squeeze3A_1249 : f32 to vector<16xf32>
      %mul3A_1288 = arith.mulf %get3A_1286, %mul3A_1287 : vector<16xf32>
      %swap3A_1289 = arith.index_cast %add3A_1247 : i32 to index
      %swap3A_1290 = arith.constant 48 : index
      %swap3A_1291 = tpu.vector_load %arg14[%swap3A_1289, %swap3A_1290] {strides = array<i32>} : memref<320x64xf32, #tpu.memory_space<vmem>>, vector<1x16xf32>,
      %swap3A_1292 = vector.shape_cast %swap3A_1291 : vector<1x16xf32> to vector<16xf32>
      %swap3A_1293 = vector.shape_cast %mul3A_1288 : vector<16xf32> to vector<1x16xf32>
      tpu.vector_store %arg14[%swap3A_1289, %swap3A_1290], %swap3A_1293 {strides = array<i32>} : memref<320x64xf32, #tpu.memory_space<vmem>>, vector<1x16xf32>,
      %mul3A_1294 = arith.constant 16 : i32
      %mul3A_1295 = arith.muli %scan3A_640, %mul3A_1294 : i32
      %add3A_1296 = arith.constant 13 : i32
      %add3A_1297 = arith.addi %mul3A_1295, %add3A_1296 : i32
      %slice3A_1298 = vector.extract_strided_slice %get3A_645 {offsets = [13], sizes = [1], strides = [1]} : vector<16xf32> to vector<1xf32>
      %squeeze3A_1299 = vector.extract %slice3A_1298[0] : f32 from vector<1xf32>
      %get3A_1300 = arith.index_cast %add3A_1297 : i32 to index
      %get3A_1301 = arith.constant 0 : index
      %get3A_1302 = tpu.vector_load %arg14[%get3A_1300, %get3A_1301] {strides = array<i32>} : memref<320x64xf32, #tpu.memory_space<vmem>>, vector<1x16xf32>,
      %get3A_1303 = vector.shape_cast %get3A_1302 : vector<1x16xf32> to vector<16xf32>
      %mul3A_1304 = vector.broadcast %squeeze3A_1299 : f32 to vector<16xf32>
      %mul3A_1305 = arith.mulf %get3A_1303, %mul3A_1304 : vector<16xf32>
      %swap3A_1306 = arith.index_cast %add3A_1297 : i32 to index
      %swap3A_1307 = arith.constant 0 : index
      %swap3A_1308 = tpu.vector_load %arg14[%swap3A_1306, %swap3A_1307] {strides = array<i32>} : memref<320x64xf32, #tpu.memory_space<vmem>>, vector<1x16xf32>,
      %swap3A_1309 = vector.shape_cast %swap3A_1308 : vector<1x16xf32> to vector<16xf32>
      %swap3A_1310 = vector.shape_cast %mul3A_1305 : vector<16xf32> to vector<1x16xf32>
      tpu.vector_store %arg14[%swap3A_1306, %swap3A_1307], %swap3A_1310 {strides = array<i32>} : memref<320x64xf32, #tpu.memory_space<vmem>>, vector<1x16xf32>,
      %get3A_1311 = arith.index_cast %add3A_1297 : i32 to index
      %get3A_1312 = arith.constant 16 : index
      %get3A_1313 = tpu.vector_load %arg14[%get3A_1311, %get3A_1312] {strides = array<i32>} : memref<320x64xf32, #tpu.memory_space<vmem>>, vector<1x16xf32>,
      %get3A_1314 = vector.shape_cast %get3A_1313 : vector<1x16xf32> to vector<16xf32>
      %mul3A_1315 = vector.broadcast %squeeze3A_1299 : f32 to vector<16xf32>
      %mul3A_1316 = arith.mulf %get3A_1314, %mul3A_1315 : vector<16xf32>
      %swap3A_1317 = arith.index_cast %add3A_1297 : i32 to index
      %swap3A_1318 = arith.constant 16 : index
      %swap3A_1319 = tpu.vector_load %arg14[%swap3A_1317, %swap3A_1318] {strides = array<i32>} : memref<320x64xf32, #tpu.memory_space<vmem>>, vector<1x16xf32>,
      %swap3A_1320 = vector.shape_cast %swap3A_1319 : vector<1x16xf32> to vector<16xf32>
      %swap3A_1321 = vector.shape_cast %mul3A_1316 : vector<16xf32> to vector<1x16xf32>
      tpu.vector_store %arg14[%swap3A_1317, %swap3A_1318], %swap3A_1321 {strides = array<i32>} : memref<320x64xf32, #tpu.memory_space<vmem>>, vector<1x16xf32>,
      %get3A_1322 = arith.index_cast %add3A_1297 : i32 to index
      %get3A_1323 = arith.constant 32 : index
      %get3A_1324 = tpu.vector_load %arg14[%get3A_1322, %get3A_1323] {strides = array<i32>} : memref<320x64xf32, #tpu.memory_space<vmem>>, vector<1x16xf32>,
      %get3A_1325 = vector.shape_cast %get3A_1324 : vector<1x16xf32> to vector<16xf32>
      %mul3A_1326 = vector.broadcast %squeeze3A_1299 : f32 to vector<16xf32>
      %mul3A_1327 = arith.mulf %get3A_1325, %mul3A_1326 : vector<16xf32>
      %swap3A_1328 = arith.index_cast %add3A_1297 : i32 to index
      %swap3A_1329 = arith.constant 32 : index
      %swap3A_1330 = tpu.vector_load %arg14[%swap3A_1328, %swap3A_1329] {strides = array<i32>} : memref<320x64xf32, #tpu.memory_space<vmem>>, vector<1x16xf32>,
      %swap3A_1331 = vector.shape_cast %swap3A_1330 : vector<1x16xf32> to vector<16xf32>
      %swap3A_1332 = vector.shape_cast %mul3A_1327 : vector<16xf32> to vector<1x16xf32>
      tpu.vector_store %arg14[%swap3A_1328, %swap3A_1329], %swap3A_1332 {strides = array<i32>} : memref<320x64xf32, #tpu.memory_space<vmem>>, vector<1x16xf32>,
      %get3A_1333 = arith.index_cast %add3A_1297 : i32 to index
      %get3A_1334 = arith.constant 48 : index
      %get3A_1335 = tpu.vector_load %arg14[%get3A_1333, %get3A_1334] {strides = array<i32>} : memref<320x64xf32, #tpu.memory_space<vmem>>, vector<1x16xf32>,
      %get3A_1336 = vector.shape_cast %get3A_1335 : vector<1x16xf32> to vector<16xf32>
      %mul3A_1337 = vector.broadcast %squeeze3A_1299 : f32 to vector<16xf32>
      %mul3A_1338 = arith.mulf %get3A_1336, %mul3A_1337 : vector<16xf32>
      %swap3A_1339 = arith.index_cast %add3A_1297 : i32 to index
      %swap3A_1340 = arith.constant 48 : index
      %swap3A_1341 = tpu.vector_load %arg14[%swap3A_1339, %swap3A_1340] {strides = array<i32>} : memref<320x64xf32, #tpu.memory_space<vmem>>, vector<1x16xf32>,
      %swap3A_1342 = vector.shape_cast %swap3A_1341 : vector<1x16xf32> to vector<16xf32>
      %swap3A_1343 = vector.shape_cast %mul3A_1338 : vector<16xf32> to vector<1x16xf32>
      tpu.vector_store %arg14[%swap3A_1339, %swap3A_1340], %swap3A_1343 {strides = array<i32>} : memref<320x64xf32, #tpu.memory_space<vmem>>, vector<1x16xf32>,
      %mul3A_1344 = arith.constant 16 : i32
      %mul3A_1345 = arith.muli %scan3A_640, %mul3A_1344 : i32
      %add3A_1346 = arith.constant 14 : i32
      %add3A_1347 = arith.addi %mul3A_1345, %add3A_1346 : i32
      %slice3A_1348 = vector.extract_strided_slice %get3A_645 {offsets = [14], sizes = [1], strides = [1]} : vector<16xf32> to vector<1xf32>
      %squeeze3A_1349 = vector.extract %slice3A_1348[0] : f32 from vector<1xf32>
      %get3A_1350 = arith.index_cast %add3A_1347 : i32 to index
      %get3A_1351 = arith.constant 0 : index
      %get3A_1352 = tpu.vector_load %arg14[%get3A_1350, %get3A_1351] {strides = array<i32>} : memref<320x64xf32, #tpu.memory_space<vmem>>, vector<1x16xf32>,
      %get3A_1353 = vector.shape_cast %get3A_1352 : vector<1x16xf32> to vector<16xf32>
      %mul3A_1354 = vector.broadcast %squeeze3A_1349 : f32 to vector<16xf32>
      %mul3A_1355 = arith.mulf %get3A_1353, %mul3A_1354 : vector<16xf32>
      %swap3A_1356 = arith.index_cast %add3A_1347 : i32 to index
      %swap3A_1357 = arith.constant 0 : index
      %swap3A_1358 = tpu.vector_load %arg14[%swap3A_1356, %swap3A_1357] {strides = array<i32>} : memref<320x64xf32, #tpu.memory_space<vmem>>, vector<1x16xf32>,
      %swap3A_1359 = vector.shape_cast %swap3A_1358 : vector<1x16xf32> to vector<16xf32>
      %swap3A_1360 = vector.shape_cast %mul3A_1355 : vector<16xf32> to vector<1x16xf32>
      tpu.vector_store %arg14[%swap3A_1356, %swap3A_1357], %swap3A_1360 {strides = array<i32>} : memref<320x64xf32, #tpu.memory_space<vmem>>, vector<1x16xf32>,
      %get3A_1361 = arith.index_cast %add3A_1347 : i32 to index
      %get3A_1362 = arith.constant 16 : index
      %get3A_1363 = tpu.vector_load %arg14[%get3A_1361, %get3A_1362] {strides = array<i32>} : memref<320x64xf32, #tpu.memory_space<vmem>>, vector<1x16xf32>,
      %get3A_1364 = vector.shape_cast %get3A_1363 : vector<1x16xf32> to vector<16xf32>
      %mul3A_1365 = vector.broadcast %squeeze3A_1349 : f32 to vector<16xf32>
      %mul3A_1366 = arith.mulf %get3A_1364, %mul3A_1365 : vector<16xf32>
      %swap3A_1367 = arith.index_cast %add3A_1347 : i32 to index
      %swap3A_1368 = arith.constant 16 : index
      %swap3A_1369 = tpu.vector_load %arg14[%swap3A_1367, %swap3A_1368] {strides = array<i32>} : memref<320x64xf32, #tpu.memory_space<vmem>>, vector<1x16xf32>,
      %swap3A_1370 = vector.shape_cast %swap3A_1369 : vector<1x16xf32> to vector<16xf32>
      %swap3A_1371 = vector.shape_cast %mul3A_1366 : vector<16xf32> to vector<1x16xf32>
      tpu.vector_store %arg14[%swap3A_1367, %swap3A_1368], %swap3A_1371 {strides = array<i32>} : memref<320x64xf32, #tpu.memory_space<vmem>>, vector<1x16xf32>,
      %get3A_1372 = arith.index_cast %add3A_1347 : i32 to index
      %get3A_1373 = arith.constant 32 : index
      %get3A_1374 = tpu.vector_load %arg14[%get3A_1372, %get3A_1373] {strides = array<i32>} : memref<320x64xf32, #tpu.memory_space<vmem>>, vector<1x16xf32>,
      %get3A_1375 = vector.shape_cast %get3A_1374 : vector<1x16xf32> to vector<16xf32>
      %mul3A_1376 = vector.broadcast %squeeze3A_1349 : f32 to vector<16xf32>
      %mul3A_1377 = arith.mulf %get3A_1375, %mul3A_1376 : vector<16xf32>
      %swap3A_1378 = arith.index_cast %add3A_1347 : i32 to index
      %swap3A_1379 = arith.constant 32 : index
      %swap3A_1380 = tpu.vector_load %arg14[%swap3A_1378, %swap3A_1379] {strides = array<i32>} : memref<320x64xf32, #tpu.memory_space<vmem>>, vector<1x16xf32>,
      %swap3A_1381 = vector.shape_cast %swap3A_1380 : vector<1x16xf32> to vector<16xf32>
      %swap3A_1382 = vector.shape_cast %mul3A_1377 : vector<16xf32> to vector<1x16xf32>
      tpu.vector_store %arg14[%swap3A_1378, %swap3A_1379], %swap3A_1382 {strides = array<i32>} : memref<320x64xf32, #tpu.memory_space<vmem>>, vector<1x16xf32>,
      %get3A_1383 = arith.index_cast %add3A_1347 : i32 to index
      %get3A_1384 = arith.constant 48 : index
      %get3A_1385 = tpu.vector_load %arg14[%get3A_1383, %get3A_1384] {strides = array<i32>} : memref<320x64xf32, #tpu.memory_space<vmem>>, vector<1x16xf32>,
      %get3A_1386 = vector.shape_cast %get3A_1385 : vector<1x16xf32> to vector<16xf32>
      %mul3A_1387 = vector.broadcast %squeeze3A_1349 : f32 to vector<16xf32>
      %mul3A_1388 = arith.mulf %get3A_1386, %mul3A_1387 : vector<16xf32>
      %swap3A_1389 = arith.index_cast %add3A_1347 : i32 to index
      %swap3A_1390 = arith.constant 48 : index
      %swap3A_1391 = tpu.vector_load %arg14[%swap3A_1389, %swap3A_1390] {strides = array<i32>} : memref<320x64xf32, #tpu.memory_space<vmem>>, vector<1x16xf32>,
      %swap3A_1392 = vector.shape_cast %swap3A_1391 : vector<1x16xf32> to vector<16xf32>
      %swap3A_1393 = vector.shape_cast %mul3A_1388 : vector<16xf32> to vector<1x16xf32>
      tpu.vector_store %arg14[%swap3A_1389, %swap3A_1390], %swap3A_1393 {strides = array<i32>} : memref<320x64xf32, #tpu.memory_space<vmem>>, vector<1x16xf32>,
      %mul3A_1394 = arith.constant 16 : i32
      %mul3A_1395 = arith.muli %scan3A_640, %mul3A_1394 : i32
      %add3A_1396 = arith.constant 15 : i32
      %add3A_1397 = arith.addi %mul3A_1395, %add3A_1396 : i32
      %slice3A_1398 = vector.extract_strided_slice %get3A_645 {offsets = [15], sizes = [1], strides = [1]} : vector<16xf32> to vector<1xf32>
      %squeeze3A_1399 = vector.extract %slice3A_1398[0] : f32 from vector<1xf32>
      %get3A_1400 = arith.index_cast %add3A_1397 : i32 to index
      %get3A_1401 = arith.constant 0 : index
      %get3A_1402 = tpu.vector_load %arg14[%get3A_1400, %get3A_1401] {strides = array<i32>} : memref<320x64xf32, #tpu.memory_space<vmem>>, vector<1x16xf32>,
      %get3A_1403 = vector.shape_cast %get3A_1402 : vector<1x16xf32> to vector<16xf32>
      %mul3A_1404 = vector.broadcast %squeeze3A_1399 : f32 to vector<16xf32>
      %mul3A_1405 = arith.mulf %get3A_1403, %mul3A_1404 : vector<16xf32>
      %swap3A_1406 = arith.index_cast %add3A_1397 : i32 to index
      %swap3A_1407 = arith.constant 0 : index
      %swap3A_1408 = tpu.vector_load %arg14[%swap3A_1406, %swap3A_1407] {strides = array<i32>} : memref<320x64xf32, #tpu.memory_space<vmem>>, vector<1x16xf32>,
      %swap3A_1409 = vector.shape_cast %swap3A_1408 : vector<1x16xf32> to vector<16xf32>
      %swap3A_1410 = vector.shape_cast %mul3A_1405 : vector<16xf32> to vector<1x16xf32>
      tpu.vector_store %arg14[%swap3A_1406, %swap3A_1407], %swap3A_1410 {strides = array<i32>} : memref<320x64xf32, #tpu.memory_space<vmem>>, vector<1x16xf32>,
      %get3A_1411 = arith.index_cast %add3A_1397 : i32 to index
      %get3A_1412 = arith.constant 16 : index
      %get3A_1413 = tpu.vector_load %arg14[%get3A_1411, %get3A_1412] {strides = array<i32>} : memref<320x64xf32, #tpu.memory_space<vmem>>, vector<1x16xf32>,
      %get3A_1414 = vector.shape_cast %get3A_1413 : vector<1x16xf32> to vector<16xf32>
      %mul3A_1415 = vector.broadcast %squeeze3A_1399 : f32 to vector<16xf32>
      %mul3A_1416 = arith.mulf %get3A_1414, %mul3A_1415 : vector<16xf32>
      %swap3A_1417 = arith.index_cast %add3A_1397 : i32 to index
      %swap3A_1418 = arith.constant 16 : index
      %swap3A_1419 = tpu.vector_load %arg14[%swap3A_1417, %swap3A_1418] {strides = array<i32>} : memref<320x64xf32, #tpu.memory_space<vmem>>, vector<1x16xf32>,
      %swap3A_1420 = vector.shape_cast %swap3A_1419 : vector<1x16xf32> to vector<16xf32>
      %swap3A_1421 = vector.shape_cast %mul3A_1416 : vector<16xf32> to vector<1x16xf32>
      tpu.vector_store %arg14[%swap3A_1417, %swap3A_1418], %swap3A_1421 {strides = array<i32>} : memref<320x64xf32, #tpu.memory_space<vmem>>, vector<1x16xf32>,
      %get3A_1422 = arith.index_cast %add3A_1397 : i32 to index
      %get3A_1423 = arith.constant 32 : index
      %get3A_1424 = tpu.vector_load %arg14[%get3A_1422, %get3A_1423] {strides = array<i32>} : memref<320x64xf32, #tpu.memory_space<vmem>>, vector<1x16xf32>,
      %get3A_1425 = vector.shape_cast %get3A_1424 : vector<1x16xf32> to vector<16xf32>
      %mul3A_1426 = vector.broadcast %squeeze3A_1399 : f32 to vector<16xf32>
      %mul3A_1427 = arith.mulf %get3A_1425, %mul3A_1426 : vector<16xf32>
      %swap3A_1428 = arith.index_cast %add3A_1397 : i32 to index
      %swap3A_1429 = arith.constant 32 : index
      %swap3A_1430 = tpu.vector_load %arg14[%swap3A_1428, %swap3A_1429] {strides = array<i32>} : memref<320x64xf32, #tpu.memory_space<vmem>>, vector<1x16xf32>,
      %swap3A_1431 = vector.shape_cast %swap3A_1430 : vector<1x16xf32> to vector<16xf32>
      %swap3A_1432 = vector.shape_cast %mul3A_1427 : vector<16xf32> to vector<1x16xf32>
      tpu.vector_store %arg14[%swap3A_1428, %swap3A_1429], %swap3A_1432 {strides = array<i32>} : memref<320x64xf32, #tpu.memory_space<vmem>>, vector<1x16xf32>,
      %get3A_1433 = arith.index_cast %add3A_1397 : i32 to index
      %get3A_1434 = arith.constant 48 : index
      %get3A_1435 = tpu.vector_load %arg14[%get3A_1433, %get3A_1434] {strides = array<i32>} : memref<320x64xf32, #tpu.memory_space<vmem>>, vector<1x16xf32>,
      %get3A_1436 = vector.shape_cast %get3A_1435 : vector<1x16xf32> to vector<16xf32>
      %mul3A_1437 = vector.broadcast %squeeze3A_1399 : f32 to vector<16xf32>
      %mul3A_1438 = arith.mulf %get3A_1436, %mul3A_1437 : vector<16xf32>
      %swap3A_1439 = arith.index_cast %add3A_1397 : i32 to index
      %swap3A_1440 = arith.constant 48 : index
      %swap3A_1441 = tpu.vector_load %arg14[%swap3A_1439, %swap3A_1440] {strides = array<i32>} : memref<320x64xf32, #tpu.memory_space<vmem>>, vector<1x16xf32>,
      %swap3A_1442 = vector.shape_cast %swap3A_1441 : vector<1x16xf32> to vector<16xf32>
      %swap3A_1443 = vector.shape_cast %mul3A_1438 : vector<16xf32> to vector<1x16xf32>
      tpu.vector_store %arg14[%swap3A_1439, %swap3A_1440], %swap3A_1443 {strides = array<i32>} : memref<320x64xf32, #tpu.memory_space<vmem>>, vector<1x16xf32>,
    }
    %scan3A_634 = arith.constant 20 : i32
    "tpu.region"() ({
      %run_scoped3A_640 = tpu.sem_alloc : memref<!tpu.dma_semaphore, #tpu.memory_space<semaphore_mem>>
      %dma_start3A_641 = arith.constant 0 : i32
      %dma_start3A_642 = arith.constant 0 : i32
      %dma_start3A_643 = tpu.memref_slice %arg7[%arg0, %dma_start3A_641, %dma_start3A_642] : memref<2x10240x64xf32, #tpu.memory_space<hbm>> -> memref<1x10240x64xf32, #tpu.memory_space<hbm>>
      %dma_start3A_644 = tpu.memref_squeeze %dma_start3A_643 : memref<1x10240x64xf32, #tpu.memory_space<hbm>> -> memref<10240x64xf32, #tpu.memory_space<hbm>>
      %dma_start3A_645 = arith.constant 0 : i32
      %dma_start3A_646 = tpu.memref_slice %dma_start3A_644[%add3A_368, %dma_start3A_645] : memref<10240x64xf32, #tpu.memory_space<hbm>> -> memref<320x64xf32, #tpu.memory_space<hbm>>
      %dma_start3A_647 = arith.constant 0 : i32
      %dma_start3A_648 = arith.constant 0 : i32
      %dma_start3A_649 = tpu.memref_slice %arg7[%arg0, %dma_start3A_647, %dma_start3A_648] : memref<2x10240x64xf32, #tpu.memory_space<hbm>> -> memref<1x10240x64xf32, #tpu.memory_space<hbm>>
      %dma_start3A_650 = tpu.memref_squeeze %dma_start3A_649 : memref<1x10240x64xf32, #tpu.memory_space<hbm>> -> memref<10240x64xf32, #tpu.memory_space<hbm>>
      %dma_start3A_651 = arith.constant 0 : i32
      %dma_start3A_652 = tpu.memref_slice %dma_start3A_650[%add3A_368, %dma_start3A_651] : memref<10240x64xf32, #tpu.memory_space<hbm>> -> memref<320x64xf32, #tpu.memory_space<hbm>>
      tpu.enqueue_dma source(%arg14 : memref<320x64xf32, #tpu.memory_space<vmem>>) target(%dma_start3A_652 : memref<320x64xf32, #tpu.memory_space<hbm>>) target_semaphore(%run_scoped3A_640 : memref<!tpu.dma_semaphore, #tpu.memory_space<semaphore_mem>>)
      %dma_wait3A_653 = arith.constant 0 : i32
      %dma_wait3A_654 = arith.constant 0 : i32
      %dma_wait3A_655 = tpu.memref_slice %arg7[%arg0, %dma_wait3A_653, %dma_wait3A_654] : memref<2x10240x64xf32, #tpu.memory_space<hbm>> -> memref<1x10240x64xf32, #tpu.memory_space<hbm>>
      %dma_wait3A_656 = tpu.memref_squeeze %dma_wait3A_655 : memref<1x10240x64xf32, #tpu.memory_space<hbm>> -> memref<10240x64xf32, #tpu.memory_space<hbm>>
      %dma_wait3A_657 = arith.constant 0 : i32
      %dma_wait3A_658 = tpu.memref_slice %dma_wait3A_656[%add3A_368, %dma_wait3A_657] : memref<10240x64xf32, #tpu.memory_space<hbm>> -> memref<320x64xf32, #tpu.memory_space<hbm>>
      %dma_wait3A_659 = arith.constant 0 : i32
      %dma_wait3A_660 = arith.constant 0 : i32
      %dma_wait3A_661 = tpu.memref_slice %arg7[%arg0, %dma_wait3A_659, %dma_wait3A_660] : memref<2x10240x64xf32, #tpu.memory_space<hbm>> -> memref<1x10240x64xf32, #tpu.memory_space<hbm>>
      %dma_wait3A_662 = tpu.memref_squeeze %dma_wait3A_661 : memref<1x10240x64xf32, #tpu.memory_space<hbm>> -> memref<10240x64xf32, #tpu.memory_space<hbm>>
      %dma_wait3A_663 = arith.constant 0 : i32
      %dma_wait3A_664 = tpu.memref_slice %dma_wait3A_662[%add3A_368, %dma_wait3A_663] : memref<10240x64xf32, #tpu.memory_space<hbm>> -> memref<320x64xf32, #tpu.memory_space<hbm>>
      tpu.wait_dma2 semaphore(%run_scoped3A_640 : memref<!tpu.dma_semaphore, #tpu.memory_space<semaphore_mem>>) src(%arg14 : memref<320x64xf32, #tpu.memory_space<vmem>>) dst(%dma_wait3A_664 : memref<320x64xf32, #tpu.memory_space<hbm>>)
      tpu.yield
    }) : () -> ()
    %eq3A_635 = arith.constant 0 : i32
    %eq3A_636 = arith.cmpi eq, %arg0, %eq3A_635 : i32
    %convert_element_type3A_637 = arith.extui %eq3A_636 : i1 to i32
    %cond3A_638 = arith.constant 0 : i32
    %cond3A_639 = arith.cmpi ne, %convert_element_type3A_637, %cond3A_638 : i32
    scf.if %cond3A_639 {
      "tpu.region"() ({
        %run_scoped3A_640 = tpu.sem_alloc : memref<!tpu.dma_semaphore, #tpu.memory_space<semaphore_mem>>
        %dma_start3A_641 = tpu.memref_slice %arg8[%add3A_368] : memref<10240xf32, #tpu.memory_space<hbm>> -> memref<320xf32, #tpu.memory_space<hbm>>
        %dma_start3A_642 = tpu.memref_slice %arg8[%add3A_368] : memref<10240xf32, #tpu.memory_space<hbm>> -> memref<320xf32, #tpu.memory_space<hbm>>
        tpu.enqueue_dma source(%arg16 : memref<320xf32, #tpu.memory_space<vmem>>) target(%dma_start3A_642 : memref<320xf32, #tpu.memory_space<hbm>>) target_semaphore(%run_scoped3A_640 : memref<!tpu.dma_semaphore, #tpu.memory_space<semaphore_mem>>)
        %dma_wait3A_643 = tpu.memref_slice %arg8[%add3A_368] : memref<10240xf32, #tpu.memory_space<hbm>> -> memref<320xf32, #tpu.memory_space<hbm>>
        %dma_wait3A_644 = tpu.memref_slice %arg8[%add3A_368] : memref<10240xf32, #tpu.memory_space<hbm>> -> memref<320xf32, #tpu.memory_space<hbm>>
        tpu.wait_dma2 semaphore(%run_scoped3A_640 : memref<!tpu.dma_semaphore, #tpu.memory_space<semaphore_mem>>) src(%arg16 : memref<320xf32, #tpu.memory_space<vmem>>) dst(%dma_wait3A_644 : memref<320xf32, #tpu.memory_space<hbm>>)
        tpu.yield
      }) : () -> ()
    } else {
    }
    return
  }
}

#map = affine_map<(d0, d1) -> (0, 0)>
#map1 = affine_map<(d0, d1) -> (0, 0, 0, 0)>
#map2 = affine_map<(d0, d1) -> (0)>
#map3 = affine_map<(d0, d1) -> (0, 0, 0)>
module attributes {stable_mosaic.version = 14 : i64} {
  func.func @body(%arg0: i32, %arg1: i32, %arg2: memref<10000x16xf32, #tpu.memory_space<hbm>>, %arg3: memref<2x32x125x80xi32, #tpu.memory_space<hbm>>, %arg4: memref<640x16xf32, #tpu.memory_space<hbm>>, %arg5: memref<10240xf32, #tpu.memory_space<hbm>>, %arg6: memref<2x10240x16xf32, #tpu.memory_space<hbm>>, %arg7: memref<125x80xi32, #tpu.memory_space<vmem>>, %arg8: memref<125x80xi32, #tpu.memory_space<vmem>>, %arg9: memref<5x80x16xf32, #tpu.memory_space<vmem>>, %arg10: memref<640xf32, #tpu.memory_space<vmem>>, %arg11: memref<320x16xf32, #tpu.memory_space<vmem>>, %arg12: memref<10240x16xf32, #tpu.memory_space<vmem_shared>>, %arg13: memref<!tpu.dma_semaphore, #tpu.memory_space<semaphore_mem>>, %arg14: memref<!tpu.dma_semaphore, #tpu.memory_space<semaphore_mem>>, %arg15: memref<!tpu.dma_semaphore, #tpu.memory_space<semaphore_mem>>, %arg16: memref<!tpu.dma_semaphore, #tpu.memory_space<semaphore_mem>>, %arg17: memref<!tpu.dma_semaphore, #tpu.memory_space<semaphore_mem>>, %arg18: memref<!tpu.dma_semaphore, #tpu.memory_space<semaphore_mem>>, %arg19: memref<!tpu.dma_semaphore, #tpu.memory_space<semaphore_mem>>, %arg20: memref<!tpu.dma_semaphore, #tpu.memory_space<semaphore_mem>>, %arg21: memref<!tpu.dma_semaphore, #tpu.memory_space<semaphore_mem>>, %arg22: memref<!tpu.dma_semaphore, #tpu.memory_space<semaphore_mem>>) attributes {dimension_semantics = [#tpu.dimension_semantics<core_parallel>, #tpu.dimension_semantics<subcore_parallel>], iteration_bounds = array<i64: 2, 16>, scalar_prefetch = 0 : i64, scratch_operands = 16 : i64, tpu.core_type = #tpu.core_type<sc_vector_subcore>, window_params = [{transform_indices = #map}, {transform_indices = #map1}, {transform_indices = #map}, {transform_indices = #map2}, {transform_indices = #map3}]} {
    %mul3A = arith.constant 16 : i32
    %mul3A_0 = arith.muli %arg0, %mul3A : i32
    %add3A = arith.addi %mul3A_0, %arg1 : i32
    %mul3A_1 = arith.constant 640 : i32
    %mul3A_2 = arith.muli %arg1, %mul3A_1 : i32
    "tpu.region"() ({
      %run_scoped3A_100 = tpu.sem_alloc : memref<!tpu.dma_semaphore, #tpu.memory_space<semaphore_mem>>
      %dma_start3A_101 = arith.constant 0 : i32
      %dma_start3A_102 = tpu.memref_slice %arg12[%mul3A_2, %dma_start3A_101] : memref<10240x16xf32, #tpu.memory_space<vmem_shared>> -> memref<640x16xf32, #tpu.memory_space<vmem_shared>>
      tpu.enqueue_dma source(%arg4 : memref<640x16xf32, #tpu.memory_space<hbm>>) target(%dma_start3A_102 : memref<640x16xf32, #tpu.memory_space<vmem_shared>>) target_semaphore(%run_scoped3A_100 : memref<!tpu.dma_semaphore, #tpu.memory_space<semaphore_mem>>)
      %dma_wait3A_103 = arith.constant 0 : i32
      %dma_wait3A_104 = tpu.memref_slice %arg12[%mul3A_2, %dma_wait3A_103] : memref<10240x16xf32, #tpu.memory_space<vmem_shared>> -> memref<640x16xf32, #tpu.memory_space<vmem_shared>>
      tpu.wait_dma2 semaphore(%run_scoped3A_100 : memref<!tpu.dma_semaphore, #tpu.memory_space<semaphore_mem>>) src(%arg4 : memref<640x16xf32, #tpu.memory_space<hbm>>) dst(%dma_wait3A_104 : memref<640x16xf32, #tpu.memory_space<vmem_shared>>)
      tpu.yield
    }) : () -> ()
    %run_scoped3A = arith.constant 0 : i32
    "tpu.region"() ({
      %run_scoped3A_100 = tpu.sem_alloc : memref<!tpu.dma_semaphore, #tpu.memory_space<semaphore_mem>>
      %dma_start3A_101 = arith.constant 0 : i32
      %dma_start3A_102 = arith.constant 0 : i32
      %dma_start3A_103 = arith.constant 0 : i32
      %dma_start3A_104 = tpu.memref_slice %arg3[%run_scoped3A, %dma_start3A_101, %dma_start3A_102, %dma_start3A_103] : memref<2x32x125x80xi32, #tpu.memory_space<hbm>> -> memref<1x32x125x80xi32, #tpu.memory_space<hbm>>
      %dma_start3A_105 = tpu.memref_squeeze %dma_start3A_104 : memref<1x32x125x80xi32, #tpu.memory_space<hbm>> -> memref<32x125x80xi32, #tpu.memory_space<hbm>>
      %dma_start3A_106 = arith.constant 0 : i32
      %dma_start3A_107 = arith.constant 0 : i32
      %dma_start3A_108 = tpu.memref_slice %dma_start3A_105[%add3A, %dma_start3A_106, %dma_start3A_107] : memref<32x125x80xi32, #tpu.memory_space<hbm>> -> memref<1x125x80xi32, #tpu.memory_space<hbm>>
      %dma_start3A_109 = tpu.memref_squeeze %dma_start3A_108 : memref<1x125x80xi32, #tpu.memory_space<hbm>> -> memref<125x80xi32, #tpu.memory_space<hbm>>
      %dma_start3A_110 = arith.constant 0 : i32
      %dma_start3A_111 = arith.constant 0 : i32
      %dma_start3A_112 = arith.constant 0 : i32
      %dma_start3A_113 = tpu.memref_slice %arg3[%run_scoped3A, %dma_start3A_110, %dma_start3A_111, %dma_start3A_112] : memref<2x32x125x80xi32, #tpu.memory_space<hbm>> -> memref<1x32x125x80xi32, #tpu.memory_space<hbm>>
      %dma_start3A_114 = tpu.memref_squeeze %dma_start3A_113 : memref<1x32x125x80xi32, #tpu.memory_space<hbm>> -> memref<32x125x80xi32, #tpu.memory_space<hbm>>
      %dma_start3A_115 = arith.constant 0 : i32
      %dma_start3A_116 = arith.constant 0 : i32
      %dma_start3A_117 = tpu.memref_slice %dma_start3A_114[%add3A, %dma_start3A_115, %dma_start3A_116] : memref<32x125x80xi32, #tpu.memory_space<hbm>> -> memref<1x125x80xi32, #tpu.memory_space<hbm>>
      %dma_start3A_118 = tpu.memref_squeeze %dma_start3A_117 : memref<1x125x80xi32, #tpu.memory_space<hbm>> -> memref<125x80xi32, #tpu.memory_space<hbm>>
      tpu.enqueue_dma source(%dma_start3A_118 : memref<125x80xi32, #tpu.memory_space<hbm>>) target(%arg7 : memref<125x80xi32, #tpu.memory_space<vmem>>) target_semaphore(%run_scoped3A_100 : memref<!tpu.dma_semaphore, #tpu.memory_space<semaphore_mem>>)
      %dma_wait3A_119 = arith.constant 0 : i32
      %dma_wait3A_120 = arith.constant 0 : i32
      %dma_wait3A_121 = arith.constant 0 : i32
      %dma_wait3A_122 = tpu.memref_slice %arg3[%run_scoped3A, %dma_wait3A_119, %dma_wait3A_120, %dma_wait3A_121] : memref<2x32x125x80xi32, #tpu.memory_space<hbm>> -> memref<1x32x125x80xi32, #tpu.memory_space<hbm>>
      %dma_wait3A_123 = tpu.memref_squeeze %dma_wait3A_122 : memref<1x32x125x80xi32, #tpu.memory_space<hbm>> -> memref<32x125x80xi32, #tpu.memory_space<hbm>>
      %dma_wait3A_124 = arith.constant 0 : i32
      %dma_wait3A_125 = arith.constant 0 : i32
      %dma_wait3A_126 = tpu.memref_slice %dma_wait3A_123[%add3A, %dma_wait3A_124, %dma_wait3A_125] : memref<32x125x80xi32, #tpu.memory_space<hbm>> -> memref<1x125x80xi32, #tpu.memory_space<hbm>>
      %dma_wait3A_127 = tpu.memref_squeeze %dma_wait3A_126 : memref<1x125x80xi32, #tpu.memory_space<hbm>> -> memref<125x80xi32, #tpu.memory_space<hbm>>
      %dma_wait3A_128 = arith.constant 0 : i32
      %dma_wait3A_129 = arith.constant 0 : i32
      %dma_wait3A_130 = arith.constant 0 : i32
      %dma_wait3A_131 = tpu.memref_slice %arg3[%run_scoped3A, %dma_wait3A_128, %dma_wait3A_129, %dma_wait3A_130] : memref<2x32x125x80xi32, #tpu.memory_space<hbm>> -> memref<1x32x125x80xi32, #tpu.memory_space<hbm>>
      %dma_wait3A_132 = tpu.memref_squeeze %dma_wait3A_131 : memref<1x32x125x80xi32, #tpu.memory_space<hbm>> -> memref<32x125x80xi32, #tpu.memory_space<hbm>>
      %dma_wait3A_133 = arith.constant 0 : i32
      %dma_wait3A_134 = arith.constant 0 : i32
      %dma_wait3A_135 = tpu.memref_slice %dma_wait3A_132[%add3A, %dma_wait3A_133, %dma_wait3A_134] : memref<32x125x80xi32, #tpu.memory_space<hbm>> -> memref<1x125x80xi32, #tpu.memory_space<hbm>>
      %dma_wait3A_136 = tpu.memref_squeeze %dma_wait3A_135 : memref<1x125x80xi32, #tpu.memory_space<hbm>> -> memref<125x80xi32, #tpu.memory_space<hbm>>
      tpu.wait_dma2 semaphore(%run_scoped3A_100 : memref<!tpu.dma_semaphore, #tpu.memory_space<semaphore_mem>>) src(%dma_wait3A_136 : memref<125x80xi32, #tpu.memory_space<hbm>>) dst(%arg7 : memref<125x80xi32, #tpu.memory_space<vmem>>)
      tpu.yield
    }) : () -> ()
    %run_scoped3A_3 = arith.constant 1 : i32
    "tpu.region"() ({
      %run_scoped3A_100 = tpu.sem_alloc : memref<!tpu.dma_semaphore, #tpu.memory_space<semaphore_mem>>
      %dma_start3A_101 = arith.constant 0 : i32
      %dma_start3A_102 = arith.constant 0 : i32
      %dma_start3A_103 = arith.constant 0 : i32
      %dma_start3A_104 = tpu.memref_slice %arg3[%run_scoped3A_3, %dma_start3A_101, %dma_start3A_102, %dma_start3A_103] : memref<2x32x125x80xi32, #tpu.memory_space<hbm>> -> memref<1x32x125x80xi32, #tpu.memory_space<hbm>>
      %dma_start3A_105 = tpu.memref_squeeze %dma_start3A_104 : memref<1x32x125x80xi32, #tpu.memory_space<hbm>> -> memref<32x125x80xi32, #tpu.memory_space<hbm>>
      %dma_start3A_106 = arith.constant 0 : i32
      %dma_start3A_107 = arith.constant 0 : i32
      %dma_start3A_108 = tpu.memref_slice %dma_start3A_105[%add3A, %dma_start3A_106, %dma_start3A_107] : memref<32x125x80xi32, #tpu.memory_space<hbm>> -> memref<1x125x80xi32, #tpu.memory_space<hbm>>
      %dma_start3A_109 = tpu.memref_squeeze %dma_start3A_108 : memref<1x125x80xi32, #tpu.memory_space<hbm>> -> memref<125x80xi32, #tpu.memory_space<hbm>>
      %dma_start3A_110 = arith.constant 0 : i32
      %dma_start3A_111 = arith.constant 0 : i32
      %dma_start3A_112 = arith.constant 0 : i32
      %dma_start3A_113 = tpu.memref_slice %arg3[%run_scoped3A_3, %dma_start3A_110, %dma_start3A_111, %dma_start3A_112] : memref<2x32x125x80xi32, #tpu.memory_space<hbm>> -> memref<1x32x125x80xi32, #tpu.memory_space<hbm>>
      %dma_start3A_114 = tpu.memref_squeeze %dma_start3A_113 : memref<1x32x125x80xi32, #tpu.memory_space<hbm>> -> memref<32x125x80xi32, #tpu.memory_space<hbm>>
      %dma_start3A_115 = arith.constant 0 : i32
      %dma_start3A_116 = arith.constant 0 : i32
      %dma_start3A_117 = tpu.memref_slice %dma_start3A_114[%add3A, %dma_start3A_115, %dma_start3A_116] : memref<32x125x80xi32, #tpu.memory_space<hbm>> -> memref<1x125x80xi32, #tpu.memory_space<hbm>>
      %dma_start3A_118 = tpu.memref_squeeze %dma_start3A_117 : memref<1x125x80xi32, #tpu.memory_space<hbm>> -> memref<125x80xi32, #tpu.memory_space<hbm>>
      tpu.enqueue_dma source(%dma_start3A_118 : memref<125x80xi32, #tpu.memory_space<hbm>>) target(%arg8 : memref<125x80xi32, #tpu.memory_space<vmem>>) target_semaphore(%run_scoped3A_100 : memref<!tpu.dma_semaphore, #tpu.memory_space<semaphore_mem>>)
      %dma_wait3A_119 = arith.constant 0 : i32
      %dma_wait3A_120 = arith.constant 0 : i32
      %dma_wait3A_121 = arith.constant 0 : i32
      %dma_wait3A_122 = tpu.memref_slice %arg3[%run_scoped3A_3, %dma_wait3A_119, %dma_wait3A_120, %dma_wait3A_121] : memref<2x32x125x80xi32, #tpu.memory_space<hbm>> -> memref<1x32x125x80xi32, #tpu.memory_space<hbm>>
      %dma_wait3A_123 = tpu.memref_squeeze %dma_wait3A_122 : memref<1x32x125x80xi32, #tpu.memory_space<hbm>> -> memref<32x125x80xi32, #tpu.memory_space<hbm>>
      %dma_wait3A_124 = arith.constant 0 : i32
      %dma_wait3A_125 = arith.constant 0 : i32
      %dma_wait3A_126 = tpu.memref_slice %dma_wait3A_123[%add3A, %dma_wait3A_124, %dma_wait3A_125] : memref<32x125x80xi32, #tpu.memory_space<hbm>> -> memref<1x125x80xi32, #tpu.memory_space<hbm>>
      %dma_wait3A_127 = tpu.memref_squeeze %dma_wait3A_126 : memref<1x125x80xi32, #tpu.memory_space<hbm>> -> memref<125x80xi32, #tpu.memory_space<hbm>>
      %dma_wait3A_128 = arith.constant 0 : i32
      %dma_wait3A_129 = arith.constant 0 : i32
      %dma_wait3A_130 = arith.constant 0 : i32
      %dma_wait3A_131 = tpu.memref_slice %arg3[%run_scoped3A_3, %dma_wait3A_128, %dma_wait3A_129, %dma_wait3A_130] : memref<2x32x125x80xi32, #tpu.memory_space<hbm>> -> memref<1x32x125x80xi32, #tpu.memory_space<hbm>>
      %dma_wait3A_132 = tpu.memref_squeeze %dma_wait3A_131 : memref<1x32x125x80xi32, #tpu.memory_space<hbm>> -> memref<32x125x80xi32, #tpu.memory_space<hbm>>
      %dma_wait3A_133 = arith.constant 0 : i32
      %dma_wait3A_134 = arith.constant 0 : i32
      %dma_wait3A_135 = tpu.memref_slice %dma_wait3A_132[%add3A, %dma_wait3A_133, %dma_wait3A_134] : memref<32x125x80xi32, #tpu.memory_space<hbm>> -> memref<1x125x80xi32, #tpu.memory_space<hbm>>
      %dma_wait3A_136 = tpu.memref_squeeze %dma_wait3A_135 : memref<1x125x80xi32, #tpu.memory_space<hbm>> -> memref<125x80xi32, #tpu.memory_space<hbm>>
      tpu.wait_dma2 semaphore(%run_scoped3A_100 : memref<!tpu.dma_semaphore, #tpu.memory_space<semaphore_mem>>) src(%dma_wait3A_136 : memref<125x80xi32, #tpu.memory_space<hbm>>) dst(%arg8 : memref<125x80xi32, #tpu.memory_space<vmem>>)
      tpu.yield
    }) : () -> ()
    "tpu.region"() ({
      %run_scoped3A_100 = tpu.sem_alloc : memref<!tpu.dma_semaphore, #tpu.memory_space<semaphore_mem>>
      %dma_start3A_101 = tpu.memref_slice %arg5[%mul3A_2] : memref<10240xf32, #tpu.memory_space<hbm>> -> memref<640xf32, #tpu.memory_space<hbm>>
      %dma_start3A_102 = tpu.memref_slice %arg5[%mul3A_2] : memref<10240xf32, #tpu.memory_space<hbm>> -> memref<640xf32, #tpu.memory_space<hbm>>
      tpu.enqueue_dma source(%dma_start3A_102 : memref<640xf32, #tpu.memory_space<hbm>>) target(%arg10 : memref<640xf32, #tpu.memory_space<vmem>>) target_semaphore(%run_scoped3A_100 : memref<!tpu.dma_semaphore, #tpu.memory_space<semaphore_mem>>)
      %dma_wait3A_103 = tpu.memref_slice %arg5[%mul3A_2] : memref<10240xf32, #tpu.memory_space<hbm>> -> memref<640xf32, #tpu.memory_space<hbm>>
      %dma_wait3A_104 = tpu.memref_slice %arg5[%mul3A_2] : memref<10240xf32, #tpu.memory_space<hbm>> -> memref<640xf32, #tpu.memory_space<hbm>>
      tpu.wait_dma2 semaphore(%run_scoped3A_100 : memref<!tpu.dma_semaphore, #tpu.memory_space<semaphore_mem>>) src(%dma_wait3A_104 : memref<640xf32, #tpu.memory_space<hbm>>) dst(%arg10 : memref<640xf32, #tpu.memory_space<vmem>>)
      tpu.yield
    }) : () -> ()
    %barrier3A = arith.constant 0 : index
    tpu.barrier barrier_id(%barrier3A)
    %dma_start3A = arith.constant 0 : i32
    %dma_start3A_4 = arith.constant 0 : i32
    %dma_start3A_5 = arith.constant 0 : i32
    %dma_start3A_6 = arith.constant 0 : i32
    %dma_start3A_7 = tpu.memref_slice %arg9[%dma_start3A_4, %dma_start3A_5, %dma_start3A_6] : memref<5x80x16xf32, #tpu.memory_space<vmem>> -> memref<1x80x16xf32, #tpu.memory_space<vmem>>
    %dma_start3A_8 = tpu.memref_squeeze %dma_start3A_7 : memref<1x80x16xf32, #tpu.memory_space<vmem>> -> memref<80x16xf32, #tpu.memory_space<vmem>>
    %dma_start3A_9 = arith.constant 0 : i32
    %dma_start3A_10 = tpu.memref_slice %arg7[%dma_start3A, %dma_start3A_9] : memref<125x80xi32, #tpu.memory_space<vmem>> -> memref<1x80xi32, #tpu.memory_space<vmem>>
    %dma_start3A_11 = tpu.memref_squeeze %dma_start3A_10 : memref<1x80xi32, #tpu.memory_space<vmem>> -> memref<80xi32, #tpu.memory_space<vmem>>
    %dma_start3A_12 = arith.constant 0 : i32
    %dma_start3A_13 = arith.constant 0 : i32
    %dma_start3A_14 = tpu.memref_slice %arg2[%dma_start3A_12, %dma_start3A_13] : memref<10000x16xf32, #tpu.memory_space<hbm>> -> memref<10000x16xf32, #tpu.memory_space<hbm>>
    tpu.enqueue_indirect_dma source(%dma_start3A_14 : memref<10000x16xf32, #tpu.memory_space<hbm>>) target(%dma_start3A_8 : memref<80x16xf32, #tpu.memory_space<vmem>>) offsets(%dma_start3A_11 : memref<80xi32, #tpu.memory_space<vmem>>) semaphore(%arg13 : memref<!tpu.dma_semaphore, #tpu.memory_space<semaphore_mem>>)
    %dma_start3A_15 = arith.constant 1 : i32
    %dma_start3A_16 = arith.constant 1 : i32
    %dma_start3A_17 = arith.constant 0 : i32
    %dma_start3A_18 = arith.constant 0 : i32
    %dma_start3A_19 = tpu.memref_slice %arg9[%dma_start3A_16, %dma_start3A_17, %dma_start3A_18] : memref<5x80x16xf32, #tpu.memory_space<vmem>> -> memref<1x80x16xf32, #tpu.memory_space<vmem>>
    %dma_start3A_20 = tpu.memref_squeeze %dma_start3A_19 : memref<1x80x16xf32, #tpu.memory_space<vmem>> -> memref<80x16xf32, #tpu.memory_space<vmem>>
    %dma_start3A_21 = arith.constant 0 : i32
    %dma_start3A_22 = tpu.memref_slice %arg7[%dma_start3A_15, %dma_start3A_21] : memref<125x80xi32, #tpu.memory_space<vmem>> -> memref<1x80xi32, #tpu.memory_space<vmem>>
    %dma_start3A_23 = tpu.memref_squeeze %dma_start3A_22 : memref<1x80xi32, #tpu.memory_space<vmem>> -> memref<80xi32, #tpu.memory_space<vmem>>
    %dma_start3A_24 = arith.constant 0 : i32
    %dma_start3A_25 = arith.constant 0 : i32
    %dma_start3A_26 = tpu.memref_slice %arg2[%dma_start3A_24, %dma_start3A_25] : memref<10000x16xf32, #tpu.memory_space<hbm>> -> memref<10000x16xf32, #tpu.memory_space<hbm>>
    tpu.enqueue_indirect_dma source(%dma_start3A_26 : memref<10000x16xf32, #tpu.memory_space<hbm>>) target(%dma_start3A_20 : memref<80x16xf32, #tpu.memory_space<vmem>>) offsets(%dma_start3A_23 : memref<80xi32, #tpu.memory_space<vmem>>) semaphore(%arg14 : memref<!tpu.dma_semaphore, #tpu.memory_space<semaphore_mem>>)
    %dma_start3A_27 = arith.constant 2 : i32
    %dma_start3A_28 = arith.constant 2 : i32
    %dma_start3A_29 = arith.constant 0 : i32
    %dma_start3A_30 = arith.constant 0 : i32
    %dma_start3A_31 = tpu.memref_slice %arg9[%dma_start3A_28, %dma_start3A_29, %dma_start3A_30] : memref<5x80x16xf32, #tpu.memory_space<vmem>> -> memref<1x80x16xf32, #tpu.memory_space<vmem>>
    %dma_start3A_32 = tpu.memref_squeeze %dma_start3A_31 : memref<1x80x16xf32, #tpu.memory_space<vmem>> -> memref<80x16xf32, #tpu.memory_space<vmem>>
    %dma_start3A_33 = arith.constant 0 : i32
    %dma_start3A_34 = tpu.memref_slice %arg7[%dma_start3A_27, %dma_start3A_33] : memref<125x80xi32, #tpu.memory_space<vmem>> -> memref<1x80xi32, #tpu.memory_space<vmem>>
    %dma_start3A_35 = tpu.memref_squeeze %dma_start3A_34 : memref<1x80xi32, #tpu.memory_space<vmem>> -> memref<80xi32, #tpu.memory_space<vmem>>
    %dma_start3A_36 = arith.constant 0 : i32
    %dma_start3A_37 = arith.constant 0 : i32
    %dma_start3A_38 = tpu.memref_slice %arg2[%dma_start3A_36, %dma_start3A_37] : memref<10000x16xf32, #tpu.memory_space<hbm>> -> memref<10000x16xf32, #tpu.memory_space<hbm>>
    tpu.enqueue_indirect_dma source(%dma_start3A_38 : memref<10000x16xf32, #tpu.memory_space<hbm>>) target(%dma_start3A_32 : memref<80x16xf32, #tpu.memory_space<vmem>>) offsets(%dma_start3A_35 : memref<80xi32, #tpu.memory_space<vmem>>) semaphore(%arg15 : memref<!tpu.dma_semaphore, #tpu.memory_space<semaphore_mem>>)
    %dma_start3A_39 = arith.constant 3 : i32
    %dma_start3A_40 = arith.constant 3 : i32
    %dma_start3A_41 = arith.constant 0 : i32
    %dma_start3A_42 = arith.constant 0 : i32
    %dma_start3A_43 = tpu.memref_slice %arg9[%dma_start3A_40, %dma_start3A_41, %dma_start3A_42] : memref<5x80x16xf32, #tpu.memory_space<vmem>> -> memref<1x80x16xf32, #tpu.memory_space<vmem>>
    %dma_start3A_44 = tpu.memref_squeeze %dma_start3A_43 : memref<1x80x16xf32, #tpu.memory_space<vmem>> -> memref<80x16xf32, #tpu.memory_space<vmem>>
    %dma_start3A_45 = arith.constant 0 : i32
    %dma_start3A_46 = tpu.memref_slice %arg7[%dma_start3A_39, %dma_start3A_45] : memref<125x80xi32, #tpu.memory_space<vmem>> -> memref<1x80xi32, #tpu.memory_space<vmem>>
    %dma_start3A_47 = tpu.memref_squeeze %dma_start3A_46 : memref<1x80xi32, #tpu.memory_space<vmem>> -> memref<80xi32, #tpu.memory_space<vmem>>
    %dma_start3A_48 = arith.constant 0 : i32
    %dma_start3A_49 = arith.constant 0 : i32
    %dma_start3A_50 = tpu.memref_slice %arg2[%dma_start3A_48, %dma_start3A_49] : memref<10000x16xf32, #tpu.memory_space<hbm>> -> memref<10000x16xf32, #tpu.memory_space<hbm>>
    tpu.enqueue_indirect_dma source(%dma_start3A_50 : memref<10000x16xf32, #tpu.memory_space<hbm>>) target(%dma_start3A_44 : memref<80x16xf32, #tpu.memory_space<vmem>>) offsets(%dma_start3A_47 : memref<80xi32, #tpu.memory_space<vmem>>) semaphore(%arg16 : memref<!tpu.dma_semaphore, #tpu.memory_space<semaphore_mem>>)
    %dma_start3A_51 = arith.constant 4 : i32
    %dma_start3A_52 = arith.constant 4 : i32
    %dma_start3A_53 = arith.constant 0 : i32
    %dma_start3A_54 = arith.constant 0 : i32
    %dma_start3A_55 = tpu.memref_slice %arg9[%dma_start3A_52, %dma_start3A_53, %dma_start3A_54] : memref<5x80x16xf32, #tpu.memory_space<vmem>> -> memref<1x80x16xf32, #tpu.memory_space<vmem>>
    %dma_start3A_56 = tpu.memref_squeeze %dma_start3A_55 : memref<1x80x16xf32, #tpu.memory_space<vmem>> -> memref<80x16xf32, #tpu.memory_space<vmem>>
    %dma_start3A_57 = arith.constant 0 : i32
    %dma_start3A_58 = tpu.memref_slice %arg7[%dma_start3A_51, %dma_start3A_57] : memref<125x80xi32, #tpu.memory_space<vmem>> -> memref<1x80xi32, #tpu.memory_space<vmem>>
    %dma_start3A_59 = tpu.memref_squeeze %dma_start3A_58 : memref<1x80xi32, #tpu.memory_space<vmem>> -> memref<80xi32, #tpu.memory_space<vmem>>
    %dma_start3A_60 = arith.constant 0 : i32
    %dma_start3A_61 = arith.constant 0 : i32
    %dma_start3A_62 = tpu.memref_slice %arg2[%dma_start3A_60, %dma_start3A_61] : memref<10000x16xf32, #tpu.memory_space<hbm>> -> memref<10000x16xf32, #tpu.memory_space<hbm>>
    tpu.enqueue_indirect_dma source(%dma_start3A_62 : memref<10000x16xf32, #tpu.memory_space<hbm>>) target(%dma_start3A_56 : memref<80x16xf32, #tpu.memory_space<vmem>>) offsets(%dma_start3A_59 : memref<80xi32, #tpu.memory_space<vmem>>) semaphore(%arg17 : memref<!tpu.dma_semaphore, #tpu.memory_space<semaphore_mem>>)
    %scan3A = arith.constant 0 : i32
    %scan3A_63 = arith.constant 0 : i32
    %scan3A_64 = arith.constant 25 : i32
    %scan3A_65 = arith.addi %scan3A_63, %scan3A_64 : i32
    %scan3A_66 = arith.constant 1 : i32
    scf.for %scan3A_100 = %scan3A_63 to %scan3A_65 step %scan3A_66  : i32 {
      %mul3A_101 = arith.constant 5 : i32
      %mul3A_102 = arith.muli %scan3A_100, %mul3A_101 : i32
      %add3A_103 = arith.constant 0 : i32
      %add3A_104 = arith.addi %mul3A_102, %add3A_103 : i32
      %dma_wait3A_105 = arith.constant 0 : i32
      %dma_wait3A_106 = arith.constant 0 : i32
      %dma_wait3A_107 = arith.constant 0 : i32
      %dma_wait3A_108 = tpu.memref_slice %arg9[%dma_wait3A_105, %dma_wait3A_106, %dma_wait3A_107] : memref<5x80x16xf32, #tpu.memory_space<vmem>> -> memref<1x80x16xf32, #tpu.memory_space<vmem>>
      %dma_wait3A_109 = tpu.memref_squeeze %dma_wait3A_108 : memref<1x80x16xf32, #tpu.memory_space<vmem>> -> memref<80x16xf32, #tpu.memory_space<vmem>>
      %dma_wait3A_110 = arith.constant 0 : i32
      %dma_wait3A_111 = tpu.memref_slice %arg7[%add3A_104, %dma_wait3A_110] : memref<125x80xi32, #tpu.memory_space<vmem>> -> memref<1x80xi32, #tpu.memory_space<vmem>>
      %dma_wait3A_112 = tpu.memref_squeeze %dma_wait3A_111 : memref<1x80xi32, #tpu.memory_space<vmem>> -> memref<80xi32, #tpu.memory_space<vmem>>
      %dma_wait3A_113 = arith.constant 0 : i32
      %dma_wait3A_114 = arith.constant 0 : i32
      %dma_wait3A_115 = tpu.memref_slice %arg2[%dma_wait3A_113, %dma_wait3A_114] : memref<10000x16xf32, #tpu.memory_space<hbm>> -> memref<10000x16xf32, #tpu.memory_space<hbm>>
      tpu.wait_indirect_dma semaphore(%arg13 : memref<!tpu.dma_semaphore, #tpu.memory_space<semaphore_mem>>) src(%dma_wait3A_115 : memref<10000x16xf32, #tpu.memory_space<hbm>>) dst(%dma_wait3A_109 : memref<80x16xf32, #tpu.memory_space<vmem>>)
      %dma_start3A_116 = arith.constant 0 : i32
      %dma_start3A_117 = arith.constant 0 : i32
      %dma_start3A_118 = arith.constant 0 : i32
      %dma_start3A_119 = tpu.memref_slice %arg9[%dma_start3A_116, %dma_start3A_117, %dma_start3A_118] : memref<5x80x16xf32, #tpu.memory_space<vmem>> -> memref<1x80x16xf32, #tpu.memory_space<vmem>>
      %dma_start3A_120 = tpu.memref_squeeze %dma_start3A_119 : memref<1x80x16xf32, #tpu.memory_space<vmem>> -> memref<80x16xf32, #tpu.memory_space<vmem>>
      %dma_start3A_121 = arith.constant 0 : i32
      %dma_start3A_122 = tpu.memref_slice %arg8[%add3A_104, %dma_start3A_121] : memref<125x80xi32, #tpu.memory_space<vmem>> -> memref<1x80xi32, #tpu.memory_space<vmem>>
      %dma_start3A_123 = tpu.memref_squeeze %dma_start3A_122 : memref<1x80xi32, #tpu.memory_space<vmem>> -> memref<80xi32, #tpu.memory_space<vmem>>
      %dma_start3A_124 = arith.constant 0 : i32
      %dma_start3A_125 = arith.constant 0 : i32
      %dma_start3A_126 = tpu.memref_slice %arg12[%dma_start3A_124, %dma_start3A_125] : memref<10240x16xf32, #tpu.memory_space<vmem_shared>> -> memref<10240x16xf32, #tpu.memory_space<vmem_shared>>
      tpu.enqueue_indirect_dma source(%dma_start3A_120 : memref<80x16xf32, #tpu.memory_space<vmem>>) target(%dma_start3A_126 : memref<10240x16xf32, #tpu.memory_space<vmem_shared>>) offsets(%dma_start3A_123 : memref<80xi32, #tpu.memory_space<vmem>>) semaphore(%arg18 : memref<!tpu.dma_semaphore, #tpu.memory_space<semaphore_mem>>) {add = true}
      %ge3A = arith.constant 1 : i32
      %ge3A_127 = arith.cmpi sge, %add3A_104, %ge3A : i32
      %convert_element_type3A = arith.extui %ge3A_127 : i1 to i32
      %cond3A = arith.constant 0 : i32
      %cond3A_128 = arith.cmpi ne, %convert_element_type3A, %cond3A : i32
      scf.if %cond3A_128 {
        %dma_wait3A_253 = arith.constant 4 : i32
        %dma_wait3A_254 = arith.constant 0 : i32
        %dma_wait3A_255 = arith.constant 0 : i32
        %dma_wait3A_256 = tpu.memref_slice %arg9[%dma_wait3A_253, %dma_wait3A_254, %dma_wait3A_255] : memref<5x80x16xf32, #tpu.memory_space<vmem>> -> memref<1x80x16xf32, #tpu.memory_space<vmem>>
        %dma_wait3A_257 = tpu.memref_squeeze %dma_wait3A_256 : memref<1x80x16xf32, #tpu.memory_space<vmem>> -> memref<80x16xf32, #tpu.memory_space<vmem>>
        %dma_wait3A_258 = arith.constant 0 : i32
        %dma_wait3A_259 = tpu.memref_slice %arg8[%add3A_104, %dma_wait3A_258] : memref<125x80xi32, #tpu.memory_space<vmem>> -> memref<1x80xi32, #tpu.memory_space<vmem>>
        %dma_wait3A_260 = tpu.memref_squeeze %dma_wait3A_259 : memref<1x80xi32, #tpu.memory_space<vmem>> -> memref<80xi32, #tpu.memory_space<vmem>>
        %dma_wait3A_261 = arith.constant 0 : i32
        %dma_wait3A_262 = arith.constant 0 : i32
        %dma_wait3A_263 = tpu.memref_slice %arg12[%dma_wait3A_261, %dma_wait3A_262] : memref<10240x16xf32, #tpu.memory_space<vmem_shared>> -> memref<10240x16xf32, #tpu.memory_space<vmem_shared>>
        tpu.wait_indirect_dma semaphore(%arg22 : memref<!tpu.dma_semaphore, #tpu.memory_space<semaphore_mem>>) src(%dma_wait3A_257 : memref<80x16xf32, #tpu.memory_space<vmem>>) dst(%dma_wait3A_263 : memref<10240x16xf32, #tpu.memory_space<vmem_shared>>)
        %sub3A = arith.constant 1 : i32
        %sub3A_264 = arith.subi %add3A_104, %sub3A : i32
        %add3A_265 = arith.constant 5 : i32
        %add3A_266 = arith.addi %sub3A_264, %add3A_265 : i32
        %lt3A = arith.constant 125 : i32
        %lt3A_267 = arith.cmpi slt, %add3A_266, %lt3A : i32
        %convert_element_type3A_268 = arith.extui %lt3A_267 : i1 to i32
        %cond3A_269 = arith.constant 0 : i32
        %cond3A_270 = arith.cmpi ne, %convert_element_type3A_268, %cond3A_269 : i32
        scf.if %cond3A_270 {
          %sub3A_271 = arith.constant 1 : i32
          %sub3A_272 = arith.subi %add3A_104, %sub3A_271 : i32
          %add3A_273 = arith.constant 5 : i32
          %add3A_274 = arith.addi %sub3A_272, %add3A_273 : i32
          %dma_start3A_275 = arith.constant 4 : i32
          %dma_start3A_276 = arith.constant 0 : i32
          %dma_start3A_277 = arith.constant 0 : i32
          %dma_start3A_278 = tpu.memref_slice %arg9[%dma_start3A_275, %dma_start3A_276, %dma_start3A_277] : memref<5x80x16xf32, #tpu.memory_space<vmem>> -> memref<1x80x16xf32, #tpu.memory_space<vmem>>
          %dma_start3A_279 = tpu.memref_squeeze %dma_start3A_278 : memref<1x80x16xf32, #tpu.memory_space<vmem>> -> memref<80x16xf32, #tpu.memory_space<vmem>>
          %dma_start3A_280 = arith.constant 0 : i32
          %dma_start3A_281 = tpu.memref_slice %arg7[%add3A_274, %dma_start3A_280] : memref<125x80xi32, #tpu.memory_space<vmem>> -> memref<1x80xi32, #tpu.memory_space<vmem>>
          %dma_start3A_282 = tpu.memref_squeeze %dma_start3A_281 : memref<1x80xi32, #tpu.memory_space<vmem>> -> memref<80xi32, #tpu.memory_space<vmem>>
          %dma_start3A_283 = arith.constant 0 : i32
          %dma_start3A_284 = arith.constant 0 : i32
          %dma_start3A_285 = tpu.memref_slice %arg2[%dma_start3A_283, %dma_start3A_284] : memref<10000x16xf32, #tpu.memory_space<hbm>> -> memref<10000x16xf32, #tpu.memory_space<hbm>>
          tpu.enqueue_indirect_dma source(%dma_start3A_285 : memref<10000x16xf32, #tpu.memory_space<hbm>>) target(%dma_start3A_279 : memref<80x16xf32, #tpu.memory_space<vmem>>) offsets(%dma_start3A_282 : memref<80xi32, #tpu.memory_space<vmem>>) semaphore(%arg17 : memref<!tpu.dma_semaphore, #tpu.memory_space<semaphore_mem>>)
        } else {
        }
      } else {
      }
      %mul3A_129 = arith.constant 5 : i32
      %mul3A_130 = arith.muli %scan3A_100, %mul3A_129 : i32
      %add3A_131 = arith.constant 1 : i32
      %add3A_132 = arith.addi %mul3A_130, %add3A_131 : i32
      %dma_wait3A_133 = arith.constant 1 : i32
      %dma_wait3A_134 = arith.constant 0 : i32
      %dma_wait3A_135 = arith.constant 0 : i32
      %dma_wait3A_136 = tpu.memref_slice %arg9[%dma_wait3A_133, %dma_wait3A_134, %dma_wait3A_135] : memref<5x80x16xf32, #tpu.memory_space<vmem>> -> memref<1x80x16xf32, #tpu.memory_space<vmem>>
      %dma_wait3A_137 = tpu.memref_squeeze %dma_wait3A_136 : memref<1x80x16xf32, #tpu.memory_space<vmem>> -> memref<80x16xf32, #tpu.memory_space<vmem>>
      %dma_wait3A_138 = arith.constant 0 : i32
      %dma_wait3A_139 = tpu.memref_slice %arg7[%add3A_132, %dma_wait3A_138] : memref<125x80xi32, #tpu.memory_space<vmem>> -> memref<1x80xi32, #tpu.memory_space<vmem>>
      %dma_wait3A_140 = tpu.memref_squeeze %dma_wait3A_139 : memref<1x80xi32, #tpu.memory_space<vmem>> -> memref<80xi32, #tpu.memory_space<vmem>>
      %dma_wait3A_141 = arith.constant 0 : i32
      %dma_wait3A_142 = arith.constant 0 : i32
      %dma_wait3A_143 = tpu.memref_slice %arg2[%dma_wait3A_141, %dma_wait3A_142] : memref<10000x16xf32, #tpu.memory_space<hbm>> -> memref<10000x16xf32, #tpu.memory_space<hbm>>
      tpu.wait_indirect_dma semaphore(%arg14 : memref<!tpu.dma_semaphore, #tpu.memory_space<semaphore_mem>>) src(%dma_wait3A_143 : memref<10000x16xf32, #tpu.memory_space<hbm>>) dst(%dma_wait3A_137 : memref<80x16xf32, #tpu.memory_space<vmem>>)
      %dma_start3A_144 = arith.constant 1 : i32
      %dma_start3A_145 = arith.constant 0 : i32
      %dma_start3A_146 = arith.constant 0 : i32
      %dma_start3A_147 = tpu.memref_slice %arg9[%dma_start3A_144, %dma_start3A_145, %dma_start3A_146] : memref<5x80x16xf32, #tpu.memory_space<vmem>> -> memref<1x80x16xf32, #tpu.memory_space<vmem>>
      %dma_start3A_148 = tpu.memref_squeeze %dma_start3A_147 : memref<1x80x16xf32, #tpu.memory_space<vmem>> -> memref<80x16xf32, #tpu.memory_space<vmem>>
      %dma_start3A_149 = arith.constant 0 : i32
      %dma_start3A_150 = tpu.memref_slice %arg8[%add3A_132, %dma_start3A_149] : memref<125x80xi32, #tpu.memory_space<vmem>> -> memref<1x80xi32, #tpu.memory_space<vmem>>
      %dma_start3A_151 = tpu.memref_squeeze %dma_start3A_150 : memref<1x80xi32, #tpu.memory_space<vmem>> -> memref<80xi32, #tpu.memory_space<vmem>>
      %dma_start3A_152 = arith.constant 0 : i32
      %dma_start3A_153 = arith.constant 0 : i32
      %dma_start3A_154 = tpu.memref_slice %arg12[%dma_start3A_152, %dma_start3A_153] : memref<10240x16xf32, #tpu.memory_space<vmem_shared>> -> memref<10240x16xf32, #tpu.memory_space<vmem_shared>>
      tpu.enqueue_indirect_dma source(%dma_start3A_148 : memref<80x16xf32, #tpu.memory_space<vmem>>) target(%dma_start3A_154 : memref<10240x16xf32, #tpu.memory_space<vmem_shared>>) offsets(%dma_start3A_151 : memref<80xi32, #tpu.memory_space<vmem>>) semaphore(%arg19 : memref<!tpu.dma_semaphore, #tpu.memory_space<semaphore_mem>>) {add = true}
      %ge3A_155 = arith.constant 1 : i32
      %ge3A_156 = arith.cmpi sge, %add3A_132, %ge3A_155 : i32
      %convert_element_type3A_157 = arith.extui %ge3A_156 : i1 to i32
      %cond3A_158 = arith.constant 0 : i32
      %cond3A_159 = arith.cmpi ne, %convert_element_type3A_157, %cond3A_158 : i32
      scf.if %cond3A_159 {
        %dma_wait3A_253 = arith.constant 0 : i32
        %dma_wait3A_254 = arith.constant 0 : i32
        %dma_wait3A_255 = arith.constant 0 : i32
        %dma_wait3A_256 = tpu.memref_slice %arg9[%dma_wait3A_253, %dma_wait3A_254, %dma_wait3A_255] : memref<5x80x16xf32, #tpu.memory_space<vmem>> -> memref<1x80x16xf32, #tpu.memory_space<vmem>>
        %dma_wait3A_257 = tpu.memref_squeeze %dma_wait3A_256 : memref<1x80x16xf32, #tpu.memory_space<vmem>> -> memref<80x16xf32, #tpu.memory_space<vmem>>
        %dma_wait3A_258 = arith.constant 0 : i32
        %dma_wait3A_259 = tpu.memref_slice %arg8[%add3A_132, %dma_wait3A_258] : memref<125x80xi32, #tpu.memory_space<vmem>> -> memref<1x80xi32, #tpu.memory_space<vmem>>
        %dma_wait3A_260 = tpu.memref_squeeze %dma_wait3A_259 : memref<1x80xi32, #tpu.memory_space<vmem>> -> memref<80xi32, #tpu.memory_space<vmem>>
        %dma_wait3A_261 = arith.constant 0 : i32
        %dma_wait3A_262 = arith.constant 0 : i32
        %dma_wait3A_263 = tpu.memref_slice %arg12[%dma_wait3A_261, %dma_wait3A_262] : memref<10240x16xf32, #tpu.memory_space<vmem_shared>> -> memref<10240x16xf32, #tpu.memory_space<vmem_shared>>
        tpu.wait_indirect_dma semaphore(%arg18 : memref<!tpu.dma_semaphore, #tpu.memory_space<semaphore_mem>>) src(%dma_wait3A_257 : memref<80x16xf32, #tpu.memory_space<vmem>>) dst(%dma_wait3A_263 : memref<10240x16xf32, #tpu.memory_space<vmem_shared>>)
        %sub3A = arith.constant 1 : i32
        %sub3A_264 = arith.subi %add3A_132, %sub3A : i32
        %add3A_265 = arith.constant 5 : i32
        %add3A_266 = arith.addi %sub3A_264, %add3A_265 : i32
        %lt3A = arith.constant 125 : i32
        %lt3A_267 = arith.cmpi slt, %add3A_266, %lt3A : i32
        %convert_element_type3A_268 = arith.extui %lt3A_267 : i1 to i32
        %cond3A_269 = arith.constant 0 : i32
        %cond3A_270 = arith.cmpi ne, %convert_element_type3A_268, %cond3A_269 : i32
        scf.if %cond3A_270 {
          %sub3A_271 = arith.constant 1 : i32
          %sub3A_272 = arith.subi %add3A_132, %sub3A_271 : i32
          %add3A_273 = arith.constant 5 : i32
          %add3A_274 = arith.addi %sub3A_272, %add3A_273 : i32
          %dma_start3A_275 = arith.constant 0 : i32
          %dma_start3A_276 = arith.constant 0 : i32
          %dma_start3A_277 = arith.constant 0 : i32
          %dma_start3A_278 = tpu.memref_slice %arg9[%dma_start3A_275, %dma_start3A_276, %dma_start3A_277] : memref<5x80x16xf32, #tpu.memory_space<vmem>> -> memref<1x80x16xf32, #tpu.memory_space<vmem>>
          %dma_start3A_279 = tpu.memref_squeeze %dma_start3A_278 : memref<1x80x16xf32, #tpu.memory_space<vmem>> -> memref<80x16xf32, #tpu.memory_space<vmem>>
          %dma_start3A_280 = arith.constant 0 : i32
          %dma_start3A_281 = tpu.memref_slice %arg7[%add3A_274, %dma_start3A_280] : memref<125x80xi32, #tpu.memory_space<vmem>> -> memref<1x80xi32, #tpu.memory_space<vmem>>
          %dma_start3A_282 = tpu.memref_squeeze %dma_start3A_281 : memref<1x80xi32, #tpu.memory_space<vmem>> -> memref<80xi32, #tpu.memory_space<vmem>>
          %dma_start3A_283 = arith.constant 0 : i32
          %dma_start3A_284 = arith.constant 0 : i32
          %dma_start3A_285 = tpu.memref_slice %arg2[%dma_start3A_283, %dma_start3A_284] : memref<10000x16xf32, #tpu.memory_space<hbm>> -> memref<10000x16xf32, #tpu.memory_space<hbm>>
          tpu.enqueue_indirect_dma source(%dma_start3A_285 : memref<10000x16xf32, #tpu.memory_space<hbm>>) target(%dma_start3A_279 : memref<80x16xf32, #tpu.memory_space<vmem>>) offsets(%dma_start3A_282 : memref<80xi32, #tpu.memory_space<vmem>>) semaphore(%arg13 : memref<!tpu.dma_semaphore, #tpu.memory_space<semaphore_mem>>)
        } else {
        }
      } else {
      }
      %mul3A_160 = arith.constant 5 : i32
      %mul3A_161 = arith.muli %scan3A_100, %mul3A_160 : i32
      %add3A_162 = arith.constant 2 : i32
      %add3A_163 = arith.addi %mul3A_161, %add3A_162 : i32
      %dma_wait3A_164 = arith.constant 2 : i32
      %dma_wait3A_165 = arith.constant 0 : i32
      %dma_wait3A_166 = arith.constant 0 : i32
      %dma_wait3A_167 = tpu.memref_slice %arg9[%dma_wait3A_164, %dma_wait3A_165, %dma_wait3A_166] : memref<5x80x16xf32, #tpu.memory_space<vmem>> -> memref<1x80x16xf32, #tpu.memory_space<vmem>>
      %dma_wait3A_168 = tpu.memref_squeeze %dma_wait3A_167 : memref<1x80x16xf32, #tpu.memory_space<vmem>> -> memref<80x16xf32, #tpu.memory_space<vmem>>
      %dma_wait3A_169 = arith.constant 0 : i32
      %dma_wait3A_170 = tpu.memref_slice %arg7[%add3A_163, %dma_wait3A_169] : memref<125x80xi32, #tpu.memory_space<vmem>> -> memref<1x80xi32, #tpu.memory_space<vmem>>
      %dma_wait3A_171 = tpu.memref_squeeze %dma_wait3A_170 : memref<1x80xi32, #tpu.memory_space<vmem>> -> memref<80xi32, #tpu.memory_space<vmem>>
      %dma_wait3A_172 = arith.constant 0 : i32
      %dma_wait3A_173 = arith.constant 0 : i32
      %dma_wait3A_174 = tpu.memref_slice %arg2[%dma_wait3A_172, %dma_wait3A_173] : memref<10000x16xf32, #tpu.memory_space<hbm>> -> memref<10000x16xf32, #tpu.memory_space<hbm>>
      tpu.wait_indirect_dma semaphore(%arg15 : memref<!tpu.dma_semaphore, #tpu.memory_space<semaphore_mem>>) src(%dma_wait3A_174 : memref<10000x16xf32, #tpu.memory_space<hbm>>) dst(%dma_wait3A_168 : memref<80x16xf32, #tpu.memory_space<vmem>>)
      %dma_start3A_175 = arith.constant 2 : i32
      %dma_start3A_176 = arith.constant 0 : i32
      %dma_start3A_177 = arith.constant 0 : i32
      %dma_start3A_178 = tpu.memref_slice %arg9[%dma_start3A_175, %dma_start3A_176, %dma_start3A_177] : memref<5x80x16xf32, #tpu.memory_space<vmem>> -> memref<1x80x16xf32, #tpu.memory_space<vmem>>
      %dma_start3A_179 = tpu.memref_squeeze %dma_start3A_178 : memref<1x80x16xf32, #tpu.memory_space<vmem>> -> memref<80x16xf32, #tpu.memory_space<vmem>>
      %dma_start3A_180 = arith.constant 0 : i32
      %dma_start3A_181 = tpu.memref_slice %arg8[%add3A_163, %dma_start3A_180] : memref<125x80xi32, #tpu.memory_space<vmem>> -> memref<1x80xi32, #tpu.memory_space<vmem>>
      %dma_start3A_182 = tpu.memref_squeeze %dma_start3A_181 : memref<1x80xi32, #tpu.memory_space<vmem>> -> memref<80xi32, #tpu.memory_space<vmem>>
      %dma_start3A_183 = arith.constant 0 : i32
      %dma_start3A_184 = arith.constant 0 : i32
      %dma_start3A_185 = tpu.memref_slice %arg12[%dma_start3A_183, %dma_start3A_184] : memref<10240x16xf32, #tpu.memory_space<vmem_shared>> -> memref<10240x16xf32, #tpu.memory_space<vmem_shared>>
      tpu.enqueue_indirect_dma source(%dma_start3A_179 : memref<80x16xf32, #tpu.memory_space<vmem>>) target(%dma_start3A_185 : memref<10240x16xf32, #tpu.memory_space<vmem_shared>>) offsets(%dma_start3A_182 : memref<80xi32, #tpu.memory_space<vmem>>) semaphore(%arg20 : memref<!tpu.dma_semaphore, #tpu.memory_space<semaphore_mem>>) {add = true}
      %ge3A_186 = arith.constant 1 : i32
      %ge3A_187 = arith.cmpi sge, %add3A_163, %ge3A_186 : i32
      %convert_element_type3A_188 = arith.extui %ge3A_187 : i1 to i32
      %cond3A_189 = arith.constant 0 : i32
      %cond3A_190 = arith.cmpi ne, %convert_element_type3A_188, %cond3A_189 : i32
      scf.if %cond3A_190 {
        %dma_wait3A_253 = arith.constant 1 : i32
        %dma_wait3A_254 = arith.constant 0 : i32
        %dma_wait3A_255 = arith.constant 0 : i32
        %dma_wait3A_256 = tpu.memref_slice %arg9[%dma_wait3A_253, %dma_wait3A_254, %dma_wait3A_255] : memref<5x80x16xf32, #tpu.memory_space<vmem>> -> memref<1x80x16xf32, #tpu.memory_space<vmem>>
        %dma_wait3A_257 = tpu.memref_squeeze %dma_wait3A_256 : memref<1x80x16xf32, #tpu.memory_space<vmem>> -> memref<80x16xf32, #tpu.memory_space<vmem>>
        %dma_wait3A_258 = arith.constant 0 : i32
        %dma_wait3A_259 = tpu.memref_slice %arg8[%add3A_163, %dma_wait3A_258] : memref<125x80xi32, #tpu.memory_space<vmem>> -> memref<1x80xi32, #tpu.memory_space<vmem>>
        %dma_wait3A_260 = tpu.memref_squeeze %dma_wait3A_259 : memref<1x80xi32, #tpu.memory_space<vmem>> -> memref<80xi32, #tpu.memory_space<vmem>>
        %dma_wait3A_261 = arith.constant 0 : i32
        %dma_wait3A_262 = arith.constant 0 : i32
        %dma_wait3A_263 = tpu.memref_slice %arg12[%dma_wait3A_261, %dma_wait3A_262] : memref<10240x16xf32, #tpu.memory_space<vmem_shared>> -> memref<10240x16xf32, #tpu.memory_space<vmem_shared>>
        tpu.wait_indirect_dma semaphore(%arg19 : memref<!tpu.dma_semaphore, #tpu.memory_space<semaphore_mem>>) src(%dma_wait3A_257 : memref<80x16xf32, #tpu.memory_space<vmem>>) dst(%dma_wait3A_263 : memref<10240x16xf32, #tpu.memory_space<vmem_shared>>)
        %sub3A = arith.constant 1 : i32
        %sub3A_264 = arith.subi %add3A_163, %sub3A : i32
        %add3A_265 = arith.constant 5 : i32
        %add3A_266 = arith.addi %sub3A_264, %add3A_265 : i32
        %lt3A = arith.constant 125 : i32
        %lt3A_267 = arith.cmpi slt, %add3A_266, %lt3A : i32
        %convert_element_type3A_268 = arith.extui %lt3A_267 : i1 to i32
        %cond3A_269 = arith.constant 0 : i32
        %cond3A_270 = arith.cmpi ne, %convert_element_type3A_268, %cond3A_269 : i32
        scf.if %cond3A_270 {
          %sub3A_271 = arith.constant 1 : i32
          %sub3A_272 = arith.subi %add3A_163, %sub3A_271 : i32
          %add3A_273 = arith.constant 5 : i32
          %add3A_274 = arith.addi %sub3A_272, %add3A_273 : i32
          %dma_start3A_275 = arith.constant 1 : i32
          %dma_start3A_276 = arith.constant 0 : i32
          %dma_start3A_277 = arith.constant 0 : i32
          %dma_start3A_278 = tpu.memref_slice %arg9[%dma_start3A_275, %dma_start3A_276, %dma_start3A_277] : memref<5x80x16xf32, #tpu.memory_space<vmem>> -> memref<1x80x16xf32, #tpu.memory_space<vmem>>
          %dma_start3A_279 = tpu.memref_squeeze %dma_start3A_278 : memref<1x80x16xf32, #tpu.memory_space<vmem>> -> memref<80x16xf32, #tpu.memory_space<vmem>>
          %dma_start3A_280 = arith.constant 0 : i32
          %dma_start3A_281 = tpu.memref_slice %arg7[%add3A_274, %dma_start3A_280] : memref<125x80xi32, #tpu.memory_space<vmem>> -> memref<1x80xi32, #tpu.memory_space<vmem>>
          %dma_start3A_282 = tpu.memref_squeeze %dma_start3A_281 : memref<1x80xi32, #tpu.memory_space<vmem>> -> memref<80xi32, #tpu.memory_space<vmem>>
          %dma_start3A_283 = arith.constant 0 : i32
          %dma_start3A_284 = arith.constant 0 : i32
          %dma_start3A_285 = tpu.memref_slice %arg2[%dma_start3A_283, %dma_start3A_284] : memref<10000x16xf32, #tpu.memory_space<hbm>> -> memref<10000x16xf32, #tpu.memory_space<hbm>>
          tpu.enqueue_indirect_dma source(%dma_start3A_285 : memref<10000x16xf32, #tpu.memory_space<hbm>>) target(%dma_start3A_279 : memref<80x16xf32, #tpu.memory_space<vmem>>) offsets(%dma_start3A_282 : memref<80xi32, #tpu.memory_space<vmem>>) semaphore(%arg14 : memref<!tpu.dma_semaphore, #tpu.memory_space<semaphore_mem>>)
        } else {
        }
      } else {
      }
      %mul3A_191 = arith.constant 5 : i32
      %mul3A_192 = arith.muli %scan3A_100, %mul3A_191 : i32
      %add3A_193 = arith.constant 3 : i32
      %add3A_194 = arith.addi %mul3A_192, %add3A_193 : i32
      %dma_wait3A_195 = arith.constant 3 : i32
      %dma_wait3A_196 = arith.constant 0 : i32
      %dma_wait3A_197 = arith.constant 0 : i32
      %dma_wait3A_198 = tpu.memref_slice %arg9[%dma_wait3A_195, %dma_wait3A_196, %dma_wait3A_197] : memref<5x80x16xf32, #tpu.memory_space<vmem>> -> memref<1x80x16xf32, #tpu.memory_space<vmem>>
      %dma_wait3A_199 = tpu.memref_squeeze %dma_wait3A_198 : memref<1x80x16xf32, #tpu.memory_space<vmem>> -> memref<80x16xf32, #tpu.memory_space<vmem>>
      %dma_wait3A_200 = arith.constant 0 : i32
      %dma_wait3A_201 = tpu.memref_slice %arg7[%add3A_194, %dma_wait3A_200] : memref<125x80xi32, #tpu.memory_space<vmem>> -> memref<1x80xi32, #tpu.memory_space<vmem>>
      %dma_wait3A_202 = tpu.memref_squeeze %dma_wait3A_201 : memref<1x80xi32, #tpu.memory_space<vmem>> -> memref<80xi32, #tpu.memory_space<vmem>>
      %dma_wait3A_203 = arith.constant 0 : i32
      %dma_wait3A_204 = arith.constant 0 : i32
      %dma_wait3A_205 = tpu.memref_slice %arg2[%dma_wait3A_203, %dma_wait3A_204] : memref<10000x16xf32, #tpu.memory_space<hbm>> -> memref<10000x16xf32, #tpu.memory_space<hbm>>
      tpu.wait_indirect_dma semaphore(%arg16 : memref<!tpu.dma_semaphore, #tpu.memory_space<semaphore_mem>>) src(%dma_wait3A_205 : memref<10000x16xf32, #tpu.memory_space<hbm>>) dst(%dma_wait3A_199 : memref<80x16xf32, #tpu.memory_space<vmem>>)
      %dma_start3A_206 = arith.constant 3 : i32
      %dma_start3A_207 = arith.constant 0 : i32
      %dma_start3A_208 = arith.constant 0 : i32
      %dma_start3A_209 = tpu.memref_slice %arg9[%dma_start3A_206, %dma_start3A_207, %dma_start3A_208] : memref<5x80x16xf32, #tpu.memory_space<vmem>> -> memref<1x80x16xf32, #tpu.memory_space<vmem>>
      %dma_start3A_210 = tpu.memref_squeeze %dma_start3A_209 : memref<1x80x16xf32, #tpu.memory_space<vmem>> -> memref<80x16xf32, #tpu.memory_space<vmem>>
      %dma_start3A_211 = arith.constant 0 : i32
      %dma_start3A_212 = tpu.memref_slice %arg8[%add3A_194, %dma_start3A_211] : memref<125x80xi32, #tpu.memory_space<vmem>> -> memref<1x80xi32, #tpu.memory_space<vmem>>
      %dma_start3A_213 = tpu.memref_squeeze %dma_start3A_212 : memref<1x80xi32, #tpu.memory_space<vmem>> -> memref<80xi32, #tpu.memory_space<vmem>>
      %dma_start3A_214 = arith.constant 0 : i32
      %dma_start3A_215 = arith.constant 0 : i32
      %dma_start3A_216 = tpu.memref_slice %arg12[%dma_start3A_214, %dma_start3A_215] : memref<10240x16xf32, #tpu.memory_space<vmem_shared>> -> memref<10240x16xf32, #tpu.memory_space<vmem_shared>>
      tpu.enqueue_indirect_dma source(%dma_start3A_210 : memref<80x16xf32, #tpu.memory_space<vmem>>) target(%dma_start3A_216 : memref<10240x16xf32, #tpu.memory_space<vmem_shared>>) offsets(%dma_start3A_213 : memref<80xi32, #tpu.memory_space<vmem>>) semaphore(%arg21 : memref<!tpu.dma_semaphore, #tpu.memory_space<semaphore_mem>>) {add = true}
      %ge3A_217 = arith.constant 1 : i32
      %ge3A_218 = arith.cmpi sge, %add3A_194, %ge3A_217 : i32
      %convert_element_type3A_219 = arith.extui %ge3A_218 : i1 to i32
      %cond3A_220 = arith.constant 0 : i32
      %cond3A_221 = arith.cmpi ne, %convert_element_type3A_219, %cond3A_220 : i32
      scf.if %cond3A_221 {
        %dma_wait3A_253 = arith.constant 2 : i32
        %dma_wait3A_254 = arith.constant 0 : i32
        %dma_wait3A_255 = arith.constant 0 : i32
        %dma_wait3A_256 = tpu.memref_slice %arg9[%dma_wait3A_253, %dma_wait3A_254, %dma_wait3A_255] : memref<5x80x16xf32, #tpu.memory_space<vmem>> -> memref<1x80x16xf32, #tpu.memory_space<vmem>>
        %dma_wait3A_257 = tpu.memref_squeeze %dma_wait3A_256 : memref<1x80x16xf32, #tpu.memory_space<vmem>> -> memref<80x16xf32, #tpu.memory_space<vmem>>
        %dma_wait3A_258 = arith.constant 0 : i32
        %dma_wait3A_259 = tpu.memref_slice %arg8[%add3A_194, %dma_wait3A_258] : memref<125x80xi32, #tpu.memory_space<vmem>> -> memref<1x80xi32, #tpu.memory_space<vmem>>
        %dma_wait3A_260 = tpu.memref_squeeze %dma_wait3A_259 : memref<1x80xi32, #tpu.memory_space<vmem>> -> memref<80xi32, #tpu.memory_space<vmem>>
        %dma_wait3A_261 = arith.constant 0 : i32
        %dma_wait3A_262 = arith.constant 0 : i32
        %dma_wait3A_263 = tpu.memref_slice %arg12[%dma_wait3A_261, %dma_wait3A_262] : memref<10240x16xf32, #tpu.memory_space<vmem_shared>> -> memref<10240x16xf32, #tpu.memory_space<vmem_shared>>
        tpu.wait_indirect_dma semaphore(%arg20 : memref<!tpu.dma_semaphore, #tpu.memory_space<semaphore_mem>>) src(%dma_wait3A_257 : memref<80x16xf32, #tpu.memory_space<vmem>>) dst(%dma_wait3A_263 : memref<10240x16xf32, #tpu.memory_space<vmem_shared>>)
        %sub3A = arith.constant 1 : i32
        %sub3A_264 = arith.subi %add3A_194, %sub3A : i32
        %add3A_265 = arith.constant 5 : i32
        %add3A_266 = arith.addi %sub3A_264, %add3A_265 : i32
        %lt3A = arith.constant 125 : i32
        %lt3A_267 = arith.cmpi slt, %add3A_266, %lt3A : i32
        %convert_element_type3A_268 = arith.extui %lt3A_267 : i1 to i32
        %cond3A_269 = arith.constant 0 : i32
        %cond3A_270 = arith.cmpi ne, %convert_element_type3A_268, %cond3A_269 : i32
        scf.if %cond3A_270 {
          %sub3A_271 = arith.constant 1 : i32
          %sub3A_272 = arith.subi %add3A_194, %sub3A_271 : i32
          %add3A_273 = arith.constant 5 : i32
          %add3A_274 = arith.addi %sub3A_272, %add3A_273 : i32
          %dma_start3A_275 = arith.constant 2 : i32
          %dma_start3A_276 = arith.constant 0 : i32
          %dma_start3A_277 = arith.constant 0 : i32
          %dma_start3A_278 = tpu.memref_slice %arg9[%dma_start3A_275, %dma_start3A_276, %dma_start3A_277] : memref<5x80x16xf32, #tpu.memory_space<vmem>> -> memref<1x80x16xf32, #tpu.memory_space<vmem>>
          %dma_start3A_279 = tpu.memref_squeeze %dma_start3A_278 : memref<1x80x16xf32, #tpu.memory_space<vmem>> -> memref<80x16xf32, #tpu.memory_space<vmem>>
          %dma_start3A_280 = arith.constant 0 : i32
          %dma_start3A_281 = tpu.memref_slice %arg7[%add3A_274, %dma_start3A_280] : memref<125x80xi32, #tpu.memory_space<vmem>> -> memref<1x80xi32, #tpu.memory_space<vmem>>
          %dma_start3A_282 = tpu.memref_squeeze %dma_start3A_281 : memref<1x80xi32, #tpu.memory_space<vmem>> -> memref<80xi32, #tpu.memory_space<vmem>>
          %dma_start3A_283 = arith.constant 0 : i32
          %dma_start3A_284 = arith.constant 0 : i32
          %dma_start3A_285 = tpu.memref_slice %arg2[%dma_start3A_283, %dma_start3A_284] : memref<10000x16xf32, #tpu.memory_space<hbm>> -> memref<10000x16xf32, #tpu.memory_space<hbm>>
          tpu.enqueue_indirect_dma source(%dma_start3A_285 : memref<10000x16xf32, #tpu.memory_space<hbm>>) target(%dma_start3A_279 : memref<80x16xf32, #tpu.memory_space<vmem>>) offsets(%dma_start3A_282 : memref<80xi32, #tpu.memory_space<vmem>>) semaphore(%arg15 : memref<!tpu.dma_semaphore, #tpu.memory_space<semaphore_mem>>)
        } else {
        }
      } else {
      }
      %mul3A_222 = arith.constant 5 : i32
      %mul3A_223 = arith.muli %scan3A_100, %mul3A_222 : i32
      %add3A_224 = arith.constant 4 : i32
      %add3A_225 = arith.addi %mul3A_223, %add3A_224 : i32
      %dma_wait3A_226 = arith.constant 4 : i32
      %dma_wait3A_227 = arith.constant 0 : i32
      %dma_wait3A_228 = arith.constant 0 : i32
      %dma_wait3A_229 = tpu.memref_slice %arg9[%dma_wait3A_226, %dma_wait3A_227, %dma_wait3A_228] : memref<5x80x16xf32, #tpu.memory_space<vmem>> -> memref<1x80x16xf32, #tpu.memory_space<vmem>>
      %dma_wait3A_230 = tpu.memref_squeeze %dma_wait3A_229 : memref<1x80x16xf32, #tpu.memory_space<vmem>> -> memref<80x16xf32, #tpu.memory_space<vmem>>
      %dma_wait3A_231 = arith.constant 0 : i32
      %dma_wait3A_232 = tpu.memref_slice %arg7[%add3A_225, %dma_wait3A_231] : memref<125x80xi32, #tpu.memory_space<vmem>> -> memref<1x80xi32, #tpu.memory_space<vmem>>
      %dma_wait3A_233 = tpu.memref_squeeze %dma_wait3A_232 : memref<1x80xi32, #tpu.memory_space<vmem>> -> memref<80xi32, #tpu.memory_space<vmem>>
      %dma_wait3A_234 = arith.constant 0 : i32
      %dma_wait3A_235 = arith.constant 0 : i32
      %dma_wait3A_236 = tpu.memref_slice %arg2[%dma_wait3A_234, %dma_wait3A_235] : memref<10000x16xf32, #tpu.memory_space<hbm>> -> memref<10000x16xf32, #tpu.memory_space<hbm>>
      tpu.wait_indirect_dma semaphore(%arg17 : memref<!tpu.dma_semaphore, #tpu.memory_space<semaphore_mem>>) src(%dma_wait3A_236 : memref<10000x16xf32, #tpu.memory_space<hbm>>) dst(%dma_wait3A_230 : memref<80x16xf32, #tpu.memory_space<vmem>>)
      %dma_start3A_237 = arith.constant 4 : i32
      %dma_start3A_238 = arith.constant 0 : i32
      %dma_start3A_239 = arith.constant 0 : i32
      %dma_start3A_240 = tpu.memref_slice %arg9[%dma_start3A_237, %dma_start3A_238, %dma_start3A_239] : memref<5x80x16xf32, #tpu.memory_space<vmem>> -> memref<1x80x16xf32, #tpu.memory_space<vmem>>
      %dma_start3A_241 = tpu.memref_squeeze %dma_start3A_240 : memref<1x80x16xf32, #tpu.memory_space<vmem>> -> memref<80x16xf32, #tpu.memory_space<vmem>>
      %dma_start3A_242 = arith.constant 0 : i32
      %dma_start3A_243 = tpu.memref_slice %arg8[%add3A_225, %dma_start3A_242] : memref<125x80xi32, #tpu.memory_space<vmem>> -> memref<1x80xi32, #tpu.memory_space<vmem>>
      %dma_start3A_244 = tpu.memref_squeeze %dma_start3A_243 : memref<1x80xi32, #tpu.memory_space<vmem>> -> memref<80xi32, #tpu.memory_space<vmem>>
      %dma_start3A_245 = arith.constant 0 : i32
      %dma_start3A_246 = arith.constant 0 : i32
      %dma_start3A_247 = tpu.memref_slice %arg12[%dma_start3A_245, %dma_start3A_246] : memref<10240x16xf32, #tpu.memory_space<vmem_shared>> -> memref<10240x16xf32, #tpu.memory_space<vmem_shared>>
      tpu.enqueue_indirect_dma source(%dma_start3A_241 : memref<80x16xf32, #tpu.memory_space<vmem>>) target(%dma_start3A_247 : memref<10240x16xf32, #tpu.memory_space<vmem_shared>>) offsets(%dma_start3A_244 : memref<80xi32, #tpu.memory_space<vmem>>) semaphore(%arg22 : memref<!tpu.dma_semaphore, #tpu.memory_space<semaphore_mem>>) {add = true}
      %ge3A_248 = arith.constant 1 : i32
      %ge3A_249 = arith.cmpi sge, %add3A_225, %ge3A_248 : i32
      %convert_element_type3A_250 = arith.extui %ge3A_249 : i1 to i32
      %cond3A_251 = arith.constant 0 : i32
      %cond3A_252 = arith.cmpi ne, %convert_element_type3A_250, %cond3A_251 : i32
      scf.if %cond3A_252 {
        %dma_wait3A_253 = arith.constant 3 : i32
        %dma_wait3A_254 = arith.constant 0 : i32
        %dma_wait3A_255 = arith.constant 0 : i32
        %dma_wait3A_256 = tpu.memref_slice %arg9[%dma_wait3A_253, %dma_wait3A_254, %dma_wait3A_255] : memref<5x80x16xf32, #tpu.memory_space<vmem>> -> memref<1x80x16xf32, #tpu.memory_space<vmem>>
        %dma_wait3A_257 = tpu.memref_squeeze %dma_wait3A_256 : memref<1x80x16xf32, #tpu.memory_space<vmem>> -> memref<80x16xf32, #tpu.memory_space<vmem>>
        %dma_wait3A_258 = arith.constant 0 : i32
        %dma_wait3A_259 = tpu.memref_slice %arg8[%add3A_225, %dma_wait3A_258] : memref<125x80xi32, #tpu.memory_space<vmem>> -> memref<1x80xi32, #tpu.memory_space<vmem>>
        %dma_wait3A_260 = tpu.memref_squeeze %dma_wait3A_259 : memref<1x80xi32, #tpu.memory_space<vmem>> -> memref<80xi32, #tpu.memory_space<vmem>>
        %dma_wait3A_261 = arith.constant 0 : i32
        %dma_wait3A_262 = arith.constant 0 : i32
        %dma_wait3A_263 = tpu.memref_slice %arg12[%dma_wait3A_261, %dma_wait3A_262] : memref<10240x16xf32, #tpu.memory_space<vmem_shared>> -> memref<10240x16xf32, #tpu.memory_space<vmem_shared>>
        tpu.wait_indirect_dma semaphore(%arg21 : memref<!tpu.dma_semaphore, #tpu.memory_space<semaphore_mem>>) src(%dma_wait3A_257 : memref<80x16xf32, #tpu.memory_space<vmem>>) dst(%dma_wait3A_263 : memref<10240x16xf32, #tpu.memory_space<vmem_shared>>)
        %sub3A = arith.constant 1 : i32
        %sub3A_264 = arith.subi %add3A_225, %sub3A : i32
        %add3A_265 = arith.constant 5 : i32
        %add3A_266 = arith.addi %sub3A_264, %add3A_265 : i32
        %lt3A = arith.constant 125 : i32
        %lt3A_267 = arith.cmpi slt, %add3A_266, %lt3A : i32
        %convert_element_type3A_268 = arith.extui %lt3A_267 : i1 to i32
        %cond3A_269 = arith.constant 0 : i32
        %cond3A_270 = arith.cmpi ne, %convert_element_type3A_268, %cond3A_269 : i32
        scf.if %cond3A_270 {
          %sub3A_271 = arith.constant 1 : i32
          %sub3A_272 = arith.subi %add3A_225, %sub3A_271 : i32
          %add3A_273 = arith.constant 5 : i32
          %add3A_274 = arith.addi %sub3A_272, %add3A_273 : i32
          %dma_start3A_275 = arith.constant 3 : i32
          %dma_start3A_276 = arith.constant 0 : i32
          %dma_start3A_277 = arith.constant 0 : i32
          %dma_start3A_278 = tpu.memref_slice %arg9[%dma_start3A_275, %dma_start3A_276, %dma_start3A_277] : memref<5x80x16xf32, #tpu.memory_space<vmem>> -> memref<1x80x16xf32, #tpu.memory_space<vmem>>
          %dma_start3A_279 = tpu.memref_squeeze %dma_start3A_278 : memref<1x80x16xf32, #tpu.memory_space<vmem>> -> memref<80x16xf32, #tpu.memory_space<vmem>>
          %dma_start3A_280 = arith.constant 0 : i32
          %dma_start3A_281 = tpu.memref_slice %arg7[%add3A_274, %dma_start3A_280] : memref<125x80xi32, #tpu.memory_space<vmem>> -> memref<1x80xi32, #tpu.memory_space<vmem>>
          %dma_start3A_282 = tpu.memref_squeeze %dma_start3A_281 : memref<1x80xi32, #tpu.memory_space<vmem>> -> memref<80xi32, #tpu.memory_space<vmem>>
          %dma_start3A_283 = arith.constant 0 : i32
          %dma_start3A_284 = arith.constant 0 : i32
          %dma_start3A_285 = tpu.memref_slice %arg2[%dma_start3A_283, %dma_start3A_284] : memref<10000x16xf32, #tpu.memory_space<hbm>> -> memref<10000x16xf32, #tpu.memory_space<hbm>>
          tpu.enqueue_indirect_dma source(%dma_start3A_285 : memref<10000x16xf32, #tpu.memory_space<hbm>>) target(%dma_start3A_279 : memref<80x16xf32, #tpu.memory_space<vmem>>) offsets(%dma_start3A_282 : memref<80xi32, #tpu.memory_space<vmem>>) semaphore(%arg16 : memref<!tpu.dma_semaphore, #tpu.memory_space<semaphore_mem>>)
        } else {
        }
      } else {
      }
    }
    %scan3A_67 = arith.constant 25 : i32
    %dma_wait3A = arith.constant 4 : i32
    %dma_wait3A_68 = arith.constant 124 : i32
    %dma_wait3A_69 = arith.constant 0 : i32
    %dma_wait3A_70 = arith.constant 0 : i32
    %dma_wait3A_71 = tpu.memref_slice %arg9[%dma_wait3A, %dma_wait3A_69, %dma_wait3A_70] : memref<5x80x16xf32, #tpu.memory_space<vmem>> -> memref<1x80x16xf32, #tpu.memory_space<vmem>>
    %dma_wait3A_72 = tpu.memref_squeeze %dma_wait3A_71 : memref<1x80x16xf32, #tpu.memory_space<vmem>> -> memref<80x16xf32, #tpu.memory_space<vmem>>
    %dma_wait3A_73 = arith.constant 0 : i32
    %dma_wait3A_74 = tpu.memref_slice %arg8[%dma_wait3A_68, %dma_wait3A_73] : memref<125x80xi32, #tpu.memory_space<vmem>> -> memref<1x80xi32, #tpu.memory_space<vmem>>
    %dma_wait3A_75 = tpu.memref_squeeze %dma_wait3A_74 : memref<1x80xi32, #tpu.memory_space<vmem>> -> memref<80xi32, #tpu.memory_space<vmem>>
    %dma_wait3A_76 = arith.constant 0 : i32
    %dma_wait3A_77 = arith.constant 0 : i32
    %dma_wait3A_78 = tpu.memref_slice %arg12[%dma_wait3A_76, %dma_wait3A_77] : memref<10240x16xf32, #tpu.memory_space<vmem_shared>> -> memref<10240x16xf32, #tpu.memory_space<vmem_shared>>
    tpu.wait_indirect_dma semaphore(%arg22 : memref<!tpu.dma_semaphore, #tpu.memory_space<semaphore_mem>>) src(%dma_wait3A_72 : memref<80x16xf32, #tpu.memory_space<vmem>>) dst(%dma_wait3A_78 : memref<10240x16xf32, #tpu.memory_space<vmem_shared>>)
    %barrier3A_79 = arith.constant 0 : index
    tpu.barrier barrier_id(%barrier3A_79)
    %mul3A_80 = arith.constant 640 : i32
    %mul3A_81 = arith.muli %arg1, %mul3A_80 : i32
    %add3A_82 = arith.constant 0 : i32
    %add3A_83 = arith.addi %mul3A_81, %add3A_82 : i32
    "tpu.region"() ({
      %run_scoped3A_100 = tpu.sem_alloc : memref<!tpu.dma_semaphore, #tpu.memory_space<semaphore_mem>>
      %dma_start3A_101 = arith.constant 0 : i32
      %dma_start3A_102 = tpu.memref_slice %arg12[%add3A_83, %dma_start3A_101] : memref<10240x16xf32, #tpu.memory_space<vmem_shared>> -> memref<320x16xf32, #tpu.memory_space<vmem_shared>>
      %dma_start3A_103 = arith.constant 0 : i32
      %dma_start3A_104 = tpu.memref_slice %arg12[%add3A_83, %dma_start3A_103] : memref<10240x16xf32, #tpu.memory_space<vmem_shared>> -> memref<320x16xf32, #tpu.memory_space<vmem_shared>>
      tpu.enqueue_dma source(%dma_start3A_104 : memref<320x16xf32, #tpu.memory_space<vmem_shared>>) target(%arg11 : memref<320x16xf32, #tpu.memory_space<vmem>>) target_semaphore(%run_scoped3A_100 : memref<!tpu.dma_semaphore, #tpu.memory_space<semaphore_mem>>)
      %dma_wait3A_105 = arith.constant 0 : i32
      %dma_wait3A_106 = tpu.memref_slice %arg12[%add3A_83, %dma_wait3A_105] : memref<10240x16xf32, #tpu.memory_space<vmem_shared>> -> memref<320x16xf32, #tpu.memory_space<vmem_shared>>
      %dma_wait3A_107 = arith.constant 0 : i32
      %dma_wait3A_108 = tpu.memref_slice %arg12[%add3A_83, %dma_wait3A_107] : memref<10240x16xf32, #tpu.memory_space<vmem_shared>> -> memref<320x16xf32, #tpu.memory_space<vmem_shared>>
      tpu.wait_dma2 semaphore(%run_scoped3A_100 : memref<!tpu.dma_semaphore, #tpu.memory_space<semaphore_mem>>) src(%dma_wait3A_108 : memref<320x16xf32, #tpu.memory_space<vmem_shared>>) dst(%arg11 : memref<320x16xf32, #tpu.memory_space<vmem>>)
      tpu.yield
    }) : () -> ()
    %scan3A_84 = arith.constant 0 : i32
    %scan3A_85 = arith.constant 0 : i32
    %scan3A_86 = arith.constant 20 : i32
    %scan3A_87 = arith.addi %scan3A_85, %scan3A_86 : i32
    %scan3A_88 = arith.constant 1 : i32
    scf.for %scan3A_100 = %scan3A_85 to %scan3A_87 step %scan3A_88  : i32 {
      %mul3A_101 = arith.constant 16 : i32
      %mul3A_102 = arith.muli %scan3A_100, %mul3A_101 : i32
      %add3A_103 = arith.constant 0 : i32
      %add3A_104 = arith.addi %add3A_103, %mul3A_102 : i32
      %get3A = arith.index_cast %add3A_104 : i32 to index
      %get3A_105 = tpu.vector_load %arg10[%get3A] {strides = array<i32>} : memref<640xf32, #tpu.memory_space<vmem>>, vector<16xf32>,
      %get3A_106 = vector.shape_cast %get3A_105 : vector<16xf32> to vector<16xf32>
      %mul3A_107 = arith.constant 16 : i32
      %mul3A_108 = arith.muli %scan3A_100, %mul3A_107 : i32
      %add3A_109 = arith.constant 0 : i32
      %add3A_110 = arith.addi %mul3A_108, %add3A_109 : i32
      %get3A_111 = arith.index_cast %add3A_110 : i32 to index
      %get3A_112 = arith.constant 0 : index
      %get3A_113 = tpu.vector_load %arg11[%get3A_111, %get3A_112] {strides = array<i32>} : memref<320x16xf32, #tpu.memory_space<vmem>>, vector<1x16xf32>,
      %get3A_114 = vector.shape_cast %get3A_113 : vector<1x16xf32> to vector<16xf32>
      %slice3A = vector.extract_strided_slice %get3A_106 {offsets = [0], sizes = [1], strides = [1]} : vector<16xf32> to vector<1xf32>
      %squeeze3A = vector.extract %slice3A[0] : f32 from vector<1xf32>
      %mul3A_115 = vector.broadcast %squeeze3A : f32 to vector<16xf32>
      %mul3A_116 = arith.mulf %get3A_114, %mul3A_115 : vector<16xf32>
      %swap3A = arith.index_cast %add3A_110 : i32 to index
      %swap3A_117 = arith.constant 0 : index
      %swap3A_118 = tpu.vector_load %arg11[%swap3A, %swap3A_117] {strides = array<i32>} : memref<320x16xf32, #tpu.memory_space<vmem>>, vector<1x16xf32>,
      %swap3A_119 = vector.shape_cast %swap3A_118 : vector<1x16xf32> to vector<16xf32>
      %swap3A_120 = vector.shape_cast %mul3A_116 : vector<16xf32> to vector<1x16xf32>
      tpu.vector_store %arg11[%swap3A, %swap3A_117], %swap3A_120 {strides = array<i32>} : memref<320x16xf32, #tpu.memory_space<vmem>>, vector<1x16xf32>,
      %mul3A_121 = arith.constant 16 : i32
      %mul3A_122 = arith.muli %scan3A_100, %mul3A_121 : i32
      %add3A_123 = arith.constant 1 : i32
      %add3A_124 = arith.addi %mul3A_122, %add3A_123 : i32
      %get3A_125 = arith.index_cast %add3A_124 : i32 to index
      %get3A_126 = arith.constant 0 : index
      %get3A_127 = tpu.vector_load %arg11[%get3A_125, %get3A_126] {strides = array<i32>} : memref<320x16xf32, #tpu.memory_space<vmem>>, vector<1x16xf32>,
      %get3A_128 = vector.shape_cast %get3A_127 : vector<1x16xf32> to vector<16xf32>
      %slice3A_129 = vector.extract_strided_slice %get3A_106 {offsets = [1], sizes = [1], strides = [1]} : vector<16xf32> to vector<1xf32>
      %squeeze3A_130 = vector.extract %slice3A_129[0] : f32 from vector<1xf32>
      %mul3A_131 = vector.broadcast %squeeze3A_130 : f32 to vector<16xf32>
      %mul3A_132 = arith.mulf %get3A_128, %mul3A_131 : vector<16xf32>
      %swap3A_133 = arith.index_cast %add3A_124 : i32 to index
      %swap3A_134 = arith.constant 0 : index
      %swap3A_135 = tpu.vector_load %arg11[%swap3A_133, %swap3A_134] {strides = array<i32>} : memref<320x16xf32, #tpu.memory_space<vmem>>, vector<1x16xf32>,
      %swap3A_136 = vector.shape_cast %swap3A_135 : vector<1x16xf32> to vector<16xf32>
      %swap3A_137 = vector.shape_cast %mul3A_132 : vector<16xf32> to vector<1x16xf32>
      tpu.vector_store %arg11[%swap3A_133, %swap3A_134], %swap3A_137 {strides = array<i32>} : memref<320x16xf32, #tpu.memory_space<vmem>>, vector<1x16xf32>,
      %mul3A_138 = arith.constant 16 : i32
      %mul3A_139 = arith.muli %scan3A_100, %mul3A_138 : i32
      %add3A_140 = arith.constant 2 : i32
      %add3A_141 = arith.addi %mul3A_139, %add3A_140 : i32
      %get3A_142 = arith.index_cast %add3A_141 : i32 to index
      %get3A_143 = arith.constant 0 : index
      %get3A_144 = tpu.vector_load %arg11[%get3A_142, %get3A_143] {strides = array<i32>} : memref<320x16xf32, #tpu.memory_space<vmem>>, vector<1x16xf32>,
      %get3A_145 = vector.shape_cast %get3A_144 : vector<1x16xf32> to vector<16xf32>
      %slice3A_146 = vector.extract_strided_slice %get3A_106 {offsets = [2], sizes = [1], strides = [1]} : vector<16xf32> to vector<1xf32>
      %squeeze3A_147 = vector.extract %slice3A_146[0] : f32 from vector<1xf32>
      %mul3A_148 = vector.broadcast %squeeze3A_147 : f32 to vector<16xf32>
      %mul3A_149 = arith.mulf %get3A_145, %mul3A_148 : vector<16xf32>
      %swap3A_150 = arith.index_cast %add3A_141 : i32 to index
      %swap3A_151 = arith.constant 0 : index
      %swap3A_152 = tpu.vector_load %arg11[%swap3A_150, %swap3A_151] {strides = array<i32>} : memref<320x16xf32, #tpu.memory_space<vmem>>, vector<1x16xf32>,
      %swap3A_153 = vector.shape_cast %swap3A_152 : vector<1x16xf32> to vector<16xf32>
      %swap3A_154 = vector.shape_cast %mul3A_149 : vector<16xf32> to vector<1x16xf32>
      tpu.vector_store %arg11[%swap3A_150, %swap3A_151], %swap3A_154 {strides = array<i32>} : memref<320x16xf32, #tpu.memory_space<vmem>>, vector<1x16xf32>,
      %mul3A_155 = arith.constant 16 : i32
      %mul3A_156 = arith.muli %scan3A_100, %mul3A_155 : i32
      %add3A_157 = arith.constant 3 : i32
      %add3A_158 = arith.addi %mul3A_156, %add3A_157 : i32
      %get3A_159 = arith.index_cast %add3A_158 : i32 to index
      %get3A_160 = arith.constant 0 : index
      %get3A_161 = tpu.vector_load %arg11[%get3A_159, %get3A_160] {strides = array<i32>} : memref<320x16xf32, #tpu.memory_space<vmem>>, vector<1x16xf32>,
      %get3A_162 = vector.shape_cast %get3A_161 : vector<1x16xf32> to vector<16xf32>
      %slice3A_163 = vector.extract_strided_slice %get3A_106 {offsets = [3], sizes = [1], strides = [1]} : vector<16xf32> to vector<1xf32>
      %squeeze3A_164 = vector.extract %slice3A_163[0] : f32 from vector<1xf32>
      %mul3A_165 = vector.broadcast %squeeze3A_164 : f32 to vector<16xf32>
      %mul3A_166 = arith.mulf %get3A_162, %mul3A_165 : vector<16xf32>
      %swap3A_167 = arith.index_cast %add3A_158 : i32 to index
      %swap3A_168 = arith.constant 0 : index
      %swap3A_169 = tpu.vector_load %arg11[%swap3A_167, %swap3A_168] {strides = array<i32>} : memref<320x16xf32, #tpu.memory_space<vmem>>, vector<1x16xf32>,
      %swap3A_170 = vector.shape_cast %swap3A_169 : vector<1x16xf32> to vector<16xf32>
      %swap3A_171 = vector.shape_cast %mul3A_166 : vector<16xf32> to vector<1x16xf32>
      tpu.vector_store %arg11[%swap3A_167, %swap3A_168], %swap3A_171 {strides = array<i32>} : memref<320x16xf32, #tpu.memory_space<vmem>>, vector<1x16xf32>,
      %mul3A_172 = arith.constant 16 : i32
      %mul3A_173 = arith.muli %scan3A_100, %mul3A_172 : i32
      %add3A_174 = arith.constant 4 : i32
      %add3A_175 = arith.addi %mul3A_173, %add3A_174 : i32
      %get3A_176 = arith.index_cast %add3A_175 : i32 to index
      %get3A_177 = arith.constant 0 : index
      %get3A_178 = tpu.vector_load %arg11[%get3A_176, %get3A_177] {strides = array<i32>} : memref<320x16xf32, #tpu.memory_space<vmem>>, vector<1x16xf32>,
      %get3A_179 = vector.shape_cast %get3A_178 : vector<1x16xf32> to vector<16xf32>
      %slice3A_180 = vector.extract_strided_slice %get3A_106 {offsets = [4], sizes = [1], strides = [1]} : vector<16xf32> to vector<1xf32>
      %squeeze3A_181 = vector.extract %slice3A_180[0] : f32 from vector<1xf32>
      %mul3A_182 = vector.broadcast %squeeze3A_181 : f32 to vector<16xf32>
      %mul3A_183 = arith.mulf %get3A_179, %mul3A_182 : vector<16xf32>
      %swap3A_184 = arith.index_cast %add3A_175 : i32 to index
      %swap3A_185 = arith.constant 0 : index
      %swap3A_186 = tpu.vector_load %arg11[%swap3A_184, %swap3A_185] {strides = array<i32>} : memref<320x16xf32, #tpu.memory_space<vmem>>, vector<1x16xf32>,
      %swap3A_187 = vector.shape_cast %swap3A_186 : vector<1x16xf32> to vector<16xf32>
      %swap3A_188 = vector.shape_cast %mul3A_183 : vector<16xf32> to vector<1x16xf32>
      tpu.vector_store %arg11[%swap3A_184, %swap3A_185], %swap3A_188 {strides = array<i32>} : memref<320x16xf32, #tpu.memory_space<vmem>>, vector<1x16xf32>,
      %mul3A_189 = arith.constant 16 : i32
      %mul3A_190 = arith.muli %scan3A_100, %mul3A_189 : i32
      %add3A_191 = arith.constant 5 : i32
      %add3A_192 = arith.addi %mul3A_190, %add3A_191 : i32
      %get3A_193 = arith.index_cast %add3A_192 : i32 to index
      %get3A_194 = arith.constant 0 : index
      %get3A_195 = tpu.vector_load %arg11[%get3A_193, %get3A_194] {strides = array<i32>} : memref<320x16xf32, #tpu.memory_space<vmem>>, vector<1x16xf32>,
      %get3A_196 = vector.shape_cast %get3A_195 : vector<1x16xf32> to vector<16xf32>
      %slice3A_197 = vector.extract_strided_slice %get3A_106 {offsets = [5], sizes = [1], strides = [1]} : vector<16xf32> to vector<1xf32>
      %squeeze3A_198 = vector.extract %slice3A_197[0] : f32 from vector<1xf32>
      %mul3A_199 = vector.broadcast %squeeze3A_198 : f32 to vector<16xf32>
      %mul3A_200 = arith.mulf %get3A_196, %mul3A_199 : vector<16xf32>
      %swap3A_201 = arith.index_cast %add3A_192 : i32 to index
      %swap3A_202 = arith.constant 0 : index
      %swap3A_203 = tpu.vector_load %arg11[%swap3A_201, %swap3A_202] {strides = array<i32>} : memref<320x16xf32, #tpu.memory_space<vmem>>, vector<1x16xf32>,
      %swap3A_204 = vector.shape_cast %swap3A_203 : vector<1x16xf32> to vector<16xf32>
      %swap3A_205 = vector.shape_cast %mul3A_200 : vector<16xf32> to vector<1x16xf32>
      tpu.vector_store %arg11[%swap3A_201, %swap3A_202], %swap3A_205 {strides = array<i32>} : memref<320x16xf32, #tpu.memory_space<vmem>>, vector<1x16xf32>,
      %mul3A_206 = arith.constant 16 : i32
      %mul3A_207 = arith.muli %scan3A_100, %mul3A_206 : i32
      %add3A_208 = arith.constant 6 : i32
      %add3A_209 = arith.addi %mul3A_207, %add3A_208 : i32
      %get3A_210 = arith.index_cast %add3A_209 : i32 to index
      %get3A_211 = arith.constant 0 : index
      %get3A_212 = tpu.vector_load %arg11[%get3A_210, %get3A_211] {strides = array<i32>} : memref<320x16xf32, #tpu.memory_space<vmem>>, vector<1x16xf32>,
      %get3A_213 = vector.shape_cast %get3A_212 : vector<1x16xf32> to vector<16xf32>
      %slice3A_214 = vector.extract_strided_slice %get3A_106 {offsets = [6], sizes = [1], strides = [1]} : vector<16xf32> to vector<1xf32>
      %squeeze3A_215 = vector.extract %slice3A_214[0] : f32 from vector<1xf32>
      %mul3A_216 = vector.broadcast %squeeze3A_215 : f32 to vector<16xf32>
      %mul3A_217 = arith.mulf %get3A_213, %mul3A_216 : vector<16xf32>
      %swap3A_218 = arith.index_cast %add3A_209 : i32 to index
      %swap3A_219 = arith.constant 0 : index
      %swap3A_220 = tpu.vector_load %arg11[%swap3A_218, %swap3A_219] {strides = array<i32>} : memref<320x16xf32, #tpu.memory_space<vmem>>, vector<1x16xf32>,
      %swap3A_221 = vector.shape_cast %swap3A_220 : vector<1x16xf32> to vector<16xf32>
      %swap3A_222 = vector.shape_cast %mul3A_217 : vector<16xf32> to vector<1x16xf32>
      tpu.vector_store %arg11[%swap3A_218, %swap3A_219], %swap3A_222 {strides = array<i32>} : memref<320x16xf32, #tpu.memory_space<vmem>>, vector<1x16xf32>,
      %mul3A_223 = arith.constant 16 : i32
      %mul3A_224 = arith.muli %scan3A_100, %mul3A_223 : i32
      %add3A_225 = arith.constant 7 : i32
      %add3A_226 = arith.addi %mul3A_224, %add3A_225 : i32
      %get3A_227 = arith.index_cast %add3A_226 : i32 to index
      %get3A_228 = arith.constant 0 : index
      %get3A_229 = tpu.vector_load %arg11[%get3A_227, %get3A_228] {strides = array<i32>} : memref<320x16xf32, #tpu.memory_space<vmem>>, vector<1x16xf32>,
      %get3A_230 = vector.shape_cast %get3A_229 : vector<1x16xf32> to vector<16xf32>
      %slice3A_231 = vector.extract_strided_slice %get3A_106 {offsets = [7], sizes = [1], strides = [1]} : vector<16xf32> to vector<1xf32>
      %squeeze3A_232 = vector.extract %slice3A_231[0] : f32 from vector<1xf32>
      %mul3A_233 = vector.broadcast %squeeze3A_232 : f32 to vector<16xf32>
      %mul3A_234 = arith.mulf %get3A_230, %mul3A_233 : vector<16xf32>
      %swap3A_235 = arith.index_cast %add3A_226 : i32 to index
      %swap3A_236 = arith.constant 0 : index
      %swap3A_237 = tpu.vector_load %arg11[%swap3A_235, %swap3A_236] {strides = array<i32>} : memref<320x16xf32, #tpu.memory_space<vmem>>, vector<1x16xf32>,
      %swap3A_238 = vector.shape_cast %swap3A_237 : vector<1x16xf32> to vector<16xf32>
      %swap3A_239 = vector.shape_cast %mul3A_234 : vector<16xf32> to vector<1x16xf32>
      tpu.vector_store %arg11[%swap3A_235, %swap3A_236], %swap3A_239 {strides = array<i32>} : memref<320x16xf32, #tpu.memory_space<vmem>>, vector<1x16xf32>,
      %mul3A_240 = arith.constant 16 : i32
      %mul3A_241 = arith.muli %scan3A_100, %mul3A_240 : i32
      %add3A_242 = arith.constant 8 : i32
      %add3A_243 = arith.addi %mul3A_241, %add3A_242 : i32
      %get3A_244 = arith.index_cast %add3A_243 : i32 to index
      %get3A_245 = arith.constant 0 : index
      %get3A_246 = tpu.vector_load %arg11[%get3A_244, %get3A_245] {strides = array<i32>} : memref<320x16xf32, #tpu.memory_space<vmem>>, vector<1x16xf32>,
      %get3A_247 = vector.shape_cast %get3A_246 : vector<1x16xf32> to vector<16xf32>
      %slice3A_248 = vector.extract_strided_slice %get3A_106 {offsets = [8], sizes = [1], strides = [1]} : vector<16xf32> to vector<1xf32>
      %squeeze3A_249 = vector.extract %slice3A_248[0] : f32 from vector<1xf32>
      %mul3A_250 = vector.broadcast %squeeze3A_249 : f32 to vector<16xf32>
      %mul3A_251 = arith.mulf %get3A_247, %mul3A_250 : vector<16xf32>
      %swap3A_252 = arith.index_cast %add3A_243 : i32 to index
      %swap3A_253 = arith.constant 0 : index
      %swap3A_254 = tpu.vector_load %arg11[%swap3A_252, %swap3A_253] {strides = array<i32>} : memref<320x16xf32, #tpu.memory_space<vmem>>, vector<1x16xf32>,
      %swap3A_255 = vector.shape_cast %swap3A_254 : vector<1x16xf32> to vector<16xf32>
      %swap3A_256 = vector.shape_cast %mul3A_251 : vector<16xf32> to vector<1x16xf32>
      tpu.vector_store %arg11[%swap3A_252, %swap3A_253], %swap3A_256 {strides = array<i32>} : memref<320x16xf32, #tpu.memory_space<vmem>>, vector<1x16xf32>,
      %mul3A_257 = arith.constant 16 : i32
      %mul3A_258 = arith.muli %scan3A_100, %mul3A_257 : i32
      %add3A_259 = arith.constant 9 : i32
      %add3A_260 = arith.addi %mul3A_258, %add3A_259 : i32
      %get3A_261 = arith.index_cast %add3A_260 : i32 to index
      %get3A_262 = arith.constant 0 : index
      %get3A_263 = tpu.vector_load %arg11[%get3A_261, %get3A_262] {strides = array<i32>} : memref<320x16xf32, #tpu.memory_space<vmem>>, vector<1x16xf32>,
      %get3A_264 = vector.shape_cast %get3A_263 : vector<1x16xf32> to vector<16xf32>
      %slice3A_265 = vector.extract_strided_slice %get3A_106 {offsets = [9], sizes = [1], strides = [1]} : vector<16xf32> to vector<1xf32>
      %squeeze3A_266 = vector.extract %slice3A_265[0] : f32 from vector<1xf32>
      %mul3A_267 = vector.broadcast %squeeze3A_266 : f32 to vector<16xf32>
      %mul3A_268 = arith.mulf %get3A_264, %mul3A_267 : vector<16xf32>
      %swap3A_269 = arith.index_cast %add3A_260 : i32 to index
      %swap3A_270 = arith.constant 0 : index
      %swap3A_271 = tpu.vector_load %arg11[%swap3A_269, %swap3A_270] {strides = array<i32>} : memref<320x16xf32, #tpu.memory_space<vmem>>, vector<1x16xf32>,
      %swap3A_272 = vector.shape_cast %swap3A_271 : vector<1x16xf32> to vector<16xf32>
      %swap3A_273 = vector.shape_cast %mul3A_268 : vector<16xf32> to vector<1x16xf32>
      tpu.vector_store %arg11[%swap3A_269, %swap3A_270], %swap3A_273 {strides = array<i32>} : memref<320x16xf32, #tpu.memory_space<vmem>>, vector<1x16xf32>,
      %mul3A_274 = arith.constant 16 : i32
      %mul3A_275 = arith.muli %scan3A_100, %mul3A_274 : i32
      %add3A_276 = arith.constant 10 : i32
      %add3A_277 = arith.addi %mul3A_275, %add3A_276 : i32
      %get3A_278 = arith.index_cast %add3A_277 : i32 to index
      %get3A_279 = arith.constant 0 : index
      %get3A_280 = tpu.vector_load %arg11[%get3A_278, %get3A_279] {strides = array<i32>} : memref<320x16xf32, #tpu.memory_space<vmem>>, vector<1x16xf32>,
      %get3A_281 = vector.shape_cast %get3A_280 : vector<1x16xf32> to vector<16xf32>
      %slice3A_282 = vector.extract_strided_slice %get3A_106 {offsets = [10], sizes = [1], strides = [1]} : vector<16xf32> to vector<1xf32>
      %squeeze3A_283 = vector.extract %slice3A_282[0] : f32 from vector<1xf32>
      %mul3A_284 = vector.broadcast %squeeze3A_283 : f32 to vector<16xf32>
      %mul3A_285 = arith.mulf %get3A_281, %mul3A_284 : vector<16xf32>
      %swap3A_286 = arith.index_cast %add3A_277 : i32 to index
      %swap3A_287 = arith.constant 0 : index
      %swap3A_288 = tpu.vector_load %arg11[%swap3A_286, %swap3A_287] {strides = array<i32>} : memref<320x16xf32, #tpu.memory_space<vmem>>, vector<1x16xf32>,
      %swap3A_289 = vector.shape_cast %swap3A_288 : vector<1x16xf32> to vector<16xf32>
      %swap3A_290 = vector.shape_cast %mul3A_285 : vector<16xf32> to vector<1x16xf32>
      tpu.vector_store %arg11[%swap3A_286, %swap3A_287], %swap3A_290 {strides = array<i32>} : memref<320x16xf32, #tpu.memory_space<vmem>>, vector<1x16xf32>,
      %mul3A_291 = arith.constant 16 : i32
      %mul3A_292 = arith.muli %scan3A_100, %mul3A_291 : i32
      %add3A_293 = arith.constant 11 : i32
      %add3A_294 = arith.addi %mul3A_292, %add3A_293 : i32
      %get3A_295 = arith.index_cast %add3A_294 : i32 to index
      %get3A_296 = arith.constant 0 : index
      %get3A_297 = tpu.vector_load %arg11[%get3A_295, %get3A_296] {strides = array<i32>} : memref<320x16xf32, #tpu.memory_space<vmem>>, vector<1x16xf32>,
      %get3A_298 = vector.shape_cast %get3A_297 : vector<1x16xf32> to vector<16xf32>
      %slice3A_299 = vector.extract_strided_slice %get3A_106 {offsets = [11], sizes = [1], strides = [1]} : vector<16xf32> to vector<1xf32>
      %squeeze3A_300 = vector.extract %slice3A_299[0] : f32 from vector<1xf32>
      %mul3A_301 = vector.broadcast %squeeze3A_300 : f32 to vector<16xf32>
      %mul3A_302 = arith.mulf %get3A_298, %mul3A_301 : vector<16xf32>
      %swap3A_303 = arith.index_cast %add3A_294 : i32 to index
      %swap3A_304 = arith.constant 0 : index
      %swap3A_305 = tpu.vector_load %arg11[%swap3A_303, %swap3A_304] {strides = array<i32>} : memref<320x16xf32, #tpu.memory_space<vmem>>, vector<1x16xf32>,
      %swap3A_306 = vector.shape_cast %swap3A_305 : vector<1x16xf32> to vector<16xf32>
      %swap3A_307 = vector.shape_cast %mul3A_302 : vector<16xf32> to vector<1x16xf32>
      tpu.vector_store %arg11[%swap3A_303, %swap3A_304], %swap3A_307 {strides = array<i32>} : memref<320x16xf32, #tpu.memory_space<vmem>>, vector<1x16xf32>,
      %mul3A_308 = arith.constant 16 : i32
      %mul3A_309 = arith.muli %scan3A_100, %mul3A_308 : i32
      %add3A_310 = arith.constant 12 : i32
      %add3A_311 = arith.addi %mul3A_309, %add3A_310 : i32
      %get3A_312 = arith.index_cast %add3A_311 : i32 to index
      %get3A_313 = arith.constant 0 : index
      %get3A_314 = tpu.vector_load %arg11[%get3A_312, %get3A_313] {strides = array<i32>} : memref<320x16xf32, #tpu.memory_space<vmem>>, vector<1x16xf32>,
      %get3A_315 = vector.shape_cast %get3A_314 : vector<1x16xf32> to vector<16xf32>
      %slice3A_316 = vector.extract_strided_slice %get3A_106 {offsets = [12], sizes = [1], strides = [1]} : vector<16xf32> to vector<1xf32>
      %squeeze3A_317 = vector.extract %slice3A_316[0] : f32 from vector<1xf32>
      %mul3A_318 = vector.broadcast %squeeze3A_317 : f32 to vector<16xf32>
      %mul3A_319 = arith.mulf %get3A_315, %mul3A_318 : vector<16xf32>
      %swap3A_320 = arith.index_cast %add3A_311 : i32 to index
      %swap3A_321 = arith.constant 0 : index
      %swap3A_322 = tpu.vector_load %arg11[%swap3A_320, %swap3A_321] {strides = array<i32>} : memref<320x16xf32, #tpu.memory_space<vmem>>, vector<1x16xf32>,
      %swap3A_323 = vector.shape_cast %swap3A_322 : vector<1x16xf32> to vector<16xf32>
      %swap3A_324 = vector.shape_cast %mul3A_319 : vector<16xf32> to vector<1x16xf32>
      tpu.vector_store %arg11[%swap3A_320, %swap3A_321], %swap3A_324 {strides = array<i32>} : memref<320x16xf32, #tpu.memory_space<vmem>>, vector<1x16xf32>,
      %mul3A_325 = arith.constant 16 : i32
      %mul3A_326 = arith.muli %scan3A_100, %mul3A_325 : i32
      %add3A_327 = arith.constant 13 : i32
      %add3A_328 = arith.addi %mul3A_326, %add3A_327 : i32
      %get3A_329 = arith.index_cast %add3A_328 : i32 to index
      %get3A_330 = arith.constant 0 : index
      %get3A_331 = tpu.vector_load %arg11[%get3A_329, %get3A_330] {strides = array<i32>} : memref<320x16xf32, #tpu.memory_space<vmem>>, vector<1x16xf32>,
      %get3A_332 = vector.shape_cast %get3A_331 : vector<1x16xf32> to vector<16xf32>
      %slice3A_333 = vector.extract_strided_slice %get3A_106 {offsets = [13], sizes = [1], strides = [1]} : vector<16xf32> to vector<1xf32>
      %squeeze3A_334 = vector.extract %slice3A_333[0] : f32 from vector<1xf32>
      %mul3A_335 = vector.broadcast %squeeze3A_334 : f32 to vector<16xf32>
      %mul3A_336 = arith.mulf %get3A_332, %mul3A_335 : vector<16xf32>
      %swap3A_337 = arith.index_cast %add3A_328 : i32 to index
      %swap3A_338 = arith.constant 0 : index
      %swap3A_339 = tpu.vector_load %arg11[%swap3A_337, %swap3A_338] {strides = array<i32>} : memref<320x16xf32, #tpu.memory_space<vmem>>, vector<1x16xf32>,
      %swap3A_340 = vector.shape_cast %swap3A_339 : vector<1x16xf32> to vector<16xf32>
      %swap3A_341 = vector.shape_cast %mul3A_336 : vector<16xf32> to vector<1x16xf32>
      tpu.vector_store %arg11[%swap3A_337, %swap3A_338], %swap3A_341 {strides = array<i32>} : memref<320x16xf32, #tpu.memory_space<vmem>>, vector<1x16xf32>,
      %mul3A_342 = arith.constant 16 : i32
      %mul3A_343 = arith.muli %scan3A_100, %mul3A_342 : i32
      %add3A_344 = arith.constant 14 : i32
      %add3A_345 = arith.addi %mul3A_343, %add3A_344 : i32
      %get3A_346 = arith.index_cast %add3A_345 : i32 to index
      %get3A_347 = arith.constant 0 : index
      %get3A_348 = tpu.vector_load %arg11[%get3A_346, %get3A_347] {strides = array<i32>} : memref<320x16xf32, #tpu.memory_space<vmem>>, vector<1x16xf32>,
      %get3A_349 = vector.shape_cast %get3A_348 : vector<1x16xf32> to vector<16xf32>
      %slice3A_350 = vector.extract_strided_slice %get3A_106 {offsets = [14], sizes = [1], strides = [1]} : vector<16xf32> to vector<1xf32>
      %squeeze3A_351 = vector.extract %slice3A_350[0] : f32 from vector<1xf32>
      %mul3A_352 = vector.broadcast %squeeze3A_351 : f32 to vector<16xf32>
      %mul3A_353 = arith.mulf %get3A_349, %mul3A_352 : vector<16xf32>
      %swap3A_354 = arith.index_cast %add3A_345 : i32 to index
      %swap3A_355 = arith.constant 0 : index
      %swap3A_356 = tpu.vector_load %arg11[%swap3A_354, %swap3A_355] {strides = array<i32>} : memref<320x16xf32, #tpu.memory_space<vmem>>, vector<1x16xf32>,
      %swap3A_357 = vector.shape_cast %swap3A_356 : vector<1x16xf32> to vector<16xf32>
      %swap3A_358 = vector.shape_cast %mul3A_353 : vector<16xf32> to vector<1x16xf32>
      tpu.vector_store %arg11[%swap3A_354, %swap3A_355], %swap3A_358 {strides = array<i32>} : memref<320x16xf32, #tpu.memory_space<vmem>>, vector<1x16xf32>,
      %mul3A_359 = arith.constant 16 : i32
      %mul3A_360 = arith.muli %scan3A_100, %mul3A_359 : i32
      %add3A_361 = arith.constant 15 : i32
      %add3A_362 = arith.addi %mul3A_360, %add3A_361 : i32
      %get3A_363 = arith.index_cast %add3A_362 : i32 to index
      %get3A_364 = arith.constant 0 : index
      %get3A_365 = tpu.vector_load %arg11[%get3A_363, %get3A_364] {strides = array<i32>} : memref<320x16xf32, #tpu.memory_space<vmem>>, vector<1x16xf32>,
      %get3A_366 = vector.shape_cast %get3A_365 : vector<1x16xf32> to vector<16xf32>
      %slice3A_367 = vector.extract_strided_slice %get3A_106 {offsets = [15], sizes = [1], strides = [1]} : vector<16xf32> to vector<1xf32>
      %squeeze3A_368 = vector.extract %slice3A_367[0] : f32 from vector<1xf32>
      %mul3A_369 = vector.broadcast %squeeze3A_368 : f32 to vector<16xf32>
      %mul3A_370 = arith.mulf %get3A_366, %mul3A_369 : vector<16xf32>
      %swap3A_371 = arith.index_cast %add3A_362 : i32 to index
      %swap3A_372 = arith.constant 0 : index
      %swap3A_373 = tpu.vector_load %arg11[%swap3A_371, %swap3A_372] {strides = array<i32>} : memref<320x16xf32, #tpu.memory_space<vmem>>, vector<1x16xf32>,
      %swap3A_374 = vector.shape_cast %swap3A_373 : vector<1x16xf32> to vector<16xf32>
      %swap3A_375 = vector.shape_cast %mul3A_370 : vector<16xf32> to vector<1x16xf32>
      tpu.vector_store %arg11[%swap3A_371, %swap3A_372], %swap3A_375 {strides = array<i32>} : memref<320x16xf32, #tpu.memory_space<vmem>>, vector<1x16xf32>,
    }
    %scan3A_89 = arith.constant 20 : i32
    "tpu.region"() ({
      %run_scoped3A_100 = tpu.sem_alloc : memref<!tpu.dma_semaphore, #tpu.memory_space<semaphore_mem>>
      %dma_start3A_101 = arith.constant 0 : i32
      %dma_start3A_102 = arith.constant 0 : i32
      %dma_start3A_103 = tpu.memref_slice %arg6[%arg0, %dma_start3A_101, %dma_start3A_102] : memref<2x10240x16xf32, #tpu.memory_space<hbm>> -> memref<1x10240x16xf32, #tpu.memory_space<hbm>>
      %dma_start3A_104 = tpu.memref_squeeze %dma_start3A_103 : memref<1x10240x16xf32, #tpu.memory_space<hbm>> -> memref<10240x16xf32, #tpu.memory_space<hbm>>
      %dma_start3A_105 = arith.constant 0 : i32
      %dma_start3A_106 = tpu.memref_slice %dma_start3A_104[%add3A_83, %dma_start3A_105] : memref<10240x16xf32, #tpu.memory_space<hbm>> -> memref<320x16xf32, #tpu.memory_space<hbm>>
      %dma_start3A_107 = arith.constant 0 : i32
      %dma_start3A_108 = arith.constant 0 : i32
      %dma_start3A_109 = tpu.memref_slice %arg6[%arg0, %dma_start3A_107, %dma_start3A_108] : memref<2x10240x16xf32, #tpu.memory_space<hbm>> -> memref<1x10240x16xf32, #tpu.memory_space<hbm>>
      %dma_start3A_110 = tpu.memref_squeeze %dma_start3A_109 : memref<1x10240x16xf32, #tpu.memory_space<hbm>> -> memref<10240x16xf32, #tpu.memory_space<hbm>>
      %dma_start3A_111 = arith.constant 0 : i32
      %dma_start3A_112 = tpu.memref_slice %dma_start3A_110[%add3A_83, %dma_start3A_111] : memref<10240x16xf32, #tpu.memory_space<hbm>> -> memref<320x16xf32, #tpu.memory_space<hbm>>
      tpu.enqueue_dma source(%arg11 : memref<320x16xf32, #tpu.memory_space<vmem>>) target(%dma_start3A_112 : memref<320x16xf32, #tpu.memory_space<hbm>>) target_semaphore(%run_scoped3A_100 : memref<!tpu.dma_semaphore, #tpu.memory_space<semaphore_mem>>)
      %dma_wait3A_113 = arith.constant 0 : i32
      %dma_wait3A_114 = arith.constant 0 : i32
      %dma_wait3A_115 = tpu.memref_slice %arg6[%arg0, %dma_wait3A_113, %dma_wait3A_114] : memref<2x10240x16xf32, #tpu.memory_space<hbm>> -> memref<1x10240x16xf32, #tpu.memory_space<hbm>>
      %dma_wait3A_116 = tpu.memref_squeeze %dma_wait3A_115 : memref<1x10240x16xf32, #tpu.memory_space<hbm>> -> memref<10240x16xf32, #tpu.memory_space<hbm>>
      %dma_wait3A_117 = arith.constant 0 : i32
      %dma_wait3A_118 = tpu.memref_slice %dma_wait3A_116[%add3A_83, %dma_wait3A_117] : memref<10240x16xf32, #tpu.memory_space<hbm>> -> memref<320x16xf32, #tpu.memory_space<hbm>>
      %dma_wait3A_119 = arith.constant 0 : i32
      %dma_wait3A_120 = arith.constant 0 : i32
      %dma_wait3A_121 = tpu.memref_slice %arg6[%arg0, %dma_wait3A_119, %dma_wait3A_120] : memref<2x10240x16xf32, #tpu.memory_space<hbm>> -> memref<1x10240x16xf32, #tpu.memory_space<hbm>>
      %dma_wait3A_122 = tpu.memref_squeeze %dma_wait3A_121 : memref<1x10240x16xf32, #tpu.memory_space<hbm>> -> memref<10240x16xf32, #tpu.memory_space<hbm>>
      %dma_wait3A_123 = arith.constant 0 : i32
      %dma_wait3A_124 = tpu.memref_slice %dma_wait3A_122[%add3A_83, %dma_wait3A_123] : memref<10240x16xf32, #tpu.memory_space<hbm>> -> memref<320x16xf32, #tpu.memory_space<hbm>>
      tpu.wait_dma2 semaphore(%run_scoped3A_100 : memref<!tpu.dma_semaphore, #tpu.memory_space<semaphore_mem>>) src(%arg11 : memref<320x16xf32, #tpu.memory_space<vmem>>) dst(%dma_wait3A_124 : memref<320x16xf32, #tpu.memory_space<hbm>>)
      tpu.yield
    }) : () -> ()
    %mul3A_90 = arith.constant 640 : i32
    %mul3A_91 = arith.muli %arg1, %mul3A_90 : i32
    %add3A_92 = arith.constant 320 : i32
    %add3A_93 = arith.addi %mul3A_91, %add3A_92 : i32
    "tpu.region"() ({
      %run_scoped3A_100 = tpu.sem_alloc : memref<!tpu.dma_semaphore, #tpu.memory_space<semaphore_mem>>
      %dma_start3A_101 = arith.constant 0 : i32
      %dma_start3A_102 = tpu.memref_slice %arg12[%add3A_93, %dma_start3A_101] : memref<10240x16xf32, #tpu.memory_space<vmem_shared>> -> memref<320x16xf32, #tpu.memory_space<vmem_shared>>
      %dma_start3A_103 = arith.constant 0 : i32
      %dma_start3A_104 = tpu.memref_slice %arg12[%add3A_93, %dma_start3A_103] : memref<10240x16xf32, #tpu.memory_space<vmem_shared>> -> memref<320x16xf32, #tpu.memory_space<vmem_shared>>
      tpu.enqueue_dma source(%dma_start3A_104 : memref<320x16xf32, #tpu.memory_space<vmem_shared>>) target(%arg11 : memref<320x16xf32, #tpu.memory_space<vmem>>) target_semaphore(%run_scoped3A_100 : memref<!tpu.dma_semaphore, #tpu.memory_space<semaphore_mem>>)
      %dma_wait3A_105 = arith.constant 0 : i32
      %dma_wait3A_106 = tpu.memref_slice %arg12[%add3A_93, %dma_wait3A_105] : memref<10240x16xf32, #tpu.memory_space<vmem_shared>> -> memref<320x16xf32, #tpu.memory_space<vmem_shared>>
      %dma_wait3A_107 = arith.constant 0 : i32
      %dma_wait3A_108 = tpu.memref_slice %arg12[%add3A_93, %dma_wait3A_107] : memref<10240x16xf32, #tpu.memory_space<vmem_shared>> -> memref<320x16xf32, #tpu.memory_space<vmem_shared>>
      tpu.wait_dma2 semaphore(%run_scoped3A_100 : memref<!tpu.dma_semaphore, #tpu.memory_space<semaphore_mem>>) src(%dma_wait3A_108 : memref<320x16xf32, #tpu.memory_space<vmem_shared>>) dst(%arg11 : memref<320x16xf32, #tpu.memory_space<vmem>>)
      tpu.yield
    }) : () -> ()
    %scan3A_94 = arith.constant 0 : i32
    %scan3A_95 = arith.constant 0 : i32
    %scan3A_96 = arith.constant 20 : i32
    %scan3A_97 = arith.addi %scan3A_95, %scan3A_96 : i32
    %scan3A_98 = arith.constant 1 : i32
    scf.for %scan3A_100 = %scan3A_95 to %scan3A_97 step %scan3A_98  : i32 {
      %mul3A_101 = arith.constant 16 : i32
      %mul3A_102 = arith.muli %scan3A_100, %mul3A_101 : i32
      %add3A_103 = arith.constant 320 : i32
      %add3A_104 = arith.addi %add3A_103, %mul3A_102 : i32
      %get3A = arith.index_cast %add3A_104 : i32 to index
      %get3A_105 = tpu.vector_load %arg10[%get3A] {strides = array<i32>} : memref<640xf32, #tpu.memory_space<vmem>>, vector<16xf32>,
      %get3A_106 = vector.shape_cast %get3A_105 : vector<16xf32> to vector<16xf32>
      %mul3A_107 = arith.constant 16 : i32
      %mul3A_108 = arith.muli %scan3A_100, %mul3A_107 : i32
      %add3A_109 = arith.constant 0 : i32
      %add3A_110 = arith.addi %mul3A_108, %add3A_109 : i32
      %get3A_111 = arith.index_cast %add3A_110 : i32 to index
      %get3A_112 = arith.constant 0 : index
      %get3A_113 = tpu.vector_load %arg11[%get3A_111, %get3A_112] {strides = array<i32>} : memref<320x16xf32, #tpu.memory_space<vmem>>, vector<1x16xf32>,
      %get3A_114 = vector.shape_cast %get3A_113 : vector<1x16xf32> to vector<16xf32>
      %slice3A = vector.extract_strided_slice %get3A_106 {offsets = [0], sizes = [1], strides = [1]} : vector<16xf32> to vector<1xf32>
      %squeeze3A = vector.extract %slice3A[0] : f32 from vector<1xf32>
      %mul3A_115 = vector.broadcast %squeeze3A : f32 to vector<16xf32>
      %mul3A_116 = arith.mulf %get3A_114, %mul3A_115 : vector<16xf32>
      %swap3A = arith.index_cast %add3A_110 : i32 to index
      %swap3A_117 = arith.constant 0 : index
      %swap3A_118 = tpu.vector_load %arg11[%swap3A, %swap3A_117] {strides = array<i32>} : memref<320x16xf32, #tpu.memory_space<vmem>>, vector<1x16xf32>,
      %swap3A_119 = vector.shape_cast %swap3A_118 : vector<1x16xf32> to vector<16xf32>
      %swap3A_120 = vector.shape_cast %mul3A_116 : vector<16xf32> to vector<1x16xf32>
      tpu.vector_store %arg11[%swap3A, %swap3A_117], %swap3A_120 {strides = array<i32>} : memref<320x16xf32, #tpu.memory_space<vmem>>, vector<1x16xf32>,
      %mul3A_121 = arith.constant 16 : i32
      %mul3A_122 = arith.muli %scan3A_100, %mul3A_121 : i32
      %add3A_123 = arith.constant 1 : i32
      %add3A_124 = arith.addi %mul3A_122, %add3A_123 : i32
      %get3A_125 = arith.index_cast %add3A_124 : i32 to index
      %get3A_126 = arith.constant 0 : index
      %get3A_127 = tpu.vector_load %arg11[%get3A_125, %get3A_126] {strides = array<i32>} : memref<320x16xf32, #tpu.memory_space<vmem>>, vector<1x16xf32>,
      %get3A_128 = vector.shape_cast %get3A_127 : vector<1x16xf32> to vector<16xf32>
      %slice3A_129 = vector.extract_strided_slice %get3A_106 {offsets = [1], sizes = [1], strides = [1]} : vector<16xf32> to vector<1xf32>
      %squeeze3A_130 = vector.extract %slice3A_129[0] : f32 from vector<1xf32>
      %mul3A_131 = vector.broadcast %squeeze3A_130 : f32 to vector<16xf32>
      %mul3A_132 = arith.mulf %get3A_128, %mul3A_131 : vector<16xf32>
      %swap3A_133 = arith.index_cast %add3A_124 : i32 to index
      %swap3A_134 = arith.constant 0 : index
      %swap3A_135 = tpu.vector_load %arg11[%swap3A_133, %swap3A_134] {strides = array<i32>} : memref<320x16xf32, #tpu.memory_space<vmem>>, vector<1x16xf32>,
      %swap3A_136 = vector.shape_cast %swap3A_135 : vector<1x16xf32> to vector<16xf32>
      %swap3A_137 = vector.shape_cast %mul3A_132 : vector<16xf32> to vector<1x16xf32>
      tpu.vector_store %arg11[%swap3A_133, %swap3A_134], %swap3A_137 {strides = array<i32>} : memref<320x16xf32, #tpu.memory_space<vmem>>, vector<1x16xf32>,
      %mul3A_138 = arith.constant 16 : i32
      %mul3A_139 = arith.muli %scan3A_100, %mul3A_138 : i32
      %add3A_140 = arith.constant 2 : i32
      %add3A_141 = arith.addi %mul3A_139, %add3A_140 : i32
      %get3A_142 = arith.index_cast %add3A_141 : i32 to index
      %get3A_143 = arith.constant 0 : index
      %get3A_144 = tpu.vector_load %arg11[%get3A_142, %get3A_143] {strides = array<i32>} : memref<320x16xf32, #tpu.memory_space<vmem>>, vector<1x16xf32>,
      %get3A_145 = vector.shape_cast %get3A_144 : vector<1x16xf32> to vector<16xf32>
      %slice3A_146 = vector.extract_strided_slice %get3A_106 {offsets = [2], sizes = [1], strides = [1]} : vector<16xf32> to vector<1xf32>
      %squeeze3A_147 = vector.extract %slice3A_146[0] : f32 from vector<1xf32>
      %mul3A_148 = vector.broadcast %squeeze3A_147 : f32 to vector<16xf32>
      %mul3A_149 = arith.mulf %get3A_145, %mul3A_148 : vector<16xf32>
      %swap3A_150 = arith.index_cast %add3A_141 : i32 to index
      %swap3A_151 = arith.constant 0 : index
      %swap3A_152 = tpu.vector_load %arg11[%swap3A_150, %swap3A_151] {strides = array<i32>} : memref<320x16xf32, #tpu.memory_space<vmem>>, vector<1x16xf32>,
      %swap3A_153 = vector.shape_cast %swap3A_152 : vector<1x16xf32> to vector<16xf32>
      %swap3A_154 = vector.shape_cast %mul3A_149 : vector<16xf32> to vector<1x16xf32>
      tpu.vector_store %arg11[%swap3A_150, %swap3A_151], %swap3A_154 {strides = array<i32>} : memref<320x16xf32, #tpu.memory_space<vmem>>, vector<1x16xf32>,
      %mul3A_155 = arith.constant 16 : i32
      %mul3A_156 = arith.muli %scan3A_100, %mul3A_155 : i32
      %add3A_157 = arith.constant 3 : i32
      %add3A_158 = arith.addi %mul3A_156, %add3A_157 : i32
      %get3A_159 = arith.index_cast %add3A_158 : i32 to index
      %get3A_160 = arith.constant 0 : index
      %get3A_161 = tpu.vector_load %arg11[%get3A_159, %get3A_160] {strides = array<i32>} : memref<320x16xf32, #tpu.memory_space<vmem>>, vector<1x16xf32>,
      %get3A_162 = vector.shape_cast %get3A_161 : vector<1x16xf32> to vector<16xf32>
      %slice3A_163 = vector.extract_strided_slice %get3A_106 {offsets = [3], sizes = [1], strides = [1]} : vector<16xf32> to vector<1xf32>
      %squeeze3A_164 = vector.extract %slice3A_163[0] : f32 from vector<1xf32>
      %mul3A_165 = vector.broadcast %squeeze3A_164 : f32 to vector<16xf32>
      %mul3A_166 = arith.mulf %get3A_162, %mul3A_165 : vector<16xf32>
      %swap3A_167 = arith.index_cast %add3A_158 : i32 to index
      %swap3A_168 = arith.constant 0 : index
      %swap3A_169 = tpu.vector_load %arg11[%swap3A_167, %swap3A_168] {strides = array<i32>} : memref<320x16xf32, #tpu.memory_space<vmem>>, vector<1x16xf32>,
      %swap3A_170 = vector.shape_cast %swap3A_169 : vector<1x16xf32> to vector<16xf32>
      %swap3A_171 = vector.shape_cast %mul3A_166 : vector<16xf32> to vector<1x16xf32>
      tpu.vector_store %arg11[%swap3A_167, %swap3A_168], %swap3A_171 {strides = array<i32>} : memref<320x16xf32, #tpu.memory_space<vmem>>, vector<1x16xf32>,
      %mul3A_172 = arith.constant 16 : i32
      %mul3A_173 = arith.muli %scan3A_100, %mul3A_172 : i32
      %add3A_174 = arith.constant 4 : i32
      %add3A_175 = arith.addi %mul3A_173, %add3A_174 : i32
      %get3A_176 = arith.index_cast %add3A_175 : i32 to index
      %get3A_177 = arith.constant 0 : index
      %get3A_178 = tpu.vector_load %arg11[%get3A_176, %get3A_177] {strides = array<i32>} : memref<320x16xf32, #tpu.memory_space<vmem>>, vector<1x16xf32>,
      %get3A_179 = vector.shape_cast %get3A_178 : vector<1x16xf32> to vector<16xf32>
      %slice3A_180 = vector.extract_strided_slice %get3A_106 {offsets = [4], sizes = [1], strides = [1]} : vector<16xf32> to vector<1xf32>
      %squeeze3A_181 = vector.extract %slice3A_180[0] : f32 from vector<1xf32>
      %mul3A_182 = vector.broadcast %squeeze3A_181 : f32 to vector<16xf32>
      %mul3A_183 = arith.mulf %get3A_179, %mul3A_182 : vector<16xf32>
      %swap3A_184 = arith.index_cast %add3A_175 : i32 to index
      %swap3A_185 = arith.constant 0 : index
      %swap3A_186 = tpu.vector_load %arg11[%swap3A_184, %swap3A_185] {strides = array<i32>} : memref<320x16xf32, #tpu.memory_space<vmem>>, vector<1x16xf32>,
      %swap3A_187 = vector.shape_cast %swap3A_186 : vector<1x16xf32> to vector<16xf32>
      %swap3A_188 = vector.shape_cast %mul3A_183 : vector<16xf32> to vector<1x16xf32>
      tpu.vector_store %arg11[%swap3A_184, %swap3A_185], %swap3A_188 {strides = array<i32>} : memref<320x16xf32, #tpu.memory_space<vmem>>, vector<1x16xf32>,
      %mul3A_189 = arith.constant 16 : i32
      %mul3A_190 = arith.muli %scan3A_100, %mul3A_189 : i32
      %add3A_191 = arith.constant 5 : i32
      %add3A_192 = arith.addi %mul3A_190, %add3A_191 : i32
      %get3A_193 = arith.index_cast %add3A_192 : i32 to index
      %get3A_194 = arith.constant 0 : index
      %get3A_195 = tpu.vector_load %arg11[%get3A_193, %get3A_194] {strides = array<i32>} : memref<320x16xf32, #tpu.memory_space<vmem>>, vector<1x16xf32>,
      %get3A_196 = vector.shape_cast %get3A_195 : vector<1x16xf32> to vector<16xf32>
      %slice3A_197 = vector.extract_strided_slice %get3A_106 {offsets = [5], sizes = [1], strides = [1]} : vector<16xf32> to vector<1xf32>
      %squeeze3A_198 = vector.extract %slice3A_197[0] : f32 from vector<1xf32>
      %mul3A_199 = vector.broadcast %squeeze3A_198 : f32 to vector<16xf32>
      %mul3A_200 = arith.mulf %get3A_196, %mul3A_199 : vector<16xf32>
      %swap3A_201 = arith.index_cast %add3A_192 : i32 to index
      %swap3A_202 = arith.constant 0 : index
      %swap3A_203 = tpu.vector_load %arg11[%swap3A_201, %swap3A_202] {strides = array<i32>} : memref<320x16xf32, #tpu.memory_space<vmem>>, vector<1x16xf32>,
      %swap3A_204 = vector.shape_cast %swap3A_203 : vector<1x16xf32> to vector<16xf32>
      %swap3A_205 = vector.shape_cast %mul3A_200 : vector<16xf32> to vector<1x16xf32>
      tpu.vector_store %arg11[%swap3A_201, %swap3A_202], %swap3A_205 {strides = array<i32>} : memref<320x16xf32, #tpu.memory_space<vmem>>, vector<1x16xf32>,
      %mul3A_206 = arith.constant 16 : i32
      %mul3A_207 = arith.muli %scan3A_100, %mul3A_206 : i32
      %add3A_208 = arith.constant 6 : i32
      %add3A_209 = arith.addi %mul3A_207, %add3A_208 : i32
      %get3A_210 = arith.index_cast %add3A_209 : i32 to index
      %get3A_211 = arith.constant 0 : index
      %get3A_212 = tpu.vector_load %arg11[%get3A_210, %get3A_211] {strides = array<i32>} : memref<320x16xf32, #tpu.memory_space<vmem>>, vector<1x16xf32>,
      %get3A_213 = vector.shape_cast %get3A_212 : vector<1x16xf32> to vector<16xf32>
      %slice3A_214 = vector.extract_strided_slice %get3A_106 {offsets = [6], sizes = [1], strides = [1]} : vector<16xf32> to vector<1xf32>
      %squeeze3A_215 = vector.extract %slice3A_214[0] : f32 from vector<1xf32>
      %mul3A_216 = vector.broadcast %squeeze3A_215 : f32 to vector<16xf32>
      %mul3A_217 = arith.mulf %get3A_213, %mul3A_216 : vector<16xf32>
      %swap3A_218 = arith.index_cast %add3A_209 : i32 to index
      %swap3A_219 = arith.constant 0 : index
      %swap3A_220 = tpu.vector_load %arg11[%swap3A_218, %swap3A_219] {strides = array<i32>} : memref<320x16xf32, #tpu.memory_space<vmem>>, vector<1x16xf32>,
      %swap3A_221 = vector.shape_cast %swap3A_220 : vector<1x16xf32> to vector<16xf32>
      %swap3A_222 = vector.shape_cast %mul3A_217 : vector<16xf32> to vector<1x16xf32>
      tpu.vector_store %arg11[%swap3A_218, %swap3A_219], %swap3A_222 {strides = array<i32>} : memref<320x16xf32, #tpu.memory_space<vmem>>, vector<1x16xf32>,
      %mul3A_223 = arith.constant 16 : i32
      %mul3A_224 = arith.muli %scan3A_100, %mul3A_223 : i32
      %add3A_225 = arith.constant 7 : i32
      %add3A_226 = arith.addi %mul3A_224, %add3A_225 : i32
      %get3A_227 = arith.index_cast %add3A_226 : i32 to index
      %get3A_228 = arith.constant 0 : index
      %get3A_229 = tpu.vector_load %arg11[%get3A_227, %get3A_228] {strides = array<i32>} : memref<320x16xf32, #tpu.memory_space<vmem>>, vector<1x16xf32>,
      %get3A_230 = vector.shape_cast %get3A_229 : vector<1x16xf32> to vector<16xf32>
      %slice3A_231 = vector.extract_strided_slice %get3A_106 {offsets = [7], sizes = [1], strides = [1]} : vector<16xf32> to vector<1xf32>
      %squeeze3A_232 = vector.extract %slice3A_231[0] : f32 from vector<1xf32>
      %mul3A_233 = vector.broadcast %squeeze3A_232 : f32 to vector<16xf32>
      %mul3A_234 = arith.mulf %get3A_230, %mul3A_233 : vector<16xf32>
      %swap3A_235 = arith.index_cast %add3A_226 : i32 to index
      %swap3A_236 = arith.constant 0 : index
      %swap3A_237 = tpu.vector_load %arg11[%swap3A_235, %swap3A_236] {strides = array<i32>} : memref<320x16xf32, #tpu.memory_space<vmem>>, vector<1x16xf32>,
      %swap3A_238 = vector.shape_cast %swap3A_237 : vector<1x16xf32> to vector<16xf32>
      %swap3A_239 = vector.shape_cast %mul3A_234 : vector<16xf32> to vector<1x16xf32>
      tpu.vector_store %arg11[%swap3A_235, %swap3A_236], %swap3A_239 {strides = array<i32>} : memref<320x16xf32, #tpu.memory_space<vmem>>, vector<1x16xf32>,
      %mul3A_240 = arith.constant 16 : i32
      %mul3A_241 = arith.muli %scan3A_100, %mul3A_240 : i32
      %add3A_242 = arith.constant 8 : i32
      %add3A_243 = arith.addi %mul3A_241, %add3A_242 : i32
      %get3A_244 = arith.index_cast %add3A_243 : i32 to index
      %get3A_245 = arith.constant 0 : index
      %get3A_246 = tpu.vector_load %arg11[%get3A_244, %get3A_245] {strides = array<i32>} : memref<320x16xf32, #tpu.memory_space<vmem>>, vector<1x16xf32>,
      %get3A_247 = vector.shape_cast %get3A_246 : vector<1x16xf32> to vector<16xf32>
      %slice3A_248 = vector.extract_strided_slice %get3A_106 {offsets = [8], sizes = [1], strides = [1]} : vector<16xf32> to vector<1xf32>
      %squeeze3A_249 = vector.extract %slice3A_248[0] : f32 from vector<1xf32>
      %mul3A_250 = vector.broadcast %squeeze3A_249 : f32 to vector<16xf32>
      %mul3A_251 = arith.mulf %get3A_247, %mul3A_250 : vector<16xf32>
      %swap3A_252 = arith.index_cast %add3A_243 : i32 to index
      %swap3A_253 = arith.constant 0 : index
      %swap3A_254 = tpu.vector_load %arg11[%swap3A_252, %swap3A_253] {strides = array<i32>} : memref<320x16xf32, #tpu.memory_space<vmem>>, vector<1x16xf32>,
      %swap3A_255 = vector.shape_cast %swap3A_254 : vector<1x16xf32> to vector<16xf32>
      %swap3A_256 = vector.shape_cast %mul3A_251 : vector<16xf32> to vector<1x16xf32>
      tpu.vector_store %arg11[%swap3A_252, %swap3A_253], %swap3A_256 {strides = array<i32>} : memref<320x16xf32, #tpu.memory_space<vmem>>, vector<1x16xf32>,
      %mul3A_257 = arith.constant 16 : i32
      %mul3A_258 = arith.muli %scan3A_100, %mul3A_257 : i32
      %add3A_259 = arith.constant 9 : i32
      %add3A_260 = arith.addi %mul3A_258, %add3A_259 : i32
      %get3A_261 = arith.index_cast %add3A_260 : i32 to index
      %get3A_262 = arith.constant 0 : index
      %get3A_263 = tpu.vector_load %arg11[%get3A_261, %get3A_262] {strides = array<i32>} : memref<320x16xf32, #tpu.memory_space<vmem>>, vector<1x16xf32>,
      %get3A_264 = vector.shape_cast %get3A_263 : vector<1x16xf32> to vector<16xf32>
      %slice3A_265 = vector.extract_strided_slice %get3A_106 {offsets = [9], sizes = [1], strides = [1]} : vector<16xf32> to vector<1xf32>
      %squeeze3A_266 = vector.extract %slice3A_265[0] : f32 from vector<1xf32>
      %mul3A_267 = vector.broadcast %squeeze3A_266 : f32 to vector<16xf32>
      %mul3A_268 = arith.mulf %get3A_264, %mul3A_267 : vector<16xf32>
      %swap3A_269 = arith.index_cast %add3A_260 : i32 to index
      %swap3A_270 = arith.constant 0 : index
      %swap3A_271 = tpu.vector_load %arg11[%swap3A_269, %swap3A_270] {strides = array<i32>} : memref<320x16xf32, #tpu.memory_space<vmem>>, vector<1x16xf32>,
      %swap3A_272 = vector.shape_cast %swap3A_271 : vector<1x16xf32> to vector<16xf32>
      %swap3A_273 = vector.shape_cast %mul3A_268 : vector<16xf32> to vector<1x16xf32>
      tpu.vector_store %arg11[%swap3A_269, %swap3A_270], %swap3A_273 {strides = array<i32>} : memref<320x16xf32, #tpu.memory_space<vmem>>, vector<1x16xf32>,
      %mul3A_274 = arith.constant 16 : i32
      %mul3A_275 = arith.muli %scan3A_100, %mul3A_274 : i32
      %add3A_276 = arith.constant 10 : i32
      %add3A_277 = arith.addi %mul3A_275, %add3A_276 : i32
      %get3A_278 = arith.index_cast %add3A_277 : i32 to index
      %get3A_279 = arith.constant 0 : index
      %get3A_280 = tpu.vector_load %arg11[%get3A_278, %get3A_279] {strides = array<i32>} : memref<320x16xf32, #tpu.memory_space<vmem>>, vector<1x16xf32>,
      %get3A_281 = vector.shape_cast %get3A_280 : vector<1x16xf32> to vector<16xf32>
      %slice3A_282 = vector.extract_strided_slice %get3A_106 {offsets = [10], sizes = [1], strides = [1]} : vector<16xf32> to vector<1xf32>
      %squeeze3A_283 = vector.extract %slice3A_282[0] : f32 from vector<1xf32>
      %mul3A_284 = vector.broadcast %squeeze3A_283 : f32 to vector<16xf32>
      %mul3A_285 = arith.mulf %get3A_281, %mul3A_284 : vector<16xf32>
      %swap3A_286 = arith.index_cast %add3A_277 : i32 to index
      %swap3A_287 = arith.constant 0 : index
      %swap3A_288 = tpu.vector_load %arg11[%swap3A_286, %swap3A_287] {strides = array<i32>} : memref<320x16xf32, #tpu.memory_space<vmem>>, vector<1x16xf32>,
      %swap3A_289 = vector.shape_cast %swap3A_288 : vector<1x16xf32> to vector<16xf32>
      %swap3A_290 = vector.shape_cast %mul3A_285 : vector<16xf32> to vector<1x16xf32>
      tpu.vector_store %arg11[%swap3A_286, %swap3A_287], %swap3A_290 {strides = array<i32>} : memref<320x16xf32, #tpu.memory_space<vmem>>, vector<1x16xf32>,
      %mul3A_291 = arith.constant 16 : i32
      %mul3A_292 = arith.muli %scan3A_100, %mul3A_291 : i32
      %add3A_293 = arith.constant 11 : i32
      %add3A_294 = arith.addi %mul3A_292, %add3A_293 : i32
      %get3A_295 = arith.index_cast %add3A_294 : i32 to index
      %get3A_296 = arith.constant 0 : index
      %get3A_297 = tpu.vector_load %arg11[%get3A_295, %get3A_296] {strides = array<i32>} : memref<320x16xf32, #tpu.memory_space<vmem>>, vector<1x16xf32>,
      %get3A_298 = vector.shape_cast %get3A_297 : vector<1x16xf32> to vector<16xf32>
      %slice3A_299 = vector.extract_strided_slice %get3A_106 {offsets = [11], sizes = [1], strides = [1]} : vector<16xf32> to vector<1xf32>
      %squeeze3A_300 = vector.extract %slice3A_299[0] : f32 from vector<1xf32>
      %mul3A_301 = vector.broadcast %squeeze3A_300 : f32 to vector<16xf32>
      %mul3A_302 = arith.mulf %get3A_298, %mul3A_301 : vector<16xf32>
      %swap3A_303 = arith.index_cast %add3A_294 : i32 to index
      %swap3A_304 = arith.constant 0 : index
      %swap3A_305 = tpu.vector_load %arg11[%swap3A_303, %swap3A_304] {strides = array<i32>} : memref<320x16xf32, #tpu.memory_space<vmem>>, vector<1x16xf32>,
      %swap3A_306 = vector.shape_cast %swap3A_305 : vector<1x16xf32> to vector<16xf32>
      %swap3A_307 = vector.shape_cast %mul3A_302 : vector<16xf32> to vector<1x16xf32>
      tpu.vector_store %arg11[%swap3A_303, %swap3A_304], %swap3A_307 {strides = array<i32>} : memref<320x16xf32, #tpu.memory_space<vmem>>, vector<1x16xf32>,
      %mul3A_308 = arith.constant 16 : i32
      %mul3A_309 = arith.muli %scan3A_100, %mul3A_308 : i32
      %add3A_310 = arith.constant 12 : i32
      %add3A_311 = arith.addi %mul3A_309, %add3A_310 : i32
      %get3A_312 = arith.index_cast %add3A_311 : i32 to index
      %get3A_313 = arith.constant 0 : index
      %get3A_314 = tpu.vector_load %arg11[%get3A_312, %get3A_313] {strides = array<i32>} : memref<320x16xf32, #tpu.memory_space<vmem>>, vector<1x16xf32>,
      %get3A_315 = vector.shape_cast %get3A_314 : vector<1x16xf32> to vector<16xf32>
      %slice3A_316 = vector.extract_strided_slice %get3A_106 {offsets = [12], sizes = [1], strides = [1]} : vector<16xf32> to vector<1xf32>
      %squeeze3A_317 = vector.extract %slice3A_316[0] : f32 from vector<1xf32>
      %mul3A_318 = vector.broadcast %squeeze3A_317 : f32 to vector<16xf32>
      %mul3A_319 = arith.mulf %get3A_315, %mul3A_318 : vector<16xf32>
      %swap3A_320 = arith.index_cast %add3A_311 : i32 to index
      %swap3A_321 = arith.constant 0 : index
      %swap3A_322 = tpu.vector_load %arg11[%swap3A_320, %swap3A_321] {strides = array<i32>} : memref<320x16xf32, #tpu.memory_space<vmem>>, vector<1x16xf32>,
      %swap3A_323 = vector.shape_cast %swap3A_322 : vector<1x16xf32> to vector<16xf32>
      %swap3A_324 = vector.shape_cast %mul3A_319 : vector<16xf32> to vector<1x16xf32>
      tpu.vector_store %arg11[%swap3A_320, %swap3A_321], %swap3A_324 {strides = array<i32>} : memref<320x16xf32, #tpu.memory_space<vmem>>, vector<1x16xf32>,
      %mul3A_325 = arith.constant 16 : i32
      %mul3A_326 = arith.muli %scan3A_100, %mul3A_325 : i32
      %add3A_327 = arith.constant 13 : i32
      %add3A_328 = arith.addi %mul3A_326, %add3A_327 : i32
      %get3A_329 = arith.index_cast %add3A_328 : i32 to index
      %get3A_330 = arith.constant 0 : index
      %get3A_331 = tpu.vector_load %arg11[%get3A_329, %get3A_330] {strides = array<i32>} : memref<320x16xf32, #tpu.memory_space<vmem>>, vector<1x16xf32>,
      %get3A_332 = vector.shape_cast %get3A_331 : vector<1x16xf32> to vector<16xf32>
      %slice3A_333 = vector.extract_strided_slice %get3A_106 {offsets = [13], sizes = [1], strides = [1]} : vector<16xf32> to vector<1xf32>
      %squeeze3A_334 = vector.extract %slice3A_333[0] : f32 from vector<1xf32>
      %mul3A_335 = vector.broadcast %squeeze3A_334 : f32 to vector<16xf32>
      %mul3A_336 = arith.mulf %get3A_332, %mul3A_335 : vector<16xf32>
      %swap3A_337 = arith.index_cast %add3A_328 : i32 to index
      %swap3A_338 = arith.constant 0 : index
      %swap3A_339 = tpu.vector_load %arg11[%swap3A_337, %swap3A_338] {strides = array<i32>} : memref<320x16xf32, #tpu.memory_space<vmem>>, vector<1x16xf32>,
      %swap3A_340 = vector.shape_cast %swap3A_339 : vector<1x16xf32> to vector<16xf32>
      %swap3A_341 = vector.shape_cast %mul3A_336 : vector<16xf32> to vector<1x16xf32>
      tpu.vector_store %arg11[%swap3A_337, %swap3A_338], %swap3A_341 {strides = array<i32>} : memref<320x16xf32, #tpu.memory_space<vmem>>, vector<1x16xf32>,
      %mul3A_342 = arith.constant 16 : i32
      %mul3A_343 = arith.muli %scan3A_100, %mul3A_342 : i32
      %add3A_344 = arith.constant 14 : i32
      %add3A_345 = arith.addi %mul3A_343, %add3A_344 : i32
      %get3A_346 = arith.index_cast %add3A_345 : i32 to index
      %get3A_347 = arith.constant 0 : index
      %get3A_348 = tpu.vector_load %arg11[%get3A_346, %get3A_347] {strides = array<i32>} : memref<320x16xf32, #tpu.memory_space<vmem>>, vector<1x16xf32>,
      %get3A_349 = vector.shape_cast %get3A_348 : vector<1x16xf32> to vector<16xf32>
      %slice3A_350 = vector.extract_strided_slice %get3A_106 {offsets = [14], sizes = [1], strides = [1]} : vector<16xf32> to vector<1xf32>
      %squeeze3A_351 = vector.extract %slice3A_350[0] : f32 from vector<1xf32>
      %mul3A_352 = vector.broadcast %squeeze3A_351 : f32 to vector<16xf32>
      %mul3A_353 = arith.mulf %get3A_349, %mul3A_352 : vector<16xf32>
      %swap3A_354 = arith.index_cast %add3A_345 : i32 to index
      %swap3A_355 = arith.constant 0 : index
      %swap3A_356 = tpu.vector_load %arg11[%swap3A_354, %swap3A_355] {strides = array<i32>} : memref<320x16xf32, #tpu.memory_space<vmem>>, vector<1x16xf32>,
      %swap3A_357 = vector.shape_cast %swap3A_356 : vector<1x16xf32> to vector<16xf32>
      %swap3A_358 = vector.shape_cast %mul3A_353 : vector<16xf32> to vector<1x16xf32>
      tpu.vector_store %arg11[%swap3A_354, %swap3A_355], %swap3A_358 {strides = array<i32>} : memref<320x16xf32, #tpu.memory_space<vmem>>, vector<1x16xf32>,
      %mul3A_359 = arith.constant 16 : i32
      %mul3A_360 = arith.muli %scan3A_100, %mul3A_359 : i32
      %add3A_361 = arith.constant 15 : i32
      %add3A_362 = arith.addi %mul3A_360, %add3A_361 : i32
      %get3A_363 = arith.index_cast %add3A_362 : i32 to index
      %get3A_364 = arith.constant 0 : index
      %get3A_365 = tpu.vector_load %arg11[%get3A_363, %get3A_364] {strides = array<i32>} : memref<320x16xf32, #tpu.memory_space<vmem>>, vector<1x16xf32>,
      %get3A_366 = vector.shape_cast %get3A_365 : vector<1x16xf32> to vector<16xf32>
      %slice3A_367 = vector.extract_strided_slice %get3A_106 {offsets = [15], sizes = [1], strides = [1]} : vector<16xf32> to vector<1xf32>
      %squeeze3A_368 = vector.extract %slice3A_367[0] : f32 from vector<1xf32>
      %mul3A_369 = vector.broadcast %squeeze3A_368 : f32 to vector<16xf32>
      %mul3A_370 = arith.mulf %get3A_366, %mul3A_369 : vector<16xf32>
      %swap3A_371 = arith.index_cast %add3A_362 : i32 to index
      %swap3A_372 = arith.constant 0 : index
      %swap3A_373 = tpu.vector_load %arg11[%swap3A_371, %swap3A_372] {strides = array<i32>} : memref<320x16xf32, #tpu.memory_space<vmem>>, vector<1x16xf32>,
      %swap3A_374 = vector.shape_cast %swap3A_373 : vector<1x16xf32> to vector<16xf32>
      %swap3A_375 = vector.shape_cast %mul3A_370 : vector<16xf32> to vector<1x16xf32>
      tpu.vector_store %arg11[%swap3A_371, %swap3A_372], %swap3A_375 {strides = array<i32>} : memref<320x16xf32, #tpu.memory_space<vmem>>, vector<1x16xf32>,
    }
    %scan3A_99 = arith.constant 20 : i32
    "tpu.region"() ({
      %run_scoped3A_100 = tpu.sem_alloc : memref<!tpu.dma_semaphore, #tpu.memory_space<semaphore_mem>>
      %dma_start3A_101 = arith.constant 0 : i32
      %dma_start3A_102 = arith.constant 0 : i32
      %dma_start3A_103 = tpu.memref_slice %arg6[%arg0, %dma_start3A_101, %dma_start3A_102] : memref<2x10240x16xf32, #tpu.memory_space<hbm>> -> memref<1x10240x16xf32, #tpu.memory_space<hbm>>
      %dma_start3A_104 = tpu.memref_squeeze %dma_start3A_103 : memref<1x10240x16xf32, #tpu.memory_space<hbm>> -> memref<10240x16xf32, #tpu.memory_space<hbm>>
      %dma_start3A_105 = arith.constant 0 : i32
      %dma_start3A_106 = tpu.memref_slice %dma_start3A_104[%add3A_93, %dma_start3A_105] : memref<10240x16xf32, #tpu.memory_space<hbm>> -> memref<320x16xf32, #tpu.memory_space<hbm>>
      %dma_start3A_107 = arith.constant 0 : i32
      %dma_start3A_108 = arith.constant 0 : i32
      %dma_start3A_109 = tpu.memref_slice %arg6[%arg0, %dma_start3A_107, %dma_start3A_108] : memref<2x10240x16xf32, #tpu.memory_space<hbm>> -> memref<1x10240x16xf32, #tpu.memory_space<hbm>>
      %dma_start3A_110 = tpu.memref_squeeze %dma_start3A_109 : memref<1x10240x16xf32, #tpu.memory_space<hbm>> -> memref<10240x16xf32, #tpu.memory_space<hbm>>
      %dma_start3A_111 = arith.constant 0 : i32
      %dma_start3A_112 = tpu.memref_slice %dma_start3A_110[%add3A_93, %dma_start3A_111] : memref<10240x16xf32, #tpu.memory_space<hbm>> -> memref<320x16xf32, #tpu.memory_space<hbm>>
      tpu.enqueue_dma source(%arg11 : memref<320x16xf32, #tpu.memory_space<vmem>>) target(%dma_start3A_112 : memref<320x16xf32, #tpu.memory_space<hbm>>) target_semaphore(%run_scoped3A_100 : memref<!tpu.dma_semaphore, #tpu.memory_space<semaphore_mem>>)
      %dma_wait3A_113 = arith.constant 0 : i32
      %dma_wait3A_114 = arith.constant 0 : i32
      %dma_wait3A_115 = tpu.memref_slice %arg6[%arg0, %dma_wait3A_113, %dma_wait3A_114] : memref<2x10240x16xf32, #tpu.memory_space<hbm>> -> memref<1x10240x16xf32, #tpu.memory_space<hbm>>
      %dma_wait3A_116 = tpu.memref_squeeze %dma_wait3A_115 : memref<1x10240x16xf32, #tpu.memory_space<hbm>> -> memref<10240x16xf32, #tpu.memory_space<hbm>>
      %dma_wait3A_117 = arith.constant 0 : i32
      %dma_wait3A_118 = tpu.memref_slice %dma_wait3A_116[%add3A_93, %dma_wait3A_117] : memref<10240x16xf32, #tpu.memory_space<hbm>> -> memref<320x16xf32, #tpu.memory_space<hbm>>
      %dma_wait3A_119 = arith.constant 0 : i32
      %dma_wait3A_120 = arith.constant 0 : i32
      %dma_wait3A_121 = tpu.memref_slice %arg6[%arg0, %dma_wait3A_119, %dma_wait3A_120] : memref<2x10240x16xf32, #tpu.memory_space<hbm>> -> memref<1x10240x16xf32, #tpu.memory_space<hbm>>
      %dma_wait3A_122 = tpu.memref_squeeze %dma_wait3A_121 : memref<1x10240x16xf32, #tpu.memory_space<hbm>> -> memref<10240x16xf32, #tpu.memory_space<hbm>>
      %dma_wait3A_123 = arith.constant 0 : i32
      %dma_wait3A_124 = tpu.memref_slice %dma_wait3A_122[%add3A_93, %dma_wait3A_123] : memref<10240x16xf32, #tpu.memory_space<hbm>> -> memref<320x16xf32, #tpu.memory_space<hbm>>
      tpu.wait_dma2 semaphore(%run_scoped3A_100 : memref<!tpu.dma_semaphore, #tpu.memory_space<semaphore_mem>>) src(%arg11 : memref<320x16xf32, #tpu.memory_space<vmem>>) dst(%dma_wait3A_124 : memref<320x16xf32, #tpu.memory_space<hbm>>)
      tpu.yield
    }) : () -> ()
    return
  }
}

module attributes {stable_mosaic.version = 14 : i64} {
  func.func @_mm_body(%arg0: memref<5000x256xf32, #tpu.memory_space<vmem>>, %arg1: memref<256x128xf32, #tpu.memory_space<vmem>>, %arg2: memref<5000x128xf32, #tpu.memory_space<vmem>>) attributes {dimension_semantics = [], scalar_prefetch = 0 : i64, scratch_operands = 0 : i64, tpu.core_type = #tpu.core_type<tc>} {
    %get3A = arith.constant 0 : index
    %get3A_0 = arith.constant 0 : index
    %get3A_1 = vector.load %arg0[%get3A, %get3A_0] : memref<5000x256xf32, #tpu.memory_space<vmem>>, vector<5000x256xf32>
    %get3A_2 = arith.constant 0 : index
    %get3A_3 = arith.constant 0 : index
    %get3A_4 = vector.load %arg1[%get3A_2, %get3A_3] : memref<256x128xf32, #tpu.memory_space<vmem>>, vector<256x128xf32>
    %dot_general3A = arith.constant dense<0.000000e+00> : vector<5000x128xf32>
    %dot_general3A_5 = tpu.matmul %get3A_1, %get3A_4, %dot_general3A {dimension_numbers = #tpu.dot_dimension_numbers<[1], [0], [0], [1], [0, 0, 1, 1], [], []>, transpose_lhs_hint = false} : vector<5000x256xf32>, vector<256x128xf32>, vector<5000x128xf32> -> vector<5000x128xf32>
    %swap3A = arith.constant 0 : index
    %swap3A_6 = arith.constant 0 : index
    %swap3A_7 = vector.load %arg2[%swap3A, %swap3A_6] : memref<5000x128xf32, #tpu.memory_space<vmem>>, vector<5000x128xf32>
    tpu.vector_store %arg2[%swap3A, %swap3A_6], %dot_general3A_5 {strides = array<i32>} : memref<5000x128xf32, #tpu.memory_space<vmem>>, vector<5000x128xf32>,
    return
  }
}

module attributes {stable_mosaic.version = 14 : i64} {
  func.func @_mid_body(%arg0: memref<2x5120x128xf32, #tpu.memory_space<vmem>>, %arg1: memref<5000x128xf32, #tpu.memory_space<vmem>>, %arg2: memref<1x128xf32, #tpu.memory_space<vmem>>, %arg3: memref<128x128xf32, #tpu.memory_space<vmem>>, %arg4: memref<128x32xf32, #tpu.memory_space<vmem>>, %arg5: memref<5000x32xf32, #tpu.memory_space<vmem>>, %arg6: memref<5000x128xf32, #tpu.memory_space<vmem>>) attributes {dimension_semantics = [], scalar_prefetch = 0 : i64, scratch_operands = 0 : i64, tpu.core_type = #tpu.core_type<tc>} {
    %get3A = arith.constant 0 : index
    %get3A_0 = arith.constant 0 : index
    %get3A_1 = arith.constant 0 : index
    %get3A_2 = vector.load %arg0[%get3A, %get3A_0, %get3A_1] : memref<2x5120x128xf32, #tpu.memory_space<vmem>>, vector<2x5120x128xf32>
    %slice3A = vector.extract_strided_slice %get3A_2 {offsets = [0, 0, 0], sizes = [1, 5000, 128], strides = [1, 1, 1]} : vector<2x5120x128xf32> to vector<1x5000x128xf32>
    %squeeze3A = vector.shape_cast %slice3A : vector<1x5000x128xf32> to vector<5000x128xf32>
    %slice3A_3 = vector.extract_strided_slice %get3A_2 {offsets = [1, 0, 0], sizes = [1, 5000, 128], strides = [1, 1, 1]} : vector<2x5120x128xf32> to vector<1x5000x128xf32>
    %squeeze3A_4 = vector.shape_cast %slice3A_3 : vector<1x5000x128xf32> to vector<5000x128xf32>
    %add3A = arith.addf %squeeze3A, %squeeze3A_4 : vector<5000x128xf32>
    %get3A_5 = arith.constant 0 : index
    %get3A_6 = arith.constant 0 : index
    %get3A_7 = vector.load %arg2[%get3A_5, %get3A_6] : memref<1x128xf32, #tpu.memory_space<vmem>>, vector<1x128xf32>
    %add3A_8 = vector.broadcast %get3A_7 : vector<1x128xf32> to vector<5000x128xf32>
    %add3A_9 = arith.addf %add3A, %add3A_8 : vector<5000x128xf32>
    %get3A_10 = arith.constant 0 : index
    %get3A_11 = arith.constant 0 : index
    %get3A_12 = vector.load %arg1[%get3A_10, %get3A_11] : memref<5000x128xf32, #tpu.memory_space<vmem>>, vector<5000x128xf32>
    %add3A_13 = arith.addf %add3A_9, %get3A_12 : vector<5000x128xf32>
    %mul3A = arith.mulf %add3A_13, %add3A_13 : vector<5000x128xf32>
    %get3A_14 = arith.constant 0 : index
    %get3A_15 = arith.constant 0 : index
    %get3A_16 = vector.load %arg3[%get3A_14, %get3A_15] : memref<128x128xf32, #tpu.memory_space<vmem>>, vector<128x128xf32>
    %dot_general3A = arith.constant dense<0.000000e+00> : vector<5000x128xf32>
    %dot_general3A_17 = tpu.matmul %mul3A, %get3A_16, %dot_general3A {dimension_numbers = #tpu.dot_dimension_numbers<[1], [0], [0], [1], [0, 0, 1, 1], [], []>, transpose_lhs_hint = false} : vector<5000x128xf32>, vector<128x128xf32>, vector<5000x128xf32> -> vector<5000x128xf32>
    %sqrt3A = math.sqrt %dot_general3A_17 : vector<5000x128xf32>
    %max3A = arith.constant 9.99999996E-13 : f32
    %max3A_18 = vector.broadcast %max3A : f32 to vector<5000x128xf32>
    %max3A_19 = arith.maximumf %sqrt3A, %max3A_18 : vector<5000x128xf32>
    %div3A = arith.divf %add3A_13, %max3A_19 : vector<5000x128xf32>
    %max3A_20 = arith.constant 0.000000e+00 : f32
    %max3A_21 = vector.broadcast %max3A_20 : f32 to vector<5000x128xf32>
    %max3A_22 = arith.maximumf %div3A, %max3A_21 : vector<5000x128xf32>
    %swap3A = arith.constant 0 : index
    %swap3A_23 = arith.constant 0 : index
    %swap3A_24 = vector.load %arg6[%swap3A, %swap3A_23] : memref<5000x128xf32, #tpu.memory_space<vmem>>, vector<5000x128xf32>
    tpu.vector_store %arg6[%swap3A, %swap3A_23], %max3A_22 {strides = array<i32>} : memref<5000x128xf32, #tpu.memory_space<vmem>>, vector<5000x128xf32>,
    %get3A_25 = arith.constant 0 : index
    %get3A_26 = arith.constant 0 : index
    %get3A_27 = vector.load %arg4[%get3A_25, %get3A_26] : memref<128x32xf32, #tpu.memory_space<vmem>>, vector<128x32xf32>
    %dot_general3A_28 = arith.constant dense<0.000000e+00> : vector<5000x32xf32>
    %dot_general3A_29 = tpu.matmul %max3A_22, %get3A_27, %dot_general3A_28 {dimension_numbers = #tpu.dot_dimension_numbers<[1], [0], [0], [1], [0, 0, 1, 1], [], []>, transpose_lhs_hint = false} : vector<5000x128xf32>, vector<128x32xf32>, vector<5000x32xf32> -> vector<5000x32xf32>
    %swap3A_30 = arith.constant 0 : index
    %swap3A_31 = arith.constant 0 : index
    %swap3A_32 = vector.load %arg5[%swap3A_30, %swap3A_31] : memref<5000x32xf32, #tpu.memory_space<vmem>>, vector<5000x32xf32>
    tpu.vector_store %arg5[%swap3A_30, %swap3A_31], %dot_general3A_29 {strides = array<i32>} : memref<5000x32xf32, #tpu.memory_space<vmem>>, vector<5000x32xf32>,
    return
  }
}

module attributes {stable_mosaic.version = 14 : i64} {
  func.func @_mm_body(%arg0: memref<1250x512xf32, #tpu.memory_space<vmem>>, %arg1: memref<512x128xf32, #tpu.memory_space<vmem>>, %arg2: memref<1250x128xf32, #tpu.memory_space<vmem>>) attributes {dimension_semantics = [], scalar_prefetch = 0 : i64, scratch_operands = 0 : i64, tpu.core_type = #tpu.core_type<tc>} {
    %get3A = arith.constant 0 : index
    %get3A_0 = arith.constant 0 : index
    %get3A_1 = vector.load %arg0[%get3A, %get3A_0] : memref<1250x512xf32, #tpu.memory_space<vmem>>, vector<1250x512xf32>
    %get3A_2 = arith.constant 0 : index
    %get3A_3 = arith.constant 0 : index
    %get3A_4 = vector.load %arg1[%get3A_2, %get3A_3] : memref<512x128xf32, #tpu.memory_space<vmem>>, vector<512x128xf32>
    %dot_general3A = arith.constant dense<0.000000e+00> : vector<1250x128xf32>
    %dot_general3A_5 = tpu.matmul %get3A_1, %get3A_4, %dot_general3A {dimension_numbers = #tpu.dot_dimension_numbers<[1], [0], [0], [1], [0, 0, 1, 1], [], []>, transpose_lhs_hint = false} : vector<1250x512xf32>, vector<512x128xf32>, vector<1250x128xf32> -> vector<1250x128xf32>
    %swap3A = arith.constant 0 : index
    %swap3A_6 = arith.constant 0 : index
    %swap3A_7 = vector.load %arg2[%swap3A, %swap3A_6] : memref<1250x128xf32, #tpu.memory_space<vmem>>, vector<1250x128xf32>
    tpu.vector_store %arg2[%swap3A, %swap3A_6], %dot_general3A_5 {strides = array<i32>} : memref<1250x128xf32, #tpu.memory_space<vmem>>, vector<1250x128xf32>,
    return
  }
}

module attributes {stable_mosaic.version = 14 : i64} {
  func.func @_fin_body(%arg0: memref<2x1280x128xf32, #tpu.memory_space<vmem>>, %arg1: memref<1250x128xf32, #tpu.memory_space<vmem>>, %arg2: memref<1x128xf32, #tpu.memory_space<vmem>>, %arg3: memref<128x128xf32, #tpu.memory_space<vmem>>, %arg4: memref<1250x128xf32, #tpu.memory_space<vmem>>) attributes {dimension_semantics = [], scalar_prefetch = 0 : i64, scratch_operands = 0 : i64, tpu.core_type = #tpu.core_type<tc>} {
    %get3A = arith.constant 0 : index
    %get3A_0 = arith.constant 0 : index
    %get3A_1 = arith.constant 0 : index
    %get3A_2 = vector.load %arg0[%get3A, %get3A_0, %get3A_1] : memref<2x1280x128xf32, #tpu.memory_space<vmem>>, vector<2x1280x128xf32>
    %slice3A = vector.extract_strided_slice %get3A_2 {offsets = [0, 0, 0], sizes = [1, 1250, 128], strides = [1, 1, 1]} : vector<2x1280x128xf32> to vector<1x1250x128xf32>
    %squeeze3A = vector.shape_cast %slice3A : vector<1x1250x128xf32> to vector<1250x128xf32>
    %slice3A_3 = vector.extract_strided_slice %get3A_2 {offsets = [1, 0, 0], sizes = [1, 1250, 128], strides = [1, 1, 1]} : vector<2x1280x128xf32> to vector<1x1250x128xf32>
    %squeeze3A_4 = vector.shape_cast %slice3A_3 : vector<1x1250x128xf32> to vector<1250x128xf32>
    %add3A = arith.addf %squeeze3A, %squeeze3A_4 : vector<1250x128xf32>
    %get3A_5 = arith.constant 0 : index
    %get3A_6 = arith.constant 0 : index
    %get3A_7 = vector.load %arg2[%get3A_5, %get3A_6] : memref<1x128xf32, #tpu.memory_space<vmem>>, vector<1x128xf32>
    %add3A_8 = vector.broadcast %get3A_7 : vector<1x128xf32> to vector<1250x128xf32>
    %add3A_9 = arith.addf %add3A, %add3A_8 : vector<1250x128xf32>
    %get3A_10 = arith.constant 0 : index
    %get3A_11 = arith.constant 0 : index
    %get3A_12 = vector.load %arg1[%get3A_10, %get3A_11] : memref<1250x128xf32, #tpu.memory_space<vmem>>, vector<1250x128xf32>
    %add3A_13 = arith.addf %add3A_9, %get3A_12 : vector<1250x128xf32>
    %mul3A = arith.mulf %add3A_13, %add3A_13 : vector<1250x128xf32>
    %get3A_14 = arith.constant 0 : index
    %get3A_15 = arith.constant 0 : index
    %get3A_16 = vector.load %arg3[%get3A_14, %get3A_15] : memref<128x128xf32, #tpu.memory_space<vmem>>, vector<128x128xf32>
    %dot_general3A = arith.constant dense<0.000000e+00> : vector<1250x128xf32>
    %dot_general3A_17 = tpu.matmul %mul3A, %get3A_16, %dot_general3A {dimension_numbers = #tpu.dot_dimension_numbers<[1], [0], [0], [1], [0, 0, 1, 1], [], []>, transpose_lhs_hint = false} : vector<1250x128xf32>, vector<128x128xf32>, vector<1250x128xf32> -> vector<1250x128xf32>
    %sqrt3A = math.sqrt %dot_general3A_17 : vector<1250x128xf32>
    %max3A = arith.constant 9.99999996E-13 : f32
    %max3A_18 = vector.broadcast %max3A : f32 to vector<1250x128xf32>
    %max3A_19 = arith.maximumf %sqrt3A, %max3A_18 : vector<1250x128xf32>
    %div3A = arith.divf %add3A_13, %max3A_19 : vector<1250x128xf32>
    %swap3A = arith.constant 0 : index
    %swap3A_20 = arith.constant 0 : index
    %swap3A_21 = vector.load %arg4[%swap3A, %swap3A_20] : memref<1250x128xf32, #tpu.memory_space<vmem>>, vector<1250x128xf32>
    tpu.vector_store %arg4[%swap3A, %swap3A_20], %div3A {strides = array<i32>} : memref<1250x128xf32, #tpu.memory_space<vmem>>, vector<1250x128xf32>,
    return
  }
}

</mosaic_0001>

<sc_bundles>
// kernel: kernel.12.cloned.1.call-start
scs
__scs_entry_jumppad:
0x0: {  	(pc) =	sbr.rel $0x88, $3  }
0x1: {  	(tag) =	ssettag $0x0;
	lr =	simm.s32 $0x1  }
0x2: {  	[smem:$0x3F99] =	sst lr;
	_ =	strace $0xD0000000  }
0x3: {  	_ = 	snop  }
0x4: {  	_ = 	snop  }
0x5: {  	_ = 	snop  }
0x6: {  	_ = 	snop  }
0x7: {  	_ = 	snop  }
__scs_overlays_trampoline_lowered:
0x8: {  	[smem:$0x3FA8] =	sst s0  }
0x9: {  	[smem:$0x3FA9] =	sst s1  }
0xa: {  	[smem:$0x3FAA] =	sst s2  }
0xb: {  	[smem:$0x3FAB] =	sst s3  }
0xc: {  	[smem:$0x3FAC] =	sst s4  }
0xd: {  	[smem:$0x3FAD] =	sst s5  }
0xe: {  	[smem:$0x3FAE] =	sst s6  }
0xf: {  	[smem:$0x3FAF] =	sst s7  }
0x10: {  	[smem:$0x3FB0] =	sst s8  }
0x11: {  	[smem:$0x3FB1] =	sst s9;
	s0 =	simm.s32 @!p0 $0x0  }
0x12: {  	s1 =	sld [smem:$0x3F97];
	s0 =	simm.s32 @p0 $0x1  }
0x13: {  	[smem:$0x3FB2] =	sst s0;
	s0 =	simm.s32 @!p1 $0x0  }
0x14: {  	s2 =	sld [smem:$0x3F96];
	s0 =	simm.s32 @p1 $0x1  }
0x15: {  	[smem:$0x3FB3] =	sst s0;
	s0 =	simm.s32 @!p2 $0x0  }
0x16: {  	s3 =	sld [smem:$0x3FDB];
	s0 =	simm.s32 @p2 $0x1  }
0x17: {  	s4 =	simm.s32 $0x1BF5;
	[smem:$0x3FB5] =	sst s0  }
0x18: {  	s0 =	sld [smem:$0x3F98];
	_ =	swait.ge [sflag:s4], $0x0  }
0x19: {  	s7 =	sld [smem:$0x3F99]  }
0x1a: {  	s8 =	sadd.s32 $0xFFFFE003, lr  }
0x1b: {  	s9 =	sadd.s32 $0xFFFFFEF7, lr;
	s5 =	simm.s32 $0xFFFFFFFF;
	p2 =	slt.u32 s8, $0xFFFFF086  }
0x1c: {  	p1 =	slt.u32 s9, $0xF7A;
	s5 =	simm.s32 @!p2 $0x0  }
0x1d: {  	s5 =	simm.s32 @p1 $0x1;
	p0 =	seq.s32 s7, s2  }
0x1e: {  	s7 =	smul.u32 @!p0 $0xF7A, s2;
	p2 =	seq.s32 @!p0 s5, $0x0  }
0x1f: {  	s9 =	smul.u32 $0xF7A, s1;
	s8 =	simm.s32 @!p0 $0x1BF5;
	p2 =	por !p2, p0  }
0x20: {  	[sflag:s8] =	ssyncset.s32 @!p0 $0xFFFFF086;
	s6 =	sadd.s32 @!p0 s3, s7;
	s7 =	simm.s32 @!p0 $0x108  }
0x21: {  	s3 =	sadd.s32 s3, s9;
	s6 =	sadd.s32 @!p0 $0x88, s6;
	s7 =	simm.s32 @p2 $0x1082  }
0x22: {  	[simem:s7], [sflag:s8] =	dma.local @!p0 [hbm:s6], $0xF7A  }
0x23: {  	s9 =	sor.u32 $0xD0000000, s2;
	s6 =	simm.s32 $0x108;
	_ =	swait.ge @!p0 [sflag:s8], $0x0  }
0x24: {  	s3 =	sadd.s32 $0x88, s3;
	s6 =	simm.s32 @!p1 $0x1082;
	[sflag:s4] =	ssyncset.s32 $0xFFFFF086  }
0x25: {  	[simem:s6], [sflag:s4] =	dma.local [hbm:s3], $0xF7A  }
0x26: {  	[smem:$0x3F99] =	sst s1;
	(tag) =	ssettag s2;
	_ =	strace s9  }
0x27: {  	s1 =	sld [smem:$0x3FA9]  }
0x28: {  	s2 =	sld [smem:$0x3FAA]  }
0x29: {  	s4 =	sld [smem:$0x3FAC]  }
0x2a: {  	p0 =	seq.s32 s5, $0x0;
	s5 =	sld [smem:$0x3FAD]  }
0x2b: {  	s6 =	sld [smem:$0x3FAE]  }
0x2c: {  	s7 =	sld [smem:$0x3FAF]  }
0x2d: {  	s3 =	simm.s32 $0x108;
	s8 =	sld [smem:$0x3FB0]  }
0x2e: {  	s3 =	simm.s32 @!p0 $0x1082;
	s9 =	sld [smem:$0x3FB1]  }
0x2f: {  	lr =	sadd.s32 s0, s3;
	s0 =	sld [smem:$0x3FA8]  }
0x30: {  	s3 =	sld [smem:$0x3FAB]  }
0x31: {  	[smem:$0x3FB4] =	sst s10  }
0x32: {  	s10 =	sld [smem:$0x3FB2];
	_ =	sdelay $0x3  }
0x33: {  	p0 =	seq.s32 s10, $0x1;
	s10 =	sld [smem:$0x3FB4];
	_ =	sdelay $0x3  }
0x34: {  	[smem:$0x3FB4] =	sst s10  }
0x35: {  	s10 =	sld [smem:$0x3FB3];
	_ =	sdelay $0x3  }
0x36: {  	p1 =	seq.s32 s10, $0x1;
	s10 =	sld [smem:$0x3FB4];
	_ =	sdelay $0x3  }
0x37: {  	[smem:$0x3FB4] =	sst s10  }
0x38: {  	s10 =	sld [smem:$0x3FB5]  }
0x39: {  	_ = 	snop;
	(pc) =	sbr.ind lr, $3  }
0x3a: {  	_ = 	snop  }
0x3b: {  	_ = 	snop  }
0x3c: {  	p2 =	seq.s32 s10, $0x1;
	s10 =	sld [smem:$0x3FB4]  }
0x3d: {  	_ =	shalt  }
0x3e: {  	_ =	shalt  }
0x3f: {  	_ =	shalt  }
0x40: {  	_ =	shalt  }
0x41: {  	_ =	shalt  }
0x42: {  	_ =	shalt  }
0x43: {  	_ =	shalt  }
0x44: {  	_ =	shalt  }
0x45: {  	_ =	shalt  }
0x46: {  	_ =	shalt  }
0x47: {  	_ =	shalt  }
0x48: {  	_ =	shalt  }
0x49: {  	_ =	shalt  }
0x4a: {  	_ =	shalt  }
0x4b: {  	_ =	shalt  }
0x4c: {  	_ =	shalt  }
0x4d: {  	_ =	shalt  }
0x4e: {  	_ =	shalt  }
0x4f: {  	_ =	shalt  }
0x50: {  	_ =	shalt  }
0x51: {  	_ =	shalt  }
0x52: {  	_ =	shalt  }
0x53: {  	_ =	shalt  }
0x54: {  	_ =	shalt  }
0x55: {  	_ =	shalt  }
0x56: {  	_ =	shalt  }
0x57: {  	_ =	shalt  }
0x58: {  	_ =	shalt  }
0x59: {  	_ =	shalt  }
0x5a: {  	_ =	shalt  }
0x5b: {  	_ =	shalt  }
0x5c: {  	_ =	shalt  }
0x5d: {  	_ =	shalt  }
0x5e: {  	_ =	shalt  }
0x5f: {  	_ =	shalt  }
0x60: {  	_ =	shalt  }
0x61: {  	_ =	shalt  }
0x62: {  	_ =	shalt  }
0x63: {  	_ =	shalt  }
0x64: {  	_ =	shalt  }
0x65: {  	_ =	shalt  }
0x66: {  	_ =	shalt  }
0x67: {  	_ =	shalt  }
0x68: {  	_ =	shalt  }
0x69: {  	_ =	shalt  }
0x6a: {  	_ =	shalt  }
0x6b: {  	_ =	shalt  }
0x6c: {  	_ =	shalt  }
0x6d: {  	_ =	shalt  }
0x6e: {  	_ =	shalt  }
0x6f: {  	_ =	shalt  }
0x70: {  	_ =	shalt  }
0x71: {  	_ =	shalt  }
0x72: {  	_ =	shalt  }
0x73: {  	_ =	shalt  }
0x74: {  	_ =	shalt  }
0x75: {  	_ =	shalt  }
0x76: {  	_ =	shalt  }
0x77: {  	_ =	shalt  }
0x78: {  	_ =	shalt  }
0x79: {  	_ =	shalt  }
0x7a: {  	_ =	shalt  }
0x7b: {  	_ =	shalt  }
0x7c: {  	_ =	shalt  }
0x7d: {  	_ =	shalt  }
0x7e: {  	_ =	shalt  }
0x7f: {  	_ =	shalt  }
0x80: {  	_ =	shalt  }
0x81: {  	_ =	shalt  }
0x82: {  	_ =	shalt  }
0x83: {  	_ =	shalt  }
0x84: {  	_ =	shalt  }
0x85: {  	_ =	shalt  }
0x86: {  	_ =	shalt  }
0x87: {  	_ =	shalt  }
.Lfunc_end0:
.L_simem_size_0:
called_computation.1_lowered:
.L_overlay_start_0:
0x88: {  	s2 =	sld [smem:$0x3FD9]  }
0x89: {  	s3 =	sld [smem:$0x3FFE];
	_ =	sdelay $0x1  }
0x8a: {  	s1 =	srdreg.scid  }
0x8b: {  	s0 =	sand.u32 $0x1, s1  }
0x8c: {  	s17 =	sshll.u32 s0, $0xA;
	s2 =	sadd.s32 s3, s2  }
0x8d: {  	s2 =	sadd.s32 s2, s17  }
0x8e: {  	[smem:$0x3FC0] =	sst s2  }
0x8f: {  	_ = 	snop  }
0x90: {  	s2 =	sld [smem:$0x3FD0];
	(tm) =	ssettm $0x1  }
0x91: {  	s18 =	sld [smem:$0x3FFB];
	_ =	sdelay $0x3  }
0x92: {  	_ =	strace s18  }
0x93: {  	s3 =	sld [smem:$0x3FFC];
	_ =	sdelay $0x3  }
0x94: {  	_ =	strace s3  }
0x95: {  	s3 =	sld [smem:$0x3FFD];
	_ =	sdelay $0x3  }
0x96: {  	_ =	strace s3  }
0x97: {  	_ =	strace $0x8FFFFFFF  }
0x98: {  	s19 =	sld [smem:$0x3FDB];
	_ =	sdelay $0x1  }
0x99: {  	s4 =	simm.s32 $_scs_section_size  }
0x9a: {  	s5 =	simm.s32 $_size__tile_overlayer_lowered;
	s6 =	simm.s32 $_tile_overlayer_lowered  }
0x9b: {  	s22 =	simm.s32 $0x1BFF;
	s21 =	sshll.u32 s6, $0x1;
	s3 =	sadd.s32 s4, s19  }
0x9c: {  	s7 =	simm.s32 $0x0;
	s20 =	sshll.u32 s5, $0x1;
	s5 =	sadd.s32 s21, s3  }
0x9d: {  	[timem:s7], [sflag:s22] =	dma.local [hbm:s5], s20  }
0x9e: {  	_ =	swait.ge [sflag:s22], s20  }
0x9f: {  	s4 =	ssub.s32 $0x0, s20;
	[sflag:s22] =	ssyncset.done $0x0  }
0xa0: {  	[sflag:s22] =	ssyncadd.s32 s4;
	_ =	sdelay $0x1  }
0xa1: {  	s23 =	simm.s32 $0x1B8B  }
0xa2: {  	_ =	swait.ge [sflag:s23], $0x1  }
0xa3: {  	[sflag:s23] =	ssyncset.done $0x0  }
0xa4: {  	s25 =	simm.s32 $0x1B8E;
	s24 =	sld [smem:$0x3FFE];
	[sflag:s23] =	ssyncadd.s32 $0xFFFFFFFF  }
0xa5: {  	s26 =	simm.s32 $execute0_lowered;
	[smem:$0x3FD2] =	sst s25  }
0xa6: {  	s5 =	sshll.u32 s26, $0x1;
	_ =	strace $0x80000049;
	[dreg:$0x1] =	wrdreg $0xFFFFFFFF  }
0xa7: {  	s28 =	simm.s32 $_size_execute0_lowered;
	s3 =	sadd.s32 s3, s5;
	[dreg:$0x0] =	wrdreg $0x0  }
0xa8: {  	s5 =	sshll.u32 s28, $0x1;
	[dreg:$0x2] =	wrdreg s3  }
0xa9: {  	[dreg:$0x3] =	wrdreg s5  }
0xaa: {  	[dreg:$0x4] =	wrdreg $0xC0  }
0xab: {  	_ =	task [dreg:s7], $0x5FFFF  }
0xac: {  	[dreg:$0x1] =	wrdreg $0xFFFFFFFF  }
0xad: {  	[dreg:$0x0] =	wrdreg $0x60  }
0xae: {  	[dreg:$0x2] =	wrdreg s24  }
0xaf: {  	[dreg:$0x3] =	wrdreg s2  }
0xb0: {  	[dreg:$0x4] =	wrdreg $0x7DA00  }
0xb1: {  	[dreg:$0x5] =	wrdreg $0x9  }
0xb2: {  	_ =	task.clear_ibuf [dreg:s7], $0x6FFFF;
	_ =	strace $0x90000049  }
0xb3: {  	s29 =	simm.s32 $0x9;
	_ =	strace $0x8000004B  }
0xb4: {  	_ =	swait.ge [sflag:s29], $0x1  }
0xb5: {  	[sflag:s29] =	ssyncadd.s32 $0xFFFFFFFF  }
0xb6: {  	_ =	strace $0x9000004B  }
0xb7: {  	_ =	sfence  }
0xb8: {  	s30 =	sld [smem:$0x0];
	_ =	sdelay $0x2  }
0xb9: {  	s31 =	sshll.u32 s1, $0xD;
	s1 =	sshrl.u32 s1, $0x2  }
0xba: {  	s3 =	sand.u32 $0x4000, s31;
	s1 =	sadd.s32 s1, s30  }
0xbb: {  	s0 =	sor.u32 s3, s0;
	s1 =	sshll.u32 s1, $0x11  }
0xbc: {  	s0 =	sor.u32 s1, s0  }
0xbd: {  	s0 =	sadd.s32 $0x8F2B, s0  }
0xbe: {  	[sflag:s0] =	ssyncadd.remote.s32 $0x1  }
0xbf: {  	_ =	sfence.sel $0xFFFF  }
0xc0: {  	[dreg:$0x0] =	wrdreg $0xFFFFFFFF;
	(pc) =	sbr.abs _section_cstart, $3  }
0xc1: {  	[dreg:$0x1] =	wrdreg $0xFFFFFFFF  }
0xc2: {  	_ =	task.clear_ibuf [dreg:s7], $0x2FFFF;
	_ =	strace $0x9FFFFFFF  }
0xc3: {  	(tm) =	ssettm $0x7FFFFFFF  }
tec
execute0_lowered:
.L_overlay_start_1:
0x0: {  	(tag) =	ssettag $0x1  }
0x1: {  	s0 =	rddreg [dreg:$0x0]  }
0x2: {  	s1 =	srdreg.scid;
	s3 =	rddreg [dreg:$0x2]  }
0x3: {  	s11 =	stileid.u32;
	s4 =	simm.s32 $0x0;
	s13 =	simm.s32 $0xB  }
0x4: {  	s17 =	simm.s32 $0x50;
	s18 =	simm.s32 $0x4E20;
	s19 =	simm.s32 $0x5320  }
0x5: {  	s28 =	simm.s32 $0x6220;
	s29 =	simm.s32 $0x1;
	s30 =	simm.s32 $0x2  }
0x6: {  	s16 =	simm.s32 $0x9;
	s31 =	simm.s32 $0xA;
	s1 =	sand.u32 $0x1, s1  }
0x7: {  	[smem:$0x7FF] =	sst s4;
	s6 =	smul.u32 $0x50, s11;
	s5 =	sadd.s32 $0x15A00, s0  }
0x8: {  	s10 =	smul.u32 $0x2800, s11;
	s2 =	sshll.u32 s1, $0x4;
	_ =	strace $0x8000004A  }
0x9: {  	s8 =	smul.u32 $0x5000, s1;
	s1 =	ssub.s32 $0x2, s1;
	s2 =	sor.u32 s11, s2  }
0xa: {  	s9 =	sadd.s32 s6, s0;
	s20 =	sshrl.u32 s1, $0x1;
	s11 =	sshll.u32 s11, $0x6  }
0xb: {  	s6 =	sadd.s32 s10, s3;
	s24 =	sshrl.u32 s10, $0x3;
	s25 =	sadd.s32 $0x1400, s10  }
0xc: {  	s2 =	smul.u32 $0x4E2, s2;
	s8 =	sadd.s32 s8, s0;
	s1 =	ssub.s32 s1, s20  }
0xd: {  	s11 =	sor.u32 $0x1C0B, s11;
	s21 =	sadd.s32 $0x52A00, s9;
	s10 =	sadd.s32 s25, s3  }
0xe: {  	s9 =	sshrl.u32 s25, $0x3;
	s26 =	sshrl.u32 s6, $0x3;
	[dreg:$0x4] =	wrdreg s11  }
0xf: {  	s25 =	simm.s32 $0x5D20;
	s20 =	simm.s32 $0x7;
	[dreg:$0x6] =	wrdreg s21  }
0x10: {  	s22 =	sadd.s32 $0x1AA00, s8;
	[dreg:$0x7] =	wrdreg s10;
	s1 =	smax.u32 s1, $0x1  }
0x11: {  	[dreg:$0x9] =	wrdreg s26;
	s21 =	simm.s32 $0x5820;
	s26 =	simm.s32 $0x4  }
0x12: {  	s8 =	simm.s32 $0x0;
	s7 =	sadd.s32 s2, s0;
	s0 =	sadd.s32 $0xBC40, s0  }
0x13: {  	[dreg:$0x8] =	wrdreg s1;
	s23 =	sadd.s32 s24, s22;
	s24 =	sadd.s32 s9, s22  }
0x14: {  	s1 =	simm.s32 $0x8;
	s22 =	simm.s32 $0x5;
	s7 =	sadd.s32 $0x2000, s7  }
0x15: {  	s0 =	sadd.s32 s2, s0;
	s2 =	simm.s32 $0x3;
	[dreg:$0x5] =	wrdreg s7  }
0x16: {  	[dreg:$0xa] =	wrdreg s0;
	s0 =	simm.s32 $0x6;
	s7 =	simm.s32 $0x69A0  }
.LBB2_1:
0x17: {  	s9 =	rddreg [dreg:$0x1]  }
0x18: {  	s10 =	rddreg [dreg:$0x4]  }
0x19: {  	s11 =	rddreg [dreg:$0x9]  }
0x1a: {  	[spmem:s11], [sflag:s10] =	dma.local [hbm:s9], $0x500  }
0x1b: {  	_ =	swait.ge [sflag:s13], $0x500  }
0x1c: {  	[sflag:s13] =	ssyncset.done $0x0  }
0x1d: {  	s14 =	rddreg [dreg:$0x5];
	[sflag:s13] =	ssyncadd.s32 $0xFFFFFB00  }
0x1e: {  	[tilespmem:s4], [sflag:$0xB] =	stream.linear.gather [hbm4b:s14+s4], $0x2710, $0x38;
	[tilespmem:$0xA5A0] =	vst v63  }
0x1f: {  	_ =	swait.ge [sflag:s13], $0x2710  }
0x20: {  	[sflag:s13] =	ssyncset.done $0x0  }
0x21: {  	s10 =	simm.s32 $0x2710;
	s15 =	rddreg [dreg:$0xa];
	[sflag:s13] =	ssyncadd.s32 $0xFFFFD8F0  }
0x22: {  	[tilespmem:s10], [sflag:$0xB] =	stream.linear.gather [hbm4b:s15+s4], $0x2710, $0x38;
	[tilespmem:$0xA5A0] =	vst v63  }
0x23: {  	_ =	swait.ge [sflag:s13], $0x2710  }
0x24: {  	[sflag:s13] =	ssyncset.done $0x0  }
0x25: {  	s12 =	simm.s32 $0x6720;
	s11 =	rddreg [dreg:$0x6];
	[sflag:s13] =	ssyncadd.s32 $0xFFFFD8F0  }
0x26: {  	[tilespmem:s12], [sflag:$0xB] =	stream.linear.gather [hbm4b:s11+s4], $0x280, $0x38;
	[tilespmem:$0xA5A0] =	vst v63  }
0x27: {  	_ =	swait.ge [sflag:s13], $0x280  }
0x28: {  	[sflag:s13] =	ssyncset.done $0x0  }
0x29: {  	[sflag:s13] =	ssyncadd.s32 $0xFFFFFD80  }
0x2a: {  	[bflag:$0x0] =	sbarrier.arrive $0xFFFF  }
0x2b: {  	[tilespmem:s18], [sflag:$0x1] =	stream.indirect.gather [hbm4b:s5+s17], $0x10, s4, s17, $0xb8;
	[tilespmem:$0xA5A0] =	vst v63  }
0x2c: {  	_ = 	snop  }
0x2d: {  	[tilespmem:s19], [sflag:$0x2] =	stream.indirect.gather [hbm4b:s5+s17], $0x10, s17, s17, $0xb8;
	[tilespmem:$0xA5A0] =	vst v63  }
0x2e: {  	s14 =	simm.s32 $0xA0  }
0x2f: {  	[tilespmem:s21], [sflag:$0x3] =	stream.indirect.gather [hbm4b:s5+s17], $0x10, s14, s17, $0xb8;
	[tilespmem:$0xA5A0] =	vst v63  }
0x30: {  	s15 =	simm.s32 $0xF0  }
0x31: {  	[tilespmem:s25], [sflag:$0x4] =	stream.indirect.gather [hbm4b:s5+s17], $0x10, s15, s17, $0xb8;
	[tilespmem:$0xA5A0] =	vst v63  }
0x32: {  	s11 =	simm.s32 $0x140  }
0x33: {  	[tilespmem:s28], [sflag:$0x5] =	stream.indirect.gather [hbm4b:s5+s17], $0x10, s11, s17, $0xb8;
	[tilespmem:$0xA5A0] =	vst v63  }
0x34: {  	_ =	swait.ge [sflag:s29], $0x500  }
0x35: {  	[sflag:s29] =	ssyncset.done $0x0  }
0x36: {  	[sflag:s29] =	ssyncadd.s32 $0xFFFFFB00  }
0x37: {  	[spmem:s3] =	stream.indirect.scatter.add.f32 [tilespmem:s18], [sflag:$0x6], $0x10, s10, s17, $0xb8;
	[tilespmem:$0xA5A0] =	vst v63  }
0x38: {  	_ =	swait.ge [sflag:s30], $0x500  }
0x39: {  	[sflag:s30] =	ssyncset.done $0x0  }
0x3a: {  	s12 =	simm.s32 $0x2760;
	[sflag:s30] =	ssyncadd.s32 $0xFFFFFB00  }
0x3b: {  	[spmem:s3] =	stream.indirect.scatter.add.f32 [tilespmem:s19], [sflag:$0x7], $0x10, s12, s17, $0xb8;
	[tilespmem:$0xA5A0] =	vst v63  }
0x3c: {  	_ =	swait.ge [sflag:s0], $0x500  }
0x3d: {  	[sflag:s0] =	ssyncset.done $0x0  }
0x3e: {  	s14 =	simm.s32 $0x190;
	[sflag:s0] =	ssyncadd.s32 $0xFFFFFB00  }
0x3f: {  	[tilespmem:s18], [sflag:$0x1] =	stream.indirect.gather [hbm4b:s5+s17], $0x10, s14, s17, $0xb8;
	[tilespmem:$0xA5A0] =	vst v63  }
0x40: {  	_ =	swait.ge [sflag:s2], $0x500  }
0x41: {  	[sflag:s2] =	ssyncset.done $0x0  }
0x42: {  	s15 =	simm.s32 $0x27B0;
	[sflag:s2] =	ssyncadd.s32 $0xFFFFFB00  }
0x43: {  	[spmem:s3] =	stream.indirect.scatter.add.f32 [tilespmem:s21], [sflag:$0x8], $0x10, s15, s17, $0xb8;
	[tilespmem:$0xA5A0] =	vst v63  }
0x44: {  	_ =	swait.ge [sflag:s20], $0x500  }
0x45: {  	[sflag:s20] =	ssyncset.done $0x0  }
0x46: {  	s10 =	simm.s32 $0x1E0;
	[sflag:s20] =	ssyncadd.s32 $0xFFFFFB00  }
0x47: {  	[tilespmem:s19], [sflag:$0x2] =	stream.indirect.gather [hbm4b:s5+s17], $0x10, s10, s17, $0xb8;
	[tilespmem:$0xA5A0] =	vst v63  }
0x48: {  	_ =	swait.ge [sflag:s26], $0x500  }
0x49: {  	[sflag:s26] =	ssyncset.done $0x0  }
0x4a: {  	s11 =	simm.s32 $0x2800;
	[sflag:s26] =	ssyncadd.s32 $0xFFFFFB00  }
0x4b: {  	[spmem:s3] =	stream.indirect.scatter.add.f32 [tilespmem:s25], [sflag:$0x9], $0x10, s11, s17, $0xb8;
	[tilespmem:$0xA5A0] =	vst v63  }
0x4c: {  	_ =	swait.ge [sflag:s1], $0x500  }
0x4d: {  	[sflag:s1] =	ssyncset.done $0x0  }
0x4e: {  	s12 =	simm.s32 $0x230;
	[sflag:s1] =	ssyncadd.s32 $0xFFFFFB00  }
0x4f: {  	[tilespmem:s21], [sflag:$0x3] =	stream.indirect.gather [hbm4b:s5+s17], $0x10, s12, s17, $0xb8;
	[tilespmem:$0xA5A0] =	vst v63  }
0x50: {  	_ =	swait.ge [sflag:s22], $0x500  }
0x51: {  	[sflag:s22] =	ssyncset.done $0x0  }
0x52: {  	s14 =	simm.s32 $0x2850;
	[sflag:s22] =	ssyncadd.s32 $0xFFFFFB00  }
0x53: {  	[spmem:s3] =	stream.indirect.scatter.add.f32 [tilespmem:s28], [sflag:$0xA], $0x10, s14, s17, $0xb8;
	[tilespmem:$0xA5A0] =	vst v63  }
0x54: {  	_ =	swait.ge [sflag:s16], $0x500  }
0x55: {  	[sflag:s16] =	ssyncset.done $0x0  }
0x56: {  	s9 =	simm.s32 $0x0;
	s15 =	simm.s32 $0x280;
	[sflag:s16] =	ssyncadd.s32 $0xFFFFFB00  }
0x57: {  	[tilespmem:s25], [sflag:$0x4] =	stream.indirect.gather [hbm4b:s5+s17], $0x10, s15, s17, $0xb8;
	[tilespmem:$0xA5A0] =	vst v63  }
.LBB2_2:
0x58: {  	_ =	swait.ge [sflag:s29], $0x500  }
0x59: {  	s10 =	sshra.s32 s9, $0x2;
	[sflag:s29] =	ssyncset.done $0x0  }
0x5a: {  	s11 =	sadd.s32 $0x28A0, s10;
	[sflag:s29] =	ssyncadd.s32 $0xFFFFFB00  }
0x5b: {  	[spmem:s3] =	stream.indirect.scatter.add.f32 [tilespmem:s18], [sflag:$0x6], $0x10, s11, s17, $0xb8;
	[tilespmem:$0xA5A0] =	vst v63  }
0x5c: {  	_ =	swait.ge [sflag:s31], $0x500  }
0x5d: {  	[sflag:s31] =	ssyncset.done $0x0  }
0x5e: {  	s12 =	sadd.s32 $0x2D0, s10;
	[sflag:s31] =	ssyncadd.s32 $0xFFFFFB00  }
0x5f: {  	[tilespmem:s28], [sflag:$0x5] =	stream.indirect.gather [hbm4b:s5+s17], $0x10, s12, s17, $0xb8;
	[tilespmem:$0xA5A0] =	vst v63  }
0x60: {  	_ =	swait.ge [sflag:s30], $0x500  }
0x61: {  	[sflag:s30] =	ssyncset.done $0x0  }
0x62: {  	s14 =	sadd.s32 $0x28F0, s10;
	[sflag:s30] =	ssyncadd.s32 $0xFFFFFB00  }
0x63: {  	[spmem:s3] =	stream.indirect.scatter.add.f32 [tilespmem:s19], [sflag:$0x7], $0x10, s14, s17, $0xb8;
	[tilespmem:$0xA5A0] =	vst v63  }
0x64: {  	_ =	swait.ge [sflag:s0], $0x500  }
0x65: {  	p0 =	seq.s32 s9, $0x8FC0;
	[sflag:s0] =	ssyncset.done $0x0  }
0x66: {  	s11 =	simm.s32 @p0 $0x3;
	[sflag:s0] =	ssyncadd.s32 $0xFFFFFB00  }
0x67: {  	_ =	swait.ge @p0 [sflag:s11], $0x500  }
0x68: {  	[sflag:s11] =	ssyncset.done @p0 $0x0  }
0x69: {  	[sflag:s11] =	ssyncadd.s32 @p0 $0xFFFFFB00;
	s11 =	sshra.s32 @p0 s9, $0x2  }
0x6a: {  	s15 =	simm.s32 @p0 $0x50;
	s12 =	simm.s32 @p0 $0x5820;
	s11 =	sadd.s32 @p0 $0x2940, s11  }
0x6b: {  	[spmem:s3] =	stream.indirect.scatter.add.f32 @p0 [tilespmem:s12], [sflag:$0x8], $0x10, s11, s15, $0xb8;
	[tilespmem:$0xA5A0] =	vst v63  }
0x6c: {  	s11 =	simm.s32 @p0 $0x7  }
0x6d: {  	_ =	swait.ge @p0 [sflag:s11], $0x500  }
0x6e: {  	[sflag:s11] =	ssyncset.done @p0 $0x0  }
0x6f: {  	[sflag:s11] =	ssyncadd.s32 @p0 $0xFFFFFB00;
	s11 =	sshra.s32 @!p0 s9, $0x2  }
0x70: {  	s14 =	simm.s32 @!p0 $0x4E20;
	s15 =	simm.s32 @!p0 $0x50;
	s12 =	sadd.s32 @!p0 $0x320, s11  }
0x71: {  	[tilespmem:s14], [sflag:$0x1] =	stream.indirect.gather @!p0 [hbm4b:s5+s15], $0x10, s12, s15, $0xb8;
	[tilespmem:$0xA5A0] =	vst v63  }
0x72: {  	s12 =	simm.s32 @!p0 $0x3  }
0x73: {  	_ =	swait.ge @!p0 [sflag:s12], $0x500  }
0x74: {  	[sflag:s12] =	ssyncset.done @!p0 $0x0  }
0x75: {  	s14 =	simm.s32 @!p0 $0x5820;
	[sflag:s12] =	ssyncadd.s32 @!p0 $0xFFFFFB00;
	s12 =	sadd.s32 @!p0 $0x2940, s11  }
0x76: {  	[spmem:s3] =	stream.indirect.scatter.add.f32 @!p0 [tilespmem:s14], [sflag:$0x8], $0x10, s12, s15, $0xb8;
	[tilespmem:$0xA5A0] =	vst v63  }
0x77: {  	s12 =	simm.s32 @!p0 $0x7  }
0x78: {  	_ =	swait.ge @!p0 [sflag:s12], $0x500  }
0x79: {  	[sflag:s12] =	ssyncset.done @!p0 $0x0  }
0x7a: {  	s11 =	sadd.s32 @!p0 $0x370, s11;
	[sflag:s12] =	ssyncadd.s32 @!p0 $0xFFFFFB00;
	s12 =	simm.s32 @!p0 $0x5320  }
0x7b: {  	[tilespmem:s12], [sflag:$0x2] =	stream.indirect.gather @!p0 [hbm4b:s5+s15], $0x10, s11, s15, $0xb8;
	[tilespmem:$0xA5A0] =	vst v63  }
0x7c: {  	_ =	swait.ge [sflag:s26], $0x500  }
0x7d: {  	[sflag:s26] =	ssyncset.done $0x0  }
.Ltmp0:
0x7e: {  	s15 =	sadd.s32 $0x2990, s10;
	[sflag:s26] =	ssyncadd.s32 $0xFFFFFB00;
	(pc) =	sbr.rel @p0 .LBB2_4-.Ltmp0, $4  }
0x7f: {  	[spmem:s3] =	stream.indirect.scatter.add.f32 [tilespmem:s25], [sflag:$0x9], $0x10, s15, s17, $0xb8;
	[tilespmem:$0xA5A0] =	vst v63  }
0x80: {  	_ =	swait.ge [sflag:s1], $0x500  }
0x81: {  	[sflag:s1] =	ssyncset.done $0x0  }
0x82: {  	s11 =	sadd.s32 $0x29E0, s10;
	[sflag:s1] =	ssyncadd.s32 $0xFFFFFB00  }
0x83: {  	s12 =	sadd.s32 $0x3C0, s10  }
0x84: {  	[tilespmem:s21], [sflag:$0x3] =	stream.indirect.gather [hbm4b:s5+s17], $0x10, s12, s17, $0xb8;
	[tilespmem:$0xA5A0] =	vst v63  }
0x85: {  	_ =	swait.ge [sflag:s22], $0x500  }
0x86: {  	[sflag:s22] =	ssyncset.done $0x0  }
0x87: {  	[sflag:s22] =	ssyncadd.s32 $0xFFFFFB00  }
0x88: {  	[spmem:s3] =	stream.indirect.scatter.add.f32 [tilespmem:s28], [sflag:$0xA], $0x10, s11, s17, $0xb8;
	[tilespmem:$0xA5A0] =	vst v63  }
.Ltmp1:
0x89: {  	_ = 	snop;
	(pc) =	sbr.rel .LBB2_2-.Ltmp1, $4  }
0x8a: {  	_ =	swait.ge [sflag:s16], $0x500  }
0x8b: {  	[sflag:s16] =	ssyncset.done $0x0  }
0x8c: {  	s15 =	sadd.s32 $0x410, s10;
	s9 =	sadd.s32 $0x640, s9;
	[sflag:s16] =	ssyncadd.s32 $0xFFFFFB00  }
0x8d: {  	[tilespmem:s25], [sflag:$0x4] =	stream.indirect.gather [hbm4b:s5+s17], $0x10, s15, s17, $0xb8;
	[tilespmem:$0xA5A0] =	vst v63  }
.LBB2_4:
0x8e: {  	_ =	swait.ge [sflag:s22], $0x500  }
0x8f: {  	[sflag:s22] =	ssyncset.done $0x0  }
0x90: {  	[sflag:s22] =	ssyncadd.s32 $0xFFFFFB00  }
0x91: {  	[spmem:s3] =	stream.indirect.scatter.add.f32 [tilespmem:s28], [sflag:$0xA], $0x10, s11, s17, $0xb8;
	[tilespmem:$0xA5A0] =	vst v63  }
0x92: {  	_ =	swait.ge [sflag:s16], $0x500  }
0x93: {  	[sflag:s16] =	ssyncset.done $0x0  }
0x94: {  	[sflag:s16] =	ssyncadd.s32 $0xFFFFFB00  }
0x95: {  	_ =	swait.ge [sflag:s31], $0x500  }
0x96: {  	[sflag:s31] =	ssyncset.done $0x0  }
0x97: {  	[sflag:s31] =	ssyncadd.s32 $0xFFFFFB00  }
0x98: {  	[bflag:$0x0] =	sbarrier.arrive $0xFFFF  }
0x99: {  	[tilespmem:s7], [sflag:$0xB] =	stream.linear.gather [spmem:s6], $0x1400, $0x38;
	[tilespmem:$0xA5A0] =	vst v63  }
0x9a: {  	_ =	swait.ge [sflag:s13], $0x1400  }
0x9b: {  	[sflag:s13] =	ssyncset.done $0x0  }
0x9c: {  	s9 =	simm.s32 $0x6A20;
	[sflag:s13] =	ssyncadd.s32 $0xFFFFEC00  }
0x9d: {  	s10 =	simm.s32 $0x40;
	s15 =	simm.s32 $0x6A20;
	s11 =	simm.s32 $0x0;
	v0 =	vld [tilespmem:s9+$0xFFFFFFB0]  }
.LBB2_5:
0x9e: {  	p0 =	sne.s32 s10, $0x4C0;
	v1 =	vld [tilespmem:s11+$0x6720]  }
0x9f: {  	v2 =	vld [tilespmem:s9+$0xFFFFFF90]  }
0xa0: {  	v3 =	vld [tilespmem:s9+$0xFFFFFF80]  }
0xa1: {  	v4 =	vld [tilespmem:s9+$0xFFFFFFA0]  }
0xa2: {  	v5 =	vld [tilespmem:s9+$0xFFFFFFF0]  }
0xa3: {  	v6 =	vbroadcast v1, $0x0;
	v7 =	vbroadcast v1, $0x1;
	v8 =	vld [tilespmem:s9+$0xFFFFFFD0]  }
0xa4: {  	v9 =	vbroadcast v1, $0x2;
	v10 =	vbroadcast v1, $0x3;
	v11 =	vld [tilespmem:s9+$0xFFFFFFC0]  }
0xa5: {  	v3 =	vmul.f32 v6, v3;
	v2 =	vmul.f32 v2, v7;
	v6 =	vld [tilespmem:s9+$0xFFFFFFE0]  }
0xa6: {  	v0 =	vmul.f32 v0, v10;
	v4 =	vmul.f32 v4, v9;
	v7 =	vld [tilespmem:s9+$0x30]  }
0xa7: {  	v9 =	vbroadcast v1, $0x5;
	[tilespmem:s9+$0xFFFFFF80] =	vst v3;
	v3 =	vbroadcast v1, $0x4;
	v10 =	vld [tilespmem:s9+$0x10]  }
0xa8: {  	v12 =	vbroadcast v1, $0x7;
	[tilespmem:s9+$0xFFFFFF90] =	vst v2;
	v2 =	vbroadcast v1, $0x6;
	v13 =	vld [tilespmem:s9+$0x0]  }
0xa9: {  	[tilespmem:s9+$0xFFFFFFA0] =	vst v4;
	v3 =	vmul.f32 v11, v3;
	v4 =	vmul.f32 v8, v9;
	v8 =	vld [tilespmem:s9+$0x20]  }
0xaa: {  	[tilespmem:s9+$0xFFFFFFB0] =	vst v0;
	v0 =	vmul.f32 v6, v2;
	v2 =	vmul.f32 v5, v12;
	v5 =	vld [tilespmem:s9+$0x70]  }
0xab: {  	v6 =	vbroadcast v1, $0x9;
	[tilespmem:s9+$0xFFFFFFC0] =	vst v3;
	v3 =	vbroadcast v1, $0x8;
	v9 =	vld [tilespmem:s9+$0x50]  }
0xac: {  	v11 =	vbroadcast v1, $0xB;
	[tilespmem:s9+$0xFFFFFFD0] =	vst v4;
	v4 =	vbroadcast v1, $0xA;
	v12 =	vld [tilespmem:s9+$0x40]  }
0xad: {  	[tilespmem:s9+$0xFFFFFFE0] =	vst v0;
	v0 =	vmul.f32 v13, v3;
	v3 =	vmul.f32 v10, v6;
	v6 =	vld [tilespmem:s9+$0x60]  }
0xae: {  	[tilespmem:s9+$0xFFFFFFF0] =	vst v2;
	v2 =	vmul.f32 v8, v4;
	v4 =	vmul.f32 v7, v11  }
0xaf: {  	v7 =	vbroadcast v1, $0xD;
	[tilespmem:s9+$0x0] =	vst v0;
	v0 =	vbroadcast v1, $0xC  }
0xb0: {  	[tilespmem:s9+$0x10] =	vst v3;
	v3 =	vbroadcast v1, $0xE;
	v1 =	vbroadcast v1, $0xF  }
0xb1: {  	[tilespmem:s9+$0x20] =	vst v2;
	v0 =	vmul.f32 v12, v0;
	v2 =	vmul.f32 v9, v7  }
.Ltmp2:
0xb2: {  	[tilespmem:s9+$0x30] =	vst v4;
	v3 =	vmul.f32 v6, v3;
	v1 =	vmul.f32 v5, v1;
	(pc) =	sbr.rel @p0 .LBB2_5-.Ltmp2, $4  }
0xb3: {  	[tilespmem:s9+$0x40] =	vst v0  }
0xb4: {  	[tilespmem:s9+$0x50] =	vst v2  }
0xb5: {  	s9 =	sadd.s32 $0x100, s9;
	[tilespmem:s15+$0x60] =	vst v3  }
0xb6: {  	s11 =	sshra.s32 s10, $0x2;
	s10 =	sadd.s32 $0x40, s10;
	v0 =	vld [tilespmem:s9+$0xFFFFFFB0];
	[tilespmem:s15+$0x70] =	vst v1;
	s15 =	smov.u32 s9  }
0xb7: {  	v1 =	vld [tilespmem:s11+$0x6720];
	_ =	sdelay $0x1  }
0xb8: {  	v2 =	vld [tilespmem:s9+$0xFFFFFF80]  }
0xb9: {  	v3 =	vld [tilespmem:s9+$0xFFFFFF90]  }
0xba: {  	v4 =	vld [tilespmem:s9+$0xFFFFFFA0]  }
0xbb: {  	v5 =	vbroadcast v1, $0x0  }
0xbc: {  	v7 =	vld [tilespmem:s9+$0xFFFFFFC0];
	v6 =	vbroadcast v1, $0x1  }
0xbd: {  	v8 =	vld [tilespmem:s9+$0xFFFFFFD0];
	v9 =	vbroadcast v1, $0x2;
	v2 =	vmul.f32 v5, v2  }
0xbe: {  	v51 =	vld [tilespmem:s9+$0xFFFFFFE0];
	v50 =	vbroadcast v1, $0x3;
	v3 =	vmul.f32 v3, v6  }
0xbf: {  	v53 =	vld [tilespmem:s9+$0x10];
	v4 =	vmul.f32 v4, v9;
	[tilespmem:s9+$0xFFFFFF80] =	vst v2;
	v2 =	vbroadcast v1, $0x4  }
0xc0: {  	v52 =	vbroadcast v1, $0x5;
	v0 =	vmul.f32 v0, v50;
	[tilespmem:s9+$0xFFFFFF90] =	vst v3;
	v3 =	vld [tilespmem:s9+$0x0]  }
0xc1: {  	v10 =	vld [tilespmem:s9+$0xFFFFFFF0];
	v11 =	vbroadcast v1, $0x6;
	[tilespmem:s9+$0xFFFFFFA0] =	vst v4;
	v2 =	vmul.f32 v7, v2  }
0xc2: {  	v55 =	vld [tilespmem:s9+$0x20];
	v56 =	vbroadcast v1, $0x9;
	v5 =	vmul.f32 v8, v52;
	[tilespmem:s9+$0xFFFFFFB0] =	vst v0  }
0xc3: {  	v6 =	vmul.f32 v51, v11;
	v0 =	vld [tilespmem:s9+$0x30];
	[tilespmem:s9+$0xFFFFFFC0] =	vst v2;
	v2 =	vbroadcast v1, $0x8  }
0xc4: {  	v57 =	vld [tilespmem:s9+$0x40];
	v54 =	vbroadcast v1, $0x7;
	v60 =	vmul.f32 v53, v56;
	[tilespmem:s9+$0xFFFFFFD0] =	vst v5  }
0xc5: {  	v58 =	vld [tilespmem:s9+$0x50];
	v59 =	vbroadcast v1, $0xA;
	[tilespmem:s9+$0xFFFFFFE0] =	vst v6;
	v2 =	vmul.f32 v3, v2  }
0xc6: {  	v61 =	vld [tilespmem:s9+$0x60];
	v4 =	vmul.f32 v10, v54;
	[tilespmem:s9+$0x10] =	vst v60;
	v3 =	vbroadcast v1, $0xB  }
0xc7: {  	v62 =	vld [tilespmem:s9+$0x70];
	v7 =	vmul.f32 v55, v59;
	[tilespmem:s9+$0x0] =	vst v2;
	v2 =	vbroadcast v1, $0xC  }
0xc8: {  	[tilespmem:s9+$0xFFFFFFF0] =	vst v4;
	v0 =	vmul.f32 v0, v3;
	v3 =	vbroadcast v1, $0xD  }
0xc9: {  	v63 =	vbroadcast v1, $0xE;
	[tilespmem:s9+$0x20] =	vst v7;
	v2 =	vmul.f32 v57, v2  }
0xca: {  	v1 =	vbroadcast v1, $0xF;
	v3 =	vmul.f32 v58, v3;
	[tilespmem:s9+$0x30] =	vst v0  }
0xcb: {  	v0 =	vmul.f32 v61, v63;
	[tilespmem:s9+$0x40] =	vst v2  }
0xcc: {  	v1 =	vmul.f32 v62, v1;
	[tilespmem:s9+$0x50] =	vst v3  }
0xcd: {  	[tilespmem:s15+$0x60] =	vst v0  }
0xce: {  	s14 =	simm.s32 $0x0;
	[tilespmem:s15+$0x70] =	vst v1  }
0xcf: {  	[hbm4b:s23+s14] =	stream.linear.scatter [tilespmem:s7], [sflag:$0xB], $0x1400, $0x38;
	[tilespmem:$0xA5A0] =	vst v63  }
0xd0: {  	_ =	swait.ge [sflag:s13], $0x1400  }
0xd1: {  	[sflag:s13] =	ssyncset.done $0x0  }
0xd2: {  	s15 =	rddreg [dreg:$0x7];
	[sflag:s13] =	ssyncadd.s32 $0xFFFFEC00  }
0xd3: {  	[tilespmem:s7], [sflag:$0xB] =	stream.linear.gather [spmem:s15], $0x1400, $0x38;
	[tilespmem:$0xA5A0] =	vst v63  }
0xd4: {  	_ =	swait.ge [sflag:s13], $0x1400  }
0xd5: {  	[sflag:s13] =	ssyncset.done $0x0  }
0xd6: {  	s9 =	simm.s32 $0x6A20;
	[sflag:s13] =	ssyncadd.s32 $0xFFFFEC00  }
0xd7: {  	s11 =	simm.s32 $0x0;
	s10 =	simm.s32 $0x40;
	s15 =	simm.s32 $0x6A20;
	v0 =	vld [tilespmem:s9+$0xFFFFFFB0]  }
.LBB2_7:
0xd8: {  	p0 =	sne.s32 s10, $0x4C0;
	v1 =	vld [tilespmem:s11+$0x6860]  }
0xd9: {  	v2 =	vld [tilespmem:s9+$0xFFFFFF90]  }
0xda: {  	v3 =	vld [tilespmem:s9+$0xFFFFFF80]  }
0xdb: {  	v4 =	vld [tilespmem:s9+$0xFFFFFFA0]  }
0xdc: {  	v5 =	vld [tilespmem:s9+$0xFFFFFFF0]  }
0xdd: {  	v6 =	vbroadcast v1, $0x0;
	v7 =	vbroadcast v1, $0x1;
	v8 =	vld [tilespmem:s9+$0xFFFFFFD0]  }
0xde: {  	v9 =	vbroadcast v1, $0x2;
	v10 =	vbroadcast v1, $0x3;
	v11 =	vld [tilespmem:s9+$0xFFFFFFC0]  }
0xdf: {  	v3 =	vmul.f32 v6, v3;
	v2 =	vmul.f32 v2, v7;
	v6 =	vld [tilespmem:s9+$0xFFFFFFE0]  }
0xe0: {  	v0 =	vmul.f32 v0, v10;
	v4 =	vmul.f32 v4, v9;
	v7 =	vld [tilespmem:s9+$0x30]  }
0xe1: {  	v9 =	vbroadcast v1, $0x5;
	[tilespmem:s9+$0xFFFFFF80] =	vst v3;
	v3 =	vbroadcast v1, $0x4;
	v10 =	vld [tilespmem:s9+$0x10]  }
0xe2: {  	v12 =	vbroadcast v1, $0x7;
	[tilespmem:s9+$0xFFFFFF90] =	vst v2;
	v2 =	vbroadcast v1, $0x6;
	v13 =	vld [tilespmem:s9+$0x0]  }
0xe3: {  	[tilespmem:s9+$0xFFFFFFA0] =	vst v4;
	v3 =	vmul.f32 v11, v3;
	v4 =	vmul.f32 v8, v9;
	v8 =	vld [tilespmem:s9+$0x20]  }
0xe4: {  	[tilespmem:s9+$0xFFFFFFB0] =	vst v0;
	v0 =	vmul.f32 v6, v2;
	v2 =	vmul.f32 v5, v12;
	v5 =	vld [tilespmem:s9+$0x70]  }
0xe5: {  	v6 =	vbroadcast v1, $0x9;
	[tilespmem:s9+$0xFFFFFFC0] =	vst v3;
	v3 =	vbroadcast v1, $0x8;
	v9 =	vld [tilespmem:s9+$0x50]  }
0xe6: {  	v11 =	vbroadcast v1, $0xB;
	[tilespmem:s9+$0xFFFFFFD0] =	vst v4;
	v4 =	vbroadcast v1, $0xA;
	v12 =	vld [tilespmem:s9+$0x40]  }
0xe7: {  	[tilespmem:s9+$0xFFFFFFE0] =	vst v0;
	v0 =	vmul.f32 v13, v3;
	v3 =	vmul.f32 v10, v6;
	v6 =	vld [tilespmem:s9+$0x60]  }
0xe8: {  	[tilespmem:s9+$0xFFFFFFF0] =	vst v2;
	v2 =	vmul.f32 v8, v4;
	v4 =	vmul.f32 v7, v11  }
0xe9: {  	v7 =	vbroadcast v1, $0xD;
	[tilespmem:s9+$0x0] =	vst v0;
	v0 =	vbroadcast v1, $0xC  }
0xea: {  	[tilespmem:s9+$0x10] =	vst v3;
	v3 =	vbroadcast v1, $0xE;
	v1 =	vbroadcast v1, $0xF  }
0xeb: {  	[tilespmem:s9+$0x20] =	vst v2;
	v0 =	vmul.f32 v12, v0;
	v2 =	vmul.f32 v9, v7  }
.Ltmp3:
0xec: {  	[tilespmem:s9+$0x30] =	vst v4;
	v3 =	vmul.f32 v6, v3;
	v1 =	vmul.f32 v5, v1;
	(pc) =	sbr.rel @p0 .LBB2_7-.Ltmp3, $4  }
0xed: {  	[tilespmem:s9+$0x40] =	vst v0  }
0xee: {  	[tilespmem:s9+$0x50] =	vst v2  }
0xef: {  	s9 =	sadd.s32 $0x100, s9;
	[tilespmem:s15+$0x60] =	vst v3  }
0xf0: {  	s11 =	sshra.s32 s10, $0x2;
	s10 =	sadd.s32 $0x40, s10;
	v0 =	vld [tilespmem:s9+$0xFFFFFFB0];
	[tilespmem:s15+$0x70] =	vst v1;
	s15 =	smov.u32 s9  }
0xf1: {  	v1 =	vld [tilespmem:s11+$0x6860];
	_ =	sdelay $0x1  }
0xf2: {  	v2 =	vld [tilespmem:s9+$0xFFFFFF80]  }
0xf3: {  	v3 =	vld [tilespmem:s9+$0xFFFFFF90]  }
0xf4: {  	v4 =	vld [tilespmem:s9+$0xFFFFFFA0]  }
0xf5: {  	v5 =	vbroadcast v1, $0x0  }
0xf6: {  	v8 =	vld [tilespmem:s9+$0xFFFFFFD0];
	v6 =	vbroadcast v1, $0x1  }
0xf7: {  	v43 =	vld [tilespmem:s9+$0xFFFFFFE0];
	v9 =	vbroadcast v1, $0x2;
	v2 =	vmul.f32 v5, v2  }
0xf8: {  	v47 =	vld [tilespmem:s9+$0x10];
	v42 =	vbroadcast v1, $0x3;
	v3 =	vmul.f32 v3, v6  }
0xf9: {  	v7 =	vld [tilespmem:s9+$0xFFFFFFC0];
	v45 =	vbroadcast v1, $0x5;
	v4 =	vmul.f32 v4, v9;
	[tilespmem:s9+$0xFFFFFF80] =	vst v2  }
0xfa: {  	v10 =	vld [tilespmem:s9+$0xFFFFFFF0];
	v11 =	vbroadcast v1, $0x6;
	v0 =	vmul.f32 v0, v42;
	[tilespmem:s9+$0xFFFFFF90] =	vst v3  }
0xfb: {  	v49 =	vld [tilespmem:s9+$0x20];
	v52 =	vbroadcast v1, $0x9;
	v5 =	vmul.f32 v8, v45;
	[tilespmem:s9+$0xFFFFFFA0] =	vst v4  }
0xfc: {  	v50 =	vld [tilespmem:s9+$0x30];
	v44 =	vbroadcast v1, $0x4;
	v6 =	vmul.f32 v43, v11;
	[tilespmem:s9+$0xFFFFFFB0] =	vst v0  }
0xfd: {  	v46 =	vld [tilespmem:s9+$0x0];
	v48 =	vbroadcast v1, $0x7;
	v57 =	vmul.f32 v47, v52;
	[tilespmem:s9+$0xFFFFFFD0] =	vst v5  }
0xfe: {  	v54 =	vld [tilespmem:s9+$0x50];
	v55 =	vbroadcast v1, $0xA;
	v2 =	vmul.f32 v7, v44;
	[tilespmem:s9+$0xFFFFFFE0] =	vst v6  }
0xff: {  	v53 =	vld [tilespmem:s9+$0x40];
	v56 =	vbroadcast v1, $0xB;
	v4 =	vmul.f32 v10, v48;
	[tilespmem:s9+$0x10] =	vst v57  }
0x100: {  	v58 =	vld [tilespmem:s9+$0x60];
	v51 =	vbroadcast v1, $0x8;
	v7 =	vmul.f32 v49, v55;
	[tilespmem:s9+$0xFFFFFFC0] =	vst v2  }
0x101: {  	v59 =	vld [tilespmem:s9+$0x70];
	v61 =	vbroadcast v1, $0xD;
	v0 =	vmul.f32 v50, v56;
	[tilespmem:s9+$0xFFFFFFF0] =	vst v4  }
0x102: {  	v60 =	vbroadcast v1, $0xC;
	v2 =	vmul.f32 v46, v51;
	[tilespmem:s9+$0x20] =	vst v7  }
0x103: {  	v62 =	vbroadcast v1, $0xE;
	v3 =	vmul.f32 v54, v61;
	[tilespmem:s9+$0x30] =	vst v0  }
0x104: {  	v1 =	vbroadcast v1, $0xF;
	[tilespmem:s9+$0x0] =	vst v2;
	v2 =	vmul.f32 v53, v60  }
0x105: {  	v63 =	vmul.f32 v58, v62;
	[tilespmem:s9+$0x50] =	vst v3  }
0x106: {  	v1 =	vmul.f32 v59, v1;
	[tilespmem:s9+$0x40] =	vst v2  }
0x107: {  	[tilespmem:s15+$0x60] =	vst v63  }
0x108: {  	[tilespmem:s15+$0x70] =	vst v1  }
0x109: {  	[hbm4b:s24+s4] =	stream.linear.scatter [tilespmem:s7], [sflag:$0xB], $0x1400, $0x38;
	[tilespmem:$0xA5A0] =	vst v63  }
0x10a: {  	_ =	swait.ge [sflag:s13], $0x1400  }
0x10b: {  	s8 =	sadd.s32 $0x1, s8;
	s15 =	rddreg [dreg:$0x8]  }
0x10c: {  	p0 =	sne.s32 s8, s15  }
.Ltmp4:
0x10d: {  	_ = 	snop;
	(pc) =	sbr.rel @p0 .LBB2_1-.Ltmp4, $3  }
0x10e: {  	_ =	sdelay $0x1  }
0x10f: {  	[sflag:s13] =	ssyncset.done $0x0  }
0x110: {  	[sflag:s13] =	ssyncadd.s32 $0xFFFFEC00  }
0x111: {  	_ =	sfence.sel $0x180000  }
0x112: {  	[bflag:$0x0] =	sbarrier.arrive $0xFFFF  }
0x113: {  	_ =	strace $0x9000004A  }
0x114: {  	s0 =	stileid.u32;
	[bflag:$0x2] =	sbarrier.arrive $0xFFFF  }
0x115: {  	p0 =	sne.s32 s0, $0x0;
	s0 =	rddreg [dreg:$0x3]  }
0x116: {  	s0 =	sadd.s32 @!p0 $0x100000, s0  }
0x117: {  	[sflag:s0] =	ssyncadd.tile.s32 @!p0 $0x1;
	_ =	shalt  }
.Lfunc_end2:
_tile_overlayer_lowered:
.L_overlay_start_2:
0x118: {  	(tag) =	ssettag $0x2  }
0x119: {  	s0 =	rddreg [dreg:$0x0];
	s2 =	stileid.u32  }
0x11a: {  	s1 =	rddreg [dreg:$0x1];
	p0 =	sne.s32 s2, $0x0  }
0x11b: {  	s3 =	rddreg [dreg:$0x2];
	[bflag:$0x3] =	sbarrier.arrive $0xFFFF;
	s2 =	simm.s32 @!p0 $0x1C0B  }
0x11c: {  	[timem:s3], [sflag:s2] =	dma.local @!p0 [hbm:s0], s1  }
0x11d: {  	s0 =	simm.s32 @!p0 $0xB  }
0x11e: {  	_ =	swait.ge @!p0 [sflag:s0], s1  }
0x11f: {  	s1 =	ssub.s32 @!p0 $0x0, s1;
	[sflag:s0] =	ssyncset.done @!p0 $0x0  }
0x120: {  	[sflag:s0] =	ssyncadd.s32 @!p0 s1  }
0x121: {  	[bflag:$0x3] =	sbarrier.arrive $0xFFFF  }
0x122: {  	_ =	shalt  }

// kernel: kernel.9.cloned.1.call-start
scs
__scs_entry_jumppad:
0x0: {  	(pc) =	sbr.rel $0x88, $3  }
0x1: {  	(tag) =	ssettag $0x0;
	lr =	simm.s32 $0x1  }
0x2: {  	[smem:$0x3F99] =	sst lr;
	_ =	strace $0xD0000000  }
0x3: {  	_ = 	snop  }
0x4: {  	_ = 	snop  }
0x5: {  	_ = 	snop  }
0x6: {  	_ = 	snop  }
0x7: {  	_ = 	snop  }
__scs_overlays_trampoline_lowered:
0x8: {  	[smem:$0x3FA8] =	sst s0  }
0x9: {  	[smem:$0x3FA9] =	sst s1  }
0xa: {  	[smem:$0x3FAA] =	sst s2  }
0xb: {  	[smem:$0x3FAB] =	sst s3  }
0xc: {  	[smem:$0x3FAC] =	sst s4  }
0xd: {  	[smem:$0x3FAD] =	sst s5  }
0xe: {  	[smem:$0x3FAE] =	sst s6  }
0xf: {  	[smem:$0x3FAF] =	sst s7  }
0x10: {  	[smem:$0x3FB0] =	sst s8  }
0x11: {  	[smem:$0x3FB1] =	sst s9;
	s0 =	simm.s32 @!p0 $0x0  }
0x12: {  	s1 =	sld [smem:$0x3F97];
	s0 =	simm.s32 @p0 $0x1  }
0x13: {  	[smem:$0x3FB2] =	sst s0;
	s0 =	simm.s32 @!p1 $0x0  }
0x14: {  	s2 =	sld [smem:$0x3F96];
	s0 =	simm.s32 @p1 $0x1  }
0x15: {  	[smem:$0x3FB3] =	sst s0;
	s0 =	simm.s32 @!p2 $0x0  }
0x16: {  	s3 =	sld [smem:$0x3FDB];
	s0 =	simm.s32 @p2 $0x1  }
0x17: {  	s4 =	simm.s32 $0x1BF5;
	[smem:$0x3FB5] =	sst s0  }
0x18: {  	s0 =	sld [smem:$0x3F98];
	_ =	swait.ge [sflag:s4], $0x0  }
0x19: {  	s7 =	sld [smem:$0x3F99]  }
0x1a: {  	s8 =	sadd.s32 $0xFFFFE003, lr  }
0x1b: {  	s9 =	sadd.s32 $0xFFFFFEF7, lr;
	s5 =	simm.s32 $0xFFFFFFFF;
	p2 =	slt.u32 s8, $0xFFFFF086  }
0x1c: {  	p1 =	slt.u32 s9, $0xF7A;
	s5 =	simm.s32 @!p2 $0x0  }
0x1d: {  	s5 =	simm.s32 @p1 $0x1;
	p0 =	seq.s32 s7, s2  }
0x1e: {  	s7 =	smul.u32 @!p0 $0xF7A, s2;
	p2 =	seq.s32 @!p0 s5, $0x0  }
0x1f: {  	s9 =	smul.u32 $0xF7A, s1;
	s8 =	simm.s32 @!p0 $0x1BF5;
	p2 =	por !p2, p0  }
0x20: {  	[sflag:s8] =	ssyncset.s32 @!p0 $0xFFFFF086;
	s6 =	sadd.s32 @!p0 s3, s7;
	s7 =	simm.s32 @!p0 $0x108  }
0x21: {  	s3 =	sadd.s32 s3, s9;
	s6 =	sadd.s32 @!p0 $0x88, s6;
	s7 =	simm.s32 @p2 $0x1082  }
0x22: {  	[simem:s7], [sflag:s8] =	dma.local @!p0 [hbm:s6], $0xF7A  }
0x23: {  	s9 =	sor.u32 $0xD0000000, s2;
	s6 =	simm.s32 $0x108;
	_ =	swait.ge @!p0 [sflag:s8], $0x0  }
0x24: {  	s3 =	sadd.s32 $0x88, s3;
	s6 =	simm.s32 @!p1 $0x1082;
	[sflag:s4] =	ssyncset.s32 $0xFFFFF086  }
0x25: {  	[simem:s6], [sflag:s4] =	dma.local [hbm:s3], $0xF7A  }
0x26: {  	[smem:$0x3F99] =	sst s1;
	(tag) =	ssettag s2;
	_ =	strace s9  }
0x27: {  	s1 =	sld [smem:$0x3FA9]  }
0x28: {  	s2 =	sld [smem:$0x3FAA]  }
0x29: {  	s4 =	sld [smem:$0x3FAC]  }
0x2a: {  	p0 =	seq.s32 s5, $0x0;
	s5 =	sld [smem:$0x3FAD]  }
0x2b: {  	s6 =	sld [smem:$0x3FAE]  }
0x2c: {  	s7 =	sld [smem:$0x3FAF]  }
0x2d: {  	s3 =	simm.s32 $0x108;
	s8 =	sld [smem:$0x3FB0]  }
0x2e: {  	s3 =	simm.s32 @!p0 $0x1082;
	s9 =	sld [smem:$0x3FB1]  }
0x2f: {  	lr =	sadd.s32 s0, s3;
	s0 =	sld [smem:$0x3FA8]  }
0x30: {  	s3 =	sld [smem:$0x3FAB]  }
0x31: {  	[smem:$0x3FB4] =	sst s10  }
0x32: {  	s10 =	sld [smem:$0x3FB2];
	_ =	sdelay $0x3  }
0x33: {  	p0 =	seq.s32 s10, $0x1;
	s10 =	sld [smem:$0x3FB4];
	_ =	sdelay $0x3  }
0x34: {  	[smem:$0x3FB4] =	sst s10  }
0x35: {  	s10 =	sld [smem:$0x3FB3];
	_ =	sdelay $0x3  }
0x36: {  	p1 =	seq.s32 s10, $0x1;
	s10 =	sld [smem:$0x3FB4];
	_ =	sdelay $0x3  }
0x37: {  	[smem:$0x3FB4] =	sst s10  }
0x38: {  	s10 =	sld [smem:$0x3FB5]  }
0x39: {  	_ = 	snop;
	(pc) =	sbr.ind lr, $3  }
0x3a: {  	_ = 	snop  }
0x3b: {  	_ = 	snop  }
0x3c: {  	p2 =	seq.s32 s10, $0x1;
	s10 =	sld [smem:$0x3FB4]  }
0x3d: {  	_ =	shalt  }
0x3e: {  	_ =	shalt  }
0x3f: {  	_ =	shalt  }
0x40: {  	_ =	shalt  }
0x41: {  	_ =	shalt  }
0x42: {  	_ =	shalt  }
0x43: {  	_ =	shalt  }
0x44: {  	_ =	shalt  }
0x45: {  	_ =	shalt  }
0x46: {  	_ =	shalt  }
0x47: {  	_ =	shalt  }
0x48: {  	_ =	shalt  }
0x49: {  	_ =	shalt  }
0x4a: {  	_ =	shalt  }
0x4b: {  	_ =	shalt  }
0x4c: {  	_ =	shalt  }
0x4d: {  	_ =	shalt  }
0x4e: {  	_ =	shalt  }
0x4f: {  	_ =	shalt  }
0x50: {  	_ =	shalt  }
0x51: {  	_ =	shalt  }
0x52: {  	_ =	shalt  }
0x53: {  	_ =	shalt  }
0x54: {  	_ =	shalt  }
0x55: {  	_ =	shalt  }
0x56: {  	_ =	shalt  }
0x57: {  	_ =	shalt  }
0x58: {  	_ =	shalt  }
0x59: {  	_ =	shalt  }
0x5a: {  	_ =	shalt  }
0x5b: {  	_ =	shalt  }
0x5c: {  	_ =	shalt  }
0x5d: {  	_ =	shalt  }
0x5e: {  	_ =	shalt  }
0x5f: {  	_ =	shalt  }
0x60: {  	_ =	shalt  }
0x61: {  	_ =	shalt  }
0x62: {  	_ =	shalt  }
0x63: {  	_ =	shalt  }
0x64: {  	_ =	shalt  }
0x65: {  	_ =	shalt  }
0x66: {  	_ =	shalt  }
0x67: {  	_ =	shalt  }
0x68: {  	_ =	shalt  }
0x69: {  	_ =	shalt  }
0x6a: {  	_ =	shalt  }
0x6b: {  	_ =	shalt  }
0x6c: {  	_ =	shalt  }
0x6d: {  	_ =	shalt  }
0x6e: {  	_ =	shalt  }
0x6f: {  	_ =	shalt  }
0x70: {  	_ =	shalt  }
0x71: {  	_ =	shalt  }
0x72: {  	_ =	shalt  }
0x73: {  	_ =	shalt  }
0x74: {  	_ =	shalt  }
0x75: {  	_ =	shalt  }
0x76: {  	_ =	shalt  }
0x77: {  	_ =	shalt  }
0x78: {  	_ =	shalt  }
0x79: {  	_ =	shalt  }
0x7a: {  	_ =	shalt  }
0x7b: {  	_ =	shalt  }
0x7c: {  	_ =	shalt  }
0x7d: {  	_ =	shalt  }
0x7e: {  	_ =	shalt  }
0x7f: {  	_ =	shalt  }
0x80: {  	_ =	shalt  }
0x81: {  	_ =	shalt  }
0x82: {  	_ =	shalt  }
0x83: {  	_ =	shalt  }
0x84: {  	_ =	shalt  }
0x85: {  	_ =	shalt  }
0x86: {  	_ =	shalt  }
0x87: {  	_ =	shalt  }
.Lfunc_end0:
.L_simem_size_0:
called_computation_lowered:
.L_overlay_start_0:
0x88: {  	s2 =	sld [smem:$0x3FD9]  }
0x89: {  	s3 =	sld [smem:$0x3FFE];
	_ =	sdelay $0x1  }
0x8a: {  	s1 =	srdreg.scid  }
0x8b: {  	s0 =	sand.u32 $0x1, s1  }
0x8c: {  	s17 =	sshll.u32 s0, $0xA;
	s2 =	sadd.s32 s3, s2  }
0x8d: {  	s2 =	sadd.s32 s2, s17  }
0x8e: {  	[smem:$0x3FC0] =	sst s2  }
0x8f: {  	_ = 	snop  }
0x90: {  	s2 =	sld [smem:$0x3FD0];
	(tm) =	ssettm $0x1  }
0x91: {  	s18 =	sld [smem:$0x3FFB];
	_ =	sdelay $0x3  }
0x92: {  	_ =	strace s18  }
0x93: {  	s3 =	sld [smem:$0x3FFC];
	_ =	sdelay $0x3  }
0x94: {  	_ =	strace s3  }
0x95: {  	s3 =	sld [smem:$0x3FFD];
	_ =	sdelay $0x3  }
0x96: {  	_ =	strace s3  }
0x97: {  	_ =	strace $0x8FFFFFFF  }
0x98: {  	s19 =	sld [smem:$0x3FDB];
	_ =	sdelay $0x1  }
0x99: {  	s4 =	simm.s32 $_scs_section_size  }
0x9a: {  	s5 =	simm.s32 $_size__tile_overlayer_lowered;
	s6 =	simm.s32 $_tile_overlayer_lowered  }
0x9b: {  	s22 =	simm.s32 $0x1BFF;
	s21 =	sshll.u32 s6, $0x1;
	s3 =	sadd.s32 s4, s19  }
0x9c: {  	s7 =	simm.s32 $0x0;
	s20 =	sshll.u32 s5, $0x1;
	s5 =	sadd.s32 s21, s3  }
0x9d: {  	[timem:s7], [sflag:s22] =	dma.local [hbm:s5], s20  }
0x9e: {  	_ =	swait.ge [sflag:s22], s20  }
0x9f: {  	s4 =	ssub.s32 $0x0, s20;
	[sflag:s22] =	ssyncset.done $0x0  }
0xa0: {  	[sflag:s22] =	ssyncadd.s32 s4;
	_ =	sdelay $0x1  }
0xa1: {  	s23 =	simm.s32 $0x1B8B  }
0xa2: {  	_ =	swait.ge [sflag:s23], $0x1  }
0xa3: {  	[sflag:s23] =	ssyncset.done $0x0  }
0xa4: {  	s25 =	simm.s32 $0x1B8E;
	s24 =	sld [smem:$0x3FFE];
	[sflag:s23] =	ssyncadd.s32 $0xFFFFFFFF  }
0xa5: {  	s26 =	simm.s32 $execute0_lowered;
	[smem:$0x3FD2] =	sst s25  }
0xa6: {  	s5 =	sshll.u32 s26, $0x1;
	_ =	strace $0x80000046;
	[dreg:$0x1] =	wrdreg $0xFFFFFFFF  }
0xa7: {  	s28 =	simm.s32 $_size_execute0_lowered;
	s3 =	sadd.s32 s3, s5;
	[dreg:$0x0] =	wrdreg $0x0  }
0xa8: {  	s5 =	sshll.u32 s28, $0x1;
	[dreg:$0x2] =	wrdreg s3  }
0xa9: {  	[dreg:$0x3] =	wrdreg s5  }
0xaa: {  	[dreg:$0x4] =	wrdreg $0xC0  }
0xab: {  	_ =	task [dreg:s7], $0x5FFFF  }
0xac: {  	[dreg:$0x1] =	wrdreg $0xFFFFFFFF  }
0xad: {  	[dreg:$0x0] =	wrdreg $0x60  }
0xae: {  	[dreg:$0x2] =	wrdreg s24  }
0xaf: {  	[dreg:$0x3] =	wrdreg s2  }
0xb0: {  	[dreg:$0x4] =	wrdreg $0x12C000  }
0xb1: {  	[dreg:$0x5] =	wrdreg $0x1CC000  }
0xb2: {  	[dreg:$0x6] =	wrdreg $0x9  }
0xb3: {  	_ =	task.clear_ibuf [dreg:s7], $0x7FFFF;
	_ =	strace $0x90000046  }
0xb4: {  	s29 =	simm.s32 $0x9;
	_ =	strace $0x80000048  }
0xb5: {  	_ =	swait.ge [sflag:s29], $0x1  }
0xb6: {  	[sflag:s29] =	ssyncadd.s32 $0xFFFFFFFF  }
0xb7: {  	_ =	strace $0x90000048  }
0xb8: {  	_ =	sfence  }
0xb9: {  	s30 =	sld [smem:$0x0];
	_ =	sdelay $0x2  }
0xba: {  	s31 =	sshll.u32 s1, $0xD;
	s1 =	sshrl.u32 s1, $0x2  }
0xbb: {  	s3 =	sand.u32 $0x4000, s31;
	s1 =	sadd.s32 s1, s30  }
0xbc: {  	s0 =	sor.u32 s3, s0;
	s1 =	sshll.u32 s1, $0x11  }
0xbd: {  	s0 =	sor.u32 s1, s0  }
0xbe: {  	s0 =	sadd.s32 $0x8F2B, s0  }
0xbf: {  	[sflag:s0] =	ssyncadd.remote.s32 $0x1  }
0xc0: {  	_ =	sfence.sel $0xFFFF  }
0xc1: {  	[dreg:$0x0] =	wrdreg $0xFFFFFFFF;
	(pc) =	sbr.abs _section_cstart, $3  }
0xc2: {  	[dreg:$0x1] =	wrdreg $0xFFFFFFFF  }
0xc3: {  	_ =	task.clear_ibuf [dreg:s7], $0x2FFFF;
	_ =	strace $0x9FFFFFFF  }
0xc4: {  	(tm) =	ssettm $0x7FFFFFFF  }
0xc5: {  	_ =	shalt  }
tec
execute0_lowered:
.L_overlay_start_1:
0x0: {  	(tag) =	ssettag $0x1  }
0x1: {  	s0 =	rddreg [dreg:$0x0]  }
0x2: {  	s1 =	srdreg.scid;
	s3 =	rddreg [dreg:$0x2]  }
0x3: {  	s4 =	rddreg [dreg:$0x3];
	s12 =	stileid.u32;
	s24 =	simm.s32 $0x0  }
0x4: {  	s28 =	simm.s32 $0x50;
	s29 =	simm.s32 $0x7530;
	s30 =	simm.s32 $0x8930  }
0x5: {  	s31 =	simm.s32 $0x1;
	s1 =	sand.u32 $0x1, s1;
	[smem:$0x7FF] =	sst s24  }
0x6: {  	s7 =	sadd.s32 $0x15A00, s0;
	s9 =	sadd.s32 $0x29400, s0;
	s23 =	smul.u32 $0x280, s12  }
0x7: {  	s22 =	sadd.s32 $0x2A800, s0;
	s13 =	smul.u32 $0xA000, s12;
	s15 =	sadd.s32 $0x52A00, s0  }
0x8: {  	s25 =	sshll.u32 s12, $0x6;
	_ =	strace $0x80000047;
	[dreg:$0x6] =	wrdreg s9  }
0x9: {  	s2 =	sshll.u32 s1, $0x4;
	s21 =	smul.u32 $0x14000, s1;
	[dreg:$0x7] =	wrdreg s22  }
0xa: {  	s10 =	ssub.s32 $0x2, s1;
	s26 =	sor.u32 $0x1C0B, s25;
	p0 =	sne.s32 s1, $0x0  }
0xb: {  	s1 =	simm.s32 $0x9D30;
	s9 =	simm.s32 $0x7;
	s6 =	sor.u32 s12, s2  }
0xc: {  	s2 =	ssub.s32 s12, s2;
	s11 =	sshrl.u32 s10, $0x1;
	s14 =	sadd.s32 s13, s3  }
0xd: {  	[dreg:$0x8] =	wrdreg s26;
	s19 =	sadd.s32 s23, s4;
	s12 =	sshrl.u32 s23, $0x3  }
0xe: {  	s17 =	sadd.s32 $0x140, s23;
	s18 =	sshrl.u32 s13, $0x3;
	s8 =	smul.u32 $0x4E2, s6  }
0xf: {  	s13 =	simm.s32 $0x4;
	s6 =	sadd.s32 s21, s0;
	s2 =	smul.u32 $0x2710, s2  }
0x10: {  	s16 =	ssub.s32 s10, s11;
	s20 =	sshll.u32 s17, $0x6;
	s21 =	sadd.s32 s17, s4  }
0x11: {  	s22 =	sshrl.u32 s17, $0x3;
	s11 =	sadd.s32 $0x2AA00, s6;
	s6 =	sadd.s32 s15, s12  }
0x12: {  	[dreg:$0xd] =	wrdreg s21;
	s23 =	smax.u32 s16, $0x1;
	s21 =	simm.s32 $0x6  }
0x13: {  	s16 =	simm.s32 $0x9;
	[dreg:$0x5] =	wrdreg s8;
	s8 =	sadd.s32 s8, s0  }
0x14: {  	s2 =	sadd.s32 $0x27100, s2;
	s0 =	sadd.s32 $0xBC40, s0;
	[dreg:$0xb] =	wrdreg s6  }
0x15: {  	s6 =	sadd.s32 s20, s3;
	[dreg:$0xf] =	wrdreg s23;
	s20 =	simm.s32 $0xB  }
0x16: {  	s25 =	sadd.s32 s18, s11;
	s8 =	sadd.s32 $0x2000, s8;
	[dreg:$0xc] =	wrdreg s6  }
0x17: {  	s5 =	sshrl.u32 s2, $0x3;
	s6 =	sadd.s32 s15, s22;
	[dreg:$0xa] =	wrdreg s0  }
0x18: {  	[dreg:$0x11] =	wrdreg s25;
	s25 =	simm.s32 $0xC530;
	s2 =	simm.s32 $0x2  }
0x19: {  	s15 =	simm.s32 $0x5;
	s22 =	simm.s32 $0x0;
	[dreg:$0x9] =	wrdreg s8  }
0x1a: {  	s8 =	sshll.u32 s17, $0x3;
	[dreg:$0xe] =	wrdreg s6;
	s0 =	sadd.s32 s5, s0  }
0x1b: {  	s6 =	simm.s32 $0x8;
	s17 =	simm.s32 $0xA;
	s5 =	simm.s32 $0xD980  }
0x1c: {  	[dreg:$0x10] =	wrdreg s0;
	s26 =	sadd.s32 s8, s11;
	s0 =	simm.s32 $0xB130  }
0x1d: {  	s8 =	simm.s32 $0x3;
	[dreg:$0x12] =	wrdreg s26;
	s26 =	simm.s32 $0xD930  }
.LBB2_1:
0x1e: {  	s10 =	rddreg [dreg:$0x6]  }
0x1f: {  	s23 =	sshrl.u32 s14, $0x3;
	s11 =	rddreg [dreg:$0x8]  }
0x20: {  	[spmem:s23], [sflag:s11] =	dma.local [hbm:s10], $0x1400  }
0x21: {  	_ =	swait.ge [sflag:s20], $0x1400  }
0x22: {  	[sflag:s20] =	ssyncset.done $0x0  }
0x23: {  	s12 =	smov.u32 s14;
	[sflag:s20] =	ssyncadd.s32 $0xFFFFEC00  }
0x24: {  	s18 =	smov.u32 s19;
	s14 =	sshrl.u32 s19, $0x3;
	s19 =	rddreg [dreg:$0x1]  }
0x25: {  	[spmem:s14], [sflag:s11] =	dma.local [hbm:s19], $0x50  }
0x26: {  	_ =	swait.ge [sflag:s20], $0x50  }
0x27: {  	[sflag:s20] =	ssyncset.done $0x0  }
0x28: {  	s14 =	rddreg [dreg:$0x9];
	[sflag:s20] =	ssyncadd.s32 $0xFFFFFFB0  }
0x29: {  	[tilespmem:s24], [sflag:$0xB] =	stream.linear.gather [hbm4b:s14+s24], $0x2710, $0x38;
	[tilespmem:$0x1CE80] =	vst v63  }
0x2a: {  	_ =	swait.ge [sflag:s20], $0x2710  }
0x2b: {  	s19 =	rddreg [dreg:$0x5]  }
0x2c: {  	[sflag:s20] =	ssyncset.done $0x0;
	s23 =	rddreg [dreg:$0xa]  }
0x2d: {  	s14 =	simm.s32 $0x2710;
	[sflag:s20] =	ssyncadd.s32 $0xFFFFD8F0;
	s11 =	sadd.s32 s19, s23  }
0x2e: {  	[tilespmem:s14], [sflag:$0xB] =	stream.linear.gather [hbm4b:s11+s24], $0x2710, $0x38;
	[tilespmem:$0x1CE80] =	vst v63  }
0x2f: {  	_ =	swait.ge [sflag:s20], $0x2710  }
0x30: {  	[sflag:s20] =	ssyncset.done $0x0  }
0x31: {  	s23 =	simm.s32 $0x4E20;
	s19 =	rddreg [dreg:$0x10];
	[sflag:s20] =	ssyncadd.s32 $0xFFFFD8F0  }
0x32: {  	[tilespmem:s23], [sflag:$0xB] =	stream.linear.gather [hbm4b:s19+s24], $0x2710, $0x38;
	[tilespmem:$0x1CE80] =	vst v63  }
0x33: {  	_ =	swait.ge [sflag:s20], $0x2710  }
0x34: {  	[sflag:s20] =	ssyncset.done $0x0  }
0x35: {  	s14 =	rddreg [dreg:$0x7];
	[sflag:s20] =	ssyncadd.s32 $0xFFFFD8F0  }
0x36: {  	[tilespmem:s26], [sflag:$0xB] =	stream.linear.gather [hbm4b:s14+s24], $0x50, $0x38;
	[tilespmem:$0x1CE80] =	vst v63  }
0x37: {  	_ =	swait.ge [sflag:s20], $0x50  }
0x38: {  	[sflag:s20] =	ssyncset.done $0x0  }
0x39: {  	[sflag:s20] =	ssyncadd.s32 $0xFFFFFFB0  }
0x3a: {  	[bflag:$0x0] =	sbarrier.arrive $0xFFFF  }
0x3b: {  	[tilespmem:s29], [sflag:$0x1] =	stream.indirect.gather [hbm4b:s7+s28], $0x40, s24, s28, $0xb8;
	[tilespmem:$0x1CE80] =	vst v63  }
0x3c: {  	_ = 	snop  }
0x3d: {  	[tilespmem:s30], [sflag:$0x2] =	stream.indirect.gather [hbm4b:s7+s28], $0x40, s28, s28, $0xb8;
	[tilespmem:$0x1CE80] =	vst v63  }
0x3e: {  	s19 =	simm.s32 $0xA0  }
0x3f: {  	[tilespmem:s1], [sflag:$0x3] =	stream.indirect.gather [hbm4b:s7+s28], $0x40, s19, s28, $0xb8;
	[tilespmem:$0x1CE80] =	vst v63  }
0x40: {  	s23 =	simm.s32 $0xF0  }
0x41: {  	[tilespmem:s0], [sflag:$0x4] =	stream.indirect.gather [hbm4b:s7+s28], $0x40, s23, s28, $0xb8;
	[tilespmem:$0x1CE80] =	vst v63  }
0x42: {  	s24 =	simm.s32 $0x140;
	s23 =	simm.s32 $0x0  }
0x43: {  	[tilespmem:s25], [sflag:$0x5] =	stream.indirect.gather [hbm4b:s7+s28], $0x40, s24, s28, $0xb8;
	[tilespmem:$0x1CE80] =	vst v63  }
.LBB2_2:
0x44: {  	_ =	swait.ge [sflag:s31], $0x1400  }
0x45: {  	s24 =	sshra.s32 s23, $0x2;
	[sflag:s31] =	ssyncset.done $0x0  }
0x46: {  	s14 =	sadd.s32 $0x2710, s24;
	[sflag:s31] =	ssyncadd.s32 $0xFFFFEC00  }
0x47: {  	[spmem:s3] =	stream.indirect.scatter.add.f32 [tilespmem:s29], [sflag:$0x6], $0x40, s14, s28, $0xb8;
	[tilespmem:$0x1CE80] =	vst v63  }
0x48: {  	p1 =	seq.s32 s23, $0x0  }
0x49: {  	[spmem:s4] =	stream.indirect.scatter.add.f32 [tilespmem:s26], [sflag:$0x6], $0x1, s14, s28, $0xb8;
	[tilespmem:$0x1CE80] =	vst v63  }
0x4a: {  	s11 =	sadd.s32 $0x4E20, s24;
	s14 =	simm.s32 @!p1 $0xA  }
0x4b: {  	[spmem:s4] =	stream.indirect.scatter.add.f32 [tilespmem:s26], [sflag:$0x6], $0x1, s11, s28, $0xb8;
	[tilespmem:$0x1CE80] =	vst v63  }
0x4c: {  	_ =	swait.ge @!p1 [sflag:s14], $0x1400  }
0x4d: {  	[sflag:s14] =	ssyncset.done @!p1 $0x0  }
0x4e: {  	[sflag:s14] =	ssyncadd.s32 @!p1 $0xFFFFEC00  }
0x4f: {  	_ =	swait.ge @!p1 [sflag:s14], $0x50  }
0x50: {  	[sflag:s14] =	ssyncset.done @!p1 $0x0  }
0x51: {  	[sflag:s14] =	ssyncadd.s32 @!p1 $0xFFFFFFB0  }
0x52: {  	_ =	swait.ge @!p1 [sflag:s14], $0x50  }
0x53: {  	[sflag:s14] =	ssyncset.done @!p1 $0x0  }
0x54: {  	[sflag:s14] =	ssyncadd.s32 @!p1 $0xFFFFFFB0;
	s14 =	sshra.s32 @!p1 s23, $0x2  }
0x55: {  	s19 =	simm.s32 @!p1 $0x50;
	s10 =	simm.s32 @!p1 $0xC530;
	s14 =	sadd.s32 @!p1 $0x140, s14  }
0x56: {  	[tilespmem:s10], [sflag:$0x5] =	stream.indirect.gather @!p1 [hbm4b:s7+s19], $0x40, s14, s19, $0xb8;
	[tilespmem:$0x1CE80] =	vst v63  }
0x57: {  	_ =	swait.ge [sflag:s2], $0x1400  }
0x58: {  	[sflag:s2] =	ssyncset.done $0x0  }
0x59: {  	s19 =	sadd.s32 $0x2760, s24;
	[sflag:s2] =	ssyncadd.s32 $0xFFFFEC00  }
0x5a: {  	[spmem:s3] =	stream.indirect.scatter.add.f32 [tilespmem:s30], [sflag:$0x7], $0x40, s19, s28, $0xb8;
	[tilespmem:$0x1CE80] =	vst v63  }
0x5b: {  	_ = 	snop  }
0x5c: {  	[spmem:s4] =	stream.indirect.scatter.add.f32 [tilespmem:s26], [sflag:$0x7], $0x1, s19, s28, $0xb8;
	[tilespmem:$0x1CE80] =	vst v63  }
0x5d: {  	s11 =	sadd.s32 $0x4E70, s24  }
0x5e: {  	[spmem:s4] =	stream.indirect.scatter.add.f32 [tilespmem:s26], [sflag:$0x7], $0x1, s11, s28, $0xb8;
	[tilespmem:$0x1CE80] =	vst v63  }
0x5f: {  	_ =	swait.ge [sflag:s21], $0x1400  }
0x60: {  	[sflag:s21] =	ssyncset.done $0x0  }
0x61: {  	[sflag:s21] =	ssyncadd.s32 $0xFFFFEC00  }
0x62: {  	_ =	swait.ge [sflag:s21], $0x50  }
0x63: {  	[sflag:s21] =	ssyncset.done $0x0  }
0x64: {  	p1 =	seq.s32 s23, $0x9600;
	[sflag:s21] =	ssyncadd.s32 $0xFFFFFFB0  }
0x65: {  	s10 =	sshra.s32 @!p1 s23, $0x2;
	_ =	swait.ge [sflag:s21], $0x50  }
0x66: {  	s14 =	sadd.s32 @!p1 $0x190, s10;
	[sflag:s21] =	ssyncset.done $0x0  }
0x67: {  	s19 =	simm.s32 @!p1 $0x50;
	s11 =	simm.s32 @!p1 $0x7530;
	[sflag:s21] =	ssyncadd.s32 $0xFFFFFFB0  }
0x68: {  	[tilespmem:s11], [sflag:$0x1] =	stream.indirect.gather @!p1 [hbm4b:s7+s19], $0x40, s14, s19, $0xb8;
	[tilespmem:$0x1CE80] =	vst v63  }
0x69: {  	_ =	swait.ge [sflag:s8], $0x1400  }
0x6a: {  	[sflag:s8] =	ssyncset.done $0x0  }
0x6b: {  	s14 =	sadd.s32 $0x27B0, s24;
	[sflag:s8] =	ssyncadd.s32 $0xFFFFEC00  }
0x6c: {  	[spmem:s3] =	stream.indirect.scatter.add.f32 [tilespmem:s1], [sflag:$0x8], $0x40, s14, s28, $0xb8;
	[tilespmem:$0x1CE80] =	vst v63  }
0x6d: {  	_ = 	snop  }
0x6e: {  	[spmem:s4] =	stream.indirect.scatter.add.f32 [tilespmem:s26], [sflag:$0x8], $0x1, s14, s28, $0xb8;
	[tilespmem:$0x1CE80] =	vst v63  }
0x6f: {  	s14 =	sadd.s32 $0x4EC0, s24  }
0x70: {  	[spmem:s4] =	stream.indirect.scatter.add.f32 [tilespmem:s26], [sflag:$0x8], $0x1, s14, s28, $0xb8;
	[tilespmem:$0x1CE80] =	vst v63  }
0x71: {  	_ =	swait.ge [sflag:s9], $0x1400  }
0x72: {  	[sflag:s9] =	ssyncset.done $0x0  }
0x73: {  	[sflag:s9] =	ssyncadd.s32 $0xFFFFEC00  }
0x74: {  	_ =	swait.ge [sflag:s9], $0x50  }
0x75: {  	[sflag:s9] =	ssyncset.done $0x0  }
0x76: {  	[sflag:s9] =	ssyncadd.s32 $0xFFFFFFB0  }
0x77: {  	_ =	swait.ge [sflag:s9], $0x50  }
0x78: {  	[sflag:s9] =	ssyncset.done $0x0  }
0x79: {  	s11 =	sadd.s32 @!p1 $0x1E0, s10;
	s14 =	simm.s32 @!p1 $0x8930;
	[sflag:s9] =	ssyncadd.s32 $0xFFFFFFB0  }
0x7a: {  	[tilespmem:s14], [sflag:$0x2] =	stream.indirect.gather @!p1 [hbm4b:s7+s19], $0x40, s11, s19, $0xb8;
	[tilespmem:$0x1CE80] =	vst v63  }
0x7b: {  	_ =	swait.ge [sflag:s13], $0x1400  }
0x7c: {  	[sflag:s13] =	ssyncset.done $0x0  }
0x7d: {  	s14 =	sadd.s32 $0x2800, s24;
	[sflag:s13] =	ssyncadd.s32 $0xFFFFEC00  }
0x7e: {  	[spmem:s3] =	stream.indirect.scatter.add.f32 [tilespmem:s0], [sflag:$0x9], $0x40, s14, s28, $0xb8;
	[tilespmem:$0x1CE80] =	vst v63  }
0x7f: {  	_ = 	snop  }
0x80: {  	[spmem:s4] =	stream.indirect.scatter.add.f32 [tilespmem:s26], [sflag:$0x9], $0x1, s14, s28, $0xb8;
	[tilespmem:$0x1CE80] =	vst v63  }
0x81: {  	s14 =	sadd.s32 $0x4F10, s24  }
0x82: {  	[spmem:s4] =	stream.indirect.scatter.add.f32 [tilespmem:s26], [sflag:$0x9], $0x1, s14, s28, $0xb8;
	[tilespmem:$0x1CE80] =	vst v63  }
0x83: {  	_ =	swait.ge [sflag:s6], $0x1400  }
0x84: {  	[sflag:s6] =	ssyncset.done $0x0  }
0x85: {  	[sflag:s6] =	ssyncadd.s32 $0xFFFFEC00  }
0x86: {  	_ =	swait.ge [sflag:s6], $0x50  }
0x87: {  	[sflag:s6] =	ssyncset.done $0x0  }
0x88: {  	[sflag:s6] =	ssyncadd.s32 $0xFFFFFFB0  }
0x89: {  	_ =	swait.ge [sflag:s6], $0x50  }
0x8a: {  	[sflag:s6] =	ssyncset.done $0x0  }
0x8b: {  	s10 =	sadd.s32 @!p1 $0x230, s10;
	s11 =	simm.s32 @!p1 $0x9D30;
	[sflag:s6] =	ssyncadd.s32 $0xFFFFFFB0  }
0x8c: {  	[tilespmem:s11], [sflag:$0x3] =	stream.indirect.gather @!p1 [hbm4b:s7+s19], $0x40, s10, s19, $0xb8;
	[tilespmem:$0x1CE80] =	vst v63  }
0x8d: {  	_ =	swait.ge [sflag:s15], $0x1400  }
0x8e: {  	[sflag:s15] =	ssyncset.done $0x0  }
0x8f: {  	s14 =	sadd.s32 $0x2850, s24;
	[sflag:s15] =	ssyncadd.s32 $0xFFFFEC00  }
0x90: {  	[spmem:s3] =	stream.indirect.scatter.add.f32 [tilespmem:s25], [sflag:$0xA], $0x40, s14, s28, $0xb8;
	[tilespmem:$0x1CE80] =	vst v63  }
0x91: {  	_ = 	snop  }
0x92: {  	[spmem:s4] =	stream.indirect.scatter.add.f32 [tilespmem:s26], [sflag:$0xA], $0x1, s14, s28, $0xb8;
	[tilespmem:$0x1CE80] =	vst v63  }
0x93: {  	s19 =	sadd.s32 $0x4F60, s24  }
0x94: {  	[spmem:s4] =	stream.indirect.scatter.add.f32 [tilespmem:s26], [sflag:$0xA], $0x1, s19, s28, $0xb8;
	[tilespmem:$0x1CE80] =	vst v63  }
0x95: {  	_ =	swait.ge [sflag:s16], $0x1400  }
0x96: {  	[sflag:s16] =	ssyncset.done $0x0  }
0x97: {  	[sflag:s16] =	ssyncadd.s32 $0xFFFFEC00  }
0x98: {  	_ =	swait.ge [sflag:s16], $0x50  }
.Ltmp0:
0x99: {  	[sflag:s16] =	ssyncset.done $0x0;
	(pc) =	sbr.rel @p1 .LBB2_4-.Ltmp0, $4  }
0x9a: {  	[sflag:s16] =	ssyncadd.s32 $0xFFFFFFB0  }
0x9b: {  	_ =	swait.ge [sflag:s16], $0x50  }
0x9c: {  	[sflag:s16] =	ssyncset.done $0x0  }
0x9d: {  	[sflag:s16] =	ssyncadd.s32 $0xFFFFFFB0  }
.Ltmp1:
0x9e: {  	(pc) =	sbr.rel .LBB2_2-.Ltmp1, $3  }
0x9f: {  	_ =	sdelay $0x1  }
0xa0: {  	s10 =	sadd.s32 $0x280, s24;
	s23 =	sadd.s32 $0x640, s23  }
0xa1: {  	[tilespmem:s0], [sflag:$0x4] =	stream.indirect.gather [hbm4b:s7+s28], $0x40, s10, s28, $0xb8;
	[tilespmem:$0x1CE80] =	vst v63  }
.LBB2_4:
0xa2: {  	_ =	swait.ge [sflag:s17], $0x1400  }
0xa3: {  	[sflag:s17] =	ssyncset.done $0x0  }
0xa4: {  	[sflag:s17] =	ssyncadd.s32 $0xFFFFEC00  }
0xa5: {  	_ =	swait.ge [sflag:s17], $0x50  }
0xa6: {  	[sflag:s17] =	ssyncset.done $0x0  }
0xa7: {  	[sflag:s17] =	ssyncadd.s32 $0xFFFFFFB0  }
0xa8: {  	_ =	swait.ge [sflag:s17], $0x50  }
0xa9: {  	[sflag:s17] =	ssyncset.done $0x0  }
0xaa: {  	[sflag:s17] =	ssyncadd.s32 $0xFFFFFFB0  }
0xab: {  	[bflag:$0x0] =	sbarrier.arrive $0xFFFF  }
0xac: {  	[tilespmem:s5], [sflag:$0xB] =	stream.linear.gather [spmem:s12], $0x5000, $0x38;
	[tilespmem:$0x1CE80] =	vst v63  }
0xad: {  	_ =	swait.ge [sflag:s20], $0x5000  }
0xae: {  	[sflag:s20] =	ssyncset.done $0x0  }
0xaf: {  	s24 =	simm.s32 $0x12980;
	[sflag:s20] =	ssyncadd.s32 $0xFFFFB000  }
0xb0: {  	[tilespmem:s24], [sflag:$0xB] =	stream.linear.gather [spmem:s18], $0x140, $0x38;
	[tilespmem:$0x1CE80] =	vst v63  }
0xb1: {  	_ =	swait.ge [sflag:s20], $0x140  }
0xb2: {  	[sflag:s20] =	ssyncset.done $0x0  }
0xb3: {  	[sflag:s20] =	ssyncadd.s32 $0xFFFFFEC0  }
0xb4: {  	v0 =	vld [tilespmem:$0x12980]  }
0xb5: {  	v1 =	vld [tilespmem:$0x12990]  }
0xb6: {  	v2 =	vld [tilespmem:$0x129A0]  }
0xb7: {  	v3 =	vld [tilespmem:$0x129B0]  }
0xb8: {  	v4 =	vld [tilespmem:$0x129C0]  }
0xb9: {  	v5 =	vld [tilespmem:$0x129D0];
	v0 =	vmax.f32 v0, $1.000000000e+00  }
0xba: {  	v13 =	vld [tilespmem:$0x129E0];
	v12 =	vmax.f32 v1, $1.000000000e+00;
	(erf) = vrcp.f32 v0  }
0xbb: {  	v15 =	vld [tilespmem:$0x129F0];
	v14 =	vmax.f32 v2, $1.000000000e+00;
	(erf) = vrcp.f32 v12  }
0xbc: {  	v17 =	vld [tilespmem:$0x12A00];
	v16 =	vmax.f32 v3, $1.000000000e+00;
	(erf) = vrcp.f32 v14  }
0xbd: {  	v19 =	vld [tilespmem:$0x12A10];
	v18 =	vmax.f32 v4, $1.000000000e+00;
	(erf) = vrcp.f32 v16  }
0xbe: {  	v21 =	vld [tilespmem:$0x12A20];
	v20 =	vmax.f32 v5, $1.000000000e+00;
	(erf) = vrcp.f32 v18  }
0xbf: {  	v23 =	vld [tilespmem:$0x12A30];
	v22 =	vmax.f32 v13, $1.000000000e+00;
	(erf) = vrcp.f32 v20  }
0xc0: {  	v25 =	vld [tilespmem:$0x12A40];
	v24 =	vmax.f32 v15, $1.000000000e+00;
	(erf) = vrcp.f32 v22  }
0xc1: {  	v27 =	vld [tilespmem:$0x12A50];
	v26 =	vmax.f32 v17, $1.000000000e+00;
	(erf) = vrcp.f32 v24  }
0xc2: {  	v29 =	vld [tilespmem:$0x12A60];
	v28 =	vmax.f32 v19, $1.000000000e+00;
	(erf) = vrcp.f32 v26  }
0xc3: {  	v31 =	vld [tilespmem:$0x12A70];
	v30 =	vmax.f32 v21, $1.000000000e+00;
	v6 =	vpop (erf);
	(erf) = vrcp.f32 v28  }
0xc4: {  	v34 =	vld [tilespmem:$0x12A80];
	v33 =	vmax.f32 v23, $1.000000000e+00;
	[tilespmem:$0x12AC0] =	vst v6;
	v32 =	vpop (erf);
	(erf) = vrcp.f32 v30  }
0xc5: {  	v37 =	vld [tilespmem:$0x12A90];
	v36 =	vmax.f32 v25, $1.000000000e+00;
	[tilespmem:$0x12AD0] =	vst v32;
	v35 =	vpop (erf);
	(erf) = vrcp.f32 v33  }
0xc6: {  	v40 =	vld [tilespmem:$0x12AA0];
	v39 =	vmax.f32 v27, $1.000000000e+00;
	[tilespmem:$0x12AE0] =	vst v35;
	v38 =	vpop (erf);
	(erf) = vrcp.f32 v36  }
0xc7: {  	v43 =	vld [tilespmem:$0x12AB0];
	v42 =	vmax.f32 v29, $1.000000000e+00;
	[tilespmem:$0x12AF0] =	vst v38;
	v41 =	vpop (erf);
	(erf) = vrcp.f32 v39  }
0xc8: {  	v45 =	vmax.f32 v31, $1.000000000e+00;
	[tilespmem:$0x12B00] =	vst v41;
	v44 =	vpop (erf);
	(erf) = vrcp.f32 v42  }
0xc9: {  	v47 =	vmax.f32 v34, $1.000000000e+00;
	[tilespmem:$0x12B10] =	vst v44;
	v46 =	vpop (erf);
	(erf) = vrcp.f32 v45  }
0xca: {  	v49 =	vmax.f32 v37, $1.000000000e+00;
	[tilespmem:$0x12B20] =	vst v46;
	v48 =	vpop (erf);
	(erf) = vrcp.f32 v47  }
0xcb: {  	v51 =	vmax.f32 v40, $1.000000000e+00;
	[tilespmem:$0x12B30] =	vst v48;
	v50 =	vpop (erf);
	(erf) = vrcp.f32 v49  }
0xcc: {  	v53 =	vmax.f32 v43, $1.000000000e+00;
	[tilespmem:$0x12B40] =	vst v50;
	v52 =	vpop (erf);
	(erf) = vrcp.f32 v51  }
0xcd: {  	[tilespmem:$0x12B50] =	vst v52;
	v54 =	vpop (erf);
	(erf) = vrcp.f32 v53  }
0xce: {  	v55 =	vpop (erf);
	[tilespmem:$0x12B60] =	vst v54  }
0xcf: {  	v56 =	vpop (erf);
	[tilespmem:$0x12B70] =	vst v55  }
0xd0: {  	v57 =	vpop (erf);
	[tilespmem:$0x12B80] =	vst v56  }
0xd1: {  	v58 =	vpop (erf);
	[tilespmem:$0x12B90] =	vst v57  }
0xd2: {  	v59 =	vpop (erf);
	[tilespmem:$0x12BA0] =	vst v58  }
0xd3: {  	v60 =	vpop (erf);
	[tilespmem:$0x12BB0] =	vst v59  }
0xd4: {  	v61 =	vpop (erf);
	[tilespmem:$0x12BC0] =	vst v60  }
0xd5: {  	v62 =	vpop (erf);
	[tilespmem:$0x12BD0] =	vst v61  }
0xd6: {  	s14 =	smov.u32 s12;
	[tilespmem:$0x12BE0] =	vst v62;
	v63 =	vpop (erf)  }
0xd7: {  	s19 =	smov.u32 s18;
	s23 =	simm.s32 $0x0;
	s24 =	simm.s32 $0xDB80;
	[tilespmem:$0x12BF0] =	vst v63  }
.LBB2_5:
0xd8: {  	s10 =	sshra.s32 s23, $0x2  }
0xd9: {  	v0 =	vld [tilespmem:s10+$0x12AC0];
	_ =	sdelay $0x1  }
0xda: {  	v1 =	vld [tilespmem:s24+$0xFFFFFE00];
	_ =	sdelay $0x1  }
0xdb: {  	v47 =	vld [tilespmem:s24+$0xFFFFFE10]  }
0xdc: {  	v2 =	vbroadcast v0, $0x0  }
0xdd: {  	v48 =	vld [tilespmem:s24+$0xFFFFFE20]  }
0xde: {  	v1 =	vmul.f32 v2, v1  }
0xdf: {  	v49 =	vld [tilespmem:s24+$0xFFFFFE30]  }
0xe0: {  	[tilespmem:s24+$0xFFFFFE00] =	vst v1;
	v1 =	vmul.f32 v47, v2  }
0xe1: {  	v50 =	vld [tilespmem:s24+$0xFFFFFE40]  }
0xe2: {  	[tilespmem:s24+$0xFFFFFE10] =	vst v1;
	v1 =	vmul.f32 v48, v2  }
0xe3: {  	v52 =	vld [tilespmem:s24+$0xFFFFFE50]  }
0xe4: {  	v51 =	vbroadcast v0, $0x1;
	[tilespmem:s24+$0xFFFFFE20] =	vst v1;
	v1 =	vmul.f32 v49, v2  }
0xe5: {  	v53 =	vld [tilespmem:s24+$0xFFFFFE60]  }
0xe6: {  	[tilespmem:s24+$0xFFFFFE30] =	vst v1;
	v1 =	vmul.f32 v50, v51  }
0xe7: {  	v54 =	vld [tilespmem:s24+$0xFFFFFE70]  }
0xe8: {  	[tilespmem:s24+$0xFFFFFE40] =	vst v1;
	v1 =	vmul.f32 v52, v51  }
0xe9: {  	v55 =	vld [tilespmem:s24+$0xFFFFFE80]  }
0xea: {  	[tilespmem:s24+$0xFFFFFE50] =	vst v1;
	v1 =	vmul.f32 v53, v51  }
0xeb: {  	v57 =	vld [tilespmem:s24+$0xFFFFFE90]  }
0xec: {  	v56 =	vbroadcast v0, $0x2;
	[tilespmem:s24+$0xFFFFFE60] =	vst v1;
	v1 =	vmul.f32 v54, v51  }
0xed: {  	v58 =	vld [tilespmem:s24+$0xFFFFFEA0]  }
0xee: {  	[tilespmem:s24+$0xFFFFFE70] =	vst v1;
	v1 =	vmul.f32 v55, v56  }
0xef: {  	v59 =	vld [tilespmem:s24+$0xFFFFFEB0]  }
0xf0: {  	[tilespmem:s24+$0xFFFFFE80] =	vst v1;
	v1 =	vmul.f32 v57, v56  }
0xf1: {  	v60 =	vld [tilespmem:s24+$0xFFFFFEC0]  }
0xf2: {  	[tilespmem:s24+$0xFFFFFE90] =	vst v1;
	v1 =	vmul.f32 v58, v56  }
0xf3: {  	v62 =	vld [tilespmem:s24+$0xFFFFFED0]  }
0xf4: {  	v61 =	vbroadcast v0, $0x3;
	[tilespmem:s24+$0xFFFFFEA0] =	vst v1;
	v1 =	vmul.f32 v59, v56  }
0xf5: {  	v63 =	vld [tilespmem:s24+$0xFFFFFEE0]  }
0xf6: {  	[tilespmem:s24+$0xFFFFFEB0] =	vst v1;
	v1 =	vmul.f32 v60, v61  }
0xf7: {  	v4 =	vld [tilespmem:s24+$0xFFFFFEF0]  }
0xf8: {  	[tilespmem:s24+$0xFFFFFEC0] =	vst v1;
	v1 =	vmul.f32 v62, v61  }
0xf9: {  	v5 =	vld [tilespmem:s24+$0xFFFFFF00]  }
0xfa: {  	[tilespmem:s24+$0xFFFFFED0] =	vst v1;
	v1 =	vmul.f32 v63, v61  }
0xfb: {  	v7 =	vld [tilespmem:s24+$0xFFFFFF10]  }
0xfc: {  	v6 =	vbroadcast v0, $0x4;
	[tilespmem:s24+$0xFFFFFEE0] =	vst v1;
	v1 =	vmul.f32 v4, v61  }
0xfd: {  	v8 =	vld [tilespmem:s24+$0xFFFFFF20]  }
0xfe: {  	[tilespmem:s24+$0xFFFFFEF0] =	vst v1;
	v1 =	vmul.f32 v5, v6  }
0xff: {  	v9 =	vld [tilespmem:s24+$0xFFFFFF30]  }
0x100: {  	[tilespmem:s24+$0xFFFFFF00] =	vst v1;
	v1 =	vmul.f32 v7, v6  }
0x101: {  	v10 =	vld [tilespmem:s24+$0xFFFFFF40]  }
0x102: {  	[tilespmem:s24+$0xFFFFFF10] =	vst v1;
	v1 =	vmul.f32 v8, v6  }
0x103: {  	v12 =	vld [tilespmem:s24+$0xFFFFFF50]  }
0x104: {  	v11 =	vbroadcast v0, $0x5;
	[tilespmem:s24+$0xFFFFFF20] =	vst v1;
	v1 =	vmul.f32 v9, v6  }
0x105: {  	v13 =	vld [tilespmem:s24+$0xFFFFFF60]  }
0x106: {  	[tilespmem:s24+$0xFFFFFF30] =	vst v1;
	v1 =	vmul.f32 v10, v11  }
0x107: {  	v14 =	vld [tilespmem:s24+$0xFFFFFF70]  }
0x108: {  	[tilespmem:s24+$0xFFFFFF40] =	vst v1;
	v1 =	vmul.f32 v12, v11  }
0x109: {  	v15 =	vld [tilespmem:s24+$0xFFFFFF80]  }
0x10a: {  	[tilespmem:s24+$0xFFFFFF50] =	vst v1;
	v1 =	vmul.f32 v13, v11  }
0x10b: {  	v17 =	vld [tilespmem:s24+$0xFFFFFF90]  }
0x10c: {  	v16 =	vbroadcast v0, $0x6;
	[tilespmem:s24+$0xFFFFFF60] =	vst v1;
	v1 =	vmul.f32 v14, v11  }
0x10d: {  	v18 =	vld [tilespmem:s24+$0xFFFFFFA0]  }
0x10e: {  	[tilespmem:s24+$0xFFFFFF70] =	vst v1;
	v1 =	vmul.f32 v15, v16  }
0x10f: {  	v19 =	vld [tilespmem:s24+$0xFFFFFFB0]  }
0x110: {  	[tilespmem:s24+$0xFFFFFF80] =	vst v1;
	v1 =	vmul.f32 v17, v16  }
0x111: {  	v20 =	vld [tilespmem:s24+$0xFFFFFFC0]  }
0x112: {  	[tilespmem:s24+$0xFFFFFF90] =	vst v1;
	v1 =	vmul.f32 v18, v16  }
0x113: {  	v22 =	vld [tilespmem:s24+$0xFFFFFFD0]  }
0x114: {  	v21 =	vbroadcast v0, $0x7;
	[tilespmem:s24+$0xFFFFFFA0] =	vst v1;
	v1 =	vmul.f32 v19, v16  }
0x115: {  	v23 =	vld [tilespmem:s24+$0xFFFFFFE0]  }
0x116: {  	[tilespmem:s24+$0xFFFFFFB0] =	vst v1;
	v1 =	vmul.f32 v20, v21  }
0x117: {  	v24 =	vld [tilespmem:s24+$0xFFFFFFF0]  }
0x118: {  	[tilespmem:s24+$0xFFFFFFC0] =	vst v1;
	v1 =	vmul.f32 v22, v21  }
0x119: {  	v25 =	vld [tilespmem:s24+$0x0]  }
0x11a: {  	[tilespmem:s24+$0xFFFFFFD0] =	vst v1;
	v1 =	vmul.f32 v23, v21  }
0x11b: {  	v27 =	vld [tilespmem:s24+$0x10]  }
0x11c: {  	v26 =	vbroadcast v0, $0x8;
	[tilespmem:s24+$0xFFFFFFE0] =	vst v1;
	v1 =	vmul.f32 v24, v21  }
0x11d: {  	v28 =	vld [tilespmem:s24+$0x20]  }
0x11e: {  	[tilespmem:s24+$0xFFFFFFF0] =	vst v1;
	v1 =	vmul.f32 v25, v26  }
0x11f: {  	v29 =	vld [tilespmem:s24+$0x30]  }
0x120: {  	[tilespmem:s24+$0x0] =	vst v1;
	v1 =	vmul.f32 v27, v26  }
0x121: {  	v30 =	vld [tilespmem:s24+$0x40]  }
0x122: {  	[tilespmem:s24+$0x10] =	vst v1;
	v1 =	vmul.f32 v28, v26  }
0x123: {  	v32 =	vld [tilespmem:s24+$0x50]  }
0x124: {  	v31 =	vbroadcast v0, $0x9;
	[tilespmem:s24+$0x20] =	vst v1;
	v1 =	vmul.f32 v29, v26  }
0x125: {  	v33 =	vld [tilespmem:s24+$0x60]  }
0x126: {  	[tilespmem:s24+$0x30] =	vst v1;
	v1 =	vmul.f32 v30, v31  }
0x127: {  	v34 =	vld [tilespmem:s24+$0x70]  }
0x128: {  	[tilespmem:s24+$0x40] =	vst v1;
	v1 =	vmul.f32 v32, v31  }
0x129: {  	v35 =	vld [tilespmem:s24+$0x80]  }
0x12a: {  	[tilespmem:s24+$0x50] =	vst v1;
	v1 =	vmul.f32 v33, v31  }
0x12b: {  	v37 =	vld [tilespmem:s24+$0x90]  }
0x12c: {  	v36 =	vbroadcast v0, $0xA;
	[tilespmem:s24+$0x60] =	vst v1;
	v1 =	vmul.f32 v34, v31  }
0x12d: {  	v38 =	vld [tilespmem:s24+$0xA0]  }
0x12e: {  	[tilespmem:s24+$0x70] =	vst v1;
	v1 =	vmul.f32 v35, v36  }
0x12f: {  	v39 =	vld [tilespmem:s24+$0xB0]  }
0x130: {  	[tilespmem:s24+$0x80] =	vst v1;
	v1 =	vmul.f32 v37, v36  }
0x131: {  	v40 =	vld [tilespmem:s24+$0xC0]  }
0x132: {  	[tilespmem:s24+$0x90] =	vst v1;
	v1 =	vmul.f32 v38, v36  }
0x133: {  	v42 =	vld [tilespmem:s24+$0xD0]  }
0x134: {  	v41 =	vbroadcast v0, $0xB;
	[tilespmem:s24+$0xA0] =	vst v1;
	v1 =	vmul.f32 v39, v36  }
0x135: {  	v43 =	vld [tilespmem:s24+$0xE0]  }
0x136: {  	[tilespmem:s24+$0xB0] =	vst v1;
	v1 =	vmul.f32 v40, v41  }
0x137: {  	v44 =	vld [tilespmem:s24+$0xF0]  }
0x138: {  	[tilespmem:s24+$0xC0] =	vst v1;
	v1 =	vmul.f32 v42, v41  }
0x139: {  	v45 =	vld [tilespmem:s24+$0x100]  }
0x13a: {  	[tilespmem:s24+$0xD0] =	vst v1;
	v1 =	vmul.f32 v43, v41  }
0x13b: {  	v47 =	vld [tilespmem:s24+$0x110]  }
0x13c: {  	v46 =	vbroadcast v0, $0xC;
	[tilespmem:s24+$0xE0] =	vst v1;
	v1 =	vmul.f32 v44, v41  }
0x13d: {  	v48 =	vld [tilespmem:s24+$0x120]  }
0x13e: {  	[tilespmem:s24+$0xF0] =	vst v1;
	v1 =	vmul.f32 v45, v46  }
0x13f: {  	v49 =	vld [tilespmem:s24+$0x130]  }
0x140: {  	[tilespmem:s24+$0x100] =	vst v1;
	v1 =	vmul.f32 v47, v46  }
0x141: {  	v50 =	vld [tilespmem:s24+$0x140]  }
0x142: {  	[tilespmem:s24+$0x110] =	vst v1;
	v1 =	vmul.f32 v48, v46  }
0x143: {  	v52 =	vld [tilespmem:s24+$0x150]  }
0x144: {  	v51 =	vbroadcast v0, $0xD;
	[tilespmem:s24+$0x120] =	vst v1;
	v1 =	vmul.f32 v49, v46  }
0x145: {  	v53 =	vld [tilespmem:s24+$0x160]  }
0x146: {  	[tilespmem:s24+$0x130] =	vst v1;
	v1 =	vmul.f32 v50, v51  }
0x147: {  	v54 =	vld [tilespmem:s24+$0x170]  }
0x148: {  	[tilespmem:s24+$0x140] =	vst v1;
	v1 =	vmul.f32 v52, v51  }
0x149: {  	v55 =	vld [tilespmem:s24+$0x180]  }
0x14a: {  	[tilespmem:s24+$0x150] =	vst v1;
	v1 =	vmul.f32 v53, v51  }
0x14b: {  	v57 =	vld [tilespmem:s24+$0x190]  }
0x14c: {  	v56 =	vbroadcast v0, $0xE;
	[tilespmem:s24+$0x160] =	vst v1;
	v1 =	vmul.f32 v54, v51  }
0x14d: {  	v58 =	vld [tilespmem:s24+$0x1A0]  }
0x14e: {  	[tilespmem:s24+$0x170] =	vst v1;
	v1 =	vmul.f32 v55, v56  }
0x14f: {  	v59 =	vld [tilespmem:s24+$0x1B0]  }
0x150: {  	[tilespmem:s24+$0x180] =	vst v1;
	v1 =	vmul.f32 v57, v56  }
0x151: {  	v60 =	vld [tilespmem:s24+$0x1C0]  }
0x152: {  	[tilespmem:s24+$0x190] =	vst v1;
	v1 =	vmul.f32 v58, v56  }
0x153: {  	v61 =	vld [tilespmem:s24+$0x1D0]  }
0x154: {  	v0 =	vbroadcast v0, $0xF;
	[tilespmem:s24+$0x1A0] =	vst v1;
	v1 =	vmul.f32 v59, v56  }
0x155: {  	v62 =	vld [tilespmem:s24+$0x1E0]  }
0x156: {  	v63 =	vld [tilespmem:s24+$0x1F0];
	[tilespmem:s24+$0x1B0] =	vst v1;
	v1 =	vmul.f32 v60, v0;
	_ =	sdelay $0x1  }
0x157: {  	p1 =	sne.s32 s23, $0x4C0;
	[tilespmem:s24+$0x1C0] =	vst v1;
	v1 =	vmul.f32 v61, v0  }
.Ltmp2:
0x158: {  	_ = 	snop;
	(pc) =	sbr.rel @p1 .LBB2_5-.Ltmp2, $4  }
0x159: {  	[tilespmem:s24+$0x1D0] =	vst v1;
	v1 =	vmul.f32 v62, v0  }
0x15a: {  	v0 =	vmul.f32 v63, v0  }
0x15b: {  	[tilespmem:s24+$0x1E0] =	vst v1  }
0x15c: {  	s23 =	sadd.s32 $0x40, s23;
	[tilespmem:s24+$0x1F0] =	vst v0;
	s24 =	sadd.s32 $0x400, s24  }
0x15d: {  	s10 =	rddreg [dreg:$0x11];
	s18 =	simm.s32 $0xD980;
	s5 =	simm.s32 $0x0  }
0x15e: {  	[hbm4b:s10+s5] =	stream.linear.scatter [tilespmem:s18], [sflag:$0xB], $0x5000, $0x38;
	[tilespmem:$0x1CE80] =	vst v63  }
0x15f: {  	_ =	swait.ge [sflag:s20], $0x5000  }
0x160: {  	s11 =	simm.s32 @!p0 $0x12AC0;
	[sflag:s20] =	ssyncset.done $0x0  }
0x161: {  	s10 =	simm.s32 @!p0 $0x0;
	s12 =	rddreg [dreg:$0xb];
	[sflag:s20] =	ssyncadd.s32 $0xFFFFB000  }
0x162: {  	[hbm4b:s12+s10] =	stream.linear.scatter @!p0 [tilespmem:s11], [sflag:$0xB], $0x140, $0x38;
	[tilespmem:$0x1CE80] =	vst v63  }
0x163: {  	s10 =	simm.s32 @!p0 $0xB  }
0x164: {  	_ =	swait.ge @!p0 [sflag:s10], $0x140  }
0x165: {  	[sflag:s10] =	ssyncset.done @!p0 $0x0  }
0x166: {  	s12 =	rddreg [dreg:$0xc];
	[sflag:s10] =	ssyncadd.s32 @!p0 $0xFFFFFEC0  }
0x167: {  	[tilespmem:s18], [sflag:$0xB] =	stream.linear.gather [spmem:s12], $0x5000, $0x38;
	[tilespmem:$0x1CE80] =	vst v63  }
0x168: {  	_ =	swait.ge [sflag:s20], $0x5000  }
0x169: {  	[sflag:s20] =	ssyncset.done $0x0  }
0x16a: {  	s24 =	simm.s32 $0x12980;
	s23 =	rddreg [dreg:$0xd];
	[sflag:s20] =	ssyncadd.s32 $0xFFFFB000  }
0x16b: {  	[tilespmem:s24], [sflag:$0xB] =	stream.linear.gather [spmem:s23], $0x140, $0x38;
	[tilespmem:$0x1CE80] =	vst v63  }
0x16c: {  	_ =	swait.ge [sflag:s20], $0x140  }
0x16d: {  	[sflag:s20] =	ssyncset.done $0x0  }
0x16e: {  	[sflag:s20] =	ssyncadd.s32 $0xFFFFFEC0  }
0x16f: {  	v0 =	vld [tilespmem:$0x12980]  }
0x170: {  	v1 =	vld [tilespmem:$0x12990]  }
0x171: {  	v2 =	vld [tilespmem:$0x129A0]  }
0x172: {  	v3 =	vld [tilespmem:$0x129B0]  }
0x173: {  	v4 =	vld [tilespmem:$0x129C0]  }
0x174: {  	v5 =	vld [tilespmem:$0x129D0];
	v0 =	vmax.f32 v0, $1.000000000e+00  }
0x175: {  	v13 =	vld [tilespmem:$0x129E0];
	v12 =	vmax.f32 v1, $1.000000000e+00;
	(erf) = vrcp.f32 v0  }
0x176: {  	v15 =	vld [tilespmem:$0x129F0];
	v14 =	vmax.f32 v2, $1.000000000e+00;
	(erf) = vrcp.f32 v12  }
0x177: {  	v17 =	vld [tilespmem:$0x12A00];
	v16 =	vmax.f32 v3, $1.000000000e+00;
	(erf) = vrcp.f32 v14  }
0x178: {  	v19 =	vld [tilespmem:$0x12A10];
	v18 =	vmax.f32 v4, $1.000000000e+00;
	(erf) = vrcp.f32 v16  }
0x179: {  	v21 =	vld [tilespmem:$0x12A20];
	v20 =	vmax.f32 v5, $1.000000000e+00;
	(erf) = vrcp.f32 v18  }
0x17a: {  	v23 =	vld [tilespmem:$0x12A30];
	v22 =	vmax.f32 v13, $1.000000000e+00;
	(erf) = vrcp.f32 v20  }
0x17b: {  	v25 =	vld [tilespmem:$0x12A40];
	v24 =	vmax.f32 v15, $1.000000000e+00;
	(erf) = vrcp.f32 v22  }
0x17c: {  	v27 =	vld [tilespmem:$0x12A50];
	v26 =	vmax.f32 v17, $1.000000000e+00;
	(erf) = vrcp.f32 v24  }
0x17d: {  	v29 =	vld [tilespmem:$0x12A60];
	v28 =	vmax.f32 v19, $1.000000000e+00;
	(erf) = vrcp.f32 v26  }
0x17e: {  	v31 =	vld [tilespmem:$0x12A70];
	v30 =	vmax.f32 v21, $1.000000000e+00;
	v6 =	vpop (erf);
	(erf) = vrcp.f32 v28  }
0x17f: {  	v34 =	vld [tilespmem:$0x12A80];
	v33 =	vmax.f32 v23, $1.000000000e+00;
	[tilespmem:$0x12AC0] =	vst v6;
	v32 =	vpop (erf);
	(erf) = vrcp.f32 v30  }
0x180: {  	v37 =	vld [tilespmem:$0x12A90];
	v36 =	vmax.f32 v25, $1.000000000e+00;
	[tilespmem:$0x12AD0] =	vst v32;
	v35 =	vpop (erf);
	(erf) = vrcp.f32 v33  }
0x181: {  	v40 =	vld [tilespmem:$0x12AA0];
	v39 =	vmax.f32 v27, $1.000000000e+00;
	[tilespmem:$0x12AE0] =	vst v35;
	v38 =	vpop (erf);
	(erf) = vrcp.f32 v36  }
0x182: {  	v43 =	vld [tilespmem:$0x12AB0];
	v42 =	vmax.f32 v29, $1.000000000e+00;
	[tilespmem:$0x12AF0] =	vst v38;
	v41 =	vpop (erf);
	(erf) = vrcp.f32 v39  }
0x183: {  	v45 =	vmax.f32 v31, $1.000000000e+00;
	[tilespmem:$0x12B00] =	vst v41;
	v44 =	vpop (erf);
	(erf) = vrcp.f32 v42  }
0x184: {  	v47 =	vmax.f32 v34, $1.000000000e+00;
	[tilespmem:$0x12B10] =	vst v44;
	v46 =	vpop (erf);
	(erf) = vrcp.f32 v45  }
0x185: {  	v49 =	vmax.f32 v37, $1.000000000e+00;
	[tilespmem:$0x12B20] =	vst v46;
	v48 =	vpop (erf);
	(erf) = vrcp.f32 v47  }
0x186: {  	v51 =	vmax.f32 v40, $1.000000000e+00;
	[tilespmem:$0x12B30] =	vst v48;
	v50 =	vpop (erf);
	(erf) = vrcp.f32 v49  }
0x187: {  	v53 =	vmax.f32 v43, $1.000000000e+00;
	[tilespmem:$0x12B40] =	vst v50;
	v52 =	vpop (erf);
	(erf) = vrcp.f32 v51  }
0x188: {  	[tilespmem:$0x12B50] =	vst v52;
	v54 =	vpop (erf);
	(erf) = vrcp.f32 v53  }
0x189: {  	v55 =	vpop (erf);
	[tilespmem:$0x12B60] =	vst v54  }
0x18a: {  	v56 =	vpop (erf);
	[tilespmem:$0x12B70] =	vst v55  }
0x18b: {  	v57 =	vpop (erf);
	[tilespmem:$0x12B80] =	vst v56  }
0x18c: {  	v58 =	vpop (erf);
	[tilespmem:$0x12B90] =	vst v57  }
0x18d: {  	v59 =	vpop (erf);
	[tilespmem:$0x12BA0] =	vst v58  }
0x18e: {  	v60 =	vpop (erf);
	[tilespmem:$0x12BB0] =	vst v59  }
0x18f: {  	v61 =	vpop (erf);
	[tilespmem:$0x12BC0] =	vst v60  }
0x190: {  	v62 =	vpop (erf);
	[tilespmem:$0x12BD0] =	vst v61  }
0x191: {  	[tilespmem:$0x12BE0] =	vst v62;
	v63 =	vpop (erf)  }
0x192: {  	s5 =	simm.s32 $0xD980;
	s23 =	simm.s32 $0x0;
	s24 =	simm.s32 $0xDB80;
	[tilespmem:$0x12BF0] =	vst v63  }
.LBB2_7:
0x193: {  	s10 =	sshra.s32 s23, $0x2  }
0x194: {  	v0 =	vld [tilespmem:s10+$0x12AC0];
	_ =	sdelay $0x1  }
0x195: {  	v1 =	vld [tilespmem:s24+$0xFFFFFE00];
	_ =	sdelay $0x1  }
0x196: {  	v47 =	vld [tilespmem:s24+$0xFFFFFE10]  }
0x197: {  	v2 =	vbroadcast v0, $0x0  }
0x198: {  	v48 =	vld [tilespmem:s24+$0xFFFFFE20]  }
0x199: {  	v1 =	vmul.f32 v2, v1  }
0x19a: {  	v49 =	vld [tilespmem:s24+$0xFFFFFE30]  }
0x19b: {  	[tilespmem:s24+$0xFFFFFE00] =	vst v1;
	v1 =	vmul.f32 v47, v2  }
0x19c: {  	v50 =	vld [tilespmem:s24+$0xFFFFFE40]  }
0x19d: {  	[tilespmem:s24+$0xFFFFFE10] =	vst v1;
	v1 =	vmul.f32 v48, v2  }
0x19e: {  	v52 =	vld [tilespmem:s24+$0xFFFFFE50]  }
0x19f: {  	v51 =	vbroadcast v0, $0x1;
	[tilespmem:s24+$0xFFFFFE20] =	vst v1;
	v1 =	vmul.f32 v49, v2  }
0x1a0: {  	v53 =	vld [tilespmem:s24+$0xFFFFFE60]  }
0x1a1: {  	[tilespmem:s24+$0xFFFFFE30] =	vst v1;
	v1 =	vmul.f32 v50, v51  }
0x1a2: {  	v54 =	vld [tilespmem:s24+$0xFFFFFE70]  }
0x1a3: {  	[tilespmem:s24+$0xFFFFFE40] =	vst v1;
	v1 =	vmul.f32 v52, v51  }
0x1a4: {  	v55 =	vld [tilespmem:s24+$0xFFFFFE80]  }
0x1a5: {  	[tilespmem:s24+$0xFFFFFE50] =	vst v1;
	v1 =	vmul.f32 v53, v51  }
0x1a6: {  	v57 =	vld [tilespmem:s24+$0xFFFFFE90]  }
0x1a7: {  	v56 =	vbroadcast v0, $0x2;
	[tilespmem:s24+$0xFFFFFE60] =	vst v1;
	v1 =	vmul.f32 v54, v51  }
0x1a8: {  	v58 =	vld [tilespmem:s24+$0xFFFFFEA0]  }
0x1a9: {  	[tilespmem:s24+$0xFFFFFE70] =	vst v1;
	v1 =	vmul.f32 v55, v56  }
0x1aa: {  	v59 =	vld [tilespmem:s24+$0xFFFFFEB0]  }
0x1ab: {  	[tilespmem:s24+$0xFFFFFE80] =	vst v1;
	v1 =	vmul.f32 v57, v56  }
0x1ac: {  	v60 =	vld [tilespmem:s24+$0xFFFFFEC0]  }
0x1ad: {  	[tilespmem:s24+$0xFFFFFE90] =	vst v1;
	v1 =	vmul.f32 v58, v56  }
0x1ae: {  	v62 =	vld [tilespmem:s24+$0xFFFFFED0]  }
0x1af: {  	v61 =	vbroadcast v0, $0x3;
	[tilespmem:s24+$0xFFFFFEA0] =	vst v1;
	v1 =	vmul.f32 v59, v56  }
0x1b0: {  	v63 =	vld [tilespmem:s24+$0xFFFFFEE0]  }
0x1b1: {  	[tilespmem:s24+$0xFFFFFEB0] =	vst v1;
	v1 =	vmul.f32 v60, v61  }
0x1b2: {  	v4 =	vld [tilespmem:s24+$0xFFFFFEF0]  }
0x1b3: {  	[tilespmem:s24+$0xFFFFFEC0] =	vst v1;
	v1 =	vmul.f32 v62, v61  }
0x1b4: {  	v5 =	vld [tilespmem:s24+$0xFFFFFF00]  }
0x1b5: {  	[tilespmem:s24+$0xFFFFFED0] =	vst v1;
	v1 =	vmul.f32 v63, v61  }
0x1b6: {  	v7 =	vld [tilespmem:s24+$0xFFFFFF10]  }
0x1b7: {  	v6 =	vbroadcast v0, $0x4;
	[tilespmem:s24+$0xFFFFFEE0] =	vst v1;
	v1 =	vmul.f32 v4, v61  }
0x1b8: {  	v8 =	vld [tilespmem:s24+$0xFFFFFF20]  }
0x1b9: {  	[tilespmem:s24+$0xFFFFFEF0] =	vst v1;
	v1 =	vmul.f32 v5, v6  }
0x1ba: {  	v9 =	vld [tilespmem:s24+$0xFFFFFF30]  }
0x1bb: {  	[tilespmem:s24+$0xFFFFFF00] =	vst v1;
	v1 =	vmul.f32 v7, v6  }
0x1bc: {  	v10 =	vld [tilespmem:s24+$0xFFFFFF40]  }
0x1bd: {  	[tilespmem:s24+$0xFFFFFF10] =	vst v1;
	v1 =	vmul.f32 v8, v6  }
0x1be: {  	v12 =	vld [tilespmem:s24+$0xFFFFFF50]  }
0x1bf: {  	v11 =	vbroadcast v0, $0x5;
	[tilespmem:s24+$0xFFFFFF20] =	vst v1;
	v1 =	vmul.f32 v9, v6  }
0x1c0: {  	v13 =	vld [tilespmem:s24+$0xFFFFFF60]  }
0x1c1: {  	[tilespmem:s24+$0xFFFFFF30] =	vst v1;
	v1 =	vmul.f32 v10, v11  }
0x1c2: {  	v14 =	vld [tilespmem:s24+$0xFFFFFF70]  }
0x1c3: {  	[tilespmem:s24+$0xFFFFFF40] =	vst v1;
	v1 =	vmul.f32 v12, v11  }
0x1c4: {  	v15 =	vld [tilespmem:s24+$0xFFFFFF80]  }
0x1c5: {  	[tilespmem:s24+$0xFFFFFF50] =	vst v1;
	v1 =	vmul.f32 v13, v11  }
0x1c6: {  	v17 =	vld [tilespmem:s24+$0xFFFFFF90]  }
0x1c7: {  	v16 =	vbroadcast v0, $0x6;
	[tilespmem:s24+$0xFFFFFF60] =	vst v1;
	v1 =	vmul.f32 v14, v11  }
0x1c8: {  	v18 =	vld [tilespmem:s24+$0xFFFFFFA0]  }
0x1c9: {  	[tilespmem:s24+$0xFFFFFF70] =	vst v1;
	v1 =	vmul.f32 v15, v16  }
0x1ca: {  	v19 =	vld [tilespmem:s24+$0xFFFFFFB0]  }
0x1cb: {  	[tilespmem:s24+$0xFFFFFF80] =	vst v1;
	v1 =	vmul.f32 v17, v16  }
0x1cc: {  	v20 =	vld [tilespmem:s24+$0xFFFFFFC0]  }
0x1cd: {  	[tilespmem:s24+$0xFFFFFF90] =	vst v1;
	v1 =	vmul.f32 v18, v16  }
0x1ce: {  	v22 =	vld [tilespmem:s24+$0xFFFFFFD0]  }
0x1cf: {  	v21 =	vbroadcast v0, $0x7;
	[tilespmem:s24+$0xFFFFFFA0] =	vst v1;
	v1 =	vmul.f32 v19, v16  }
0x1d0: {  	v23 =	vld [tilespmem:s24+$0xFFFFFFE0]  }
0x1d1: {  	[tilespmem:s24+$0xFFFFFFB0] =	vst v1;
	v1 =	vmul.f32 v20, v21  }
0x1d2: {  	v24 =	vld [tilespmem:s24+$0xFFFFFFF0]  }
0x1d3: {  	[tilespmem:s24+$0xFFFFFFC0] =	vst v1;
	v1 =	vmul.f32 v22, v21  }
0x1d4: {  	v25 =	vld [tilespmem:s24+$0x0]  }
0x1d5: {  	[tilespmem:s24+$0xFFFFFFD0] =	vst v1;
	v1 =	vmul.f32 v23, v21  }
0x1d6: {  	v27 =	vld [tilespmem:s24+$0x10]  }
0x1d7: {  	v26 =	vbroadcast v0, $0x8;
	[tilespmem:s24+$0xFFFFFFE0] =	vst v1;
	v1 =	vmul.f32 v24, v21  }
0x1d8: {  	v28 =	vld [tilespmem:s24+$0x20]  }
0x1d9: {  	[tilespmem:s24+$0xFFFFFFF0] =	vst v1;
	v1 =	vmul.f32 v25, v26  }
0x1da: {  	v29 =	vld [tilespmem:s24+$0x30]  }
0x1db: {  	[tilespmem:s24+$0x0] =	vst v1;
	v1 =	vmul.f32 v27, v26  }
0x1dc: {  	v30 =	vld [tilespmem:s24+$0x40]  }
0x1dd: {  	[tilespmem:s24+$0x10] =	vst v1;
	v1 =	vmul.f32 v28, v26  }
0x1de: {  	v32 =	vld [tilespmem:s24+$0x50]  }
0x1df: {  	v31 =	vbroadcast v0, $0x9;
	[tilespmem:s24+$0x20] =	vst v1;
	v1 =	vmul.f32 v29, v26  }
0x1e0: {  	v33 =	vld [tilespmem:s24+$0x60]  }
0x1e1: {  	[tilespmem:s24+$0x30] =	vst v1;
	v1 =	vmul.f32 v30, v31  }
0x1e2: {  	v34 =	vld [tilespmem:s24+$0x70]  }
0x1e3: {  	[tilespmem:s24+$0x40] =	vst v1;
	v1 =	vmul.f32 v32, v31  }
0x1e4: {  	v35 =	vld [tilespmem:s24+$0x80]  }
0x1e5: {  	[tilespmem:s24+$0x50] =	vst v1;
	v1 =	vmul.f32 v33, v31  }
0x1e6: {  	v37 =	vld [tilespmem:s24+$0x90]  }
0x1e7: {  	v36 =	vbroadcast v0, $0xA;
	[tilespmem:s24+$0x60] =	vst v1;
	v1 =	vmul.f32 v34, v31  }
0x1e8: {  	v38 =	vld [tilespmem:s24+$0xA0]  }
0x1e9: {  	[tilespmem:s24+$0x70] =	vst v1;
	v1 =	vmul.f32 v35, v36  }
0x1ea: {  	v39 =	vld [tilespmem:s24+$0xB0]  }
0x1eb: {  	[tilespmem:s24+$0x80] =	vst v1;
	v1 =	vmul.f32 v37, v36  }
0x1ec: {  	v40 =	vld [tilespmem:s24+$0xC0]  }
0x1ed: {  	[tilespmem:s24+$0x90] =	vst v1;
	v1 =	vmul.f32 v38, v36  }
0x1ee: {  	v42 =	vld [tilespmem:s24+$0xD0]  }
0x1ef: {  	v41 =	vbroadcast v0, $0xB;
	[tilespmem:s24+$0xA0] =	vst v1;
	v1 =	vmul.f32 v39, v36  }
0x1f0: {  	v43 =	vld [tilespmem:s24+$0xE0]  }
0x1f1: {  	[tilespmem:s24+$0xB0] =	vst v1;
	v1 =	vmul.f32 v40, v41  }
0x1f2: {  	v44 =	vld [tilespmem:s24+$0xF0]  }
0x1f3: {  	[tilespmem:s24+$0xC0] =	vst v1;
	v1 =	vmul.f32 v42, v41  }
0x1f4: {  	v45 =	vld [tilespmem:s24+$0x100]  }
0x1f5: {  	[tilespmem:s24+$0xD0] =	vst v1;
	v1 =	vmul.f32 v43, v41  }
0x1f6: {  	v47 =	vld [tilespmem:s24+$0x110]  }
0x1f7: {  	v46 =	vbroadcast v0, $0xC;
	[tilespmem:s24+$0xE0] =	vst v1;
	v1 =	vmul.f32 v44, v41  }
0x1f8: {  	v48 =	vld [tilespmem:s24+$0x120]  }
0x1f9: {  	[tilespmem:s24+$0xF0] =	vst v1;
	v1 =	vmul.f32 v45, v46  }
0x1fa: {  	v49 =	vld [tilespmem:s24+$0x130]  }
0x1fb: {  	[tilespmem:s24+$0x100] =	vst v1;
	v1 =	vmul.f32 v47, v46  }
0x1fc: {  	v50 =	vld [tilespmem:s24+$0x140]  }
0x1fd: {  	[tilespmem:s24+$0x110] =	vst v1;
	v1 =	vmul.f32 v48, v46  }
0x1fe: {  	v52 =	vld [tilespmem:s24+$0x150]  }
0x1ff: {  	v51 =	vbroadcast v0, $0xD;
	[tilespmem:s24+$0x120] =	vst v1;
	v1 =	vmul.f32 v49, v46  }
0x200: {  	v53 =	vld [tilespmem:s24+$0x160]  }
0x201: {  	[tilespmem:s24+$0x130] =	vst v1;
	v1 =	vmul.f32 v50, v51  }
0x202: {  	v54 =	vld [tilespmem:s24+$0x170]  }
0x203: {  	[tilespmem:s24+$0x140] =	vst v1;
	v1 =	vmul.f32 v52, v51  }
0x204: {  	v55 =	vld [tilespmem:s24+$0x180]  }
0x205: {  	[tilespmem:s24+$0x150] =	vst v1;
	v1 =	vmul.f32 v53, v51  }
0x206: {  	v57 =	vld [tilespmem:s24+$0x190]  }
0x207: {  	v56 =	vbroadcast v0, $0xE;
	[tilespmem:s24+$0x160] =	vst v1;
	v1 =	vmul.f32 v54, v51  }
0x208: {  	v58 =	vld [tilespmem:s24+$0x1A0]  }
0x209: {  	[tilespmem:s24+$0x170] =	vst v1;
	v1 =	vmul.f32 v55, v56  }
0x20a: {  	v59 =	vld [tilespmem:s24+$0x1B0]  }
0x20b: {  	[tilespmem:s24+$0x180] =	vst v1;
	v1 =	vmul.f32 v57, v56  }
0x20c: {  	v60 =	vld [tilespmem:s24+$0x1C0]  }
0x20d: {  	[tilespmem:s24+$0x190] =	vst v1;
	v1 =	vmul.f32 v58, v56  }
0x20e: {  	v61 =	vld [tilespmem:s24+$0x1D0]  }
0x20f: {  	v0 =	vbroadcast v0, $0xF;
	[tilespmem:s24+$0x1A0] =	vst v1;
	v1 =	vmul.f32 v59, v56  }
0x210: {  	v62 =	vld [tilespmem:s24+$0x1E0]  }
0x211: {  	v63 =	vld [tilespmem:s24+$0x1F0];
	[tilespmem:s24+$0x1B0] =	vst v1;
	v1 =	vmul.f32 v60, v0;
	_ =	sdelay $0x1  }
0x212: {  	p1 =	sne.s32 s23, $0x4C0;
	[tilespmem:s24+$0x1C0] =	vst v1;
	v1 =	vmul.f32 v61, v0  }
.Ltmp3:
0x213: {  	_ = 	snop;
	(pc) =	sbr.rel @p1 .LBB2_7-.Ltmp3, $4  }
0x214: {  	[tilespmem:s24+$0x1D0] =	vst v1;
	v1 =	vmul.f32 v62, v0  }
0x215: {  	v0 =	vmul.f32 v63, v0  }
0x216: {  	[tilespmem:s24+$0x1E0] =	vst v1  }
0x217: {  	s23 =	sadd.s32 $0x40, s23;
	[tilespmem:s24+$0x1F0] =	vst v0;
	s24 =	sadd.s32 $0x400, s24  }
0x218: {  	s10 =	rddreg [dreg:$0x12];
	s24 =	simm.s32 $0x0  }
0x219: {  	[hbm4b:s10+s24] =	stream.linear.scatter [tilespmem:s5], [sflag:$0xB], $0x5000, $0x38;
	[tilespmem:$0x1CE80] =	vst v63  }
0x21a: {  	_ =	swait.ge [sflag:s20], $0x5000  }
0x21b: {  	s11 =	simm.s32 @!p0 $0x12AC0;
	[sflag:s20] =	ssyncset.done $0x0  }
0x21c: {  	s10 =	simm.s32 @!p0 $0x0;
	s12 =	rddreg [dreg:$0xe];
	[sflag:s20] =	ssyncadd.s32 $0xFFFFB000  }
0x21d: {  	[hbm4b:s12+s10] =	stream.linear.scatter @!p0 [tilespmem:s11], [sflag:$0xB], $0x140, $0x38;
	[tilespmem:$0x1CE80] =	vst v63  }
0x21e: {  	s10 =	simm.s32 @!p0 $0xB  }
0x21f: {  	_ =	swait.ge @!p0 [sflag:s10], $0x140  }
0x220: {  	s22 =	sadd.s32 $0x1, s22;
	s23 =	rddreg [dreg:$0xf]  }
0x221: {  	p1 =	sne.s32 s22, s23  }
.Ltmp4:
0x222: {  	_ = 	snop;
	(pc) =	sbr.rel @p1 .LBB2_1-.Ltmp4, $3  }
0x223: {  	_ =	sdelay $0x1  }
0x224: {  	[sflag:s10] =	ssyncset.done @!p0 $0x0  }
0x225: {  	[sflag:s10] =	ssyncadd.s32 @!p0 $0xFFFFFEC0  }
0x226: {  	_ =	sfence.sel $0x180000  }
0x227: {  	[bflag:$0x0] =	sbarrier.arrive $0xFFFF  }
0x228: {  	_ =	strace $0x90000047  }
0x229: {  	s0 =	stileid.u32;
	[bflag:$0x2] =	sbarrier.arrive $0xFFFF  }
0x22a: {  	p0 =	sne.s32 s0, $0x0;
	s0 =	rddreg [dreg:$0x4]  }
0x22b: {  	s0 =	sadd.s32 @!p0 $0x100000, s0  }
0x22c: {  	[sflag:s0] =	ssyncadd.tile.s32 @!p0 $0x1;
	_ =	shalt  }
.Lfunc_end2:
_tile_overlayer_lowered:
.L_overlay_start_2:
0x22d: {  	(tag) =	ssettag $0x2  }
0x22e: {  	s0 =	rddreg [dreg:$0x0];
	s2 =	stileid.u32  }
0x22f: {  	s1 =	rddreg [dreg:$0x1];
	p0 =	sne.s32 s2, $0x0  }
0x230: {  	s3 =	rddreg [dreg:$0x2];
	[bflag:$0x3] =	sbarrier.arrive $0xFFFF;
	s2 =	simm.s32 @!p0 $0x1C0B  }
0x231: {  	[timem:s3], [sflag:s2] =	dma.local @!p0 [hbm:s0], s1  }
0x232: {  	s0 =	simm.s32 @!p0 $0xB  }
0x233: {  	_ =	swait.ge @!p0 [sflag:s0], s1  }
0x234: {  	s1 =	ssub.s32 @!p0 $0x0, s1;
	[sflag:s0] =	ssyncset.done @!p0 $0x0  }
0x235: {  	[sflag:s0] =	ssyncadd.s32 @!p0 s1  }
0x236: {  	[bflag:$0x3] =	sbarrier.arrive $0xFFFF  }
0x237: {  	_ =	shalt  }

</sc_bundles>
